<compile_context>
chip_gen: v7x
topology: tpu7x:2x2x1
jax: 0.10.2.dev20260603
libtpu: 0.0.44.dev20260713+nightly
codegen_flags: <defaults>
</compile_context>

<pallas_src>
import functools

import numpy as np
import jax
import jax.numpy as jnp
from jax import lax
from jax.experimental import pallas as pl
from jax.experimental.pallas import tpu as pltpu
from jax.experimental.pallas import tpu_sc as plsc

B = 4096
DIN = 128
DOUT = 112
NSPL = 16
NT = 50
SB = 1024
CANVAS_W = 1024
NCORES = 2
NSUB = 16
NWORK = NCORES * NSUB
SPT = B // NWORK
CH64 = 64

_LOG2PI = float(np.log(2.0 * np.pi))
ENTROPY_C = float(DOUT * (0.5 + 0.5 * _LOG2PI))
LOGPROB_C = float(DOUT * (-0.5 * _LOG2PI))


def _tc_points_kernel(w_ref, b_ref, x_ref, b0_ref, b1_ref, b2_ref,
                      sample_ref, idx_ref, wgt_ref):
    xb = x_ref[...].astype(jnp.bfloat16)
    mu = lax.dot_general(w_ref[...].astype(jnp.bfloat16), xb,
                         (((1,), (1,)), ((), ())),
                         preferred_element_type=jnp.float32)
    mu = mu + b_ref[...]
    sg = 1.0 / (1.0 + jnp.exp(-mu))
    sample_ref[...] = jnp.transpose(sg[0:DOUT], (1, 0))
    par = sg[DOUT:2 * DOUT] * 28.0
    p0x = par[0:16]
    p0y = par[16:32]
    p1x = par[32:48]
    p1y = par[48:64]
    p2x = par[64:80]
    p2y = par[80:96]
    wgt_ref[...] = (par[96:112] * (-0.003)).reshape(NSPL, SB // 128, 128)
    b0 = b0_ref[...]
    b1 = b1_ref[...]
    b2 = b2_ref[...]
    px = (b0 * p0x[:, None, :] + b1 * p1x[:, None, :]) + b2 * p2x[:, None, :]
    py = (b0 * p0y[:, None, :] + b1 * p1y[:, None, :]) + b2 * p2y[:, None, :]
    cx = jnp.round(px)
    cy = jnp.round(py)
    ei = (cx * 32.0 + cy).astype(jnp.int32)
    idx_ref[...] = ei.reshape(NSPL, NT, SB // 128, 128)


def _tc_fold_kernel(e_ref, sk_ref, lp_ref, en_ref):
    e = e_ref[...].reshape(32, 32, SPT)
    ym = jnp.roll(e, 1, axis=1)
    yp = jnp.roll(e, -1, axis=1)
    yi = lax.broadcasted_iota(jnp.int32, e.shape, 1)
    ty = (ym + e) + yp
    ty = ty + jnp.where(yi == 0, e, 0.0)
    ty = ty + jnp.where(yi == 27, e + 2.0 * yp, 0.0)
    xm = jnp.roll(ty, 1, axis=0)
    xp = jnp.roll(ty, -1, axis=0)
    xi = lax.broadcasted_iota(jnp.int32, e.shape, 0)
    tx = (xm + ty) + xp
    tx = tx + jnp.where(xi == 0, ty, 0.0)
    tx = tx + jnp.where(xi == 27, ty + 2.0 * xp, 0.0)
    sk_ref[...] = jnp.clip(tx[0:28, 0:28, :] + 0.3, 0.0, 1.0)
    lp_ref[...] = jnp.full((SPT,), LOGPROB_C, jnp.float32)
    en_ref[...] = jnp.full((SPT,), ENTROPY_C, jnp.float32)


def _make_sc_scatter():
    mesh = plsc.VectorSubcoreMesh(core_axis_name="c", subcore_axis_name="s")

    @functools.partial(
        pl.kernel, mesh=mesh,
        compiler_params=pltpu.CompilerParams(
            needs_layout_passes=False, use_tc_tiling_on_sc=False),
        out_type=jax.ShapeDtypeStruct((B // SPT, CANVAS_W, SPT), jnp.float32),
        scratch_types=[
            pltpu.VMEM((NSPL, NT, CH64), jnp.int32),
            pltpu.VMEM((NSPL, SPT), jnp.float32),
            pltpu.VMEM((CANVAS_W, CH64), jnp.float32),
        ],
    )
    def sc_scatter(idx_hbm, w_hbm, out_hbm, idx_v, w_v, canvas_v):
        wid = lax.axis_index("s") * NCORES + lax.axis_index("c")
        zeros16 = jnp.zeros((16,), jnp.float32)
        iota16 = lax.iota(jnp.int32, 16)

        pltpu.sync_copy(w_hbm.at[:, wid], w_v)

        for c in range(SPT // CH64):
            pltpu.sync_copy(
                idx_hbm.at[:, :, wid, pl.ds(c * CH64, CH64)], idx_v)

            def zero_body(r, cc):
                for j in range(CH64 // 16):
                    canvas_v[r, pl.ds(j * 16, 16)] = zeros16
                return cc
            lax.fori_loop(0, CANVAS_W, zero_body, 0, unroll=4)

            for j in range(CH64 // 16):
                colv = iota16 + (j * 16)
                wvs = [w_v[sp, pl.ds(c * CH64 + j * 16, 16)]
                       for sp in range(NSPL)]

                def t_body(t, cc):
                    ivs = [idx_v[sp, t, pl.ds(j * 16, 16)]
                           for sp in range(NSPL)]
                    for sp in range(NSPL):
                        plsc.addupdate_scatter(
                            canvas_v, [ivs[sp], colv], wvs[sp])
                    return cc
                lax.fori_loop(0, NT, t_body, 0, unroll=2)

            pltpu.sync_copy(
                canvas_v,
                out_hbm.at[wid, :, pl.ds(c * CH64, CH64)])

    return sc_scatter


_sc_scatter = _make_sc_scatter()


def kernel(x, W_lin, b_lin):
    wt = W_lin.T
    wperm = wt.reshape(NSPL, 7, DIN).transpose(1, 0, 2).reshape(DOUT, DIN)
    wcat = jnp.concatenate([wt, wperm], axis=0)
    bperm = b_lin.reshape(NSPL, 7).T.reshape(DOUT)
    bcat = jnp.concatenate([b_lin, bperm], axis=0)[:, None]

    t = jnp.linspace(0.0, 1.0, NT)
    b0 = ((1 - t) ** 2).reshape(1, NT, 1)
    b1 = (2 * (1 - t) * t).reshape(1, NT, 1)
    b2 = (t ** 2).reshape(1, NT, 1)

    grid = B // SB
    sample_t, idx_t, wgt_t = pl.pallas_call(
        _tc_points_kernel,
        grid=(grid,),
        in_specs=[
            pl.BlockSpec((2 * DOUT, DIN), lambda i: (0, 0)),
            pl.BlockSpec((2 * DOUT, 1), lambda i: (0, 0)),
            pl.BlockSpec((SB, DIN), lambda i: (i, 0)),
            pl.BlockSpec((1, NT, 1), lambda i: (0, 0, 0)),
            pl.BlockSpec((1, NT, 1), lambda i: (0, 0, 0)),
            pl.BlockSpec((1, NT, 1), lambda i: (0, 0, 0)),
        ],
        out_specs=[
            pl.BlockSpec((SB, DOUT), lambda i: (i, 0)),
            pl.BlockSpec((NSPL, NT, SB // 128, 128), lambda i: (0, 0, i, 0)),
            pl.BlockSpec((NSPL, SB // 128, 128), lambda i: (0, i, 0)),
        ],
        out_shape=[
            jax.ShapeDtypeStruct((B, DOUT), jnp.float32),
            jax.ShapeDtypeStruct((NSPL, NT, B // 128, 128), jnp.int32),
            jax.ShapeDtypeStruct((NSPL, B // 128, 128), jnp.float32),
        ],
    )(wcat, bcat, x, b0, b1, b2)

    e5 = _sc_scatter(idx_t, wgt_t)

    sk3, log_prob, entropy = pl.pallas_call(
        _tc_fold_kernel,
        grid=(B // SPT,),
        in_specs=[pl.BlockSpec((1, CANVAS_W, SPT), lambda i: (i, 0, 0))],
        out_specs=[
            pl.BlockSpec((28, 28, SPT), lambda i: (0, 0, i)),
            pl.BlockSpec((SPT,), lambda i: (i,)),
            pl.BlockSpec((SPT,), lambda i: (i,)),
        ],
        out_shape=[
            jax.ShapeDtypeStruct((28, 28, B), jnp.float32),
            jax.ShapeDtypeStruct((B,), jnp.float32),
            jax.ShapeDtypeStruct((B,), jnp.float32),
        ],
    )(e5)

    sketch = sk3.transpose(2, 0, 1)
    return (sketch, log_prob, entropy, sample_t)

# --- scband reference (transcript-rebuilt; emitter-appended) ---
"""Pipeline reference for scband-bezier-reinforce-wrapper-23321672417978 (READ-ONLY COPY).

The authoritative reference and input builder live on the scoring server;
editing this copy changes nothing except your own understanding.
"""

import jax, jax.numpy as jnp
import numpy as np

CANVAS = (28, 28)


def paint_multiple_splines(sample):
    B = sample.shape[0]
    num_t = 50
    params = sample.reshape(B, -1, 7) * CANVAS[0]
    S = params.shape[1]
    P0 = params[..., 0:2][:, :, None, :]
    P1 = params[..., 2:4][:, :, None, :]
    P2 = params[..., 4:6][:, :, None, :]
    W = params[..., 6:7] * (-0.003)
    t = jnp.linspace(0.0, 1.0, num_t).reshape(1, 1, num_t, 1)
    spline_points = (1 - t) ** 2 * P0 + 2 * (1 - t) * t * P1 + t ** 2 * P2
    coords = jnp.round(spline_points).astype(jnp.int32)
    brush_size = 1
    r = jnp.arange(-brush_size, brush_size + 1)
    dx, dy = jnp.meshgrid(r, r, indexing='ij')
    dx = dx.flatten()
    dy = dy.flatten()
    num_offsets = dx.shape[0]
    base_x = coords[..., 0]
    base_y = coords[..., 1]
    x_indices = jnp.clip(base_x[..., None] + dx, 0, CANVAS[0] - 1)
    y_indices = jnp.clip(base_y[..., None] + dy, 0, CANVAS[1] - 1)
    flat_indices = (x_indices * CANVAS[1] + y_indices).reshape(B, -1)
    flat_weights = jnp.broadcast_to(W[..., None], (B, S, num_t, num_offsets)).reshape(B, -1)
    canvas_flat = jnp.zeros((B, CANVAS[0] * CANVAS[1]), dtype=sample.dtype)
    canvas_flat = canvas_flat.at[jnp.arange(B)[:, None], flat_indices].add(flat_weights)
    background_shade = 0.3
    canvas = jnp.clip(canvas_flat.reshape(B, CANVAS[0], CANVAS[1]) + background_shade, 0.0, 1.0)
    return canvas


def setup_inputs(seed: int = 0) -> dict:
    key = jax.random.key(seed)
    k1, k2, k3 = jax.random.split(key, 3)
    x = jax.random.normal(k1, (4096, 128), dtype=jnp.float32)
    W_lin = jax.random.normal(k2, (128, 112), dtype=jnp.float32) * 0.05
    b_lin = jnp.zeros((112,), dtype=jnp.float32)
    return {"x": x, "W_lin": W_lin, "b_lin": b_lin}


def reference(x, W_lin, b_lin):
    # agent: Linear(128 -> 112); eval-mode path (raw_sample = mu)
    std = 1.0
    mu = x @ W_lin + b_lin
    # Independent(Normal(mu, std), 1): entropy and log_prob sum over last dim
    entropy = jnp.sum(jnp.zeros_like(mu) + 0.5 + 0.5 * jnp.log(2 * jnp.pi) + jnp.log(std), axis=-1)
    raw_sample = mu
    sample = jax.nn.sigmoid(raw_sample)
    log_prob = jnp.sum(-((raw_sample - mu) ** 2) / (2 * std ** 2) - jnp.log(std) - 0.5 * jnp.log(2 * jnp.pi), axis=-1)
    sketch = paint_multiple_splines(sample)
    return (sketch, log_prob, entropy, sample)

if __name__ == "__main__":
    import jax
    _d = setup_inputs()
    print(jax.jit(kernel)(*tuple(_d.values())))

</pallas_src>

<mosaic_0001>
#map = affine_map<(d0, d1) -> (0, 0, 0, 0)>
#map1 = affine_map<(d0, d1) -> (0, 0, 0)>
module attributes {stable_mosaic.version = 14 : i64} {
  func.func @sc_scatter(%arg0: i32, %arg1: i32, %arg2: memref<16x50x32x128xi32, #tpu.memory_space<hbm>>, %arg3: memref<16x32x128xf32, #tpu.memory_space<hbm>>, %arg4: memref<32x1024x128xf32, #tpu.memory_space<hbm>>, %arg5: memref<16x50x64xi32, #tpu.memory_space<vmem>>, %arg6: memref<16x128xf32, #tpu.memory_space<vmem>>, %arg7: memref<1024x64xf32, #tpu.memory_space<vmem>>) attributes {dimension_semantics = [#tpu.dimension_semantics<core_parallel>, #tpu.dimension_semantics<subcore_parallel>], iteration_bounds = array<i64: 2, 16>, scalar_prefetch = 0 : i64, scratch_operands = 3 : i64, tpu.core_type = #tpu.core_type<sc_vector_subcore>, window_params = [{transform_indices = #map}, {transform_indices = #map1}, {transform_indices = #map1}]} {
    %mul3A = arith.constant 2 : i32
    %mul3A_0 = arith.muli %arg1, %mul3A : i32
    %add3A = arith.addi %mul3A_0, %arg0 : i32
    %broadcast_in_dim3A = arith.constant 0.000000e+00 : f32
    %broadcast_in_dim3A_1 = vector.broadcast %broadcast_in_dim3A : f32 to vector<16xf32>
    %iota3A = tpu.iota {dimensions = array<i32: 0>} : vector<16xi32>
    "tpu.region"() ({
      %run_scoped3A = tpu.sem_alloc : memref<!tpu.dma_semaphore, #tpu.memory_space<semaphore_mem>>
      %dma_start3A = arith.constant 0 : i32
      %dma_start3A_596 = arith.constant 0 : i32
      %dma_start3A_597 = tpu.memref_slice %arg3[%dma_start3A, %add3A, %dma_start3A_596] : memref<16x32x128xf32, #tpu.memory_space<hbm>> -> memref<16x1x128xf32, #tpu.memory_space<hbm>>
      %dma_start3A_598 = tpu.memref_squeeze %dma_start3A_597 : memref<16x1x128xf32, #tpu.memory_space<hbm>> -> memref<16x128xf32, #tpu.memory_space<hbm>>
      %dma_start3A_599 = arith.constant 0 : i32
      %dma_start3A_600 = arith.constant 0 : i32
      %dma_start3A_601 = tpu.memref_slice %arg3[%dma_start3A_599, %add3A, %dma_start3A_600] : memref<16x32x128xf32, #tpu.memory_space<hbm>> -> memref<16x1x128xf32, #tpu.memory_space<hbm>>
      %dma_start3A_602 = tpu.memref_squeeze %dma_start3A_601 : memref<16x1x128xf32, #tpu.memory_space<hbm>> -> memref<16x128xf32, #tpu.memory_space<hbm>>
      tpu.enqueue_dma source(%dma_start3A_602 : memref<16x128xf32, #tpu.memory_space<hbm>>) target(%arg6 : memref<16x128xf32, #tpu.memory_space<vmem>>) target_semaphore(%run_scoped3A : memref<!tpu.dma_semaphore, #tpu.memory_space<semaphore_mem>>)
      %dma_wait3A = arith.constant 0 : i32
      %dma_wait3A_603 = arith.constant 0 : i32
      %dma_wait3A_604 = tpu.memref_slice %arg3[%dma_wait3A, %add3A, %dma_wait3A_603] : memref<16x32x128xf32, #tpu.memory_space<hbm>> -> memref<16x1x128xf32, #tpu.memory_space<hbm>>
      %dma_wait3A_605 = tpu.memref_squeeze %dma_wait3A_604 : memref<16x1x128xf32, #tpu.memory_space<hbm>> -> memref<16x128xf32, #tpu.memory_space<hbm>>
      %dma_wait3A_606 = arith.constant 0 : i32
      %dma_wait3A_607 = arith.constant 0 : i32
      %dma_wait3A_608 = tpu.memref_slice %arg3[%dma_wait3A_606, %add3A, %dma_wait3A_607] : memref<16x32x128xf32, #tpu.memory_space<hbm>> -> memref<16x1x128xf32, #tpu.memory_space<hbm>>
      %dma_wait3A_609 = tpu.memref_squeeze %dma_wait3A_608 : memref<16x1x128xf32, #tpu.memory_space<hbm>> -> memref<16x128xf32, #tpu.memory_space<hbm>>
      tpu.wait_dma2 semaphore(%run_scoped3A : memref<!tpu.dma_semaphore, #tpu.memory_space<semaphore_mem>>) src(%dma_wait3A_609 : memref<16x128xf32, #tpu.memory_space<hbm>>) dst(%arg6 : memref<16x128xf32, #tpu.memory_space<vmem>>)
      tpu.yield
    }) : () -> ()
    "tpu.region"() ({
      %run_scoped3A = tpu.sem_alloc : memref<!tpu.dma_semaphore, #tpu.memory_space<semaphore_mem>>
      %dma_start3A = arith.constant 0 : i32
      %dma_start3A_596 = arith.constant 0 : i32
      %dma_start3A_597 = arith.constant 0 : i32
      %dma_start3A_598 = tpu.memref_slice %arg2[%dma_start3A, %dma_start3A_596, %add3A, %dma_start3A_597] : memref<16x50x32x128xi32, #tpu.memory_space<hbm>> -> memref<16x50x1x64xi32, #tpu.memory_space<hbm>>
      %dma_start3A_599 = tpu.memref_squeeze %dma_start3A_598 : memref<16x50x1x64xi32, #tpu.memory_space<hbm>> -> memref<16x50x64xi32, #tpu.memory_space<hbm>>
      %dma_start3A_600 = arith.constant 0 : i32
      %dma_start3A_601 = arith.constant 0 : i32
      %dma_start3A_602 = arith.constant 0 : i32
      %dma_start3A_603 = tpu.memref_slice %arg2[%dma_start3A_600, %dma_start3A_601, %add3A, %dma_start3A_602] : memref<16x50x32x128xi32, #tpu.memory_space<hbm>> -> memref<16x50x1x64xi32, #tpu.memory_space<hbm>>
      %dma_start3A_604 = tpu.memref_squeeze %dma_start3A_603 : memref<16x50x1x64xi32, #tpu.memory_space<hbm>> -> memref<16x50x64xi32, #tpu.memory_space<hbm>>
      tpu.enqueue_dma source(%dma_start3A_604 : memref<16x50x64xi32, #tpu.memory_space<hbm>>) target(%arg5 : memref<16x50x64xi32, #tpu.memory_space<vmem>>) target_semaphore(%run_scoped3A : memref<!tpu.dma_semaphore, #tpu.memory_space<semaphore_mem>>)
      %dma_wait3A = arith.constant 0 : i32
      %dma_wait3A_605 = arith.constant 0 : i32
      %dma_wait3A_606 = arith.constant 0 : i32
      %dma_wait3A_607 = tpu.memref_slice %arg2[%dma_wait3A, %dma_wait3A_605, %add3A, %dma_wait3A_606] : memref<16x50x32x128xi32, #tpu.memory_space<hbm>> -> memref<16x50x1x64xi32, #tpu.memory_space<hbm>>
      %dma_wait3A_608 = tpu.memref_squeeze %dma_wait3A_607 : memref<16x50x1x64xi32, #tpu.memory_space<hbm>> -> memref<16x50x64xi32, #tpu.memory_space<hbm>>
      %dma_wait3A_609 = arith.constant 0 : i32
      %dma_wait3A_610 = arith.constant 0 : i32
      %dma_wait3A_611 = arith.constant 0 : i32
      %dma_wait3A_612 = tpu.memref_slice %arg2[%dma_wait3A_609, %dma_wait3A_610, %add3A, %dma_wait3A_611] : memref<16x50x32x128xi32, #tpu.memory_space<hbm>> -> memref<16x50x1x64xi32, #tpu.memory_space<hbm>>
      %dma_wait3A_613 = tpu.memref_squeeze %dma_wait3A_612 : memref<16x50x1x64xi32, #tpu.memory_space<hbm>> -> memref<16x50x64xi32, #tpu.memory_space<hbm>>
      tpu.wait_dma2 semaphore(%run_scoped3A : memref<!tpu.dma_semaphore, #tpu.memory_space<semaphore_mem>>) src(%dma_wait3A_613 : memref<16x50x64xi32, #tpu.memory_space<hbm>>) dst(%arg5 : memref<16x50x64xi32, #tpu.memory_space<vmem>>)
      tpu.yield
    }) : () -> ()
    %scan3A = arith.constant 0 : i32
    %scan3A_2 = arith.constant 0 : i32
    %scan3A_3 = arith.constant 1024 : i32
    %scan3A_4 = arith.addi %scan3A_2, %scan3A_3 : i32
    %scan3A_5 = arith.constant 4 : i32
    scf.for %scan3A_596 = %scan3A_2 to %scan3A_4 step %scan3A_5  : i32 {
      %swap3A = arith.index_cast %scan3A_596 : i32 to index
      %swap3A_597 = arith.constant 0 : index
      %swap3A_598 = tpu.vector_load %arg7[%swap3A, %swap3A_597] {strides = array<i32>} : memref<1024x64xf32, #tpu.memory_space<vmem>>, vector<16xf32>,
      tpu.vector_store %arg7[%swap3A, %swap3A_597], %broadcast_in_dim3A_1 {strides = array<i32>} : memref<1024x64xf32, #tpu.memory_space<vmem>>, vector<16xf32>,
      %swap3A_599 = arith.index_cast %scan3A_596 : i32 to index
      %swap3A_600 = arith.constant 16 : index
      %swap3A_601 = tpu.vector_load %arg7[%swap3A_599, %swap3A_600] {strides = array<i32>} : memref<1024x64xf32, #tpu.memory_space<vmem>>, vector<16xf32>,
      tpu.vector_store %arg7[%swap3A_599, %swap3A_600], %broadcast_in_dim3A_1 {strides = array<i32>} : memref<1024x64xf32, #tpu.memory_space<vmem>>, vector<16xf32>,
      %swap3A_602 = arith.index_cast %scan3A_596 : i32 to index
      %swap3A_603 = arith.constant 32 : index
      %swap3A_604 = tpu.vector_load %arg7[%swap3A_602, %swap3A_603] {strides = array<i32>} : memref<1024x64xf32, #tpu.memory_space<vmem>>, vector<16xf32>,
      tpu.vector_store %arg7[%swap3A_602, %swap3A_603], %broadcast_in_dim3A_1 {strides = array<i32>} : memref<1024x64xf32, #tpu.memory_space<vmem>>, vector<16xf32>,
      %swap3A_605 = arith.index_cast %scan3A_596 : i32 to index
      %swap3A_606 = arith.constant 48 : index
      %swap3A_607 = tpu.vector_load %arg7[%swap3A_605, %swap3A_606] {strides = array<i32>} : memref<1024x64xf32, #tpu.memory_space<vmem>>, vector<16xf32>,
      tpu.vector_store %arg7[%swap3A_605, %swap3A_606], %broadcast_in_dim3A_1 {strides = array<i32>} : memref<1024x64xf32, #tpu.memory_space<vmem>>, vector<16xf32>,
      %scan3A_608 = arith.constant 1 : i32
      %scan3A_609 = arith.addi %scan3A_596, %scan3A_608 : i32
      %swap3A_610 = arith.index_cast %scan3A_609 : i32 to index
      %swap3A_611 = arith.constant 0 : index
      %swap3A_612 = tpu.vector_load %arg7[%swap3A_610, %swap3A_611] {strides = array<i32>} : memref<1024x64xf32, #tpu.memory_space<vmem>>, vector<16xf32>,
      tpu.vector_store %arg7[%swap3A_610, %swap3A_611], %broadcast_in_dim3A_1 {strides = array<i32>} : memref<1024x64xf32, #tpu.memory_space<vmem>>, vector<16xf32>,
      %swap3A_613 = arith.index_cast %scan3A_609 : i32 to index
      %swap3A_614 = arith.constant 16 : index
      %swap3A_615 = tpu.vector_load %arg7[%swap3A_613, %swap3A_614] {strides = array<i32>} : memref<1024x64xf32, #tpu.memory_space<vmem>>, vector<16xf32>,
      tpu.vector_store %arg7[%swap3A_613, %swap3A_614], %broadcast_in_dim3A_1 {strides = array<i32>} : memref<1024x64xf32, #tpu.memory_space<vmem>>, vector<16xf32>,
      %swap3A_616 = arith.index_cast %scan3A_609 : i32 to index
      %swap3A_617 = arith.constant 32 : index
      %swap3A_618 = tpu.vector_load %arg7[%swap3A_616, %swap3A_617] {strides = array<i32>} : memref<1024x64xf32, #tpu.memory_space<vmem>>, vector<16xf32>,
      tpu.vector_store %arg7[%swap3A_616, %swap3A_617], %broadcast_in_dim3A_1 {strides = array<i32>} : memref<1024x64xf32, #tpu.memory_space<vmem>>, vector<16xf32>,
      %swap3A_619 = arith.index_cast %scan3A_609 : i32 to index
      %swap3A_620 = arith.constant 48 : index
      %swap3A_621 = tpu.vector_load %arg7[%swap3A_619, %swap3A_620] {strides = array<i32>} : memref<1024x64xf32, #tpu.memory_space<vmem>>, vector<16xf32>,
      tpu.vector_store %arg7[%swap3A_619, %swap3A_620], %broadcast_in_dim3A_1 {strides = array<i32>} : memref<1024x64xf32, #tpu.memory_space<vmem>>, vector<16xf32>,
      %scan3A_622 = arith.constant 2 : i32
      %scan3A_623 = arith.addi %scan3A_596, %scan3A_622 : i32
      %swap3A_624 = arith.index_cast %scan3A_623 : i32 to index
      %swap3A_625 = arith.constant 0 : index
      %swap3A_626 = tpu.vector_load %arg7[%swap3A_624, %swap3A_625] {strides = array<i32>} : memref<1024x64xf32, #tpu.memory_space<vmem>>, vector<16xf32>,
      tpu.vector_store %arg7[%swap3A_624, %swap3A_625], %broadcast_in_dim3A_1 {strides = array<i32>} : memref<1024x64xf32, #tpu.memory_space<vmem>>, vector<16xf32>,
      %swap3A_627 = arith.index_cast %scan3A_623 : i32 to index
      %swap3A_628 = arith.constant 16 : index
      %swap3A_629 = tpu.vector_load %arg7[%swap3A_627, %swap3A_628] {strides = array<i32>} : memref<1024x64xf32, #tpu.memory_space<vmem>>, vector<16xf32>,
      tpu.vector_store %arg7[%swap3A_627, %swap3A_628], %broadcast_in_dim3A_1 {strides = array<i32>} : memref<1024x64xf32, #tpu.memory_space<vmem>>, vector<16xf32>,
      %swap3A_630 = arith.index_cast %scan3A_623 : i32 to index
      %swap3A_631 = arith.constant 32 : index
      %swap3A_632 = tpu.vector_load %arg7[%swap3A_630, %swap3A_631] {strides = array<i32>} : memref<1024x64xf32, #tpu.memory_space<vmem>>, vector<16xf32>,
      tpu.vector_store %arg7[%swap3A_630, %swap3A_631], %broadcast_in_dim3A_1 {strides = array<i32>} : memref<1024x64xf32, #tpu.memory_space<vmem>>, vector<16xf32>,
      %swap3A_633 = arith.index_cast %scan3A_623 : i32 to index
      %swap3A_634 = arith.constant 48 : index
      %swap3A_635 = tpu.vector_load %arg7[%swap3A_633, %swap3A_634] {strides = array<i32>} : memref<1024x64xf32, #tpu.memory_space<vmem>>, vector<16xf32>,
      tpu.vector_store %arg7[%swap3A_633, %swap3A_634], %broadcast_in_dim3A_1 {strides = array<i32>} : memref<1024x64xf32, #tpu.memory_space<vmem>>, vector<16xf32>,
      %scan3A_636 = arith.constant 3 : i32
      %scan3A_637 = arith.addi %scan3A_596, %scan3A_636 : i32
      %swap3A_638 = arith.index_cast %scan3A_637 : i32 to index
      %swap3A_639 = arith.constant 0 : index
      %swap3A_640 = tpu.vector_load %arg7[%swap3A_638, %swap3A_639] {strides = array<i32>} : memref<1024x64xf32, #tpu.memory_space<vmem>>, vector<16xf32>,
      tpu.vector_store %arg7[%swap3A_638, %swap3A_639], %broadcast_in_dim3A_1 {strides = array<i32>} : memref<1024x64xf32, #tpu.memory_space<vmem>>, vector<16xf32>,
      %swap3A_641 = arith.index_cast %scan3A_637 : i32 to index
      %swap3A_642 = arith.constant 16 : index
      %swap3A_643 = tpu.vector_load %arg7[%swap3A_641, %swap3A_642] {strides = array<i32>} : memref<1024x64xf32, #tpu.memory_space<vmem>>, vector<16xf32>,
      tpu.vector_store %arg7[%swap3A_641, %swap3A_642], %broadcast_in_dim3A_1 {strides = array<i32>} : memref<1024x64xf32, #tpu.memory_space<vmem>>, vector<16xf32>,
      %swap3A_644 = arith.index_cast %scan3A_637 : i32 to index
      %swap3A_645 = arith.constant 32 : index
      %swap3A_646 = tpu.vector_load %arg7[%swap3A_644, %swap3A_645] {strides = array<i32>} : memref<1024x64xf32, #tpu.memory_space<vmem>>, vector<16xf32>,
      tpu.vector_store %arg7[%swap3A_644, %swap3A_645], %broadcast_in_dim3A_1 {strides = array<i32>} : memref<1024x64xf32, #tpu.memory_space<vmem>>, vector<16xf32>,
      %swap3A_647 = arith.index_cast %scan3A_637 : i32 to index
      %swap3A_648 = arith.constant 48 : index
      %swap3A_649 = tpu.vector_load %arg7[%swap3A_647, %swap3A_648] {strides = array<i32>} : memref<1024x64xf32, #tpu.memory_space<vmem>>, vector<16xf32>,
      tpu.vector_store %arg7[%swap3A_647, %swap3A_648], %broadcast_in_dim3A_1 {strides = array<i32>} : memref<1024x64xf32, #tpu.memory_space<vmem>>, vector<16xf32>,
    }
    %scan3A_6 = arith.constant 1024 : i32
    %add3A_7 = arith.constant 0 : i32
    %add3A_8 = vector.broadcast %add3A_7 : i32 to vector<16xi32>
    %add3A_9 = arith.addi %iota3A, %add3A_8 : vector<16xi32>
    %get3A = arith.constant 0 : i32
    %get3A_10 = arith.index_cast %get3A : i32 to index
    %get3A_11 = arith.constant 0 : index
    %get3A_12 = tpu.vector_load %arg6[%get3A_10, %get3A_11] {strides = array<i32>} : memref<16x128xf32, #tpu.memory_space<vmem>>, vector<16xf32>,
    %get3A_13 = arith.constant 1 : i32
    %get3A_14 = arith.index_cast %get3A_13 : i32 to index
    %get3A_15 = arith.constant 0 : index
    %get3A_16 = tpu.vector_load %arg6[%get3A_14, %get3A_15] {strides = array<i32>} : memref<16x128xf32, #tpu.memory_space<vmem>>, vector<16xf32>,
    %get3A_17 = arith.constant 2 : i32
    %get3A_18 = arith.index_cast %get3A_17 : i32 to index
    %get3A_19 = arith.constant 0 : index
    %get3A_20 = tpu.vector_load %arg6[%get3A_18, %get3A_19] {strides = array<i32>} : memref<16x128xf32, #tpu.memory_space<vmem>>, vector<16xf32>,
    %get3A_21 = arith.constant 3 : i32
    %get3A_22 = arith.index_cast %get3A_21 : i32 to index
    %get3A_23 = arith.constant 0 : index
    %get3A_24 = tpu.vector_load %arg6[%get3A_22, %get3A_23] {strides = array<i32>} : memref<16x128xf32, #tpu.memory_space<vmem>>, vector<16xf32>,
    %get3A_25 = arith.constant 4 : i32
    %get3A_26 = arith.index_cast %get3A_25 : i32 to index
    %get3A_27 = arith.constant 0 : index
    %get3A_28 = tpu.vector_load %arg6[%get3A_26, %get3A_27] {strides = array<i32>} : memref<16x128xf32, #tpu.memory_space<vmem>>, vector<16xf32>,
    %get3A_29 = arith.constant 5 : i32
    %get3A_30 = arith.index_cast %get3A_29 : i32 to index
    %get3A_31 = arith.constant 0 : index
    %get3A_32 = tpu.vector_load %arg6[%get3A_30, %get3A_31] {strides = array<i32>} : memref<16x128xf32, #tpu.memory_space<vmem>>, vector<16xf32>,
    %get3A_33 = arith.constant 6 : i32
    %get3A_34 = arith.index_cast %get3A_33 : i32 to index
    %get3A_35 = arith.constant 0 : index
    %get3A_36 = tpu.vector_load %arg6[%get3A_34, %get3A_35] {strides = array<i32>} : memref<16x128xf32, #tpu.memory_space<vmem>>, vector<16xf32>,
    %get3A_37 = arith.constant 7 : i32
    %get3A_38 = arith.index_cast %get3A_37 : i32 to index
    %get3A_39 = arith.constant 0 : index
    %get3A_40 = tpu.vector_load %arg6[%get3A_38, %get3A_39] {strides = array<i32>} : memref<16x128xf32, #tpu.memory_space<vmem>>, vector<16xf32>,
    %get3A_41 = arith.constant 8 : i32
    %get3A_42 = arith.index_cast %get3A_41 : i32 to index
    %get3A_43 = arith.constant 0 : index
    %get3A_44 = tpu.vector_load %arg6[%get3A_42, %get3A_43] {strides = array<i32>} : memref<16x128xf32, #tpu.memory_space<vmem>>, vector<16xf32>,
    %get3A_45 = arith.constant 9 : i32
    %get3A_46 = arith.index_cast %get3A_45 : i32 to index
    %get3A_47 = arith.constant 0 : index
    %get3A_48 = tpu.vector_load %arg6[%get3A_46, %get3A_47] {strides = array<i32>} : memref<16x128xf32, #tpu.memory_space<vmem>>, vector<16xf32>,
    %get3A_49 = arith.constant 10 : i32
    %get3A_50 = arith.index_cast %get3A_49 : i32 to index
    %get3A_51 = arith.constant 0 : index
    %get3A_52 = tpu.vector_load %arg6[%get3A_50, %get3A_51] {strides = array<i32>} : memref<16x128xf32, #tpu.memory_space<vmem>>, vector<16xf32>,
    %get3A_53 = arith.constant 11 : i32
    %get3A_54 = arith.index_cast %get3A_53 : i32 to index
    %get3A_55 = arith.constant 0 : index
    %get3A_56 = tpu.vector_load %arg6[%get3A_54, %get3A_55] {strides = array<i32>} : memref<16x128xf32, #tpu.memory_space<vmem>>, vector<16xf32>,
    %get3A_57 = arith.constant 12 : i32
    %get3A_58 = arith.index_cast %get3A_57 : i32 to index
    %get3A_59 = arith.constant 0 : index
    %get3A_60 = tpu.vector_load %arg6[%get3A_58, %get3A_59] {strides = array<i32>} : memref<16x128xf32, #tpu.memory_space<vmem>>, vector<16xf32>,
    %get3A_61 = arith.constant 13 : i32
    %get3A_62 = arith.index_cast %get3A_61 : i32 to index
    %get3A_63 = arith.constant 0 : index
    %get3A_64 = tpu.vector_load %arg6[%get3A_62, %get3A_63] {strides = array<i32>} : memref<16x128xf32, #tpu.memory_space<vmem>>, vector<16xf32>,
    %get3A_65 = arith.constant 14 : i32
    %get3A_66 = arith.index_cast %get3A_65 : i32 to index
    %get3A_67 = arith.constant 0 : index
    %get3A_68 = tpu.vector_load %arg6[%get3A_66, %get3A_67] {strides = array<i32>} : memref<16x128xf32, #tpu.memory_space<vmem>>, vector<16xf32>,
    %get3A_69 = arith.constant 15 : i32
    %get3A_70 = arith.index_cast %get3A_69 : i32 to index
    %get3A_71 = arith.constant 0 : index
    %get3A_72 = tpu.vector_load %arg6[%get3A_70, %get3A_71] {strides = array<i32>} : memref<16x128xf32, #tpu.memory_space<vmem>>, vector<16xf32>,
    %scan3A_73 = arith.constant 0 : i32
    %scan3A_74 = arith.constant 0 : i32
    %scan3A_75 = arith.constant 50 : i32
    %scan3A_76 = arith.addi %scan3A_74, %scan3A_75 : i32
    %scan3A_77 = arith.constant 2 : i32
    scf.for %scan3A_596 = %scan3A_74 to %scan3A_76 step %scan3A_77  : i32 {
      %get3A_597 = arith.constant 0 : i32
      %get3A_598 = arith.index_cast %get3A_597 : i32 to index
      %get3A_599 = arith.index_cast %scan3A_596 : i32 to index
      %get3A_600 = arith.constant 0 : index
      %get3A_601 = tpu.vector_load %arg5[%get3A_598, %get3A_599, %get3A_600] {strides = array<i32>} : memref<16x50x64xi32, #tpu.memory_space<vmem>>, vector<16xi32>,
      %get3A_602 = arith.constant 1 : i32
      %get3A_603 = arith.index_cast %get3A_602 : i32 to index
      %get3A_604 = arith.index_cast %scan3A_596 : i32 to index
      %get3A_605 = arith.constant 0 : index
      %get3A_606 = tpu.vector_load %arg5[%get3A_603, %get3A_604, %get3A_605] {strides = array<i32>} : memref<16x50x64xi32, #tpu.memory_space<vmem>>, vector<16xi32>,
      %get3A_607 = arith.constant 2 : i32
      %get3A_608 = arith.index_cast %get3A_607 : i32 to index
      %get3A_609 = arith.index_cast %scan3A_596 : i32 to index
      %get3A_610 = arith.constant 0 : index
      %get3A_611 = tpu.vector_load %arg5[%get3A_608, %get3A_609, %get3A_610] {strides = array<i32>} : memref<16x50x64xi32, #tpu.memory_space<vmem>>, vector<16xi32>,
      %get3A_612 = arith.constant 3 : i32
      %get3A_613 = arith.index_cast %get3A_612 : i32 to index
      %get3A_614 = arith.index_cast %scan3A_596 : i32 to index
      %get3A_615 = arith.constant 0 : index
      %get3A_616 = tpu.vector_load %arg5[%get3A_613, %get3A_614, %get3A_615] {strides = array<i32>} : memref<16x50x64xi32, #tpu.memory_space<vmem>>, vector<16xi32>,
      %get3A_617 = arith.constant 4 : i32
      %get3A_618 = arith.index_cast %get3A_617 : i32 to index
      %get3A_619 = arith.index_cast %scan3A_596 : i32 to index
      %get3A_620 = arith.constant 0 : index
      %get3A_621 = tpu.vector_load %arg5[%get3A_618, %get3A_619, %get3A_620] {strides = array<i32>} : memref<16x50x64xi32, #tpu.memory_space<vmem>>, vector<16xi32>,
      %get3A_622 = arith.constant 5 : i32
      %get3A_623 = arith.index_cast %get3A_622 : i32 to index
      %get3A_624 = arith.index_cast %scan3A_596 : i32 to index
      %get3A_625 = arith.constant 0 : index
      %get3A_626 = tpu.vector_load %arg5[%get3A_623, %get3A_624, %get3A_625] {strides = array<i32>} : memref<16x50x64xi32, #tpu.memory_space<vmem>>, vector<16xi32>,
      %get3A_627 = arith.constant 6 : i32
      %get3A_628 = arith.index_cast %get3A_627 : i32 to index
      %get3A_629 = arith.index_cast %scan3A_596 : i32 to index
      %get3A_630 = arith.constant 0 : index
      %get3A_631 = tpu.vector_load %arg5[%get3A_628, %get3A_629, %get3A_630] {strides = array<i32>} : memref<16x50x64xi32, #tpu.memory_space<vmem>>, vector<16xi32>,
      %get3A_632 = arith.constant 7 : i32
      %get3A_633 = arith.index_cast %get3A_632 : i32 to index
      %get3A_634 = arith.index_cast %scan3A_596 : i32 to index
      %get3A_635 = arith.constant 0 : index
      %get3A_636 = tpu.vector_load %arg5[%get3A_633, %get3A_634, %get3A_635] {strides = array<i32>} : memref<16x50x64xi32, #tpu.memory_space<vmem>>, vector<16xi32>,
      %get3A_637 = arith.constant 8 : i32
      %get3A_638 = arith.index_cast %get3A_637 : i32 to index
      %get3A_639 = arith.index_cast %scan3A_596 : i32 to index
      %get3A_640 = arith.constant 0 : index
      %get3A_641 = tpu.vector_load %arg5[%get3A_638, %get3A_639, %get3A_640] {strides = array<i32>} : memref<16x50x64xi32, #tpu.memory_space<vmem>>, vector<16xi32>,
      %get3A_642 = arith.constant 9 : i32
      %get3A_643 = arith.index_cast %get3A_642 : i32 to index
      %get3A_644 = arith.index_cast %scan3A_596 : i32 to index
      %get3A_645 = arith.constant 0 : index
      %get3A_646 = tpu.vector_load %arg5[%get3A_643, %get3A_644, %get3A_645] {strides = array<i32>} : memref<16x50x64xi32, #tpu.memory_space<vmem>>, vector<16xi32>,
      %get3A_647 = arith.constant 10 : i32
      %get3A_648 = arith.index_cast %get3A_647 : i32 to index
      %get3A_649 = arith.index_cast %scan3A_596 : i32 to index
      %get3A_650 = arith.constant 0 : index
      %get3A_651 = tpu.vector_load %arg5[%get3A_648, %get3A_649, %get3A_650] {strides = array<i32>} : memref<16x50x64xi32, #tpu.memory_space<vmem>>, vector<16xi32>,
      %get3A_652 = arith.constant 11 : i32
      %get3A_653 = arith.index_cast %get3A_652 : i32 to index
      %get3A_654 = arith.index_cast %scan3A_596 : i32 to index
      %get3A_655 = arith.constant 0 : index
      %get3A_656 = tpu.vector_load %arg5[%get3A_653, %get3A_654, %get3A_655] {strides = array<i32>} : memref<16x50x64xi32, #tpu.memory_space<vmem>>, vector<16xi32>,
      %get3A_657 = arith.constant 12 : i32
      %get3A_658 = arith.index_cast %get3A_657 : i32 to index
      %get3A_659 = arith.index_cast %scan3A_596 : i32 to index
      %get3A_660 = arith.constant 0 : index
      %get3A_661 = tpu.vector_load %arg5[%get3A_658, %get3A_659, %get3A_660] {strides = array<i32>} : memref<16x50x64xi32, #tpu.memory_space<vmem>>, vector<16xi32>,
      %get3A_662 = arith.constant 13 : i32
      %get3A_663 = arith.index_cast %get3A_662 : i32 to index
      %get3A_664 = arith.index_cast %scan3A_596 : i32 to index
      %get3A_665 = arith.constant 0 : index
      %get3A_666 = tpu.vector_load %arg5[%get3A_663, %get3A_664, %get3A_665] {strides = array<i32>} : memref<16x50x64xi32, #tpu.memory_space<vmem>>, vector<16xi32>,
      %get3A_667 = arith.constant 14 : i32
      %get3A_668 = arith.index_cast %get3A_667 : i32 to index
      %get3A_669 = arith.index_cast %scan3A_596 : i32 to index
      %get3A_670 = arith.constant 0 : index
      %get3A_671 = tpu.vector_load %arg5[%get3A_668, %get3A_669, %get3A_670] {strides = array<i32>} : memref<16x50x64xi32, #tpu.memory_space<vmem>>, vector<16xi32>,
      %get3A_672 = arith.constant 15 : i32
      %get3A_673 = arith.index_cast %get3A_672 : i32 to index
      %get3A_674 = arith.index_cast %scan3A_596 : i32 to index
      %get3A_675 = arith.constant 0 : index
      %get3A_676 = tpu.vector_load %arg5[%get3A_673, %get3A_674, %get3A_675] {strides = array<i32>} : memref<16x50x64xi32, #tpu.memory_space<vmem>>, vector<16xi32>,
      tpu.vector_store_idx %arg7[%get3A_601, %add3A_9], %get3A_12 {add = true} : memref<1024x64xf32, #tpu.memory_space<vmem>>[vector<16xi32>, vector<16xi32>], vector<16xf32>,
      tpu.vector_store_idx %arg7[%get3A_606, %add3A_9], %get3A_16 {add = true} : memref<1024x64xf32, #tpu.memory_space<vmem>>[vector<16xi32>, vector<16xi32>], vector<16xf32>,
      tpu.vector_store_idx %arg7[%get3A_611, %add3A_9], %get3A_20 {add = true} : memref<1024x64xf32, #tpu.memory_space<vmem>>[vector<16xi32>, vector<16xi32>], vector<16xf32>,
      tpu.vector_store_idx %arg7[%get3A_616, %add3A_9], %get3A_24 {add = true} : memref<1024x64xf32, #tpu.memory_space<vmem>>[vector<16xi32>, vector<16xi32>], vector<16xf32>,
      tpu.vector_store_idx %arg7[%get3A_621, %add3A_9], %get3A_28 {add = true} : memref<1024x64xf32, #tpu.memory_space<vmem>>[vector<16xi32>, vector<16xi32>], vector<16xf32>,
      tpu.vector_store_idx %arg7[%get3A_626, %add3A_9], %get3A_32 {add = true} : memref<1024x64xf32, #tpu.memory_space<vmem>>[vector<16xi32>, vector<16xi32>], vector<16xf32>,
      tpu.vector_store_idx %arg7[%get3A_631, %add3A_9], %get3A_36 {add = true} : memref<1024x64xf32, #tpu.memory_space<vmem>>[vector<16xi32>, vector<16xi32>], vector<16xf32>,
      tpu.vector_store_idx %arg7[%get3A_636, %add3A_9], %get3A_40 {add = true} : memref<1024x64xf32, #tpu.memory_space<vmem>>[vector<16xi32>, vector<16xi32>], vector<16xf32>,
      tpu.vector_store_idx %arg7[%get3A_641, %add3A_9], %get3A_44 {add = true} : memref<1024x64xf32, #tpu.memory_space<vmem>>[vector<16xi32>, vector<16xi32>], vector<16xf32>,
      tpu.vector_store_idx %arg7[%get3A_646, %add3A_9], %get3A_48 {add = true} : memref<1024x64xf32, #tpu.memory_space<vmem>>[vector<16xi32>, vector<16xi32>], vector<16xf32>,
      tpu.vector_store_idx %arg7[%get3A_651, %add3A_9], %get3A_52 {add = true} : memref<1024x64xf32, #tpu.memory_space<vmem>>[vector<16xi32>, vector<16xi32>], vector<16xf32>,
      tpu.vector_store_idx %arg7[%get3A_656, %add3A_9], %get3A_56 {add = true} : memref<1024x64xf32, #tpu.memory_space<vmem>>[vector<16xi32>, vector<16xi32>], vector<16xf32>,
      tpu.vector_store_idx %arg7[%get3A_661, %add3A_9], %get3A_60 {add = true} : memref<1024x64xf32, #tpu.memory_space<vmem>>[vector<16xi32>, vector<16xi32>], vector<16xf32>,
      tpu.vector_store_idx %arg7[%get3A_666, %add3A_9], %get3A_64 {add = true} : memref<1024x64xf32, #tpu.memory_space<vmem>>[vector<16xi32>, vector<16xi32>], vector<16xf32>,
      tpu.vector_store_idx %arg7[%get3A_671, %add3A_9], %get3A_68 {add = true} : memref<1024x64xf32, #tpu.memory_space<vmem>>[vector<16xi32>, vector<16xi32>], vector<16xf32>,
      tpu.vector_store_idx %arg7[%get3A_676, %add3A_9], %get3A_72 {add = true} : memref<1024x64xf32, #tpu.memory_space<vmem>>[vector<16xi32>, vector<16xi32>], vector<16xf32>,
      %scan3A_677 = arith.constant 1 : i32
      %scan3A_678 = arith.addi %scan3A_596, %scan3A_677 : i32
      %get3A_679 = arith.constant 0 : i32
      %get3A_680 = arith.index_cast %get3A_679 : i32 to index
      %get3A_681 = arith.index_cast %scan3A_678 : i32 to index
      %get3A_682 = arith.constant 0 : index
      %get3A_683 = tpu.vector_load %arg5[%get3A_680, %get3A_681, %get3A_682] {strides = array<i32>} : memref<16x50x64xi32, #tpu.memory_space<vmem>>, vector<16xi32>,
      %get3A_684 = arith.constant 1 : i32
      %get3A_685 = arith.index_cast %get3A_684 : i32 to index
      %get3A_686 = arith.index_cast %scan3A_678 : i32 to index
      %get3A_687 = arith.constant 0 : index
      %get3A_688 = tpu.vector_load %arg5[%get3A_685, %get3A_686, %get3A_687] {strides = array<i32>} : memref<16x50x64xi32, #tpu.memory_space<vmem>>, vector<16xi32>,
      %get3A_689 = arith.constant 2 : i32
      %get3A_690 = arith.index_cast %get3A_689 : i32 to index
      %get3A_691 = arith.index_cast %scan3A_678 : i32 to index
      %get3A_692 = arith.constant 0 : index
      %get3A_693 = tpu.vector_load %arg5[%get3A_690, %get3A_691, %get3A_692] {strides = array<i32>} : memref<16x50x64xi32, #tpu.memory_space<vmem>>, vector<16xi32>,
      %get3A_694 = arith.constant 3 : i32
      %get3A_695 = arith.index_cast %get3A_694 : i32 to index
      %get3A_696 = arith.index_cast %scan3A_678 : i32 to index
      %get3A_697 = arith.constant 0 : index
      %get3A_698 = tpu.vector_load %arg5[%get3A_695, %get3A_696, %get3A_697] {strides = array<i32>} : memref<16x50x64xi32, #tpu.memory_space<vmem>>, vector<16xi32>,
      %get3A_699 = arith.constant 4 : i32
      %get3A_700 = arith.index_cast %get3A_699 : i32 to index
      %get3A_701 = arith.index_cast %scan3A_678 : i32 to index
      %get3A_702 = arith.constant 0 : index
      %get3A_703 = tpu.vector_load %arg5[%get3A_700, %get3A_701, %get3A_702] {strides = array<i32>} : memref<16x50x64xi32, #tpu.memory_space<vmem>>, vector<16xi32>,
      %get3A_704 = arith.constant 5 : i32
      %get3A_705 = arith.index_cast %get3A_704 : i32 to index
      %get3A_706 = arith.index_cast %scan3A_678 : i32 to index
      %get3A_707 = arith.constant 0 : index
      %get3A_708 = tpu.vector_load %arg5[%get3A_705, %get3A_706, %get3A_707] {strides = array<i32>} : memref<16x50x64xi32, #tpu.memory_space<vmem>>, vector<16xi32>,
      %get3A_709 = arith.constant 6 : i32
      %get3A_710 = arith.index_cast %get3A_709 : i32 to index
      %get3A_711 = arith.index_cast %scan3A_678 : i32 to index
      %get3A_712 = arith.constant 0 : index
      %get3A_713 = tpu.vector_load %arg5[%get3A_710, %get3A_711, %get3A_712] {strides = array<i32>} : memref<16x50x64xi32, #tpu.memory_space<vmem>>, vector<16xi32>,
      %get3A_714 = arith.constant 7 : i32
      %get3A_715 = arith.index_cast %get3A_714 : i32 to index
      %get3A_716 = arith.index_cast %scan3A_678 : i32 to index
      %get3A_717 = arith.constant 0 : index
      %get3A_718 = tpu.vector_load %arg5[%get3A_715, %get3A_716, %get3A_717] {strides = array<i32>} : memref<16x50x64xi32, #tpu.memory_space<vmem>>, vector<16xi32>,
      %get3A_719 = arith.constant 8 : i32
      %get3A_720 = arith.index_cast %get3A_719 : i32 to index
      %get3A_721 = arith.index_cast %scan3A_678 : i32 to index
      %get3A_722 = arith.constant 0 : index
      %get3A_723 = tpu.vector_load %arg5[%get3A_720, %get3A_721, %get3A_722] {strides = array<i32>} : memref<16x50x64xi32, #tpu.memory_space<vmem>>, vector<16xi32>,
      %get3A_724 = arith.constant 9 : i32
      %get3A_725 = arith.index_cast %get3A_724 : i32 to index
      %get3A_726 = arith.index_cast %scan3A_678 : i32 to index
      %get3A_727 = arith.constant 0 : index
      %get3A_728 = tpu.vector_load %arg5[%get3A_725, %get3A_726, %get3A_727] {strides = array<i32>} : memref<16x50x64xi32, #tpu.memory_space<vmem>>, vector<16xi32>,
      %get3A_729 = arith.constant 10 : i32
      %get3A_730 = arith.index_cast %get3A_729 : i32 to index
      %get3A_731 = arith.index_cast %scan3A_678 : i32 to index
      %get3A_732 = arith.constant 0 : index
      %get3A_733 = tpu.vector_load %arg5[%get3A_730, %get3A_731, %get3A_732] {strides = array<i32>} : memref<16x50x64xi32, #tpu.memory_space<vmem>>, vector<16xi32>,
      %get3A_734 = arith.constant 11 : i32
      %get3A_735 = arith.index_cast %get3A_734 : i32 to index
      %get3A_736 = arith.index_cast %scan3A_678 : i32 to index
      %get3A_737 = arith.constant 0 : index
      %get3A_738 = tpu.vector_load %arg5[%get3A_735, %get3A_736, %get3A_737] {strides = array<i32>} : memref<16x50x64xi32, #tpu.memory_space<vmem>>, vector<16xi32>,
      %get3A_739 = arith.constant 12 : i32
      %get3A_740 = arith.index_cast %get3A_739 : i32 to index
      %get3A_741 = arith.index_cast %scan3A_678 : i32 to index
      %get3A_742 = arith.constant 0 : index
      %get3A_743 = tpu.vector_load %arg5[%get3A_740, %get3A_741, %get3A_742] {strides = array<i32>} : memref<16x50x64xi32, #tpu.memory_space<vmem>>, vector<16xi32>,
      %get3A_744 = arith.constant 13 : i32
      %get3A_745 = arith.index_cast %get3A_744 : i32 to index
      %get3A_746 = arith.index_cast %scan3A_678 : i32 to index
      %get3A_747 = arith.constant 0 : index
      %get3A_748 = tpu.vector_load %arg5[%get3A_745, %get3A_746, %get3A_747] {strides = array<i32>} : memref<16x50x64xi32, #tpu.memory_space<vmem>>, vector<16xi32>,
      %get3A_749 = arith.constant 14 : i32
      %get3A_750 = arith.index_cast %get3A_749 : i32 to index
      %get3A_751 = arith.index_cast %scan3A_678 : i32 to index
      %get3A_752 = arith.constant 0 : index
      %get3A_753 = tpu.vector_load %arg5[%get3A_750, %get3A_751, %get3A_752] {strides = array<i32>} : memref<16x50x64xi32, #tpu.memory_space<vmem>>, vector<16xi32>,
      %get3A_754 = arith.constant 15 : i32
      %get3A_755 = arith.index_cast %get3A_754 : i32 to index
      %get3A_756 = arith.index_cast %scan3A_678 : i32 to index
      %get3A_757 = arith.constant 0 : index
      %get3A_758 = tpu.vector_load %arg5[%get3A_755, %get3A_756, %get3A_757] {strides = array<i32>} : memref<16x50x64xi32, #tpu.memory_space<vmem>>, vector<16xi32>,
      tpu.vector_store_idx %arg7[%get3A_683, %add3A_9], %get3A_12 {add = true} : memref<1024x64xf32, #tpu.memory_space<vmem>>[vector<16xi32>, vector<16xi32>], vector<16xf32>,
      tpu.vector_store_idx %arg7[%get3A_688, %add3A_9], %get3A_16 {add = true} : memref<1024x64xf32, #tpu.memory_space<vmem>>[vector<16xi32>, vector<16xi32>], vector<16xf32>,
      tpu.vector_store_idx %arg7[%get3A_693, %add3A_9], %get3A_20 {add = true} : memref<1024x64xf32, #tpu.memory_space<vmem>>[vector<16xi32>, vector<16xi32>], vector<16xf32>,
      tpu.vector_store_idx %arg7[%get3A_698, %add3A_9], %get3A_24 {add = true} : memref<1024x64xf32, #tpu.memory_space<vmem>>[vector<16xi32>, vector<16xi32>], vector<16xf32>,
      tpu.vector_store_idx %arg7[%get3A_703, %add3A_9], %get3A_28 {add = true} : memref<1024x64xf32, #tpu.memory_space<vmem>>[vector<16xi32>, vector<16xi32>], vector<16xf32>,
      tpu.vector_store_idx %arg7[%get3A_708, %add3A_9], %get3A_32 {add = true} : memref<1024x64xf32, #tpu.memory_space<vmem>>[vector<16xi32>, vector<16xi32>], vector<16xf32>,
      tpu.vector_store_idx %arg7[%get3A_713, %add3A_9], %get3A_36 {add = true} : memref<1024x64xf32, #tpu.memory_space<vmem>>[vector<16xi32>, vector<16xi32>], vector<16xf32>,
      tpu.vector_store_idx %arg7[%get3A_718, %add3A_9], %get3A_40 {add = true} : memref<1024x64xf32, #tpu.memory_space<vmem>>[vector<16xi32>, vector<16xi32>], vector<16xf32>,
      tpu.vector_store_idx %arg7[%get3A_723, %add3A_9], %get3A_44 {add = true} : memref<1024x64xf32, #tpu.memory_space<vmem>>[vector<16xi32>, vector<16xi32>], vector<16xf32>,
      tpu.vector_store_idx %arg7[%get3A_728, %add3A_9], %get3A_48 {add = true} : memref<1024x64xf32, #tpu.memory_space<vmem>>[vector<16xi32>, vector<16xi32>], vector<16xf32>,
      tpu.vector_store_idx %arg7[%get3A_733, %add3A_9], %get3A_52 {add = true} : memref<1024x64xf32, #tpu.memory_space<vmem>>[vector<16xi32>, vector<16xi32>], vector<16xf32>,
      tpu.vector_store_idx %arg7[%get3A_738, %add3A_9], %get3A_56 {add = true} : memref<1024x64xf32, #tpu.memory_space<vmem>>[vector<16xi32>, vector<16xi32>], vector<16xf32>,
      tpu.vector_store_idx %arg7[%get3A_743, %add3A_9], %get3A_60 {add = true} : memref<1024x64xf32, #tpu.memory_space<vmem>>[vector<16xi32>, vector<16xi32>], vector<16xf32>,
      tpu.vector_store_idx %arg7[%get3A_748, %add3A_9], %get3A_64 {add = true} : memref<1024x64xf32, #tpu.memory_space<vmem>>[vector<16xi32>, vector<16xi32>], vector<16xf32>,
      tpu.vector_store_idx %arg7[%get3A_753, %add3A_9], %get3A_68 {add = true} : memref<1024x64xf32, #tpu.memory_space<vmem>>[vector<16xi32>, vector<16xi32>], vector<16xf32>,
      tpu.vector_store_idx %arg7[%get3A_758, %add3A_9], %get3A_72 {add = true} : memref<1024x64xf32, #tpu.memory_space<vmem>>[vector<16xi32>, vector<16xi32>], vector<16xf32>,
    }
    %scan3A_78 = arith.constant 50 : i32
    %add3A_79 = arith.constant 16 : i32
    %add3A_80 = vector.broadcast %add3A_79 : i32 to vector<16xi32>
    %add3A_81 = arith.addi %iota3A, %add3A_80 : vector<16xi32>
    %get3A_82 = arith.constant 0 : i32
    %get3A_83 = arith.index_cast %get3A_82 : i32 to index
    %get3A_84 = arith.constant 16 : index
    %get3A_85 = tpu.vector_load %arg6[%get3A_83, %get3A_84] {strides = array<i32>} : memref<16x128xf32, #tpu.memory_space<vmem>>, vector<16xf32>,
    %get3A_86 = arith.constant 1 : i32
    %get3A_87 = arith.index_cast %get3A_86 : i32 to index
    %get3A_88 = arith.constant 16 : index
    %get3A_89 = tpu.vector_load %arg6[%get3A_87, %get3A_88] {strides = array<i32>} : memref<16x128xf32, #tpu.memory_space<vmem>>, vector<16xf32>,
    %get3A_90 = arith.constant 2 : i32
    %get3A_91 = arith.index_cast %get3A_90 : i32 to index
    %get3A_92 = arith.constant 16 : index
    %get3A_93 = tpu.vector_load %arg6[%get3A_91, %get3A_92] {strides = array<i32>} : memref<16x128xf32, #tpu.memory_space<vmem>>, vector<16xf32>,
    %get3A_94 = arith.constant 3 : i32
    %get3A_95 = arith.index_cast %get3A_94 : i32 to index
    %get3A_96 = arith.constant 16 : index
    %get3A_97 = tpu.vector_load %arg6[%get3A_95, %get3A_96] {strides = array<i32>} : memref<16x128xf32, #tpu.memory_space<vmem>>, vector<16xf32>,
    %get3A_98 = arith.constant 4 : i32
    %get3A_99 = arith.index_cast %get3A_98 : i32 to index
    %get3A_100 = arith.constant 16 : index
    %get3A_101 = tpu.vector_load %arg6[%get3A_99, %get3A_100] {strides = array<i32>} : memref<16x128xf32, #tpu.memory_space<vmem>>, vector<16xf32>,
    %get3A_102 = arith.constant 5 : i32
    %get3A_103 = arith.index_cast %get3A_102 : i32 to index
    %get3A_104 = arith.constant 16 : index
    %get3A_105 = tpu.vector_load %arg6[%get3A_103, %get3A_104] {strides = array<i32>} : memref<16x128xf32, #tpu.memory_space<vmem>>, vector<16xf32>,
    %get3A_106 = arith.constant 6 : i32
    %get3A_107 = arith.index_cast %get3A_106 : i32 to index
    %get3A_108 = arith.constant 16 : index
    %get3A_109 = tpu.vector_load %arg6[%get3A_107, %get3A_108] {strides = array<i32>} : memref<16x128xf32, #tpu.memory_space<vmem>>, vector<16xf32>,
    %get3A_110 = arith.constant 7 : i32
    %get3A_111 = arith.index_cast %get3A_110 : i32 to index
    %get3A_112 = arith.constant 16 : index
    %get3A_113 = tpu.vector_load %arg6[%get3A_111, %get3A_112] {strides = array<i32>} : memref<16x128xf32, #tpu.memory_space<vmem>>, vector<16xf32>,
    %get3A_114 = arith.constant 8 : i32
    %get3A_115 = arith.index_cast %get3A_114 : i32 to index
    %get3A_116 = arith.constant 16 : index
    %get3A_117 = tpu.vector_load %arg6[%get3A_115, %get3A_116] {strides = array<i32>} : memref<16x128xf32, #tpu.memory_space<vmem>>, vector<16xf32>,
    %get3A_118 = arith.constant 9 : i32
    %get3A_119 = arith.index_cast %get3A_118 : i32 to index
    %get3A_120 = arith.constant 16 : index
    %get3A_121 = tpu.vector_load %arg6[%get3A_119, %get3A_120] {strides = array<i32>} : memref<16x128xf32, #tpu.memory_space<vmem>>, vector<16xf32>,
    %get3A_122 = arith.constant 10 : i32
    %get3A_123 = arith.index_cast %get3A_122 : i32 to index
    %get3A_124 = arith.constant 16 : index
    %get3A_125 = tpu.vector_load %arg6[%get3A_123, %get3A_124] {strides = array<i32>} : memref<16x128xf32, #tpu.memory_space<vmem>>, vector<16xf32>,
    %get3A_126 = arith.constant 11 : i32
    %get3A_127 = arith.index_cast %get3A_126 : i32 to index
    %get3A_128 = arith.constant 16 : index
    %get3A_129 = tpu.vector_load %arg6[%get3A_127, %get3A_128] {strides = array<i32>} : memref<16x128xf32, #tpu.memory_space<vmem>>, vector<16xf32>,
    %get3A_130 = arith.constant 12 : i32
    %get3A_131 = arith.index_cast %get3A_130 : i32 to index
    %get3A_132 = arith.constant 16 : index
    %get3A_133 = tpu.vector_load %arg6[%get3A_131, %get3A_132] {strides = array<i32>} : memref<16x128xf32, #tpu.memory_space<vmem>>, vector<16xf32>,
    %get3A_134 = arith.constant 13 : i32
    %get3A_135 = arith.index_cast %get3A_134 : i32 to index
    %get3A_136 = arith.constant 16 : index
    %get3A_137 = tpu.vector_load %arg6[%get3A_135, %get3A_136] {strides = array<i32>} : memref<16x128xf32, #tpu.memory_space<vmem>>, vector<16xf32>,
    %get3A_138 = arith.constant 14 : i32
    %get3A_139 = arith.index_cast %get3A_138 : i32 to index
    %get3A_140 = arith.constant 16 : index
    %get3A_141 = tpu.vector_load %arg6[%get3A_139, %get3A_140] {strides = array<i32>} : memref<16x128xf32, #tpu.memory_space<vmem>>, vector<16xf32>,
    %get3A_142 = arith.constant 15 : i32
    %get3A_143 = arith.index_cast %get3A_142 : i32 to index
    %get3A_144 = arith.constant 16 : index
    %get3A_145 = tpu.vector_load %arg6[%get3A_143, %get3A_144] {strides = array<i32>} : memref<16x128xf32, #tpu.memory_space<vmem>>, vector<16xf32>,
    %scan3A_146 = arith.constant 0 : i32
    %scan3A_147 = arith.constant 0 : i32
    %scan3A_148 = arith.constant 50 : i32
    %scan3A_149 = arith.addi %scan3A_147, %scan3A_148 : i32
    %scan3A_150 = arith.constant 2 : i32
    scf.for %scan3A_596 = %scan3A_147 to %scan3A_149 step %scan3A_150  : i32 {
      %get3A_597 = arith.constant 0 : i32
      %get3A_598 = arith.index_cast %get3A_597 : i32 to index
      %get3A_599 = arith.index_cast %scan3A_596 : i32 to index
      %get3A_600 = arith.constant 16 : index
      %get3A_601 = tpu.vector_load %arg5[%get3A_598, %get3A_599, %get3A_600] {strides = array<i32>} : memref<16x50x64xi32, #tpu.memory_space<vmem>>, vector<16xi32>,
      %get3A_602 = arith.constant 1 : i32
      %get3A_603 = arith.index_cast %get3A_602 : i32 to index
      %get3A_604 = arith.index_cast %scan3A_596 : i32 to index
      %get3A_605 = arith.constant 16 : index
      %get3A_606 = tpu.vector_load %arg5[%get3A_603, %get3A_604, %get3A_605] {strides = array<i32>} : memref<16x50x64xi32, #tpu.memory_space<vmem>>, vector<16xi32>,
      %get3A_607 = arith.constant 2 : i32
      %get3A_608 = arith.index_cast %get3A_607 : i32 to index
      %get3A_609 = arith.index_cast %scan3A_596 : i32 to index
      %get3A_610 = arith.constant 16 : index
      %get3A_611 = tpu.vector_load %arg5[%get3A_608, %get3A_609, %get3A_610] {strides = array<i32>} : memref<16x50x64xi32, #tpu.memory_space<vmem>>, vector<16xi32>,
      %get3A_612 = arith.constant 3 : i32
      %get3A_613 = arith.index_cast %get3A_612 : i32 to index
      %get3A_614 = arith.index_cast %scan3A_596 : i32 to index
      %get3A_615 = arith.constant 16 : index
      %get3A_616 = tpu.vector_load %arg5[%get3A_613, %get3A_614, %get3A_615] {strides = array<i32>} : memref<16x50x64xi32, #tpu.memory_space<vmem>>, vector<16xi32>,
      %get3A_617 = arith.constant 4 : i32
      %get3A_618 = arith.index_cast %get3A_617 : i32 to index
      %get3A_619 = arith.index_cast %scan3A_596 : i32 to index
      %get3A_620 = arith.constant 16 : index
      %get3A_621 = tpu.vector_load %arg5[%get3A_618, %get3A_619, %get3A_620] {strides = array<i32>} : memref<16x50x64xi32, #tpu.memory_space<vmem>>, vector<16xi32>,
      %get3A_622 = arith.constant 5 : i32
      %get3A_623 = arith.index_cast %get3A_622 : i32 to index
      %get3A_624 = arith.index_cast %scan3A_596 : i32 to index
      %get3A_625 = arith.constant 16 : index
      %get3A_626 = tpu.vector_load %arg5[%get3A_623, %get3A_624, %get3A_625] {strides = array<i32>} : memref<16x50x64xi32, #tpu.memory_space<vmem>>, vector<16xi32>,
      %get3A_627 = arith.constant 6 : i32
      %get3A_628 = arith.index_cast %get3A_627 : i32 to index
      %get3A_629 = arith.index_cast %scan3A_596 : i32 to index
      %get3A_630 = arith.constant 16 : index
      %get3A_631 = tpu.vector_load %arg5[%get3A_628, %get3A_629, %get3A_630] {strides = array<i32>} : memref<16x50x64xi32, #tpu.memory_space<vmem>>, vector<16xi32>,
      %get3A_632 = arith.constant 7 : i32
      %get3A_633 = arith.index_cast %get3A_632 : i32 to index
      %get3A_634 = arith.index_cast %scan3A_596 : i32 to index
      %get3A_635 = arith.constant 16 : index
      %get3A_636 = tpu.vector_load %arg5[%get3A_633, %get3A_634, %get3A_635] {strides = array<i32>} : memref<16x50x64xi32, #tpu.memory_space<vmem>>, vector<16xi32>,
      %get3A_637 = arith.constant 8 : i32
      %get3A_638 = arith.index_cast %get3A_637 : i32 to index
      %get3A_639 = arith.index_cast %scan3A_596 : i32 to index
      %get3A_640 = arith.constant 16 : index
      %get3A_641 = tpu.vector_load %arg5[%get3A_638, %get3A_639, %get3A_640] {strides = array<i32>} : memref<16x50x64xi32, #tpu.memory_space<vmem>>, vector<16xi32>,
      %get3A_642 = arith.constant 9 : i32
      %get3A_643 = arith.index_cast %get3A_642 : i32 to index
      %get3A_644 = arith.index_cast %scan3A_596 : i32 to index
      %get3A_645 = arith.constant 16 : index
      %get3A_646 = tpu.vector_load %arg5[%get3A_643, %get3A_644, %get3A_645] {strides = array<i32>} : memref<16x50x64xi32, #tpu.memory_space<vmem>>, vector<16xi32>,
      %get3A_647 = arith.constant 10 : i32
      %get3A_648 = arith.index_cast %get3A_647 : i32 to index
      %get3A_649 = arith.index_cast %scan3A_596 : i32 to index
      %get3A_650 = arith.constant 16 : index
      %get3A_651 = tpu.vector_load %arg5[%get3A_648, %get3A_649, %get3A_650] {strides = array<i32>} : memref<16x50x64xi32, #tpu.memory_space<vmem>>, vector<16xi32>,
      %get3A_652 = arith.constant 11 : i32
      %get3A_653 = arith.index_cast %get3A_652 : i32 to index
      %get3A_654 = arith.index_cast %scan3A_596 : i32 to index
      %get3A_655 = arith.constant 16 : index
      %get3A_656 = tpu.vector_load %arg5[%get3A_653, %get3A_654, %get3A_655] {strides = array<i32>} : memref<16x50x64xi32, #tpu.memory_space<vmem>>, vector<16xi32>,
      %get3A_657 = arith.constant 12 : i32
      %get3A_658 = arith.index_cast %get3A_657 : i32 to index
      %get3A_659 = arith.index_cast %scan3A_596 : i32 to index
      %get3A_660 = arith.constant 16 : index
      %get3A_661 = tpu.vector_load %arg5[%get3A_658, %get3A_659, %get3A_660] {strides = array<i32>} : memref<16x50x64xi32, #tpu.memory_space<vmem>>, vector<16xi32>,
      %get3A_662 = arith.constant 13 : i32
      %get3A_663 = arith.index_cast %get3A_662 : i32 to index
      %get3A_664 = arith.index_cast %scan3A_596 : i32 to index
      %get3A_665 = arith.constant 16 : index
      %get3A_666 = tpu.vector_load %arg5[%get3A_663, %get3A_664, %get3A_665] {strides = array<i32>} : memref<16x50x64xi32, #tpu.memory_space<vmem>>, vector<16xi32>,
      %get3A_667 = arith.constant 14 : i32
      %get3A_668 = arith.index_cast %get3A_667 : i32 to index
      %get3A_669 = arith.index_cast %scan3A_596 : i32 to index
      %get3A_670 = arith.constant 16 : index
      %get3A_671 = tpu.vector_load %arg5[%get3A_668, %get3A_669, %get3A_670] {strides = array<i32>} : memref<16x50x64xi32, #tpu.memory_space<vmem>>, vector<16xi32>,
      %get3A_672 = arith.constant 15 : i32
      %get3A_673 = arith.index_cast %get3A_672 : i32 to index
      %get3A_674 = arith.index_cast %scan3A_596 : i32 to index
      %get3A_675 = arith.constant 16 : index
      %get3A_676 = tpu.vector_load %arg5[%get3A_673, %get3A_674, %get3A_675] {strides = array<i32>} : memref<16x50x64xi32, #tpu.memory_space<vmem>>, vector<16xi32>,
      tpu.vector_store_idx %arg7[%get3A_601, %add3A_81], %get3A_85 {add = true} : memref<1024x64xf32, #tpu.memory_space<vmem>>[vector<16xi32>, vector<16xi32>], vector<16xf32>,
      tpu.vector_store_idx %arg7[%get3A_606, %add3A_81], %get3A_89 {add = true} : memref<1024x64xf32, #tpu.memory_space<vmem>>[vector<16xi32>, vector<16xi32>], vector<16xf32>,
      tpu.vector_store_idx %arg7[%get3A_611, %add3A_81], %get3A_93 {add = true} : memref<1024x64xf32, #tpu.memory_space<vmem>>[vector<16xi32>, vector<16xi32>], vector<16xf32>,
      tpu.vector_store_idx %arg7[%get3A_616, %add3A_81], %get3A_97 {add = true} : memref<1024x64xf32, #tpu.memory_space<vmem>>[vector<16xi32>, vector<16xi32>], vector<16xf32>,
      tpu.vector_store_idx %arg7[%get3A_621, %add3A_81], %get3A_101 {add = true} : memref<1024x64xf32, #tpu.memory_space<vmem>>[vector<16xi32>, vector<16xi32>], vector<16xf32>,
      tpu.vector_store_idx %arg7[%get3A_626, %add3A_81], %get3A_105 {add = true} : memref<1024x64xf32, #tpu.memory_space<vmem>>[vector<16xi32>, vector<16xi32>], vector<16xf32>,
      tpu.vector_store_idx %arg7[%get3A_631, %add3A_81], %get3A_109 {add = true} : memref<1024x64xf32, #tpu.memory_space<vmem>>[vector<16xi32>, vector<16xi32>], vector<16xf32>,
      tpu.vector_store_idx %arg7[%get3A_636, %add3A_81], %get3A_113 {add = true} : memref<1024x64xf32, #tpu.memory_space<vmem>>[vector<16xi32>, vector<16xi32>], vector<16xf32>,
      tpu.vector_store_idx %arg7[%get3A_641, %add3A_81], %get3A_117 {add = true} : memref<1024x64xf32, #tpu.memory_space<vmem>>[vector<16xi32>, vector<16xi32>], vector<16xf32>,
      tpu.vector_store_idx %arg7[%get3A_646, %add3A_81], %get3A_121 {add = true} : memref<1024x64xf32, #tpu.memory_space<vmem>>[vector<16xi32>, vector<16xi32>], vector<16xf32>,
      tpu.vector_store_idx %arg7[%get3A_651, %add3A_81], %get3A_125 {add = true} : memref<1024x64xf32, #tpu.memory_space<vmem>>[vector<16xi32>, vector<16xi32>], vector<16xf32>,
      tpu.vector_store_idx %arg7[%get3A_656, %add3A_81], %get3A_129 {add = true} : memref<1024x64xf32, #tpu.memory_space<vmem>>[vector<16xi32>, vector<16xi32>], vector<16xf32>,
      tpu.vector_store_idx %arg7[%get3A_661, %add3A_81], %get3A_133 {add = true} : memref<1024x64xf32, #tpu.memory_space<vmem>>[vector<16xi32>, vector<16xi32>], vector<16xf32>,
      tpu.vector_store_idx %arg7[%get3A_666, %add3A_81], %get3A_137 {add = true} : memref<1024x64xf32, #tpu.memory_space<vmem>>[vector<16xi32>, vector<16xi32>], vector<16xf32>,
      tpu.vector_store_idx %arg7[%get3A_671, %add3A_81], %get3A_141 {add = true} : memref<1024x64xf32, #tpu.memory_space<vmem>>[vector<16xi32>, vector<16xi32>], vector<16xf32>,
      tpu.vector_store_idx %arg7[%get3A_676, %add3A_81], %get3A_145 {add = true} : memref<1024x64xf32, #tpu.memory_space<vmem>>[vector<16xi32>, vector<16xi32>], vector<16xf32>,
      %scan3A_677 = arith.constant 1 : i32
      %scan3A_678 = arith.addi %scan3A_596, %scan3A_677 : i32
      %get3A_679 = arith.constant 0 : i32
      %get3A_680 = arith.index_cast %get3A_679 : i32 to index
      %get3A_681 = arith.index_cast %scan3A_678 : i32 to index
      %get3A_682 = arith.constant 16 : index
      %get3A_683 = tpu.vector_load %arg5[%get3A_680, %get3A_681, %get3A_682] {strides = array<i32>} : memref<16x50x64xi32, #tpu.memory_space<vmem>>, vector<16xi32>,
      %get3A_684 = arith.constant 1 : i32
      %get3A_685 = arith.index_cast %get3A_684 : i32 to index
      %get3A_686 = arith.index_cast %scan3A_678 : i32 to index
      %get3A_687 = arith.constant 16 : index
      %get3A_688 = tpu.vector_load %arg5[%get3A_685, %get3A_686, %get3A_687] {strides = array<i32>} : memref<16x50x64xi32, #tpu.memory_space<vmem>>, vector<16xi32>,
      %get3A_689 = arith.constant 2 : i32
      %get3A_690 = arith.index_cast %get3A_689 : i32 to index
      %get3A_691 = arith.index_cast %scan3A_678 : i32 to index
      %get3A_692 = arith.constant 16 : index
      %get3A_693 = tpu.vector_load %arg5[%get3A_690, %get3A_691, %get3A_692] {strides = array<i32>} : memref<16x50x64xi32, #tpu.memory_space<vmem>>, vector<16xi32>,
      %get3A_694 = arith.constant 3 : i32
      %get3A_695 = arith.index_cast %get3A_694 : i32 to index
      %get3A_696 = arith.index_cast %scan3A_678 : i32 to index
      %get3A_697 = arith.constant 16 : index
      %get3A_698 = tpu.vector_load %arg5[%get3A_695, %get3A_696, %get3A_697] {strides = array<i32>} : memref<16x50x64xi32, #tpu.memory_space<vmem>>, vector<16xi32>,
      %get3A_699 = arith.constant 4 : i32
      %get3A_700 = arith.index_cast %get3A_699 : i32 to index
      %get3A_701 = arith.index_cast %scan3A_678 : i32 to index
      %get3A_702 = arith.constant 16 : index
      %get3A_703 = tpu.vector_load %arg5[%get3A_700, %get3A_701, %get3A_702] {strides = array<i32>} : memref<16x50x64xi32, #tpu.memory_space<vmem>>, vector<16xi32>,
      %get3A_704 = arith.constant 5 : i32
      %get3A_705 = arith.index_cast %get3A_704 : i32 to index
      %get3A_706 = arith.index_cast %scan3A_678 : i32 to index
      %get3A_707 = arith.constant 16 : index
      %get3A_708 = tpu.vector_load %arg5[%get3A_705, %get3A_706, %get3A_707] {strides = array<i32>} : memref<16x50x64xi32, #tpu.memory_space<vmem>>, vector<16xi32>,
      %get3A_709 = arith.constant 6 : i32
      %get3A_710 = arith.index_cast %get3A_709 : i32 to index
      %get3A_711 = arith.index_cast %scan3A_678 : i32 to index
      %get3A_712 = arith.constant 16 : index
      %get3A_713 = tpu.vector_load %arg5[%get3A_710, %get3A_711, %get3A_712] {strides = array<i32>} : memref<16x50x64xi32, #tpu.memory_space<vmem>>, vector<16xi32>,
      %get3A_714 = arith.constant 7 : i32
      %get3A_715 = arith.index_cast %get3A_714 : i32 to index
      %get3A_716 = arith.index_cast %scan3A_678 : i32 to index
      %get3A_717 = arith.constant 16 : index
      %get3A_718 = tpu.vector_load %arg5[%get3A_715, %get3A_716, %get3A_717] {strides = array<i32>} : memref<16x50x64xi32, #tpu.memory_space<vmem>>, vector<16xi32>,
      %get3A_719 = arith.constant 8 : i32
      %get3A_720 = arith.index_cast %get3A_719 : i32 to index
      %get3A_721 = arith.index_cast %scan3A_678 : i32 to index
      %get3A_722 = arith.constant 16 : index
      %get3A_723 = tpu.vector_load %arg5[%get3A_720, %get3A_721, %get3A_722] {strides = array<i32>} : memref<16x50x64xi32, #tpu.memory_space<vmem>>, vector<16xi32>,
      %get3A_724 = arith.constant 9 : i32
      %get3A_725 = arith.index_cast %get3A_724 : i32 to index
      %get3A_726 = arith.index_cast %scan3A_678 : i32 to index
      %get3A_727 = arith.constant 16 : index
      %get3A_728 = tpu.vector_load %arg5[%get3A_725, %get3A_726, %get3A_727] {strides = array<i32>} : memref<16x50x64xi32, #tpu.memory_space<vmem>>, vector<16xi32>,
      %get3A_729 = arith.constant 10 : i32
      %get3A_730 = arith.index_cast %get3A_729 : i32 to index
      %get3A_731 = arith.index_cast %scan3A_678 : i32 to index
      %get3A_732 = arith.constant 16 : index
      %get3A_733 = tpu.vector_load %arg5[%get3A_730, %get3A_731, %get3A_732] {strides = array<i32>} : memref<16x50x64xi32, #tpu.memory_space<vmem>>, vector<16xi32>,
      %get3A_734 = arith.constant 11 : i32
      %get3A_735 = arith.index_cast %get3A_734 : i32 to index
      %get3A_736 = arith.index_cast %scan3A_678 : i32 to index
      %get3A_737 = arith.constant 16 : index
      %get3A_738 = tpu.vector_load %arg5[%get3A_735, %get3A_736, %get3A_737] {strides = array<i32>} : memref<16x50x64xi32, #tpu.memory_space<vmem>>, vector<16xi32>,
      %get3A_739 = arith.constant 12 : i32
      %get3A_740 = arith.index_cast %get3A_739 : i32 to index
      %get3A_741 = arith.index_cast %scan3A_678 : i32 to index
      %get3A_742 = arith.constant 16 : index
      %get3A_743 = tpu.vector_load %arg5[%get3A_740, %get3A_741, %get3A_742] {strides = array<i32>} : memref<16x50x64xi32, #tpu.memory_space<vmem>>, vector<16xi32>,
      %get3A_744 = arith.constant 13 : i32
      %get3A_745 = arith.index_cast %get3A_744 : i32 to index
      %get3A_746 = arith.index_cast %scan3A_678 : i32 to index
      %get3A_747 = arith.constant 16 : index
      %get3A_748 = tpu.vector_load %arg5[%get3A_745, %get3A_746, %get3A_747] {strides = array<i32>} : memref<16x50x64xi32, #tpu.memory_space<vmem>>, vector<16xi32>,
      %get3A_749 = arith.constant 14 : i32
      %get3A_750 = arith.index_cast %get3A_749 : i32 to index
      %get3A_751 = arith.index_cast %scan3A_678 : i32 to index
      %get3A_752 = arith.constant 16 : index
      %get3A_753 = tpu.vector_load %arg5[%get3A_750, %get3A_751, %get3A_752] {strides = array<i32>} : memref<16x50x64xi32, #tpu.memory_space<vmem>>, vector<16xi32>,
      %get3A_754 = arith.constant 15 : i32
      %get3A_755 = arith.index_cast %get3A_754 : i32 to index
      %get3A_756 = arith.index_cast %scan3A_678 : i32 to index
      %get3A_757 = arith.constant 16 : index
      %get3A_758 = tpu.vector_load %arg5[%get3A_755, %get3A_756, %get3A_757] {strides = array<i32>} : memref<16x50x64xi32, #tpu.memory_space<vmem>>, vector<16xi32>,
      tpu.vector_store_idx %arg7[%get3A_683, %add3A_81], %get3A_85 {add = true} : memref<1024x64xf32, #tpu.memory_space<vmem>>[vector<16xi32>, vector<16xi32>], vector<16xf32>,
      tpu.vector_store_idx %arg7[%get3A_688, %add3A_81], %get3A_89 {add = true} : memref<1024x64xf32, #tpu.memory_space<vmem>>[vector<16xi32>, vector<16xi32>], vector<16xf32>,
      tpu.vector_store_idx %arg7[%get3A_693, %add3A_81], %get3A_93 {add = true} : memref<1024x64xf32, #tpu.memory_space<vmem>>[vector<16xi32>, vector<16xi32>], vector<16xf32>,
      tpu.vector_store_idx %arg7[%get3A_698, %add3A_81], %get3A_97 {add = true} : memref<1024x64xf32, #tpu.memory_space<vmem>>[vector<16xi32>, vector<16xi32>], vector<16xf32>,
      tpu.vector_store_idx %arg7[%get3A_703, %add3A_81], %get3A_101 {add = true} : memref<1024x64xf32, #tpu.memory_space<vmem>>[vector<16xi32>, vector<16xi32>], vector<16xf32>,
      tpu.vector_store_idx %arg7[%get3A_708, %add3A_81], %get3A_105 {add = true} : memref<1024x64xf32, #tpu.memory_space<vmem>>[vector<16xi32>, vector<16xi32>], vector<16xf32>,
      tpu.vector_store_idx %arg7[%get3A_713, %add3A_81], %get3A_109 {add = true} : memref<1024x64xf32, #tpu.memory_space<vmem>>[vector<16xi32>, vector<16xi32>], vector<16xf32>,
      tpu.vector_store_idx %arg7[%get3A_718, %add3A_81], %get3A_113 {add = true} : memref<1024x64xf32, #tpu.memory_space<vmem>>[vector<16xi32>, vector<16xi32>], vector<16xf32>,
      tpu.vector_store_idx %arg7[%get3A_723, %add3A_81], %get3A_117 {add = true} : memref<1024x64xf32, #tpu.memory_space<vmem>>[vector<16xi32>, vector<16xi32>], vector<16xf32>,
      tpu.vector_store_idx %arg7[%get3A_728, %add3A_81], %get3A_121 {add = true} : memref<1024x64xf32, #tpu.memory_space<vmem>>[vector<16xi32>, vector<16xi32>], vector<16xf32>,
      tpu.vector_store_idx %arg7[%get3A_733, %add3A_81], %get3A_125 {add = true} : memref<1024x64xf32, #tpu.memory_space<vmem>>[vector<16xi32>, vector<16xi32>], vector<16xf32>,
      tpu.vector_store_idx %arg7[%get3A_738, %add3A_81], %get3A_129 {add = true} : memref<1024x64xf32, #tpu.memory_space<vmem>>[vector<16xi32>, vector<16xi32>], vector<16xf32>,
      tpu.vector_store_idx %arg7[%get3A_743, %add3A_81], %get3A_133 {add = true} : memref<1024x64xf32, #tpu.memory_space<vmem>>[vector<16xi32>, vector<16xi32>], vector<16xf32>,
      tpu.vector_store_idx %arg7[%get3A_748, %add3A_81], %get3A_137 {add = true} : memref<1024x64xf32, #tpu.memory_space<vmem>>[vector<16xi32>, vector<16xi32>], vector<16xf32>,
      tpu.vector_store_idx %arg7[%get3A_753, %add3A_81], %get3A_141 {add = true} : memref<1024x64xf32, #tpu.memory_space<vmem>>[vector<16xi32>, vector<16xi32>], vector<16xf32>,
      tpu.vector_store_idx %arg7[%get3A_758, %add3A_81], %get3A_145 {add = true} : memref<1024x64xf32, #tpu.memory_space<vmem>>[vector<16xi32>, vector<16xi32>], vector<16xf32>,
    }
    %scan3A_151 = arith.constant 50 : i32
    %add3A_152 = arith.constant 32 : i32
    %add3A_153 = vector.broadcast %add3A_152 : i32 to vector<16xi32>
    %add3A_154 = arith.addi %iota3A, %add3A_153 : vector<16xi32>
    %get3A_155 = arith.constant 0 : i32
    %get3A_156 = arith.index_cast %get3A_155 : i32 to index
    %get3A_157 = arith.constant 32 : index
    %get3A_158 = tpu.vector_load %arg6[%get3A_156, %get3A_157] {strides = array<i32>} : memref<16x128xf32, #tpu.memory_space<vmem>>, vector<16xf32>,
    %get3A_159 = arith.constant 1 : i32
    %get3A_160 = arith.index_cast %get3A_159 : i32 to index
    %get3A_161 = arith.constant 32 : index
    %get3A_162 = tpu.vector_load %arg6[%get3A_160, %get3A_161] {strides = array<i32>} : memref<16x128xf32, #tpu.memory_space<vmem>>, vector<16xf32>,
    %get3A_163 = arith.constant 2 : i32
    %get3A_164 = arith.index_cast %get3A_163 : i32 to index
    %get3A_165 = arith.constant 32 : index
    %get3A_166 = tpu.vector_load %arg6[%get3A_164, %get3A_165] {strides = array<i32>} : memref<16x128xf32, #tpu.memory_space<vmem>>, vector<16xf32>,
    %get3A_167 = arith.constant 3 : i32
    %get3A_168 = arith.index_cast %get3A_167 : i32 to index
    %get3A_169 = arith.constant 32 : index
    %get3A_170 = tpu.vector_load %arg6[%get3A_168, %get3A_169] {strides = array<i32>} : memref<16x128xf32, #tpu.memory_space<vmem>>, vector<16xf32>,
    %get3A_171 = arith.constant 4 : i32
    %get3A_172 = arith.index_cast %get3A_171 : i32 to index
    %get3A_173 = arith.constant 32 : index
    %get3A_174 = tpu.vector_load %arg6[%get3A_172, %get3A_173] {strides = array<i32>} : memref<16x128xf32, #tpu.memory_space<vmem>>, vector<16xf32>,
    %get3A_175 = arith.constant 5 : i32
    %get3A_176 = arith.index_cast %get3A_175 : i32 to index
    %get3A_177 = arith.constant 32 : index
    %get3A_178 = tpu.vector_load %arg6[%get3A_176, %get3A_177] {strides = array<i32>} : memref<16x128xf32, #tpu.memory_space<vmem>>, vector<16xf32>,
    %get3A_179 = arith.constant 6 : i32
    %get3A_180 = arith.index_cast %get3A_179 : i32 to index
    %get3A_181 = arith.constant 32 : index
    %get3A_182 = tpu.vector_load %arg6[%get3A_180, %get3A_181] {strides = array<i32>} : memref<16x128xf32, #tpu.memory_space<vmem>>, vector<16xf32>,
    %get3A_183 = arith.constant 7 : i32
    %get3A_184 = arith.index_cast %get3A_183 : i32 to index
    %get3A_185 = arith.constant 32 : index
    %get3A_186 = tpu.vector_load %arg6[%get3A_184, %get3A_185] {strides = array<i32>} : memref<16x128xf32, #tpu.memory_space<vmem>>, vector<16xf32>,
    %get3A_187 = arith.constant 8 : i32
    %get3A_188 = arith.index_cast %get3A_187 : i32 to index
    %get3A_189 = arith.constant 32 : index
    %get3A_190 = tpu.vector_load %arg6[%get3A_188, %get3A_189] {strides = array<i32>} : memref<16x128xf32, #tpu.memory_space<vmem>>, vector<16xf32>,
    %get3A_191 = arith.constant 9 : i32
    %get3A_192 = arith.index_cast %get3A_191 : i32 to index
    %get3A_193 = arith.constant 32 : index
    %get3A_194 = tpu.vector_load %arg6[%get3A_192, %get3A_193] {strides = array<i32>} : memref<16x128xf32, #tpu.memory_space<vmem>>, vector<16xf32>,
    %get3A_195 = arith.constant 10 : i32
    %get3A_196 = arith.index_cast %get3A_195 : i32 to index
    %get3A_197 = arith.constant 32 : index
    %get3A_198 = tpu.vector_load %arg6[%get3A_196, %get3A_197] {strides = array<i32>} : memref<16x128xf32, #tpu.memory_space<vmem>>, vector<16xf32>,
    %get3A_199 = arith.constant 11 : i32
    %get3A_200 = arith.index_cast %get3A_199 : i32 to index
    %get3A_201 = arith.constant 32 : index
    %get3A_202 = tpu.vector_load %arg6[%get3A_200, %get3A_201] {strides = array<i32>} : memref<16x128xf32, #tpu.memory_space<vmem>>, vector<16xf32>,
    %get3A_203 = arith.constant 12 : i32
    %get3A_204 = arith.index_cast %get3A_203 : i32 to index
    %get3A_205 = arith.constant 32 : index
    %get3A_206 = tpu.vector_load %arg6[%get3A_204, %get3A_205] {strides = array<i32>} : memref<16x128xf32, #tpu.memory_space<vmem>>, vector<16xf32>,
    %get3A_207 = arith.constant 13 : i32
    %get3A_208 = arith.index_cast %get3A_207 : i32 to index
    %get3A_209 = arith.constant 32 : index
    %get3A_210 = tpu.vector_load %arg6[%get3A_208, %get3A_209] {strides = array<i32>} : memref<16x128xf32, #tpu.memory_space<vmem>>, vector<16xf32>,
    %get3A_211 = arith.constant 14 : i32
    %get3A_212 = arith.index_cast %get3A_211 : i32 to index
    %get3A_213 = arith.constant 32 : index
    %get3A_214 = tpu.vector_load %arg6[%get3A_212, %get3A_213] {strides = array<i32>} : memref<16x128xf32, #tpu.memory_space<vmem>>, vector<16xf32>,
    %get3A_215 = arith.constant 15 : i32
    %get3A_216 = arith.index_cast %get3A_215 : i32 to index
    %get3A_217 = arith.constant 32 : index
    %get3A_218 = tpu.vector_load %arg6[%get3A_216, %get3A_217] {strides = array<i32>} : memref<16x128xf32, #tpu.memory_space<vmem>>, vector<16xf32>,
    %scan3A_219 = arith.constant 0 : i32
    %scan3A_220 = arith.constant 0 : i32
    %scan3A_221 = arith.constant 50 : i32
    %scan3A_222 = arith.addi %scan3A_220, %scan3A_221 : i32
    %scan3A_223 = arith.constant 2 : i32
    scf.for %scan3A_596 = %scan3A_220 to %scan3A_222 step %scan3A_223  : i32 {
      %get3A_597 = arith.constant 0 : i32
      %get3A_598 = arith.index_cast %get3A_597 : i32 to index
      %get3A_599 = arith.index_cast %scan3A_596 : i32 to index
      %get3A_600 = arith.constant 32 : index
      %get3A_601 = tpu.vector_load %arg5[%get3A_598, %get3A_599, %get3A_600] {strides = array<i32>} : memref<16x50x64xi32, #tpu.memory_space<vmem>>, vector<16xi32>,
      %get3A_602 = arith.constant 1 : i32
      %get3A_603 = arith.index_cast %get3A_602 : i32 to index
      %get3A_604 = arith.index_cast %scan3A_596 : i32 to index
      %get3A_605 = arith.constant 32 : index
      %get3A_606 = tpu.vector_load %arg5[%get3A_603, %get3A_604, %get3A_605] {strides = array<i32>} : memref<16x50x64xi32, #tpu.memory_space<vmem>>, vector<16xi32>,
      %get3A_607 = arith.constant 2 : i32
      %get3A_608 = arith.index_cast %get3A_607 : i32 to index
      %get3A_609 = arith.index_cast %scan3A_596 : i32 to index
      %get3A_610 = arith.constant 32 : index
      %get3A_611 = tpu.vector_load %arg5[%get3A_608, %get3A_609, %get3A_610] {strides = array<i32>} : memref<16x50x64xi32, #tpu.memory_space<vmem>>, vector<16xi32>,
      %get3A_612 = arith.constant 3 : i32
      %get3A_613 = arith.index_cast %get3A_612 : i32 to index
      %get3A_614 = arith.index_cast %scan3A_596 : i32 to index
      %get3A_615 = arith.constant 32 : index
      %get3A_616 = tpu.vector_load %arg5[%get3A_613, %get3A_614, %get3A_615] {strides = array<i32>} : memref<16x50x64xi32, #tpu.memory_space<vmem>>, vector<16xi32>,
      %get3A_617 = arith.constant 4 : i32
      %get3A_618 = arith.index_cast %get3A_617 : i32 to index
      %get3A_619 = arith.index_cast %scan3A_596 : i32 to index
      %get3A_620 = arith.constant 32 : index
      %get3A_621 = tpu.vector_load %arg5[%get3A_618, %get3A_619, %get3A_620] {strides = array<i32>} : memref<16x50x64xi32, #tpu.memory_space<vmem>>, vector<16xi32>,
      %get3A_622 = arith.constant 5 : i32
      %get3A_623 = arith.index_cast %get3A_622 : i32 to index
      %get3A_624 = arith.index_cast %scan3A_596 : i32 to index
      %get3A_625 = arith.constant 32 : index
      %get3A_626 = tpu.vector_load %arg5[%get3A_623, %get3A_624, %get3A_625] {strides = array<i32>} : memref<16x50x64xi32, #tpu.memory_space<vmem>>, vector<16xi32>,
      %get3A_627 = arith.constant 6 : i32
      %get3A_628 = arith.index_cast %get3A_627 : i32 to index
      %get3A_629 = arith.index_cast %scan3A_596 : i32 to index
      %get3A_630 = arith.constant 32 : index
      %get3A_631 = tpu.vector_load %arg5[%get3A_628, %get3A_629, %get3A_630] {strides = array<i32>} : memref<16x50x64xi32, #tpu.memory_space<vmem>>, vector<16xi32>,
      %get3A_632 = arith.constant 7 : i32
      %get3A_633 = arith.index_cast %get3A_632 : i32 to index
      %get3A_634 = arith.index_cast %scan3A_596 : i32 to index
      %get3A_635 = arith.constant 32 : index
      %get3A_636 = tpu.vector_load %arg5[%get3A_633, %get3A_634, %get3A_635] {strides = array<i32>} : memref<16x50x64xi32, #tpu.memory_space<vmem>>, vector<16xi32>,
      %get3A_637 = arith.constant 8 : i32
      %get3A_638 = arith.index_cast %get3A_637 : i32 to index
      %get3A_639 = arith.index_cast %scan3A_596 : i32 to index
      %get3A_640 = arith.constant 32 : index
      %get3A_641 = tpu.vector_load %arg5[%get3A_638, %get3A_639, %get3A_640] {strides = array<i32>} : memref<16x50x64xi32, #tpu.memory_space<vmem>>, vector<16xi32>,
      %get3A_642 = arith.constant 9 : i32
      %get3A_643 = arith.index_cast %get3A_642 : i32 to index
      %get3A_644 = arith.index_cast %scan3A_596 : i32 to index
      %get3A_645 = arith.constant 32 : index
      %get3A_646 = tpu.vector_load %arg5[%get3A_643, %get3A_644, %get3A_645] {strides = array<i32>} : memref<16x50x64xi32, #tpu.memory_space<vmem>>, vector<16xi32>,
      %get3A_647 = arith.constant 10 : i32
      %get3A_648 = arith.index_cast %get3A_647 : i32 to index
      %get3A_649 = arith.index_cast %scan3A_596 : i32 to index
      %get3A_650 = arith.constant 32 : index
      %get3A_651 = tpu.vector_load %arg5[%get3A_648, %get3A_649, %get3A_650] {strides = array<i32>} : memref<16x50x64xi32, #tpu.memory_space<vmem>>, vector<16xi32>,
      %get3A_652 = arith.constant 11 : i32
      %get3A_653 = arith.index_cast %get3A_652 : i32 to index
      %get3A_654 = arith.index_cast %scan3A_596 : i32 to index
      %get3A_655 = arith.constant 32 : index
      %get3A_656 = tpu.vector_load %arg5[%get3A_653, %get3A_654, %get3A_655] {strides = array<i32>} : memref<16x50x64xi32, #tpu.memory_space<vmem>>, vector<16xi32>,
      %get3A_657 = arith.constant 12 : i32
      %get3A_658 = arith.index_cast %get3A_657 : i32 to index
      %get3A_659 = arith.index_cast %scan3A_596 : i32 to index
      %get3A_660 = arith.constant 32 : index
      %get3A_661 = tpu.vector_load %arg5[%get3A_658, %get3A_659, %get3A_660] {strides = array<i32>} : memref<16x50x64xi32, #tpu.memory_space<vmem>>, vector<16xi32>,
      %get3A_662 = arith.constant 13 : i32
      %get3A_663 = arith.index_cast %get3A_662 : i32 to index
      %get3A_664 = arith.index_cast %scan3A_596 : i32 to index
      %get3A_665 = arith.constant 32 : index
      %get3A_666 = tpu.vector_load %arg5[%get3A_663, %get3A_664, %get3A_665] {strides = array<i32>} : memref<16x50x64xi32, #tpu.memory_space<vmem>>, vector<16xi32>,
      %get3A_667 = arith.constant 14 : i32
      %get3A_668 = arith.index_cast %get3A_667 : i32 to index
      %get3A_669 = arith.index_cast %scan3A_596 : i32 to index
      %get3A_670 = arith.constant 32 : index
      %get3A_671 = tpu.vector_load %arg5[%get3A_668, %get3A_669, %get3A_670] {strides = array<i32>} : memref<16x50x64xi32, #tpu.memory_space<vmem>>, vector<16xi32>,
      %get3A_672 = arith.constant 15 : i32
      %get3A_673 = arith.index_cast %get3A_672 : i32 to index
      %get3A_674 = arith.index_cast %scan3A_596 : i32 to index
      %get3A_675 = arith.constant 32 : index
      %get3A_676 = tpu.vector_load %arg5[%get3A_673, %get3A_674, %get3A_675] {strides = array<i32>} : memref<16x50x64xi32, #tpu.memory_space<vmem>>, vector<16xi32>,
      tpu.vector_store_idx %arg7[%get3A_601, %add3A_154], %get3A_158 {add = true} : memref<1024x64xf32, #tpu.memory_space<vmem>>[vector<16xi32>, vector<16xi32>], vector<16xf32>,
      tpu.vector_store_idx %arg7[%get3A_606, %add3A_154], %get3A_162 {add = true} : memref<1024x64xf32, #tpu.memory_space<vmem>>[vector<16xi32>, vector<16xi32>], vector<16xf32>,
      tpu.vector_store_idx %arg7[%get3A_611, %add3A_154], %get3A_166 {add = true} : memref<1024x64xf32, #tpu.memory_space<vmem>>[vector<16xi32>, vector<16xi32>], vector<16xf32>,
      tpu.vector_store_idx %arg7[%get3A_616, %add3A_154], %get3A_170 {add = true} : memref<1024x64xf32, #tpu.memory_space<vmem>>[vector<16xi32>, vector<16xi32>], vector<16xf32>,
      tpu.vector_store_idx %arg7[%get3A_621, %add3A_154], %get3A_174 {add = true} : memref<1024x64xf32, #tpu.memory_space<vmem>>[vector<16xi32>, vector<16xi32>], vector<16xf32>,
      tpu.vector_store_idx %arg7[%get3A_626, %add3A_154], %get3A_178 {add = true} : memref<1024x64xf32, #tpu.memory_space<vmem>>[vector<16xi32>, vector<16xi32>], vector<16xf32>,
      tpu.vector_store_idx %arg7[%get3A_631, %add3A_154], %get3A_182 {add = true} : memref<1024x64xf32, #tpu.memory_space<vmem>>[vector<16xi32>, vector<16xi32>], vector<16xf32>,
      tpu.vector_store_idx %arg7[%get3A_636, %add3A_154], %get3A_186 {add = true} : memref<1024x64xf32, #tpu.memory_space<vmem>>[vector<16xi32>, vector<16xi32>], vector<16xf32>,
      tpu.vector_store_idx %arg7[%get3A_641, %add3A_154], %get3A_190 {add = true} : memref<1024x64xf32, #tpu.memory_space<vmem>>[vector<16xi32>, vector<16xi32>], vector<16xf32>,
      tpu.vector_store_idx %arg7[%get3A_646, %add3A_154], %get3A_194 {add = true} : memref<1024x64xf32, #tpu.memory_space<vmem>>[vector<16xi32>, vector<16xi32>], vector<16xf32>,
      tpu.vector_store_idx %arg7[%get3A_651, %add3A_154], %get3A_198 {add = true} : memref<1024x64xf32, #tpu.memory_space<vmem>>[vector<16xi32>, vector<16xi32>], vector<16xf32>,
      tpu.vector_store_idx %arg7[%get3A_656, %add3A_154], %get3A_202 {add = true} : memref<1024x64xf32, #tpu.memory_space<vmem>>[vector<16xi32>, vector<16xi32>], vector<16xf32>,
      tpu.vector_store_idx %arg7[%get3A_661, %add3A_154], %get3A_206 {add = true} : memref<1024x64xf32, #tpu.memory_space<vmem>>[vector<16xi32>, vector<16xi32>], vector<16xf32>,
      tpu.vector_store_idx %arg7[%get3A_666, %add3A_154], %get3A_210 {add = true} : memref<1024x64xf32, #tpu.memory_space<vmem>>[vector<16xi32>, vector<16xi32>], vector<16xf32>,
      tpu.vector_store_idx %arg7[%get3A_671, %add3A_154], %get3A_214 {add = true} : memref<1024x64xf32, #tpu.memory_space<vmem>>[vector<16xi32>, vector<16xi32>], vector<16xf32>,
      tpu.vector_store_idx %arg7[%get3A_676, %add3A_154], %get3A_218 {add = true} : memref<1024x64xf32, #tpu.memory_space<vmem>>[vector<16xi32>, vector<16xi32>], vector<16xf32>,
      %scan3A_677 = arith.constant 1 : i32
      %scan3A_678 = arith.addi %scan3A_596, %scan3A_677 : i32
      %get3A_679 = arith.constant 0 : i32
      %get3A_680 = arith.index_cast %get3A_679 : i32 to index
      %get3A_681 = arith.index_cast %scan3A_678 : i32 to index
      %get3A_682 = arith.constant 32 : index
      %get3A_683 = tpu.vector_load %arg5[%get3A_680, %get3A_681, %get3A_682] {strides = array<i32>} : memref<16x50x64xi32, #tpu.memory_space<vmem>>, vector<16xi32>,
      %get3A_684 = arith.constant 1 : i32
      %get3A_685 = arith.index_cast %get3A_684 : i32 to index
      %get3A_686 = arith.index_cast %scan3A_678 : i32 to index
      %get3A_687 = arith.constant 32 : index
      %get3A_688 = tpu.vector_load %arg5[%get3A_685, %get3A_686, %get3A_687] {strides = array<i32>} : memref<16x50x64xi32, #tpu.memory_space<vmem>>, vector<16xi32>,
      %get3A_689 = arith.constant 2 : i32
      %get3A_690 = arith.index_cast %get3A_689 : i32 to index
      %get3A_691 = arith.index_cast %scan3A_678 : i32 to index
      %get3A_692 = arith.constant 32 : index
      %get3A_693 = tpu.vector_load %arg5[%get3A_690, %get3A_691, %get3A_692] {strides = array<i32>} : memref<16x50x64xi32, #tpu.memory_space<vmem>>, vector<16xi32>,
      %get3A_694 = arith.constant 3 : i32
      %get3A_695 = arith.index_cast %get3A_694 : i32 to index
      %get3A_696 = arith.index_cast %scan3A_678 : i32 to index
      %get3A_697 = arith.constant 32 : index
      %get3A_698 = tpu.vector_load %arg5[%get3A_695, %get3A_696, %get3A_697] {strides = array<i32>} : memref<16x50x64xi32, #tpu.memory_space<vmem>>, vector<16xi32>,
      %get3A_699 = arith.constant 4 : i32
      %get3A_700 = arith.index_cast %get3A_699 : i32 to index
      %get3A_701 = arith.index_cast %scan3A_678 : i32 to index
      %get3A_702 = arith.constant 32 : index
      %get3A_703 = tpu.vector_load %arg5[%get3A_700, %get3A_701, %get3A_702] {strides = array<i32>} : memref<16x50x64xi32, #tpu.memory_space<vmem>>, vector<16xi32>,
      %get3A_704 = arith.constant 5 : i32
      %get3A_705 = arith.index_cast %get3A_704 : i32 to index
      %get3A_706 = arith.index_cast %scan3A_678 : i32 to index
      %get3A_707 = arith.constant 32 : index
      %get3A_708 = tpu.vector_load %arg5[%get3A_705, %get3A_706, %get3A_707] {strides = array<i32>} : memref<16x50x64xi32, #tpu.memory_space<vmem>>, vector<16xi32>,
      %get3A_709 = arith.constant 6 : i32
      %get3A_710 = arith.index_cast %get3A_709 : i32 to index
      %get3A_711 = arith.index_cast %scan3A_678 : i32 to index
      %get3A_712 = arith.constant 32 : index
      %get3A_713 = tpu.vector_load %arg5[%get3A_710, %get3A_711, %get3A_712] {strides = array<i32>} : memref<16x50x64xi32, #tpu.memory_space<vmem>>, vector<16xi32>,
      %get3A_714 = arith.constant 7 : i32
      %get3A_715 = arith.index_cast %get3A_714 : i32 to index
      %get3A_716 = arith.index_cast %scan3A_678 : i32 to index
      %get3A_717 = arith.constant 32 : index
      %get3A_718 = tpu.vector_load %arg5[%get3A_715, %get3A_716, %get3A_717] {strides = array<i32>} : memref<16x50x64xi32, #tpu.memory_space<vmem>>, vector<16xi32>,
      %get3A_719 = arith.constant 8 : i32
      %get3A_720 = arith.index_cast %get3A_719 : i32 to index
      %get3A_721 = arith.index_cast %scan3A_678 : i32 to index
      %get3A_722 = arith.constant 32 : index
      %get3A_723 = tpu.vector_load %arg5[%get3A_720, %get3A_721, %get3A_722] {strides = array<i32>} : memref<16x50x64xi32, #tpu.memory_space<vmem>>, vector<16xi32>,
      %get3A_724 = arith.constant 9 : i32
      %get3A_725 = arith.index_cast %get3A_724 : i32 to index
      %get3A_726 = arith.index_cast %scan3A_678 : i32 to index
      %get3A_727 = arith.constant 32 : index
      %get3A_728 = tpu.vector_load %arg5[%get3A_725, %get3A_726, %get3A_727] {strides = array<i32>} : memref<16x50x64xi32, #tpu.memory_space<vmem>>, vector<16xi32>,
      %get3A_729 = arith.constant 10 : i32
      %get3A_730 = arith.index_cast %get3A_729 : i32 to index
      %get3A_731 = arith.index_cast %scan3A_678 : i32 to index
      %get3A_732 = arith.constant 32 : index
      %get3A_733 = tpu.vector_load %arg5[%get3A_730, %get3A_731, %get3A_732] {strides = array<i32>} : memref<16x50x64xi32, #tpu.memory_space<vmem>>, vector<16xi32>,
      %get3A_734 = arith.constant 11 : i32
      %get3A_735 = arith.index_cast %get3A_734 : i32 to index
      %get3A_736 = arith.index_cast %scan3A_678 : i32 to index
      %get3A_737 = arith.constant 32 : index
      %get3A_738 = tpu.vector_load %arg5[%get3A_735, %get3A_736, %get3A_737] {strides = array<i32>} : memref<16x50x64xi32, #tpu.memory_space<vmem>>, vector<16xi32>,
      %get3A_739 = arith.constant 12 : i32
      %get3A_740 = arith.index_cast %get3A_739 : i32 to index
      %get3A_741 = arith.index_cast %scan3A_678 : i32 to index
      %get3A_742 = arith.constant 32 : index
      %get3A_743 = tpu.vector_load %arg5[%get3A_740, %get3A_741, %get3A_742] {strides = array<i32>} : memref<16x50x64xi32, #tpu.memory_space<vmem>>, vector<16xi32>,
      %get3A_744 = arith.constant 13 : i32
      %get3A_745 = arith.index_cast %get3A_744 : i32 to index
      %get3A_746 = arith.index_cast %scan3A_678 : i32 to index
      %get3A_747 = arith.constant 32 : index
      %get3A_748 = tpu.vector_load %arg5[%get3A_745, %get3A_746, %get3A_747] {strides = array<i32>} : memref<16x50x64xi32, #tpu.memory_space<vmem>>, vector<16xi32>,
      %get3A_749 = arith.constant 14 : i32
      %get3A_750 = arith.index_cast %get3A_749 : i32 to index
      %get3A_751 = arith.index_cast %scan3A_678 : i32 to index
      %get3A_752 = arith.constant 32 : index
      %get3A_753 = tpu.vector_load %arg5[%get3A_750, %get3A_751, %get3A_752] {strides = array<i32>} : memref<16x50x64xi32, #tpu.memory_space<vmem>>, vector<16xi32>,
      %get3A_754 = arith.constant 15 : i32
      %get3A_755 = arith.index_cast %get3A_754 : i32 to index
      %get3A_756 = arith.index_cast %scan3A_678 : i32 to index
      %get3A_757 = arith.constant 32 : index
      %get3A_758 = tpu.vector_load %arg5[%get3A_755, %get3A_756, %get3A_757] {strides = array<i32>} : memref<16x50x64xi32, #tpu.memory_space<vmem>>, vector<16xi32>,
      tpu.vector_store_idx %arg7[%get3A_683, %add3A_154], %get3A_158 {add = true} : memref<1024x64xf32, #tpu.memory_space<vmem>>[vector<16xi32>, vector<16xi32>], vector<16xf32>,
      tpu.vector_store_idx %arg7[%get3A_688, %add3A_154], %get3A_162 {add = true} : memref<1024x64xf32, #tpu.memory_space<vmem>>[vector<16xi32>, vector<16xi32>], vector<16xf32>,
      tpu.vector_store_idx %arg7[%get3A_693, %add3A_154], %get3A_166 {add = true} : memref<1024x64xf32, #tpu.memory_space<vmem>>[vector<16xi32>, vector<16xi32>], vector<16xf32>,
      tpu.vector_store_idx %arg7[%get3A_698, %add3A_154], %get3A_170 {add = true} : memref<1024x64xf32, #tpu.memory_space<vmem>>[vector<16xi32>, vector<16xi32>], vector<16xf32>,
      tpu.vector_store_idx %arg7[%get3A_703, %add3A_154], %get3A_174 {add = true} : memref<1024x64xf32, #tpu.memory_space<vmem>>[vector<16xi32>, vector<16xi32>], vector<16xf32>,
      tpu.vector_store_idx %arg7[%get3A_708, %add3A_154], %get3A_178 {add = true} : memref<1024x64xf32, #tpu.memory_space<vmem>>[vector<16xi32>, vector<16xi32>], vector<16xf32>,
      tpu.vector_store_idx %arg7[%get3A_713, %add3A_154], %get3A_182 {add = true} : memref<1024x64xf32, #tpu.memory_space<vmem>>[vector<16xi32>, vector<16xi32>], vector<16xf32>,
      tpu.vector_store_idx %arg7[%get3A_718, %add3A_154], %get3A_186 {add = true} : memref<1024x64xf32, #tpu.memory_space<vmem>>[vector<16xi32>, vector<16xi32>], vector<16xf32>,
      tpu.vector_store_idx %arg7[%get3A_723, %add3A_154], %get3A_190 {add = true} : memref<1024x64xf32, #tpu.memory_space<vmem>>[vector<16xi32>, vector<16xi32>], vector<16xf32>,
      tpu.vector_store_idx %arg7[%get3A_728, %add3A_154], %get3A_194 {add = true} : memref<1024x64xf32, #tpu.memory_space<vmem>>[vector<16xi32>, vector<16xi32>], vector<16xf32>,
      tpu.vector_store_idx %arg7[%get3A_733, %add3A_154], %get3A_198 {add = true} : memref<1024x64xf32, #tpu.memory_space<vmem>>[vector<16xi32>, vector<16xi32>], vector<16xf32>,
      tpu.vector_store_idx %arg7[%get3A_738, %add3A_154], %get3A_202 {add = true} : memref<1024x64xf32, #tpu.memory_space<vmem>>[vector<16xi32>, vector<16xi32>], vector<16xf32>,
      tpu.vector_store_idx %arg7[%get3A_743, %add3A_154], %get3A_206 {add = true} : memref<1024x64xf32, #tpu.memory_space<vmem>>[vector<16xi32>, vector<16xi32>], vector<16xf32>,
      tpu.vector_store_idx %arg7[%get3A_748, %add3A_154], %get3A_210 {add = true} : memref<1024x64xf32, #tpu.memory_space<vmem>>[vector<16xi32>, vector<16xi32>], vector<16xf32>,
      tpu.vector_store_idx %arg7[%get3A_753, %add3A_154], %get3A_214 {add = true} : memref<1024x64xf32, #tpu.memory_space<vmem>>[vector<16xi32>, vector<16xi32>], vector<16xf32>,
      tpu.vector_store_idx %arg7[%get3A_758, %add3A_154], %get3A_218 {add = true} : memref<1024x64xf32, #tpu.memory_space<vmem>>[vector<16xi32>, vector<16xi32>], vector<16xf32>,
    }
    %scan3A_224 = arith.constant 50 : i32
    %add3A_225 = arith.constant 48 : i32
    %add3A_226 = vector.broadcast %add3A_225 : i32 to vector<16xi32>
    %add3A_227 = arith.addi %iota3A, %add3A_226 : vector<16xi32>
    %get3A_228 = arith.constant 0 : i32
    %get3A_229 = arith.index_cast %get3A_228 : i32 to index
    %get3A_230 = arith.constant 48 : index
    %get3A_231 = tpu.vector_load %arg6[%get3A_229, %get3A_230] {strides = array<i32>} : memref<16x128xf32, #tpu.memory_space<vmem>>, vector<16xf32>,
    %get3A_232 = arith.constant 1 : i32
    %get3A_233 = arith.index_cast %get3A_232 : i32 to index
    %get3A_234 = arith.constant 48 : index
    %get3A_235 = tpu.vector_load %arg6[%get3A_233, %get3A_234] {strides = array<i32>} : memref<16x128xf32, #tpu.memory_space<vmem>>, vector<16xf32>,
    %get3A_236 = arith.constant 2 : i32
    %get3A_237 = arith.index_cast %get3A_236 : i32 to index
    %get3A_238 = arith.constant 48 : index
    %get3A_239 = tpu.vector_load %arg6[%get3A_237, %get3A_238] {strides = array<i32>} : memref<16x128xf32, #tpu.memory_space<vmem>>, vector<16xf32>,
    %get3A_240 = arith.constant 3 : i32
    %get3A_241 = arith.index_cast %get3A_240 : i32 to index
    %get3A_242 = arith.constant 48 : index
    %get3A_243 = tpu.vector_load %arg6[%get3A_241, %get3A_242] {strides = array<i32>} : memref<16x128xf32, #tpu.memory_space<vmem>>, vector<16xf32>,
    %get3A_244 = arith.constant 4 : i32
    %get3A_245 = arith.index_cast %get3A_244 : i32 to index
    %get3A_246 = arith.constant 48 : index
    %get3A_247 = tpu.vector_load %arg6[%get3A_245, %get3A_246] {strides = array<i32>} : memref<16x128xf32, #tpu.memory_space<vmem>>, vector<16xf32>,
    %get3A_248 = arith.constant 5 : i32
    %get3A_249 = arith.index_cast %get3A_248 : i32 to index
    %get3A_250 = arith.constant 48 : index
    %get3A_251 = tpu.vector_load %arg6[%get3A_249, %get3A_250] {strides = array<i32>} : memref<16x128xf32, #tpu.memory_space<vmem>>, vector<16xf32>,
    %get3A_252 = arith.constant 6 : i32
    %get3A_253 = arith.index_cast %get3A_252 : i32 to index
    %get3A_254 = arith.constant 48 : index
    %get3A_255 = tpu.vector_load %arg6[%get3A_253, %get3A_254] {strides = array<i32>} : memref<16x128xf32, #tpu.memory_space<vmem>>, vector<16xf32>,
    %get3A_256 = arith.constant 7 : i32
    %get3A_257 = arith.index_cast %get3A_256 : i32 to index
    %get3A_258 = arith.constant 48 : index
    %get3A_259 = tpu.vector_load %arg6[%get3A_257, %get3A_258] {strides = array<i32>} : memref<16x128xf32, #tpu.memory_space<vmem>>, vector<16xf32>,
    %get3A_260 = arith.constant 8 : i32
    %get3A_261 = arith.index_cast %get3A_260 : i32 to index
    %get3A_262 = arith.constant 48 : index
    %get3A_263 = tpu.vector_load %arg6[%get3A_261, %get3A_262] {strides = array<i32>} : memref<16x128xf32, #tpu.memory_space<vmem>>, vector<16xf32>,
    %get3A_264 = arith.constant 9 : i32
    %get3A_265 = arith.index_cast %get3A_264 : i32 to index
    %get3A_266 = arith.constant 48 : index
    %get3A_267 = tpu.vector_load %arg6[%get3A_265, %get3A_266] {strides = array<i32>} : memref<16x128xf32, #tpu.memory_space<vmem>>, vector<16xf32>,
    %get3A_268 = arith.constant 10 : i32
    %get3A_269 = arith.index_cast %get3A_268 : i32 to index
    %get3A_270 = arith.constant 48 : index
    %get3A_271 = tpu.vector_load %arg6[%get3A_269, %get3A_270] {strides = array<i32>} : memref<16x128xf32, #tpu.memory_space<vmem>>, vector<16xf32>,
    %get3A_272 = arith.constant 11 : i32
    %get3A_273 = arith.index_cast %get3A_272 : i32 to index
    %get3A_274 = arith.constant 48 : index
    %get3A_275 = tpu.vector_load %arg6[%get3A_273, %get3A_274] {strides = array<i32>} : memref<16x128xf32, #tpu.memory_space<vmem>>, vector<16xf32>,
    %get3A_276 = arith.constant 12 : i32
    %get3A_277 = arith.index_cast %get3A_276 : i32 to index
    %get3A_278 = arith.constant 48 : index
    %get3A_279 = tpu.vector_load %arg6[%get3A_277, %get3A_278] {strides = array<i32>} : memref<16x128xf32, #tpu.memory_space<vmem>>, vector<16xf32>,
    %get3A_280 = arith.constant 13 : i32
    %get3A_281 = arith.index_cast %get3A_280 : i32 to index
    %get3A_282 = arith.constant 48 : index
    %get3A_283 = tpu.vector_load %arg6[%get3A_281, %get3A_282] {strides = array<i32>} : memref<16x128xf32, #tpu.memory_space<vmem>>, vector<16xf32>,
    %get3A_284 = arith.constant 14 : i32
    %get3A_285 = arith.index_cast %get3A_284 : i32 to index
    %get3A_286 = arith.constant 48 : index
    %get3A_287 = tpu.vector_load %arg6[%get3A_285, %get3A_286] {strides = array<i32>} : memref<16x128xf32, #tpu.memory_space<vmem>>, vector<16xf32>,
    %get3A_288 = arith.constant 15 : i32
    %get3A_289 = arith.index_cast %get3A_288 : i32 to index
    %get3A_290 = arith.constant 48 : index
    %get3A_291 = tpu.vector_load %arg6[%get3A_289, %get3A_290] {strides = array<i32>} : memref<16x128xf32, #tpu.memory_space<vmem>>, vector<16xf32>,
    %scan3A_292 = arith.constant 0 : i32
    %scan3A_293 = arith.constant 0 : i32
    %scan3A_294 = arith.constant 50 : i32
    %scan3A_295 = arith.addi %scan3A_293, %scan3A_294 : i32
    %scan3A_296 = arith.constant 2 : i32
    scf.for %scan3A_596 = %scan3A_293 to %scan3A_295 step %scan3A_296  : i32 {
      %get3A_597 = arith.constant 0 : i32
      %get3A_598 = arith.index_cast %get3A_597 : i32 to index
      %get3A_599 = arith.index_cast %scan3A_596 : i32 to index
      %get3A_600 = arith.constant 48 : index
      %get3A_601 = tpu.vector_load %arg5[%get3A_598, %get3A_599, %get3A_600] {strides = array<i32>} : memref<16x50x64xi32, #tpu.memory_space<vmem>>, vector<16xi32>,
      %get3A_602 = arith.constant 1 : i32
      %get3A_603 = arith.index_cast %get3A_602 : i32 to index
      %get3A_604 = arith.index_cast %scan3A_596 : i32 to index
      %get3A_605 = arith.constant 48 : index
      %get3A_606 = tpu.vector_load %arg5[%get3A_603, %get3A_604, %get3A_605] {strides = array<i32>} : memref<16x50x64xi32, #tpu.memory_space<vmem>>, vector<16xi32>,
      %get3A_607 = arith.constant 2 : i32
      %get3A_608 = arith.index_cast %get3A_607 : i32 to index
      %get3A_609 = arith.index_cast %scan3A_596 : i32 to index
      %get3A_610 = arith.constant 48 : index
      %get3A_611 = tpu.vector_load %arg5[%get3A_608, %get3A_609, %get3A_610] {strides = array<i32>} : memref<16x50x64xi32, #tpu.memory_space<vmem>>, vector<16xi32>,
      %get3A_612 = arith.constant 3 : i32
      %get3A_613 = arith.index_cast %get3A_612 : i32 to index
      %get3A_614 = arith.index_cast %scan3A_596 : i32 to index
      %get3A_615 = arith.constant 48 : index
      %get3A_616 = tpu.vector_load %arg5[%get3A_613, %get3A_614, %get3A_615] {strides = array<i32>} : memref<16x50x64xi32, #tpu.memory_space<vmem>>, vector<16xi32>,
      %get3A_617 = arith.constant 4 : i32
      %get3A_618 = arith.index_cast %get3A_617 : i32 to index
      %get3A_619 = arith.index_cast %scan3A_596 : i32 to index
      %get3A_620 = arith.constant 48 : index
      %get3A_621 = tpu.vector_load %arg5[%get3A_618, %get3A_619, %get3A_620] {strides = array<i32>} : memref<16x50x64xi32, #tpu.memory_space<vmem>>, vector<16xi32>,
      %get3A_622 = arith.constant 5 : i32
      %get3A_623 = arith.index_cast %get3A_622 : i32 to index
      %get3A_624 = arith.index_cast %scan3A_596 : i32 to index
      %get3A_625 = arith.constant 48 : index
      %get3A_626 = tpu.vector_load %arg5[%get3A_623, %get3A_624, %get3A_625] {strides = array<i32>} : memref<16x50x64xi32, #tpu.memory_space<vmem>>, vector<16xi32>,
      %get3A_627 = arith.constant 6 : i32
      %get3A_628 = arith.index_cast %get3A_627 : i32 to index
      %get3A_629 = arith.index_cast %scan3A_596 : i32 to index
      %get3A_630 = arith.constant 48 : index
      %get3A_631 = tpu.vector_load %arg5[%get3A_628, %get3A_629, %get3A_630] {strides = array<i32>} : memref<16x50x64xi32, #tpu.memory_space<vmem>>, vector<16xi32>,
      %get3A_632 = arith.constant 7 : i32
      %get3A_633 = arith.index_cast %get3A_632 : i32 to index
      %get3A_634 = arith.index_cast %scan3A_596 : i32 to index
      %get3A_635 = arith.constant 48 : index
      %get3A_636 = tpu.vector_load %arg5[%get3A_633, %get3A_634, %get3A_635] {strides = array<i32>} : memref<16x50x64xi32, #tpu.memory_space<vmem>>, vector<16xi32>,
      %get3A_637 = arith.constant 8 : i32
      %get3A_638 = arith.index_cast %get3A_637 : i32 to index
      %get3A_639 = arith.index_cast %scan3A_596 : i32 to index
      %get3A_640 = arith.constant 48 : index
      %get3A_641 = tpu.vector_load %arg5[%get3A_638, %get3A_639, %get3A_640] {strides = array<i32>} : memref<16x50x64xi32, #tpu.memory_space<vmem>>, vector<16xi32>,
      %get3A_642 = arith.constant 9 : i32
      %get3A_643 = arith.index_cast %get3A_642 : i32 to index
      %get3A_644 = arith.index_cast %scan3A_596 : i32 to index
      %get3A_645 = arith.constant 48 : index
      %get3A_646 = tpu.vector_load %arg5[%get3A_643, %get3A_644, %get3A_645] {strides = array<i32>} : memref<16x50x64xi32, #tpu.memory_space<vmem>>, vector<16xi32>,
      %get3A_647 = arith.constant 10 : i32
      %get3A_648 = arith.index_cast %get3A_647 : i32 to index
      %get3A_649 = arith.index_cast %scan3A_596 : i32 to index
      %get3A_650 = arith.constant 48 : index
      %get3A_651 = tpu.vector_load %arg5[%get3A_648, %get3A_649, %get3A_650] {strides = array<i32>} : memref<16x50x64xi32, #tpu.memory_space<vmem>>, vector<16xi32>,
      %get3A_652 = arith.constant 11 : i32
      %get3A_653 = arith.index_cast %get3A_652 : i32 to index
      %get3A_654 = arith.index_cast %scan3A_596 : i32 to index
      %get3A_655 = arith.constant 48 : index
      %get3A_656 = tpu.vector_load %arg5[%get3A_653, %get3A_654, %get3A_655] {strides = array<i32>} : memref<16x50x64xi32, #tpu.memory_space<vmem>>, vector<16xi32>,
      %get3A_657 = arith.constant 12 : i32
      %get3A_658 = arith.index_cast %get3A_657 : i32 to index
      %get3A_659 = arith.index_cast %scan3A_596 : i32 to index
      %get3A_660 = arith.constant 48 : index
      %get3A_661 = tpu.vector_load %arg5[%get3A_658, %get3A_659, %get3A_660] {strides = array<i32>} : memref<16x50x64xi32, #tpu.memory_space<vmem>>, vector<16xi32>,
      %get3A_662 = arith.constant 13 : i32
      %get3A_663 = arith.index_cast %get3A_662 : i32 to index
      %get3A_664 = arith.index_cast %scan3A_596 : i32 to index
      %get3A_665 = arith.constant 48 : index
      %get3A_666 = tpu.vector_load %arg5[%get3A_663, %get3A_664, %get3A_665] {strides = array<i32>} : memref<16x50x64xi32, #tpu.memory_space<vmem>>, vector<16xi32>,
      %get3A_667 = arith.constant 14 : i32
      %get3A_668 = arith.index_cast %get3A_667 : i32 to index
      %get3A_669 = arith.index_cast %scan3A_596 : i32 to index
      %get3A_670 = arith.constant 48 : index
      %get3A_671 = tpu.vector_load %arg5[%get3A_668, %get3A_669, %get3A_670] {strides = array<i32>} : memref<16x50x64xi32, #tpu.memory_space<vmem>>, vector<16xi32>,
      %get3A_672 = arith.constant 15 : i32
      %get3A_673 = arith.index_cast %get3A_672 : i32 to index
      %get3A_674 = arith.index_cast %scan3A_596 : i32 to index
      %get3A_675 = arith.constant 48 : index
      %get3A_676 = tpu.vector_load %arg5[%get3A_673, %get3A_674, %get3A_675] {strides = array<i32>} : memref<16x50x64xi32, #tpu.memory_space<vmem>>, vector<16xi32>,
      tpu.vector_store_idx %arg7[%get3A_601, %add3A_227], %get3A_231 {add = true} : memref<1024x64xf32, #tpu.memory_space<vmem>>[vector<16xi32>, vector<16xi32>], vector<16xf32>,
      tpu.vector_store_idx %arg7[%get3A_606, %add3A_227], %get3A_235 {add = true} : memref<1024x64xf32, #tpu.memory_space<vmem>>[vector<16xi32>, vector<16xi32>], vector<16xf32>,
      tpu.vector_store_idx %arg7[%get3A_611, %add3A_227], %get3A_239 {add = true} : memref<1024x64xf32, #tpu.memory_space<vmem>>[vector<16xi32>, vector<16xi32>], vector<16xf32>,
      tpu.vector_store_idx %arg7[%get3A_616, %add3A_227], %get3A_243 {add = true} : memref<1024x64xf32, #tpu.memory_space<vmem>>[vector<16xi32>, vector<16xi32>], vector<16xf32>,
      tpu.vector_store_idx %arg7[%get3A_621, %add3A_227], %get3A_247 {add = true} : memref<1024x64xf32, #tpu.memory_space<vmem>>[vector<16xi32>, vector<16xi32>], vector<16xf32>,
      tpu.vector_store_idx %arg7[%get3A_626, %add3A_227], %get3A_251 {add = true} : memref<1024x64xf32, #tpu.memory_space<vmem>>[vector<16xi32>, vector<16xi32>], vector<16xf32>,
      tpu.vector_store_idx %arg7[%get3A_631, %add3A_227], %get3A_255 {add = true} : memref<1024x64xf32, #tpu.memory_space<vmem>>[vector<16xi32>, vector<16xi32>], vector<16xf32>,
      tpu.vector_store_idx %arg7[%get3A_636, %add3A_227], %get3A_259 {add = true} : memref<1024x64xf32, #tpu.memory_space<vmem>>[vector<16xi32>, vector<16xi32>], vector<16xf32>,
      tpu.vector_store_idx %arg7[%get3A_641, %add3A_227], %get3A_263 {add = true} : memref<1024x64xf32, #tpu.memory_space<vmem>>[vector<16xi32>, vector<16xi32>], vector<16xf32>,
      tpu.vector_store_idx %arg7[%get3A_646, %add3A_227], %get3A_267 {add = true} : memref<1024x64xf32, #tpu.memory_space<vmem>>[vector<16xi32>, vector<16xi32>], vector<16xf32>,
      tpu.vector_store_idx %arg7[%get3A_651, %add3A_227], %get3A_271 {add = true} : memref<1024x64xf32, #tpu.memory_space<vmem>>[vector<16xi32>, vector<16xi32>], vector<16xf32>,
      tpu.vector_store_idx %arg7[%get3A_656, %add3A_227], %get3A_275 {add = true} : memref<1024x64xf32, #tpu.memory_space<vmem>>[vector<16xi32>, vector<16xi32>], vector<16xf32>,
      tpu.vector_store_idx %arg7[%get3A_661, %add3A_227], %get3A_279 {add = true} : memref<1024x64xf32, #tpu.memory_space<vmem>>[vector<16xi32>, vector<16xi32>], vector<16xf32>,
      tpu.vector_store_idx %arg7[%get3A_666, %add3A_227], %get3A_283 {add = true} : memref<1024x64xf32, #tpu.memory_space<vmem>>[vector<16xi32>, vector<16xi32>], vector<16xf32>,
      tpu.vector_store_idx %arg7[%get3A_671, %add3A_227], %get3A_287 {add = true} : memref<1024x64xf32, #tpu.memory_space<vmem>>[vector<16xi32>, vector<16xi32>], vector<16xf32>,
      tpu.vector_store_idx %arg7[%get3A_676, %add3A_227], %get3A_291 {add = true} : memref<1024x64xf32, #tpu.memory_space<vmem>>[vector<16xi32>, vector<16xi32>], vector<16xf32>,
      %scan3A_677 = arith.constant 1 : i32
      %scan3A_678 = arith.addi %scan3A_596, %scan3A_677 : i32
      %get3A_679 = arith.constant 0 : i32
      %get3A_680 = arith.index_cast %get3A_679 : i32 to index
      %get3A_681 = arith.index_cast %scan3A_678 : i32 to index
      %get3A_682 = arith.constant 48 : index
      %get3A_683 = tpu.vector_load %arg5[%get3A_680, %get3A_681, %get3A_682] {strides = array<i32>} : memref<16x50x64xi32, #tpu.memory_space<vmem>>, vector<16xi32>,
      %get3A_684 = arith.constant 1 : i32
      %get3A_685 = arith.index_cast %get3A_684 : i32 to index
      %get3A_686 = arith.index_cast %scan3A_678 : i32 to index
      %get3A_687 = arith.constant 48 : index
      %get3A_688 = tpu.vector_load %arg5[%get3A_685, %get3A_686, %get3A_687] {strides = array<i32>} : memref<16x50x64xi32, #tpu.memory_space<vmem>>, vector<16xi32>,
      %get3A_689 = arith.constant 2 : i32
      %get3A_690 = arith.index_cast %get3A_689 : i32 to index
      %get3A_691 = arith.index_cast %scan3A_678 : i32 to index
      %get3A_692 = arith.constant 48 : index
      %get3A_693 = tpu.vector_load %arg5[%get3A_690, %get3A_691, %get3A_692] {strides = array<i32>} : memref<16x50x64xi32, #tpu.memory_space<vmem>>, vector<16xi32>,
      %get3A_694 = arith.constant 3 : i32
      %get3A_695 = arith.index_cast %get3A_694 : i32 to index
      %get3A_696 = arith.index_cast %scan3A_678 : i32 to index
      %get3A_697 = arith.constant 48 : index
      %get3A_698 = tpu.vector_load %arg5[%get3A_695, %get3A_696, %get3A_697] {strides = array<i32>} : memref<16x50x64xi32, #tpu.memory_space<vmem>>, vector<16xi32>,
      %get3A_699 = arith.constant 4 : i32
      %get3A_700 = arith.index_cast %get3A_699 : i32 to index
      %get3A_701 = arith.index_cast %scan3A_678 : i32 to index
      %get3A_702 = arith.constant 48 : index
      %get3A_703 = tpu.vector_load %arg5[%get3A_700, %get3A_701, %get3A_702] {strides = array<i32>} : memref<16x50x64xi32, #tpu.memory_space<vmem>>, vector<16xi32>,
      %get3A_704 = arith.constant 5 : i32
      %get3A_705 = arith.index_cast %get3A_704 : i32 to index
      %get3A_706 = arith.index_cast %scan3A_678 : i32 to index
      %get3A_707 = arith.constant 48 : index
      %get3A_708 = tpu.vector_load %arg5[%get3A_705, %get3A_706, %get3A_707] {strides = array<i32>} : memref<16x50x64xi32, #tpu.memory_space<vmem>>, vector<16xi32>,
      %get3A_709 = arith.constant 6 : i32
      %get3A_710 = arith.index_cast %get3A_709 : i32 to index
      %get3A_711 = arith.index_cast %scan3A_678 : i32 to index
      %get3A_712 = arith.constant 48 : index
      %get3A_713 = tpu.vector_load %arg5[%get3A_710, %get3A_711, %get3A_712] {strides = array<i32>} : memref<16x50x64xi32, #tpu.memory_space<vmem>>, vector<16xi32>,
      %get3A_714 = arith.constant 7 : i32
      %get3A_715 = arith.index_cast %get3A_714 : i32 to index
      %get3A_716 = arith.index_cast %scan3A_678 : i32 to index
      %get3A_717 = arith.constant 48 : index
      %get3A_718 = tpu.vector_load %arg5[%get3A_715, %get3A_716, %get3A_717] {strides = array<i32>} : memref<16x50x64xi32, #tpu.memory_space<vmem>>, vector<16xi32>,
      %get3A_719 = arith.constant 8 : i32
      %get3A_720 = arith.index_cast %get3A_719 : i32 to index
      %get3A_721 = arith.index_cast %scan3A_678 : i32 to index
      %get3A_722 = arith.constant 48 : index
      %get3A_723 = tpu.vector_load %arg5[%get3A_720, %get3A_721, %get3A_722] {strides = array<i32>} : memref<16x50x64xi32, #tpu.memory_space<vmem>>, vector<16xi32>,
      %get3A_724 = arith.constant 9 : i32
      %get3A_725 = arith.index_cast %get3A_724 : i32 to index
      %get3A_726 = arith.index_cast %scan3A_678 : i32 to index
      %get3A_727 = arith.constant 48 : index
      %get3A_728 = tpu.vector_load %arg5[%get3A_725, %get3A_726, %get3A_727] {strides = array<i32>} : memref<16x50x64xi32, #tpu.memory_space<vmem>>, vector<16xi32>,
      %get3A_729 = arith.constant 10 : i32
      %get3A_730 = arith.index_cast %get3A_729 : i32 to index
      %get3A_731 = arith.index_cast %scan3A_678 : i32 to index
      %get3A_732 = arith.constant 48 : index
      %get3A_733 = tpu.vector_load %arg5[%get3A_730, %get3A_731, %get3A_732] {strides = array<i32>} : memref<16x50x64xi32, #tpu.memory_space<vmem>>, vector<16xi32>,
      %get3A_734 = arith.constant 11 : i32
      %get3A_735 = arith.index_cast %get3A_734 : i32 to index
      %get3A_736 = arith.index_cast %scan3A_678 : i32 to index
      %get3A_737 = arith.constant 48 : index
      %get3A_738 = tpu.vector_load %arg5[%get3A_735, %get3A_736, %get3A_737] {strides = array<i32>} : memref<16x50x64xi32, #tpu.memory_space<vmem>>, vector<16xi32>,
      %get3A_739 = arith.constant 12 : i32
      %get3A_740 = arith.index_cast %get3A_739 : i32 to index
      %get3A_741 = arith.index_cast %scan3A_678 : i32 to index
      %get3A_742 = arith.constant 48 : index
      %get3A_743 = tpu.vector_load %arg5[%get3A_740, %get3A_741, %get3A_742] {strides = array<i32>} : memref<16x50x64xi32, #tpu.memory_space<vmem>>, vector<16xi32>,
      %get3A_744 = arith.constant 13 : i32
      %get3A_745 = arith.index_cast %get3A_744 : i32 to index
      %get3A_746 = arith.index_cast %scan3A_678 : i32 to index
      %get3A_747 = arith.constant 48 : index
      %get3A_748 = tpu.vector_load %arg5[%get3A_745, %get3A_746, %get3A_747] {strides = array<i32>} : memref<16x50x64xi32, #tpu.memory_space<vmem>>, vector<16xi32>,
      %get3A_749 = arith.constant 14 : i32
      %get3A_750 = arith.index_cast %get3A_749 : i32 to index
      %get3A_751 = arith.index_cast %scan3A_678 : i32 to index
      %get3A_752 = arith.constant 48 : index
      %get3A_753 = tpu.vector_load %arg5[%get3A_750, %get3A_751, %get3A_752] {strides = array<i32>} : memref<16x50x64xi32, #tpu.memory_space<vmem>>, vector<16xi32>,
      %get3A_754 = arith.constant 15 : i32
      %get3A_755 = arith.index_cast %get3A_754 : i32 to index
      %get3A_756 = arith.index_cast %scan3A_678 : i32 to index
      %get3A_757 = arith.constant 48 : index
      %get3A_758 = tpu.vector_load %arg5[%get3A_755, %get3A_756, %get3A_757] {strides = array<i32>} : memref<16x50x64xi32, #tpu.memory_space<vmem>>, vector<16xi32>,
      tpu.vector_store_idx %arg7[%get3A_683, %add3A_227], %get3A_231 {add = true} : memref<1024x64xf32, #tpu.memory_space<vmem>>[vector<16xi32>, vector<16xi32>], vector<16xf32>,
      tpu.vector_store_idx %arg7[%get3A_688, %add3A_227], %get3A_235 {add = true} : memref<1024x64xf32, #tpu.memory_space<vmem>>[vector<16xi32>, vector<16xi32>], vector<16xf32>,
      tpu.vector_store_idx %arg7[%get3A_693, %add3A_227], %get3A_239 {add = true} : memref<1024x64xf32, #tpu.memory_space<vmem>>[vector<16xi32>, vector<16xi32>], vector<16xf32>,
      tpu.vector_store_idx %arg7[%get3A_698, %add3A_227], %get3A_243 {add = true} : memref<1024x64xf32, #tpu.memory_space<vmem>>[vector<16xi32>, vector<16xi32>], vector<16xf32>,
      tpu.vector_store_idx %arg7[%get3A_703, %add3A_227], %get3A_247 {add = true} : memref<1024x64xf32, #tpu.memory_space<vmem>>[vector<16xi32>, vector<16xi32>], vector<16xf32>,
      tpu.vector_store_idx %arg7[%get3A_708, %add3A_227], %get3A_251 {add = true} : memref<1024x64xf32, #tpu.memory_space<vmem>>[vector<16xi32>, vector<16xi32>], vector<16xf32>,
      tpu.vector_store_idx %arg7[%get3A_713, %add3A_227], %get3A_255 {add = true} : memref<1024x64xf32, #tpu.memory_space<vmem>>[vector<16xi32>, vector<16xi32>], vector<16xf32>,
      tpu.vector_store_idx %arg7[%get3A_718, %add3A_227], %get3A_259 {add = true} : memref<1024x64xf32, #tpu.memory_space<vmem>>[vector<16xi32>, vector<16xi32>], vector<16xf32>,
      tpu.vector_store_idx %arg7[%get3A_723, %add3A_227], %get3A_263 {add = true} : memref<1024x64xf32, #tpu.memory_space<vmem>>[vector<16xi32>, vector<16xi32>], vector<16xf32>,
      tpu.vector_store_idx %arg7[%get3A_728, %add3A_227], %get3A_267 {add = true} : memref<1024x64xf32, #tpu.memory_space<vmem>>[vector<16xi32>, vector<16xi32>], vector<16xf32>,
      tpu.vector_store_idx %arg7[%get3A_733, %add3A_227], %get3A_271 {add = true} : memref<1024x64xf32, #tpu.memory_space<vmem>>[vector<16xi32>, vector<16xi32>], vector<16xf32>,
      tpu.vector_store_idx %arg7[%get3A_738, %add3A_227], %get3A_275 {add = true} : memref<1024x64xf32, #tpu.memory_space<vmem>>[vector<16xi32>, vector<16xi32>], vector<16xf32>,
      tpu.vector_store_idx %arg7[%get3A_743, %add3A_227], %get3A_279 {add = true} : memref<1024x64xf32, #tpu.memory_space<vmem>>[vector<16xi32>, vector<16xi32>], vector<16xf32>,
      tpu.vector_store_idx %arg7[%get3A_748, %add3A_227], %get3A_283 {add = true} : memref<1024x64xf32, #tpu.memory_space<vmem>>[vector<16xi32>, vector<16xi32>], vector<16xf32>,
      tpu.vector_store_idx %arg7[%get3A_753, %add3A_227], %get3A_287 {add = true} : memref<1024x64xf32, #tpu.memory_space<vmem>>[vector<16xi32>, vector<16xi32>], vector<16xf32>,
      tpu.vector_store_idx %arg7[%get3A_758, %add3A_227], %get3A_291 {add = true} : memref<1024x64xf32, #tpu.memory_space<vmem>>[vector<16xi32>, vector<16xi32>], vector<16xf32>,
    }
    %scan3A_297 = arith.constant 50 : i32
    "tpu.region"() ({
      %run_scoped3A = tpu.sem_alloc : memref<!tpu.dma_semaphore, #tpu.memory_space<semaphore_mem>>
      %dma_start3A = arith.constant 0 : i32
      %dma_start3A_596 = arith.constant 0 : i32
      %dma_start3A_597 = tpu.memref_slice %arg4[%add3A, %dma_start3A, %dma_start3A_596] : memref<32x1024x128xf32, #tpu.memory_space<hbm>> -> memref<1x1024x64xf32, #tpu.memory_space<hbm>>
      %dma_start3A_598 = tpu.memref_squeeze %dma_start3A_597 : memref<1x1024x64xf32, #tpu.memory_space<hbm>> -> memref<1024x64xf32, #tpu.memory_space<hbm>>
      %dma_start3A_599 = arith.constant 0 : i32
      %dma_start3A_600 = arith.constant 0 : i32
      %dma_start3A_601 = tpu.memref_slice %arg4[%add3A, %dma_start3A_599, %dma_start3A_600] : memref<32x1024x128xf32, #tpu.memory_space<hbm>> -> memref<1x1024x64xf32, #tpu.memory_space<hbm>>
      %dma_start3A_602 = tpu.memref_squeeze %dma_start3A_601 : memref<1x1024x64xf32, #tpu.memory_space<hbm>> -> memref<1024x64xf32, #tpu.memory_space<hbm>>
      tpu.enqueue_dma source(%arg7 : memref<1024x64xf32, #tpu.memory_space<vmem>>) target(%dma_start3A_602 : memref<1024x64xf32, #tpu.memory_space<hbm>>) target_semaphore(%run_scoped3A : memref<!tpu.dma_semaphore, #tpu.memory_space<semaphore_mem>>)
      %dma_wait3A = arith.constant 0 : i32
      %dma_wait3A_603 = arith.constant 0 : i32
      %dma_wait3A_604 = tpu.memref_slice %arg4[%add3A, %dma_wait3A, %dma_wait3A_603] : memref<32x1024x128xf32, #tpu.memory_space<hbm>> -> memref<1x1024x64xf32, #tpu.memory_space<hbm>>
      %dma_wait3A_605 = tpu.memref_squeeze %dma_wait3A_604 : memref<1x1024x64xf32, #tpu.memory_space<hbm>> -> memref<1024x64xf32, #tpu.memory_space<hbm>>
      %dma_wait3A_606 = arith.constant 0 : i32
      %dma_wait3A_607 = arith.constant 0 : i32
      %dma_wait3A_608 = tpu.memref_slice %arg4[%add3A, %dma_wait3A_606, %dma_wait3A_607] : memref<32x1024x128xf32, #tpu.memory_space<hbm>> -> memref<1x1024x64xf32, #tpu.memory_space<hbm>>
      %dma_wait3A_609 = tpu.memref_squeeze %dma_wait3A_608 : memref<1x1024x64xf32, #tpu.memory_space<hbm>> -> memref<1024x64xf32, #tpu.memory_space<hbm>>
      tpu.wait_dma2 semaphore(%run_scoped3A : memref<!tpu.dma_semaphore, #tpu.memory_space<semaphore_mem>>) src(%arg7 : memref<1024x64xf32, #tpu.memory_space<vmem>>) dst(%dma_wait3A_609 : memref<1024x64xf32, #tpu.memory_space<hbm>>)
      tpu.yield
    }) : () -> ()
    "tpu.region"() ({
      %run_scoped3A = tpu.sem_alloc : memref<!tpu.dma_semaphore, #tpu.memory_space<semaphore_mem>>
      %dma_start3A = arith.constant 0 : i32
      %dma_start3A_596 = arith.constant 0 : i32
      %dma_start3A_597 = arith.constant 64 : i32
      %dma_start3A_598 = tpu.memref_slice %arg2[%dma_start3A, %dma_start3A_596, %add3A, %dma_start3A_597] : memref<16x50x32x128xi32, #tpu.memory_space<hbm>> -> memref<16x50x1x64xi32, #tpu.memory_space<hbm>>
      %dma_start3A_599 = tpu.memref_squeeze %dma_start3A_598 : memref<16x50x1x64xi32, #tpu.memory_space<hbm>> -> memref<16x50x64xi32, #tpu.memory_space<hbm>>
      %dma_start3A_600 = arith.constant 0 : i32
      %dma_start3A_601 = arith.constant 0 : i32
      %dma_start3A_602 = arith.constant 64 : i32
      %dma_start3A_603 = tpu.memref_slice %arg2[%dma_start3A_600, %dma_start3A_601, %add3A, %dma_start3A_602] : memref<16x50x32x128xi32, #tpu.memory_space<hbm>> -> memref<16x50x1x64xi32, #tpu.memory_space<hbm>>
      %dma_start3A_604 = tpu.memref_squeeze %dma_start3A_603 : memref<16x50x1x64xi32, #tpu.memory_space<hbm>> -> memref<16x50x64xi32, #tpu.memory_space<hbm>>
      tpu.enqueue_dma source(%dma_start3A_604 : memref<16x50x64xi32, #tpu.memory_space<hbm>>) target(%arg5 : memref<16x50x64xi32, #tpu.memory_space<vmem>>) target_semaphore(%run_scoped3A : memref<!tpu.dma_semaphore, #tpu.memory_space<semaphore_mem>>)
      %dma_wait3A = arith.constant 0 : i32
      %dma_wait3A_605 = arith.constant 0 : i32
      %dma_wait3A_606 = arith.constant 64 : i32
      %dma_wait3A_607 = tpu.memref_slice %arg2[%dma_wait3A, %dma_wait3A_605, %add3A, %dma_wait3A_606] : memref<16x50x32x128xi32, #tpu.memory_space<hbm>> -> memref<16x50x1x64xi32, #tpu.memory_space<hbm>>
      %dma_wait3A_608 = tpu.memref_squeeze %dma_wait3A_607 : memref<16x50x1x64xi32, #tpu.memory_space<hbm>> -> memref<16x50x64xi32, #tpu.memory_space<hbm>>
      %dma_wait3A_609 = arith.constant 0 : i32
      %dma_wait3A_610 = arith.constant 0 : i32
      %dma_wait3A_611 = arith.constant 64 : i32
      %dma_wait3A_612 = tpu.memref_slice %arg2[%dma_wait3A_609, %dma_wait3A_610, %add3A, %dma_wait3A_611] : memref<16x50x32x128xi32, #tpu.memory_space<hbm>> -> memref<16x50x1x64xi32, #tpu.memory_space<hbm>>
      %dma_wait3A_613 = tpu.memref_squeeze %dma_wait3A_612 : memref<16x50x1x64xi32, #tpu.memory_space<hbm>> -> memref<16x50x64xi32, #tpu.memory_space<hbm>>
      tpu.wait_dma2 semaphore(%run_scoped3A : memref<!tpu.dma_semaphore, #tpu.memory_space<semaphore_mem>>) src(%dma_wait3A_613 : memref<16x50x64xi32, #tpu.memory_space<hbm>>) dst(%arg5 : memref<16x50x64xi32, #tpu.memory_space<vmem>>)
      tpu.yield
    }) : () -> ()
    %scan3A_298 = arith.constant 0 : i32
    %scan3A_299 = arith.constant 0 : i32
    %scan3A_300 = arith.constant 1024 : i32
    %scan3A_301 = arith.addi %scan3A_299, %scan3A_300 : i32
    %scan3A_302 = arith.constant 4 : i32
    scf.for %scan3A_596 = %scan3A_299 to %scan3A_301 step %scan3A_302  : i32 {
      %swap3A = arith.index_cast %scan3A_596 : i32 to index
      %swap3A_597 = arith.constant 0 : index
      %swap3A_598 = tpu.vector_load %arg7[%swap3A, %swap3A_597] {strides = array<i32>} : memref<1024x64xf32, #tpu.memory_space<vmem>>, vector<16xf32>,
      tpu.vector_store %arg7[%swap3A, %swap3A_597], %broadcast_in_dim3A_1 {strides = array<i32>} : memref<1024x64xf32, #tpu.memory_space<vmem>>, vector<16xf32>,
      %swap3A_599 = arith.index_cast %scan3A_596 : i32 to index
      %swap3A_600 = arith.constant 16 : index
      %swap3A_601 = tpu.vector_load %arg7[%swap3A_599, %swap3A_600] {strides = array<i32>} : memref<1024x64xf32, #tpu.memory_space<vmem>>, vector<16xf32>,
      tpu.vector_store %arg7[%swap3A_599, %swap3A_600], %broadcast_in_dim3A_1 {strides = array<i32>} : memref<1024x64xf32, #tpu.memory_space<vmem>>, vector<16xf32>,
      %swap3A_602 = arith.index_cast %scan3A_596 : i32 to index
      %swap3A_603 = arith.constant 32 : index
      %swap3A_604 = tpu.vector_load %arg7[%swap3A_602, %swap3A_603] {strides = array<i32>} : memref<1024x64xf32, #tpu.memory_space<vmem>>, vector<16xf32>,
      tpu.vector_store %arg7[%swap3A_602, %swap3A_603], %broadcast_in_dim3A_1 {strides = array<i32>} : memref<1024x64xf32, #tpu.memory_space<vmem>>, vector<16xf32>,
      %swap3A_605 = arith.index_cast %scan3A_596 : i32 to index
      %swap3A_606 = arith.constant 48 : index
      %swap3A_607 = tpu.vector_load %arg7[%swap3A_605, %swap3A_606] {strides = array<i32>} : memref<1024x64xf32, #tpu.memory_space<vmem>>, vector<16xf32>,
      tpu.vector_store %arg7[%swap3A_605, %swap3A_606], %broadcast_in_dim3A_1 {strides = array<i32>} : memref<1024x64xf32, #tpu.memory_space<vmem>>, vector<16xf32>,
      %scan3A_608 = arith.constant 1 : i32
      %scan3A_609 = arith.addi %scan3A_596, %scan3A_608 : i32
      %swap3A_610 = arith.index_cast %scan3A_609 : i32 to index
      %swap3A_611 = arith.constant 0 : index
      %swap3A_612 = tpu.vector_load %arg7[%swap3A_610, %swap3A_611] {strides = array<i32>} : memref<1024x64xf32, #tpu.memory_space<vmem>>, vector<16xf32>,
      tpu.vector_store %arg7[%swap3A_610, %swap3A_611], %broadcast_in_dim3A_1 {strides = array<i32>} : memref<1024x64xf32, #tpu.memory_space<vmem>>, vector<16xf32>,
      %swap3A_613 = arith.index_cast %scan3A_609 : i32 to index
      %swap3A_614 = arith.constant 16 : index
      %swap3A_615 = tpu.vector_load %arg7[%swap3A_613, %swap3A_614] {strides = array<i32>} : memref<1024x64xf32, #tpu.memory_space<vmem>>, vector<16xf32>,
      tpu.vector_store %arg7[%swap3A_613, %swap3A_614], %broadcast_in_dim3A_1 {strides = array<i32>} : memref<1024x64xf32, #tpu.memory_space<vmem>>, vector<16xf32>,
      %swap3A_616 = arith.index_cast %scan3A_609 : i32 to index
      %swap3A_617 = arith.constant 32 : index
      %swap3A_618 = tpu.vector_load %arg7[%swap3A_616, %swap3A_617] {strides = array<i32>} : memref<1024x64xf32, #tpu.memory_space<vmem>>, vector<16xf32>,
      tpu.vector_store %arg7[%swap3A_616, %swap3A_617], %broadcast_in_dim3A_1 {strides = array<i32>} : memref<1024x64xf32, #tpu.memory_space<vmem>>, vector<16xf32>,
      %swap3A_619 = arith.index_cast %scan3A_609 : i32 to index
      %swap3A_620 = arith.constant 48 : index
      %swap3A_621 = tpu.vector_load %arg7[%swap3A_619, %swap3A_620] {strides = array<i32>} : memref<1024x64xf32, #tpu.memory_space<vmem>>, vector<16xf32>,
      tpu.vector_store %arg7[%swap3A_619, %swap3A_620], %broadcast_in_dim3A_1 {strides = array<i32>} : memref<1024x64xf32, #tpu.memory_space<vmem>>, vector<16xf32>,
      %scan3A_622 = arith.constant 2 : i32
      %scan3A_623 = arith.addi %scan3A_596, %scan3A_622 : i32
      %swap3A_624 = arith.index_cast %scan3A_623 : i32 to index
      %swap3A_625 = arith.constant 0 : index
      %swap3A_626 = tpu.vector_load %arg7[%swap3A_624, %swap3A_625] {strides = array<i32>} : memref<1024x64xf32, #tpu.memory_space<vmem>>, vector<16xf32>,
      tpu.vector_store %arg7[%swap3A_624, %swap3A_625], %broadcast_in_dim3A_1 {strides = array<i32>} : memref<1024x64xf32, #tpu.memory_space<vmem>>, vector<16xf32>,
      %swap3A_627 = arith.index_cast %scan3A_623 : i32 to index
      %swap3A_628 = arith.constant 16 : index
      %swap3A_629 = tpu.vector_load %arg7[%swap3A_627, %swap3A_628] {strides = array<i32>} : memref<1024x64xf32, #tpu.memory_space<vmem>>, vector<16xf32>,
      tpu.vector_store %arg7[%swap3A_627, %swap3A_628], %broadcast_in_dim3A_1 {strides = array<i32>} : memref<1024x64xf32, #tpu.memory_space<vmem>>, vector<16xf32>,
      %swap3A_630 = arith.index_cast %scan3A_623 : i32 to index
      %swap3A_631 = arith.constant 32 : index
      %swap3A_632 = tpu.vector_load %arg7[%swap3A_630, %swap3A_631] {strides = array<i32>} : memref<1024x64xf32, #tpu.memory_space<vmem>>, vector<16xf32>,
      tpu.vector_store %arg7[%swap3A_630, %swap3A_631], %broadcast_in_dim3A_1 {strides = array<i32>} : memref<1024x64xf32, #tpu.memory_space<vmem>>, vector<16xf32>,
      %swap3A_633 = arith.index_cast %scan3A_623 : i32 to index
      %swap3A_634 = arith.constant 48 : index
      %swap3A_635 = tpu.vector_load %arg7[%swap3A_633, %swap3A_634] {strides = array<i32>} : memref<1024x64xf32, #tpu.memory_space<vmem>>, vector<16xf32>,
      tpu.vector_store %arg7[%swap3A_633, %swap3A_634], %broadcast_in_dim3A_1 {strides = array<i32>} : memref<1024x64xf32, #tpu.memory_space<vmem>>, vector<16xf32>,
      %scan3A_636 = arith.constant 3 : i32
      %scan3A_637 = arith.addi %scan3A_596, %scan3A_636 : i32
      %swap3A_638 = arith.index_cast %scan3A_637 : i32 to index
      %swap3A_639 = arith.constant 0 : index
      %swap3A_640 = tpu.vector_load %arg7[%swap3A_638, %swap3A_639] {strides = array<i32>} : memref<1024x64xf32, #tpu.memory_space<vmem>>, vector<16xf32>,
      tpu.vector_store %arg7[%swap3A_638, %swap3A_639], %broadcast_in_dim3A_1 {strides = array<i32>} : memref<1024x64xf32, #tpu.memory_space<vmem>>, vector<16xf32>,
      %swap3A_641 = arith.index_cast %scan3A_637 : i32 to index
      %swap3A_642 = arith.constant 16 : index
      %swap3A_643 = tpu.vector_load %arg7[%swap3A_641, %swap3A_642] {strides = array<i32>} : memref<1024x64xf32, #tpu.memory_space<vmem>>, vector<16xf32>,
      tpu.vector_store %arg7[%swap3A_641, %swap3A_642], %broadcast_in_dim3A_1 {strides = array<i32>} : memref<1024x64xf32, #tpu.memory_space<vmem>>, vector<16xf32>,
      %swap3A_644 = arith.index_cast %scan3A_637 : i32 to index
      %swap3A_645 = arith.constant 32 : index
      %swap3A_646 = tpu.vector_load %arg7[%swap3A_644, %swap3A_645] {strides = array<i32>} : memref<1024x64xf32, #tpu.memory_space<vmem>>, vector<16xf32>,
      tpu.vector_store %arg7[%swap3A_644, %swap3A_645], %broadcast_in_dim3A_1 {strides = array<i32>} : memref<1024x64xf32, #tpu.memory_space<vmem>>, vector<16xf32>,
      %swap3A_647 = arith.index_cast %scan3A_637 : i32 to index
      %swap3A_648 = arith.constant 48 : index
      %swap3A_649 = tpu.vector_load %arg7[%swap3A_647, %swap3A_648] {strides = array<i32>} : memref<1024x64xf32, #tpu.memory_space<vmem>>, vector<16xf32>,
      tpu.vector_store %arg7[%swap3A_647, %swap3A_648], %broadcast_in_dim3A_1 {strides = array<i32>} : memref<1024x64xf32, #tpu.memory_space<vmem>>, vector<16xf32>,
    }
    %scan3A_303 = arith.constant 1024 : i32
    %add3A_304 = arith.constant 0 : i32
    %add3A_305 = vector.broadcast %add3A_304 : i32 to vector<16xi32>
    %add3A_306 = arith.addi %iota3A, %add3A_305 : vector<16xi32>
    %get3A_307 = arith.constant 0 : i32
    %get3A_308 = arith.index_cast %get3A_307 : i32 to index
    %get3A_309 = arith.constant 64 : index
    %get3A_310 = tpu.vector_load %arg6[%get3A_308, %get3A_309] {strides = array<i32>} : memref<16x128xf32, #tpu.memory_space<vmem>>, vector<16xf32>,
    %get3A_311 = arith.constant 1 : i32
    %get3A_312 = arith.index_cast %get3A_311 : i32 to index
    %get3A_313 = arith.constant 64 : index
    %get3A_314 = tpu.vector_load %arg6[%get3A_312, %get3A_313] {strides = array<i32>} : memref<16x128xf32, #tpu.memory_space<vmem>>, vector<16xf32>,
    %get3A_315 = arith.constant 2 : i32
    %get3A_316 = arith.index_cast %get3A_315 : i32 to index
    %get3A_317 = arith.constant 64 : index
    %get3A_318 = tpu.vector_load %arg6[%get3A_316, %get3A_317] {strides = array<i32>} : memref<16x128xf32, #tpu.memory_space<vmem>>, vector<16xf32>,
    %get3A_319 = arith.constant 3 : i32
    %get3A_320 = arith.index_cast %get3A_319 : i32 to index
    %get3A_321 = arith.constant 64 : index
    %get3A_322 = tpu.vector_load %arg6[%get3A_320, %get3A_321] {strides = array<i32>} : memref<16x128xf32, #tpu.memory_space<vmem>>, vector<16xf32>,
    %get3A_323 = arith.constant 4 : i32
    %get3A_324 = arith.index_cast %get3A_323 : i32 to index
    %get3A_325 = arith.constant 64 : index
    %get3A_326 = tpu.vector_load %arg6[%get3A_324, %get3A_325] {strides = array<i32>} : memref<16x128xf32, #tpu.memory_space<vmem>>, vector<16xf32>,
    %get3A_327 = arith.constant 5 : i32
    %get3A_328 = arith.index_cast %get3A_327 : i32 to index
    %get3A_329 = arith.constant 64 : index
    %get3A_330 = tpu.vector_load %arg6[%get3A_328, %get3A_329] {strides = array<i32>} : memref<16x128xf32, #tpu.memory_space<vmem>>, vector<16xf32>,
    %get3A_331 = arith.constant 6 : i32
    %get3A_332 = arith.index_cast %get3A_331 : i32 to index
    %get3A_333 = arith.constant 64 : index
    %get3A_334 = tpu.vector_load %arg6[%get3A_332, %get3A_333] {strides = array<i32>} : memref<16x128xf32, #tpu.memory_space<vmem>>, vector<16xf32>,
    %get3A_335 = arith.constant 7 : i32
    %get3A_336 = arith.index_cast %get3A_335 : i32 to index
    %get3A_337 = arith.constant 64 : index
    %get3A_338 = tpu.vector_load %arg6[%get3A_336, %get3A_337] {strides = array<i32>} : memref<16x128xf32, #tpu.memory_space<vmem>>, vector<16xf32>,
    %get3A_339 = arith.constant 8 : i32
    %get3A_340 = arith.index_cast %get3A_339 : i32 to index
    %get3A_341 = arith.constant 64 : index
    %get3A_342 = tpu.vector_load %arg6[%get3A_340, %get3A_341] {strides = array<i32>} : memref<16x128xf32, #tpu.memory_space<vmem>>, vector<16xf32>,
    %get3A_343 = arith.constant 9 : i32
    %get3A_344 = arith.index_cast %get3A_343 : i32 to index
    %get3A_345 = arith.constant 64 : index
    %get3A_346 = tpu.vector_load %arg6[%get3A_344, %get3A_345] {strides = array<i32>} : memref<16x128xf32, #tpu.memory_space<vmem>>, vector<16xf32>,
    %get3A_347 = arith.constant 10 : i32
    %get3A_348 = arith.index_cast %get3A_347 : i32 to index
    %get3A_349 = arith.constant 64 : index
    %get3A_350 = tpu.vector_load %arg6[%get3A_348, %get3A_349] {strides = array<i32>} : memref<16x128xf32, #tpu.memory_space<vmem>>, vector<16xf32>,
    %get3A_351 = arith.constant 11 : i32
    %get3A_352 = arith.index_cast %get3A_351 : i32 to index
    %get3A_353 = arith.constant 64 : index
    %get3A_354 = tpu.vector_load %arg6[%get3A_352, %get3A_353] {strides = array<i32>} : memref<16x128xf32, #tpu.memory_space<vmem>>, vector<16xf32>,
    %get3A_355 = arith.constant 12 : i32
    %get3A_356 = arith.index_cast %get3A_355 : i32 to index
    %get3A_357 = arith.constant 64 : index
    %get3A_358 = tpu.vector_load %arg6[%get3A_356, %get3A_357] {strides = array<i32>} : memref<16x128xf32, #tpu.memory_space<vmem>>, vector<16xf32>,
    %get3A_359 = arith.constant 13 : i32
    %get3A_360 = arith.index_cast %get3A_359 : i32 to index
    %get3A_361 = arith.constant 64 : index
    %get3A_362 = tpu.vector_load %arg6[%get3A_360, %get3A_361] {strides = array<i32>} : memref<16x128xf32, #tpu.memory_space<vmem>>, vector<16xf32>,
    %get3A_363 = arith.constant 14 : i32
    %get3A_364 = arith.index_cast %get3A_363 : i32 to index
    %get3A_365 = arith.constant 64 : index
    %get3A_366 = tpu.vector_load %arg6[%get3A_364, %get3A_365] {strides = array<i32>} : memref<16x128xf32, #tpu.memory_space<vmem>>, vector<16xf32>,
    %get3A_367 = arith.constant 15 : i32
    %get3A_368 = arith.index_cast %get3A_367 : i32 to index
    %get3A_369 = arith.constant 64 : index
    %get3A_370 = tpu.vector_load %arg6[%get3A_368, %get3A_369] {strides = array<i32>} : memref<16x128xf32, #tpu.memory_space<vmem>>, vector<16xf32>,
    %scan3A_371 = arith.constant 0 : i32
    %scan3A_372 = arith.constant 0 : i32
    %scan3A_373 = arith.constant 50 : i32
    %scan3A_374 = arith.addi %scan3A_372, %scan3A_373 : i32
    %scan3A_375 = arith.constant 2 : i32
    scf.for %scan3A_596 = %scan3A_372 to %scan3A_374 step %scan3A_375  : i32 {
      %get3A_597 = arith.constant 0 : i32
      %get3A_598 = arith.index_cast %get3A_597 : i32 to index
      %get3A_599 = arith.index_cast %scan3A_596 : i32 to index
      %get3A_600 = arith.constant 0 : index
      %get3A_601 = tpu.vector_load %arg5[%get3A_598, %get3A_599, %get3A_600] {strides = array<i32>} : memref<16x50x64xi32, #tpu.memory_space<vmem>>, vector<16xi32>,
      %get3A_602 = arith.constant 1 : i32
      %get3A_603 = arith.index_cast %get3A_602 : i32 to index
      %get3A_604 = arith.index_cast %scan3A_596 : i32 to index
      %get3A_605 = arith.constant 0 : index
      %get3A_606 = tpu.vector_load %arg5[%get3A_603, %get3A_604, %get3A_605] {strides = array<i32>} : memref<16x50x64xi32, #tpu.memory_space<vmem>>, vector<16xi32>,
      %get3A_607 = arith.constant 2 : i32
      %get3A_608 = arith.index_cast %get3A_607 : i32 to index
      %get3A_609 = arith.index_cast %scan3A_596 : i32 to index
      %get3A_610 = arith.constant 0 : index
      %get3A_611 = tpu.vector_load %arg5[%get3A_608, %get3A_609, %get3A_610] {strides = array<i32>} : memref<16x50x64xi32, #tpu.memory_space<vmem>>, vector<16xi32>,
      %get3A_612 = arith.constant 3 : i32
      %get3A_613 = arith.index_cast %get3A_612 : i32 to index
      %get3A_614 = arith.index_cast %scan3A_596 : i32 to index
      %get3A_615 = arith.constant 0 : index
      %get3A_616 = tpu.vector_load %arg5[%get3A_613, %get3A_614, %get3A_615] {strides = array<i32>} : memref<16x50x64xi32, #tpu.memory_space<vmem>>, vector<16xi32>,
      %get3A_617 = arith.constant 4 : i32
      %get3A_618 = arith.index_cast %get3A_617 : i32 to index
      %get3A_619 = arith.index_cast %scan3A_596 : i32 to index
      %get3A_620 = arith.constant 0 : index
      %get3A_621 = tpu.vector_load %arg5[%get3A_618, %get3A_619, %get3A_620] {strides = array<i32>} : memref<16x50x64xi32, #tpu.memory_space<vmem>>, vector<16xi32>,
      %get3A_622 = arith.constant 5 : i32
      %get3A_623 = arith.index_cast %get3A_622 : i32 to index
      %get3A_624 = arith.index_cast %scan3A_596 : i32 to index
      %get3A_625 = arith.constant 0 : index
      %get3A_626 = tpu.vector_load %arg5[%get3A_623, %get3A_624, %get3A_625] {strides = array<i32>} : memref<16x50x64xi32, #tpu.memory_space<vmem>>, vector<16xi32>,
      %get3A_627 = arith.constant 6 : i32
      %get3A_628 = arith.index_cast %get3A_627 : i32 to index
      %get3A_629 = arith.index_cast %scan3A_596 : i32 to index
      %get3A_630 = arith.constant 0 : index
      %get3A_631 = tpu.vector_load %arg5[%get3A_628, %get3A_629, %get3A_630] {strides = array<i32>} : memref<16x50x64xi32, #tpu.memory_space<vmem>>, vector<16xi32>,
      %get3A_632 = arith.constant 7 : i32
      %get3A_633 = arith.index_cast %get3A_632 : i32 to index
      %get3A_634 = arith.index_cast %scan3A_596 : i32 to index
      %get3A_635 = arith.constant 0 : index
      %get3A_636 = tpu.vector_load %arg5[%get3A_633, %get3A_634, %get3A_635] {strides = array<i32>} : memref<16x50x64xi32, #tpu.memory_space<vmem>>, vector<16xi32>,
      %get3A_637 = arith.constant 8 : i32
      %get3A_638 = arith.index_cast %get3A_637 : i32 to index
      %get3A_639 = arith.index_cast %scan3A_596 : i32 to index
      %get3A_640 = arith.constant 0 : index
      %get3A_641 = tpu.vector_load %arg5[%get3A_638, %get3A_639, %get3A_640] {strides = array<i32>} : memref<16x50x64xi32, #tpu.memory_space<vmem>>, vector<16xi32>,
      %get3A_642 = arith.constant 9 : i32
      %get3A_643 = arith.index_cast %get3A_642 : i32 to index
      %get3A_644 = arith.index_cast %scan3A_596 : i32 to index
      %get3A_645 = arith.constant 0 : index
      %get3A_646 = tpu.vector_load %arg5[%get3A_643, %get3A_644, %get3A_645] {strides = array<i32>} : memref<16x50x64xi32, #tpu.memory_space<vmem>>, vector<16xi32>,
      %get3A_647 = arith.constant 10 : i32
      %get3A_648 = arith.index_cast %get3A_647 : i32 to index
      %get3A_649 = arith.index_cast %scan3A_596 : i32 to index
      %get3A_650 = arith.constant 0 : index
      %get3A_651 = tpu.vector_load %arg5[%get3A_648, %get3A_649, %get3A_650] {strides = array<i32>} : memref<16x50x64xi32, #tpu.memory_space<vmem>>, vector<16xi32>,
      %get3A_652 = arith.constant 11 : i32
      %get3A_653 = arith.index_cast %get3A_652 : i32 to index
      %get3A_654 = arith.index_cast %scan3A_596 : i32 to index
      %get3A_655 = arith.constant 0 : index
      %get3A_656 = tpu.vector_load %arg5[%get3A_653, %get3A_654, %get3A_655] {strides = array<i32>} : memref<16x50x64xi32, #tpu.memory_space<vmem>>, vector<16xi32>,
      %get3A_657 = arith.constant 12 : i32
      %get3A_658 = arith.index_cast %get3A_657 : i32 to index
      %get3A_659 = arith.index_cast %scan3A_596 : i32 to index
      %get3A_660 = arith.constant 0 : index
      %get3A_661 = tpu.vector_load %arg5[%get3A_658, %get3A_659, %get3A_660] {strides = array<i32>} : memref<16x50x64xi32, #tpu.memory_space<vmem>>, vector<16xi32>,
      %get3A_662 = arith.constant 13 : i32
      %get3A_663 = arith.index_cast %get3A_662 : i32 to index
      %get3A_664 = arith.index_cast %scan3A_596 : i32 to index
      %get3A_665 = arith.constant 0 : index
      %get3A_666 = tpu.vector_load %arg5[%get3A_663, %get3A_664, %get3A_665] {strides = array<i32>} : memref<16x50x64xi32, #tpu.memory_space<vmem>>, vector<16xi32>,
      %get3A_667 = arith.constant 14 : i32
      %get3A_668 = arith.index_cast %get3A_667 : i32 to index
      %get3A_669 = arith.index_cast %scan3A_596 : i32 to index
      %get3A_670 = arith.constant 0 : index
      %get3A_671 = tpu.vector_load %arg5[%get3A_668, %get3A_669, %get3A_670] {strides = array<i32>} : memref<16x50x64xi32, #tpu.memory_space<vmem>>, vector<16xi32>,
      %get3A_672 = arith.constant 15 : i32
      %get3A_673 = arith.index_cast %get3A_672 : i32 to index
      %get3A_674 = arith.index_cast %scan3A_596 : i32 to index
      %get3A_675 = arith.constant 0 : index
      %get3A_676 = tpu.vector_load %arg5[%get3A_673, %get3A_674, %get3A_675] {strides = array<i32>} : memref<16x50x64xi32, #tpu.memory_space<vmem>>, vector<16xi32>,
      tpu.vector_store_idx %arg7[%get3A_601, %add3A_306], %get3A_310 {add = true} : memref<1024x64xf32, #tpu.memory_space<vmem>>[vector<16xi32>, vector<16xi32>], vector<16xf32>,
      tpu.vector_store_idx %arg7[%get3A_606, %add3A_306], %get3A_314 {add = true} : memref<1024x64xf32, #tpu.memory_space<vmem>>[vector<16xi32>, vector<16xi32>], vector<16xf32>,
      tpu.vector_store_idx %arg7[%get3A_611, %add3A_306], %get3A_318 {add = true} : memref<1024x64xf32, #tpu.memory_space<vmem>>[vector<16xi32>, vector<16xi32>], vector<16xf32>,
      tpu.vector_store_idx %arg7[%get3A_616, %add3A_306], %get3A_322 {add = true} : memref<1024x64xf32, #tpu.memory_space<vmem>>[vector<16xi32>, vector<16xi32>], vector<16xf32>,
      tpu.vector_store_idx %arg7[%get3A_621, %add3A_306], %get3A_326 {add = true} : memref<1024x64xf32, #tpu.memory_space<vmem>>[vector<16xi32>, vector<16xi32>], vector<16xf32>,
      tpu.vector_store_idx %arg7[%get3A_626, %add3A_306], %get3A_330 {add = true} : memref<1024x64xf32, #tpu.memory_space<vmem>>[vector<16xi32>, vector<16xi32>], vector<16xf32>,
      tpu.vector_store_idx %arg7[%get3A_631, %add3A_306], %get3A_334 {add = true} : memref<1024x64xf32, #tpu.memory_space<vmem>>[vector<16xi32>, vector<16xi32>], vector<16xf32>,
      tpu.vector_store_idx %arg7[%get3A_636, %add3A_306], %get3A_338 {add = true} : memref<1024x64xf32, #tpu.memory_space<vmem>>[vector<16xi32>, vector<16xi32>], vector<16xf32>,
      tpu.vector_store_idx %arg7[%get3A_641, %add3A_306], %get3A_342 {add = true} : memref<1024x64xf32, #tpu.memory_space<vmem>>[vector<16xi32>, vector<16xi32>], vector<16xf32>,
      tpu.vector_store_idx %arg7[%get3A_646, %add3A_306], %get3A_346 {add = true} : memref<1024x64xf32, #tpu.memory_space<vmem>>[vector<16xi32>, vector<16xi32>], vector<16xf32>,
      tpu.vector_store_idx %arg7[%get3A_651, %add3A_306], %get3A_350 {add = true} : memref<1024x64xf32, #tpu.memory_space<vmem>>[vector<16xi32>, vector<16xi32>], vector<16xf32>,
      tpu.vector_store_idx %arg7[%get3A_656, %add3A_306], %get3A_354 {add = true} : memref<1024x64xf32, #tpu.memory_space<vmem>>[vector<16xi32>, vector<16xi32>], vector<16xf32>,
      tpu.vector_store_idx %arg7[%get3A_661, %add3A_306], %get3A_358 {add = true} : memref<1024x64xf32, #tpu.memory_space<vmem>>[vector<16xi32>, vector<16xi32>], vector<16xf32>,
      tpu.vector_store_idx %arg7[%get3A_666, %add3A_306], %get3A_362 {add = true} : memref<1024x64xf32, #tpu.memory_space<vmem>>[vector<16xi32>, vector<16xi32>], vector<16xf32>,
      tpu.vector_store_idx %arg7[%get3A_671, %add3A_306], %get3A_366 {add = true} : memref<1024x64xf32, #tpu.memory_space<vmem>>[vector<16xi32>, vector<16xi32>], vector<16xf32>,
      tpu.vector_store_idx %arg7[%get3A_676, %add3A_306], %get3A_370 {add = true} : memref<1024x64xf32, #tpu.memory_space<vmem>>[vector<16xi32>, vector<16xi32>], vector<16xf32>,
      %scan3A_677 = arith.constant 1 : i32
      %scan3A_678 = arith.addi %scan3A_596, %scan3A_677 : i32
      %get3A_679 = arith.constant 0 : i32
      %get3A_680 = arith.index_cast %get3A_679 : i32 to index
      %get3A_681 = arith.index_cast %scan3A_678 : i32 to index
      %get3A_682 = arith.constant 0 : index
      %get3A_683 = tpu.vector_load %arg5[%get3A_680, %get3A_681, %get3A_682] {strides = array<i32>} : memref<16x50x64xi32, #tpu.memory_space<vmem>>, vector<16xi32>,
      %get3A_684 = arith.constant 1 : i32
      %get3A_685 = arith.index_cast %get3A_684 : i32 to index
      %get3A_686 = arith.index_cast %scan3A_678 : i32 to index
      %get3A_687 = arith.constant 0 : index
      %get3A_688 = tpu.vector_load %arg5[%get3A_685, %get3A_686, %get3A_687] {strides = array<i32>} : memref<16x50x64xi32, #tpu.memory_space<vmem>>, vector<16xi32>,
      %get3A_689 = arith.constant 2 : i32
      %get3A_690 = arith.index_cast %get3A_689 : i32 to index
      %get3A_691 = arith.index_cast %scan3A_678 : i32 to index
      %get3A_692 = arith.constant 0 : index
      %get3A_693 = tpu.vector_load %arg5[%get3A_690, %get3A_691, %get3A_692] {strides = array<i32>} : memref<16x50x64xi32, #tpu.memory_space<vmem>>, vector<16xi32>,
      %get3A_694 = arith.constant 3 : i32
      %get3A_695 = arith.index_cast %get3A_694 : i32 to index
      %get3A_696 = arith.index_cast %scan3A_678 : i32 to index
      %get3A_697 = arith.constant 0 : index
      %get3A_698 = tpu.vector_load %arg5[%get3A_695, %get3A_696, %get3A_697] {strides = array<i32>} : memref<16x50x64xi32, #tpu.memory_space<vmem>>, vector<16xi32>,
      %get3A_699 = arith.constant 4 : i32
      %get3A_700 = arith.index_cast %get3A_699 : i32 to index
      %get3A_701 = arith.index_cast %scan3A_678 : i32 to index
      %get3A_702 = arith.constant 0 : index
      %get3A_703 = tpu.vector_load %arg5[%get3A_700, %get3A_701, %get3A_702] {strides = array<i32>} : memref<16x50x64xi32, #tpu.memory_space<vmem>>, vector<16xi32>,
      %get3A_704 = arith.constant 5 : i32
      %get3A_705 = arith.index_cast %get3A_704 : i32 to index
      %get3A_706 = arith.index_cast %scan3A_678 : i32 to index
      %get3A_707 = arith.constant 0 : index
      %get3A_708 = tpu.vector_load %arg5[%get3A_705, %get3A_706, %get3A_707] {strides = array<i32>} : memref<16x50x64xi32, #tpu.memory_space<vmem>>, vector<16xi32>,
      %get3A_709 = arith.constant 6 : i32
      %get3A_710 = arith.index_cast %get3A_709 : i32 to index
      %get3A_711 = arith.index_cast %scan3A_678 : i32 to index
      %get3A_712 = arith.constant 0 : index
      %get3A_713 = tpu.vector_load %arg5[%get3A_710, %get3A_711, %get3A_712] {strides = array<i32>} : memref<16x50x64xi32, #tpu.memory_space<vmem>>, vector<16xi32>,
      %get3A_714 = arith.constant 7 : i32
      %get3A_715 = arith.index_cast %get3A_714 : i32 to index
      %get3A_716 = arith.index_cast %scan3A_678 : i32 to index
      %get3A_717 = arith.constant 0 : index
      %get3A_718 = tpu.vector_load %arg5[%get3A_715, %get3A_716, %get3A_717] {strides = array<i32>} : memref<16x50x64xi32, #tpu.memory_space<vmem>>, vector<16xi32>,
      %get3A_719 = arith.constant 8 : i32
      %get3A_720 = arith.index_cast %get3A_719 : i32 to index
      %get3A_721 = arith.index_cast %scan3A_678 : i32 to index
      %get3A_722 = arith.constant 0 : index
      %get3A_723 = tpu.vector_load %arg5[%get3A_720, %get3A_721, %get3A_722] {strides = array<i32>} : memref<16x50x64xi32, #tpu.memory_space<vmem>>, vector<16xi32>,
      %get3A_724 = arith.constant 9 : i32
      %get3A_725 = arith.index_cast %get3A_724 : i32 to index
      %get3A_726 = arith.index_cast %scan3A_678 : i32 to index
      %get3A_727 = arith.constant 0 : index
      %get3A_728 = tpu.vector_load %arg5[%get3A_725, %get3A_726, %get3A_727] {strides = array<i32>} : memref<16x50x64xi32, #tpu.memory_space<vmem>>, vector<16xi32>,
      %get3A_729 = arith.constant 10 : i32
      %get3A_730 = arith.index_cast %get3A_729 : i32 to index
      %get3A_731 = arith.index_cast %scan3A_678 : i32 to index
      %get3A_732 = arith.constant 0 : index
      %get3A_733 = tpu.vector_load %arg5[%get3A_730, %get3A_731, %get3A_732] {strides = array<i32>} : memref<16x50x64xi32, #tpu.memory_space<vmem>>, vector<16xi32>,
      %get3A_734 = arith.constant 11 : i32
      %get3A_735 = arith.index_cast %get3A_734 : i32 to index
      %get3A_736 = arith.index_cast %scan3A_678 : i32 to index
      %get3A_737 = arith.constant 0 : index
      %get3A_738 = tpu.vector_load %arg5[%get3A_735, %get3A_736, %get3A_737] {strides = array<i32>} : memref<16x50x64xi32, #tpu.memory_space<vmem>>, vector<16xi32>,
      %get3A_739 = arith.constant 12 : i32
      %get3A_740 = arith.index_cast %get3A_739 : i32 to index
      %get3A_741 = arith.index_cast %scan3A_678 : i32 to index
      %get3A_742 = arith.constant 0 : index
      %get3A_743 = tpu.vector_load %arg5[%get3A_740, %get3A_741, %get3A_742] {strides = array<i32>} : memref<16x50x64xi32, #tpu.memory_space<vmem>>, vector<16xi32>,
      %get3A_744 = arith.constant 13 : i32
      %get3A_745 = arith.index_cast %get3A_744 : i32 to index
      %get3A_746 = arith.index_cast %scan3A_678 : i32 to index
      %get3A_747 = arith.constant 0 : index
      %get3A_748 = tpu.vector_load %arg5[%get3A_745, %get3A_746, %get3A_747] {strides = array<i32>} : memref<16x50x64xi32, #tpu.memory_space<vmem>>, vector<16xi32>,
      %get3A_749 = arith.constant 14 : i32
      %get3A_750 = arith.index_cast %get3A_749 : i32 to index
      %get3A_751 = arith.index_cast %scan3A_678 : i32 to index
      %get3A_752 = arith.constant 0 : index
      %get3A_753 = tpu.vector_load %arg5[%get3A_750, %get3A_751, %get3A_752] {strides = array<i32>} : memref<16x50x64xi32, #tpu.memory_space<vmem>>, vector<16xi32>,
      %get3A_754 = arith.constant 15 : i32
      %get3A_755 = arith.index_cast %get3A_754 : i32 to index
      %get3A_756 = arith.index_cast %scan3A_678 : i32 to index
      %get3A_757 = arith.constant 0 : index
      %get3A_758 = tpu.vector_load %arg5[%get3A_755, %get3A_756, %get3A_757] {strides = array<i32>} : memref<16x50x64xi32, #tpu.memory_space<vmem>>, vector<16xi32>,
      tpu.vector_store_idx %arg7[%get3A_683, %add3A_306], %get3A_310 {add = true} : memref<1024x64xf32, #tpu.memory_space<vmem>>[vector<16xi32>, vector<16xi32>], vector<16xf32>,
      tpu.vector_store_idx %arg7[%get3A_688, %add3A_306], %get3A_314 {add = true} : memref<1024x64xf32, #tpu.memory_space<vmem>>[vector<16xi32>, vector<16xi32>], vector<16xf32>,
      tpu.vector_store_idx %arg7[%get3A_693, %add3A_306], %get3A_318 {add = true} : memref<1024x64xf32, #tpu.memory_space<vmem>>[vector<16xi32>, vector<16xi32>], vector<16xf32>,
      tpu.vector_store_idx %arg7[%get3A_698, %add3A_306], %get3A_322 {add = true} : memref<1024x64xf32, #tpu.memory_space<vmem>>[vector<16xi32>, vector<16xi32>], vector<16xf32>,
      tpu.vector_store_idx %arg7[%get3A_703, %add3A_306], %get3A_326 {add = true} : memref<1024x64xf32, #tpu.memory_space<vmem>>[vector<16xi32>, vector<16xi32>], vector<16xf32>,
      tpu.vector_store_idx %arg7[%get3A_708, %add3A_306], %get3A_330 {add = true} : memref<1024x64xf32, #tpu.memory_space<vmem>>[vector<16xi32>, vector<16xi32>], vector<16xf32>,
      tpu.vector_store_idx %arg7[%get3A_713, %add3A_306], %get3A_334 {add = true} : memref<1024x64xf32, #tpu.memory_space<vmem>>[vector<16xi32>, vector<16xi32>], vector<16xf32>,
      tpu.vector_store_idx %arg7[%get3A_718, %add3A_306], %get3A_338 {add = true} : memref<1024x64xf32, #tpu.memory_space<vmem>>[vector<16xi32>, vector<16xi32>], vector<16xf32>,
      tpu.vector_store_idx %arg7[%get3A_723, %add3A_306], %get3A_342 {add = true} : memref<1024x64xf32, #tpu.memory_space<vmem>>[vector<16xi32>, vector<16xi32>], vector<16xf32>,
      tpu.vector_store_idx %arg7[%get3A_728, %add3A_306], %get3A_346 {add = true} : memref<1024x64xf32, #tpu.memory_space<vmem>>[vector<16xi32>, vector<16xi32>], vector<16xf32>,
      tpu.vector_store_idx %arg7[%get3A_733, %add3A_306], %get3A_350 {add = true} : memref<1024x64xf32, #tpu.memory_space<vmem>>[vector<16xi32>, vector<16xi32>], vector<16xf32>,
      tpu.vector_store_idx %arg7[%get3A_738, %add3A_306], %get3A_354 {add = true} : memref<1024x64xf32, #tpu.memory_space<vmem>>[vector<16xi32>, vector<16xi32>], vector<16xf32>,
      tpu.vector_store_idx %arg7[%get3A_743, %add3A_306], %get3A_358 {add = true} : memref<1024x64xf32, #tpu.memory_space<vmem>>[vector<16xi32>, vector<16xi32>], vector<16xf32>,
      tpu.vector_store_idx %arg7[%get3A_748, %add3A_306], %get3A_362 {add = true} : memref<1024x64xf32, #tpu.memory_space<vmem>>[vector<16xi32>, vector<16xi32>], vector<16xf32>,
      tpu.vector_store_idx %arg7[%get3A_753, %add3A_306], %get3A_366 {add = true} : memref<1024x64xf32, #tpu.memory_space<vmem>>[vector<16xi32>, vector<16xi32>], vector<16xf32>,
      tpu.vector_store_idx %arg7[%get3A_758, %add3A_306], %get3A_370 {add = true} : memref<1024x64xf32, #tpu.memory_space<vmem>>[vector<16xi32>, vector<16xi32>], vector<16xf32>,
    }
    %scan3A_376 = arith.constant 50 : i32
    %add3A_377 = arith.constant 16 : i32
    %add3A_378 = vector.broadcast %add3A_377 : i32 to vector<16xi32>
    %add3A_379 = arith.addi %iota3A, %add3A_378 : vector<16xi32>
    %get3A_380 = arith.constant 0 : i32
    %get3A_381 = arith.index_cast %get3A_380 : i32 to index
    %get3A_382 = arith.constant 80 : index
    %get3A_383 = tpu.vector_load %arg6[%get3A_381, %get3A_382] {strides = array<i32>} : memref<16x128xf32, #tpu.memory_space<vmem>>, vector<16xf32>,
    %get3A_384 = arith.constant 1 : i32
    %get3A_385 = arith.index_cast %get3A_384 : i32 to index
    %get3A_386 = arith.constant 80 : index
    %get3A_387 = tpu.vector_load %arg6[%get3A_385, %get3A_386] {strides = array<i32>} : memref<16x128xf32, #tpu.memory_space<vmem>>, vector<16xf32>,
    %get3A_388 = arith.constant 2 : i32
    %get3A_389 = arith.index_cast %get3A_388 : i32 to index
    %get3A_390 = arith.constant 80 : index
    %get3A_391 = tpu.vector_load %arg6[%get3A_389, %get3A_390] {strides = array<i32>} : memref<16x128xf32, #tpu.memory_space<vmem>>, vector<16xf32>,
    %get3A_392 = arith.constant 3 : i32
    %get3A_393 = arith.index_cast %get3A_392 : i32 to index
    %get3A_394 = arith.constant 80 : index
    %get3A_395 = tpu.vector_load %arg6[%get3A_393, %get3A_394] {strides = array<i32>} : memref<16x128xf32, #tpu.memory_space<vmem>>, vector<16xf32>,
    %get3A_396 = arith.constant 4 : i32
    %get3A_397 = arith.index_cast %get3A_396 : i32 to index
    %get3A_398 = arith.constant 80 : index
    %get3A_399 = tpu.vector_load %arg6[%get3A_397, %get3A_398] {strides = array<i32>} : memref<16x128xf32, #tpu.memory_space<vmem>>, vector<16xf32>,
    %get3A_400 = arith.constant 5 : i32
    %get3A_401 = arith.index_cast %get3A_400 : i32 to index
    %get3A_402 = arith.constant 80 : index
    %get3A_403 = tpu.vector_load %arg6[%get3A_401, %get3A_402] {strides = array<i32>} : memref<16x128xf32, #tpu.memory_space<vmem>>, vector<16xf32>,
    %get3A_404 = arith.constant 6 : i32
    %get3A_405 = arith.index_cast %get3A_404 : i32 to index
    %get3A_406 = arith.constant 80 : index
    %get3A_407 = tpu.vector_load %arg6[%get3A_405, %get3A_406] {strides = array<i32>} : memref<16x128xf32, #tpu.memory_space<vmem>>, vector<16xf32>,
    %get3A_408 = arith.constant 7 : i32
    %get3A_409 = arith.index_cast %get3A_408 : i32 to index
    %get3A_410 = arith.constant 80 : index
    %get3A_411 = tpu.vector_load %arg6[%get3A_409, %get3A_410] {strides = array<i32>} : memref<16x128xf32, #tpu.memory_space<vmem>>, vector<16xf32>,
    %get3A_412 = arith.constant 8 : i32
    %get3A_413 = arith.index_cast %get3A_412 : i32 to index
    %get3A_414 = arith.constant 80 : index
    %get3A_415 = tpu.vector_load %arg6[%get3A_413, %get3A_414] {strides = array<i32>} : memref<16x128xf32, #tpu.memory_space<vmem>>, vector<16xf32>,
    %get3A_416 = arith.constant 9 : i32
    %get3A_417 = arith.index_cast %get3A_416 : i32 to index
    %get3A_418 = arith.constant 80 : index
    %get3A_419 = tpu.vector_load %arg6[%get3A_417, %get3A_418] {strides = array<i32>} : memref<16x128xf32, #tpu.memory_space<vmem>>, vector<16xf32>,
    %get3A_420 = arith.constant 10 : i32
    %get3A_421 = arith.index_cast %get3A_420 : i32 to index
    %get3A_422 = arith.constant 80 : index
    %get3A_423 = tpu.vector_load %arg6[%get3A_421, %get3A_422] {strides = array<i32>} : memref<16x128xf32, #tpu.memory_space<vmem>>, vector<16xf32>,
    %get3A_424 = arith.constant 11 : i32
    %get3A_425 = arith.index_cast %get3A_424 : i32 to index
    %get3A_426 = arith.constant 80 : index
    %get3A_427 = tpu.vector_load %arg6[%get3A_425, %get3A_426] {strides = array<i32>} : memref<16x128xf32, #tpu.memory_space<vmem>>, vector<16xf32>,
    %get3A_428 = arith.constant 12 : i32
    %get3A_429 = arith.index_cast %get3A_428 : i32 to index
    %get3A_430 = arith.constant 80 : index
    %get3A_431 = tpu.vector_load %arg6[%get3A_429, %get3A_430] {strides = array<i32>} : memref<16x128xf32, #tpu.memory_space<vmem>>, vector<16xf32>,
    %get3A_432 = arith.constant 13 : i32
    %get3A_433 = arith.index_cast %get3A_432 : i32 to index
    %get3A_434 = arith.constant 80 : index
    %get3A_435 = tpu.vector_load %arg6[%get3A_433, %get3A_434] {strides = array<i32>} : memref<16x128xf32, #tpu.memory_space<vmem>>, vector<16xf32>,
    %get3A_436 = arith.constant 14 : i32
    %get3A_437 = arith.index_cast %get3A_436 : i32 to index
    %get3A_438 = arith.constant 80 : index
    %get3A_439 = tpu.vector_load %arg6[%get3A_437, %get3A_438] {strides = array<i32>} : memref<16x128xf32, #tpu.memory_space<vmem>>, vector<16xf32>,
    %get3A_440 = arith.constant 15 : i32
    %get3A_441 = arith.index_cast %get3A_440 : i32 to index
    %get3A_442 = arith.constant 80 : index
    %get3A_443 = tpu.vector_load %arg6[%get3A_441, %get3A_442] {strides = array<i32>} : memref<16x128xf32, #tpu.memory_space<vmem>>, vector<16xf32>,
    %scan3A_444 = arith.constant 0 : i32
    %scan3A_445 = arith.constant 0 : i32
    %scan3A_446 = arith.constant 50 : i32
    %scan3A_447 = arith.addi %scan3A_445, %scan3A_446 : i32
    %scan3A_448 = arith.constant 2 : i32
    scf.for %scan3A_596 = %scan3A_445 to %scan3A_447 step %scan3A_448  : i32 {
      %get3A_597 = arith.constant 0 : i32
      %get3A_598 = arith.index_cast %get3A_597 : i32 to index
      %get3A_599 = arith.index_cast %scan3A_596 : i32 to index
      %get3A_600 = arith.constant 16 : index
      %get3A_601 = tpu.vector_load %arg5[%get3A_598, %get3A_599, %get3A_600] {strides = array<i32>} : memref<16x50x64xi32, #tpu.memory_space<vmem>>, vector<16xi32>,
      %get3A_602 = arith.constant 1 : i32
      %get3A_603 = arith.index_cast %get3A_602 : i32 to index
      %get3A_604 = arith.index_cast %scan3A_596 : i32 to index
      %get3A_605 = arith.constant 16 : index
      %get3A_606 = tpu.vector_load %arg5[%get3A_603, %get3A_604, %get3A_605] {strides = array<i32>} : memref<16x50x64xi32, #tpu.memory_space<vmem>>, vector<16xi32>,
      %get3A_607 = arith.constant 2 : i32
      %get3A_608 = arith.index_cast %get3A_607 : i32 to index
      %get3A_609 = arith.index_cast %scan3A_596 : i32 to index
      %get3A_610 = arith.constant 16 : index
      %get3A_611 = tpu.vector_load %arg5[%get3A_608, %get3A_609, %get3A_610] {strides = array<i32>} : memref<16x50x64xi32, #tpu.memory_space<vmem>>, vector<16xi32>,
      %get3A_612 = arith.constant 3 : i32
      %get3A_613 = arith.index_cast %get3A_612 : i32 to index
      %get3A_614 = arith.index_cast %scan3A_596 : i32 to index
      %get3A_615 = arith.constant 16 : index
      %get3A_616 = tpu.vector_load %arg5[%get3A_613, %get3A_614, %get3A_615] {strides = array<i32>} : memref<16x50x64xi32, #tpu.memory_space<vmem>>, vector<16xi32>,
      %get3A_617 = arith.constant 4 : i32
      %get3A_618 = arith.index_cast %get3A_617 : i32 to index
      %get3A_619 = arith.index_cast %scan3A_596 : i32 to index
      %get3A_620 = arith.constant 16 : index
      %get3A_621 = tpu.vector_load %arg5[%get3A_618, %get3A_619, %get3A_620] {strides = array<i32>} : memref<16x50x64xi32, #tpu.memory_space<vmem>>, vector<16xi32>,
      %get3A_622 = arith.constant 5 : i32
      %get3A_623 = arith.index_cast %get3A_622 : i32 to index
      %get3A_624 = arith.index_cast %scan3A_596 : i32 to index
      %get3A_625 = arith.constant 16 : index
      %get3A_626 = tpu.vector_load %arg5[%get3A_623, %get3A_624, %get3A_625] {strides = array<i32>} : memref<16x50x64xi32, #tpu.memory_space<vmem>>, vector<16xi32>,
      %get3A_627 = arith.constant 6 : i32
      %get3A_628 = arith.index_cast %get3A_627 : i32 to index
      %get3A_629 = arith.index_cast %scan3A_596 : i32 to index
      %get3A_630 = arith.constant 16 : index
      %get3A_631 = tpu.vector_load %arg5[%get3A_628, %get3A_629, %get3A_630] {strides = array<i32>} : memref<16x50x64xi32, #tpu.memory_space<vmem>>, vector<16xi32>,
      %get3A_632 = arith.constant 7 : i32
      %get3A_633 = arith.index_cast %get3A_632 : i32 to index
      %get3A_634 = arith.index_cast %scan3A_596 : i32 to index
      %get3A_635 = arith.constant 16 : index
      %get3A_636 = tpu.vector_load %arg5[%get3A_633, %get3A_634, %get3A_635] {strides = array<i32>} : memref<16x50x64xi32, #tpu.memory_space<vmem>>, vector<16xi32>,
      %get3A_637 = arith.constant 8 : i32
      %get3A_638 = arith.index_cast %get3A_637 : i32 to index
      %get3A_639 = arith.index_cast %scan3A_596 : i32 to index
      %get3A_640 = arith.constant 16 : index
      %get3A_641 = tpu.vector_load %arg5[%get3A_638, %get3A_639, %get3A_640] {strides = array<i32>} : memref<16x50x64xi32, #tpu.memory_space<vmem>>, vector<16xi32>,
      %get3A_642 = arith.constant 9 : i32
      %get3A_643 = arith.index_cast %get3A_642 : i32 to index
      %get3A_644 = arith.index_cast %scan3A_596 : i32 to index
      %get3A_645 = arith.constant 16 : index
      %get3A_646 = tpu.vector_load %arg5[%get3A_643, %get3A_644, %get3A_645] {strides = array<i32>} : memref<16x50x64xi32, #tpu.memory_space<vmem>>, vector<16xi32>,
      %get3A_647 = arith.constant 10 : i32
      %get3A_648 = arith.index_cast %get3A_647 : i32 to index
      %get3A_649 = arith.index_cast %scan3A_596 : i32 to index
      %get3A_650 = arith.constant 16 : index
      %get3A_651 = tpu.vector_load %arg5[%get3A_648, %get3A_649, %get3A_650] {strides = array<i32>} : memref<16x50x64xi32, #tpu.memory_space<vmem>>, vector<16xi32>,
      %get3A_652 = arith.constant 11 : i32
      %get3A_653 = arith.index_cast %get3A_652 : i32 to index
      %get3A_654 = arith.index_cast %scan3A_596 : i32 to index
      %get3A_655 = arith.constant 16 : index
      %get3A_656 = tpu.vector_load %arg5[%get3A_653, %get3A_654, %get3A_655] {strides = array<i32>} : memref<16x50x64xi32, #tpu.memory_space<vmem>>, vector<16xi32>,
      %get3A_657 = arith.constant 12 : i32
      %get3A_658 = arith.index_cast %get3A_657 : i32 to index
      %get3A_659 = arith.index_cast %scan3A_596 : i32 to index
      %get3A_660 = arith.constant 16 : index
      %get3A_661 = tpu.vector_load %arg5[%get3A_658, %get3A_659, %get3A_660] {strides = array<i32>} : memref<16x50x64xi32, #tpu.memory_space<vmem>>, vector<16xi32>,
      %get3A_662 = arith.constant 13 : i32
      %get3A_663 = arith.index_cast %get3A_662 : i32 to index
      %get3A_664 = arith.index_cast %scan3A_596 : i32 to index
      %get3A_665 = arith.constant 16 : index
      %get3A_666 = tpu.vector_load %arg5[%get3A_663, %get3A_664, %get3A_665] {strides = array<i32>} : memref<16x50x64xi32, #tpu.memory_space<vmem>>, vector<16xi32>,
      %get3A_667 = arith.constant 14 : i32
      %get3A_668 = arith.index_cast %get3A_667 : i32 to index
      %get3A_669 = arith.index_cast %scan3A_596 : i32 to index
      %get3A_670 = arith.constant 16 : index
      %get3A_671 = tpu.vector_load %arg5[%get3A_668, %get3A_669, %get3A_670] {strides = array<i32>} : memref<16x50x64xi32, #tpu.memory_space<vmem>>, vector<16xi32>,
      %get3A_672 = arith.constant 15 : i32
      %get3A_673 = arith.index_cast %get3A_672 : i32 to index
      %get3A_674 = arith.index_cast %scan3A_596 : i32 to index
      %get3A_675 = arith.constant 16 : index
      %get3A_676 = tpu.vector_load %arg5[%get3A_673, %get3A_674, %get3A_675] {strides = array<i32>} : memref<16x50x64xi32, #tpu.memory_space<vmem>>, vector<16xi32>,
      tpu.vector_store_idx %arg7[%get3A_601, %add3A_379], %get3A_383 {add = true} : memref<1024x64xf32, #tpu.memory_space<vmem>>[vector<16xi32>, vector<16xi32>], vector<16xf32>,
      tpu.vector_store_idx %arg7[%get3A_606, %add3A_379], %get3A_387 {add = true} : memref<1024x64xf32, #tpu.memory_space<vmem>>[vector<16xi32>, vector<16xi32>], vector<16xf32>,
      tpu.vector_store_idx %arg7[%get3A_611, %add3A_379], %get3A_391 {add = true} : memref<1024x64xf32, #tpu.memory_space<vmem>>[vector<16xi32>, vector<16xi32>], vector<16xf32>,
      tpu.vector_store_idx %arg7[%get3A_616, %add3A_379], %get3A_395 {add = true} : memref<1024x64xf32, #tpu.memory_space<vmem>>[vector<16xi32>, vector<16xi32>], vector<16xf32>,
      tpu.vector_store_idx %arg7[%get3A_621, %add3A_379], %get3A_399 {add = true} : memref<1024x64xf32, #tpu.memory_space<vmem>>[vector<16xi32>, vector<16xi32>], vector<16xf32>,
      tpu.vector_store_idx %arg7[%get3A_626, %add3A_379], %get3A_403 {add = true} : memref<1024x64xf32, #tpu.memory_space<vmem>>[vector<16xi32>, vector<16xi32>], vector<16xf32>,
      tpu.vector_store_idx %arg7[%get3A_631, %add3A_379], %get3A_407 {add = true} : memref<1024x64xf32, #tpu.memory_space<vmem>>[vector<16xi32>, vector<16xi32>], vector<16xf32>,
      tpu.vector_store_idx %arg7[%get3A_636, %add3A_379], %get3A_411 {add = true} : memref<1024x64xf32, #tpu.memory_space<vmem>>[vector<16xi32>, vector<16xi32>], vector<16xf32>,
      tpu.vector_store_idx %arg7[%get3A_641, %add3A_379], %get3A_415 {add = true} : memref<1024x64xf32, #tpu.memory_space<vmem>>[vector<16xi32>, vector<16xi32>], vector<16xf32>,
      tpu.vector_store_idx %arg7[%get3A_646, %add3A_379], %get3A_419 {add = true} : memref<1024x64xf32, #tpu.memory_space<vmem>>[vector<16xi32>, vector<16xi32>], vector<16xf32>,
      tpu.vector_store_idx %arg7[%get3A_651, %add3A_379], %get3A_423 {add = true} : memref<1024x64xf32, #tpu.memory_space<vmem>>[vector<16xi32>, vector<16xi32>], vector<16xf32>,
      tpu.vector_store_idx %arg7[%get3A_656, %add3A_379], %get3A_427 {add = true} : memref<1024x64xf32, #tpu.memory_space<vmem>>[vector<16xi32>, vector<16xi32>], vector<16xf32>,
      tpu.vector_store_idx %arg7[%get3A_661, %add3A_379], %get3A_431 {add = true} : memref<1024x64xf32, #tpu.memory_space<vmem>>[vector<16xi32>, vector<16xi32>], vector<16xf32>,
      tpu.vector_store_idx %arg7[%get3A_666, %add3A_379], %get3A_435 {add = true} : memref<1024x64xf32, #tpu.memory_space<vmem>>[vector<16xi32>, vector<16xi32>], vector<16xf32>,
      tpu.vector_store_idx %arg7[%get3A_671, %add3A_379], %get3A_439 {add = true} : memref<1024x64xf32, #tpu.memory_space<vmem>>[vector<16xi32>, vector<16xi32>], vector<16xf32>,
      tpu.vector_store_idx %arg7[%get3A_676, %add3A_379], %get3A_443 {add = true} : memref<1024x64xf32, #tpu.memory_space<vmem>>[vector<16xi32>, vector<16xi32>], vector<16xf32>,
      %scan3A_677 = arith.constant 1 : i32
      %scan3A_678 = arith.addi %scan3A_596, %scan3A_677 : i32
      %get3A_679 = arith.constant 0 : i32
      %get3A_680 = arith.index_cast %get3A_679 : i32 to index
      %get3A_681 = arith.index_cast %scan3A_678 : i32 to index
      %get3A_682 = arith.constant 16 : index
      %get3A_683 = tpu.vector_load %arg5[%get3A_680, %get3A_681, %get3A_682] {strides = array<i32>} : memref<16x50x64xi32, #tpu.memory_space<vmem>>, vector<16xi32>,
      %get3A_684 = arith.constant 1 : i32
      %get3A_685 = arith.index_cast %get3A_684 : i32 to index
      %get3A_686 = arith.index_cast %scan3A_678 : i32 to index
      %get3A_687 = arith.constant 16 : index
      %get3A_688 = tpu.vector_load %arg5[%get3A_685, %get3A_686, %get3A_687] {strides = array<i32>} : memref<16x50x64xi32, #tpu.memory_space<vmem>>, vector<16xi32>,
      %get3A_689 = arith.constant 2 : i32
      %get3A_690 = arith.index_cast %get3A_689 : i32 to index
      %get3A_691 = arith.index_cast %scan3A_678 : i32 to index
      %get3A_692 = arith.constant 16 : index
      %get3A_693 = tpu.vector_load %arg5[%get3A_690, %get3A_691, %get3A_692] {strides = array<i32>} : memref<16x50x64xi32, #tpu.memory_space<vmem>>, vector<16xi32>,
      %get3A_694 = arith.constant 3 : i32
      %get3A_695 = arith.index_cast %get3A_694 : i32 to index
      %get3A_696 = arith.index_cast %scan3A_678 : i32 to index
      %get3A_697 = arith.constant 16 : index
      %get3A_698 = tpu.vector_load %arg5[%get3A_695, %get3A_696, %get3A_697] {strides = array<i32>} : memref<16x50x64xi32, #tpu.memory_space<vmem>>, vector<16xi32>,
      %get3A_699 = arith.constant 4 : i32
      %get3A_700 = arith.index_cast %get3A_699 : i32 to index
      %get3A_701 = arith.index_cast %scan3A_678 : i32 to index
      %get3A_702 = arith.constant 16 : index
      %get3A_703 = tpu.vector_load %arg5[%get3A_700, %get3A_701, %get3A_702] {strides = array<i32>} : memref<16x50x64xi32, #tpu.memory_space<vmem>>, vector<16xi32>,
      %get3A_704 = arith.constant 5 : i32
      %get3A_705 = arith.index_cast %get3A_704 : i32 to index
      %get3A_706 = arith.index_cast %scan3A_678 : i32 to index
      %get3A_707 = arith.constant 16 : index
      %get3A_708 = tpu.vector_load %arg5[%get3A_705, %get3A_706, %get3A_707] {strides = array<i32>} : memref<16x50x64xi32, #tpu.memory_space<vmem>>, vector<16xi32>,
      %get3A_709 = arith.constant 6 : i32
      %get3A_710 = arith.index_cast %get3A_709 : i32 to index
      %get3A_711 = arith.index_cast %scan3A_678 : i32 to index
      %get3A_712 = arith.constant 16 : index
      %get3A_713 = tpu.vector_load %arg5[%get3A_710, %get3A_711, %get3A_712] {strides = array<i32>} : memref<16x50x64xi32, #tpu.memory_space<vmem>>, vector<16xi32>,
      %get3A_714 = arith.constant 7 : i32
      %get3A_715 = arith.index_cast %get3A_714 : i32 to index
      %get3A_716 = arith.index_cast %scan3A_678 : i32 to index
      %get3A_717 = arith.constant 16 : index
      %get3A_718 = tpu.vector_load %arg5[%get3A_715, %get3A_716, %get3A_717] {strides = array<i32>} : memref<16x50x64xi32, #tpu.memory_space<vmem>>, vector<16xi32>,
      %get3A_719 = arith.constant 8 : i32
      %get3A_720 = arith.index_cast %get3A_719 : i32 to index
      %get3A_721 = arith.index_cast %scan3A_678 : i32 to index
      %get3A_722 = arith.constant 16 : index
      %get3A_723 = tpu.vector_load %arg5[%get3A_720, %get3A_721, %get3A_722] {strides = array<i32>} : memref<16x50x64xi32, #tpu.memory_space<vmem>>, vector<16xi32>,
      %get3A_724 = arith.constant 9 : i32
      %get3A_725 = arith.index_cast %get3A_724 : i32 to index
      %get3A_726 = arith.index_cast %scan3A_678 : i32 to index
      %get3A_727 = arith.constant 16 : index
      %get3A_728 = tpu.vector_load %arg5[%get3A_725, %get3A_726, %get3A_727] {strides = array<i32>} : memref<16x50x64xi32, #tpu.memory_space<vmem>>, vector<16xi32>,
      %get3A_729 = arith.constant 10 : i32
      %get3A_730 = arith.index_cast %get3A_729 : i32 to index
      %get3A_731 = arith.index_cast %scan3A_678 : i32 to index
      %get3A_732 = arith.constant 16 : index
      %get3A_733 = tpu.vector_load %arg5[%get3A_730, %get3A_731, %get3A_732] {strides = array<i32>} : memref<16x50x64xi32, #tpu.memory_space<vmem>>, vector<16xi32>,
      %get3A_734 = arith.constant 11 : i32
      %get3A_735 = arith.index_cast %get3A_734 : i32 to index
      %get3A_736 = arith.index_cast %scan3A_678 : i32 to index
      %get3A_737 = arith.constant 16 : index
      %get3A_738 = tpu.vector_load %arg5[%get3A_735, %get3A_736, %get3A_737] {strides = array<i32>} : memref<16x50x64xi32, #tpu.memory_space<vmem>>, vector<16xi32>,
      %get3A_739 = arith.constant 12 : i32
      %get3A_740 = arith.index_cast %get3A_739 : i32 to index
      %get3A_741 = arith.index_cast %scan3A_678 : i32 to index
      %get3A_742 = arith.constant 16 : index
      %get3A_743 = tpu.vector_load %arg5[%get3A_740, %get3A_741, %get3A_742] {strides = array<i32>} : memref<16x50x64xi32, #tpu.memory_space<vmem>>, vector<16xi32>,
      %get3A_744 = arith.constant 13 : i32
      %get3A_745 = arith.index_cast %get3A_744 : i32 to index
      %get3A_746 = arith.index_cast %scan3A_678 : i32 to index
      %get3A_747 = arith.constant 16 : index
      %get3A_748 = tpu.vector_load %arg5[%get3A_745, %get3A_746, %get3A_747] {strides = array<i32>} : memref<16x50x64xi32, #tpu.memory_space<vmem>>, vector<16xi32>,
      %get3A_749 = arith.constant 14 : i32
      %get3A_750 = arith.index_cast %get3A_749 : i32 to index
      %get3A_751 = arith.index_cast %scan3A_678 : i32 to index
      %get3A_752 = arith.constant 16 : index
      %get3A_753 = tpu.vector_load %arg5[%get3A_750, %get3A_751, %get3A_752] {strides = array<i32>} : memref<16x50x64xi32, #tpu.memory_space<vmem>>, vector<16xi32>,
      %get3A_754 = arith.constant 15 : i32
      %get3A_755 = arith.index_cast %get3A_754 : i32 to index
      %get3A_756 = arith.index_cast %scan3A_678 : i32 to index
      %get3A_757 = arith.constant 16 : index
      %get3A_758 = tpu.vector_load %arg5[%get3A_755, %get3A_756, %get3A_757] {strides = array<i32>} : memref<16x50x64xi32, #tpu.memory_space<vmem>>, vector<16xi32>,
      tpu.vector_store_idx %arg7[%get3A_683, %add3A_379], %get3A_383 {add = true} : memref<1024x64xf32, #tpu.memory_space<vmem>>[vector<16xi32>, vector<16xi32>], vector<16xf32>,
      tpu.vector_store_idx %arg7[%get3A_688, %add3A_379], %get3A_387 {add = true} : memref<1024x64xf32, #tpu.memory_space<vmem>>[vector<16xi32>, vector<16xi32>], vector<16xf32>,
      tpu.vector_store_idx %arg7[%get3A_693, %add3A_379], %get3A_391 {add = true} : memref<1024x64xf32, #tpu.memory_space<vmem>>[vector<16xi32>, vector<16xi32>], vector<16xf32>,
      tpu.vector_store_idx %arg7[%get3A_698, %add3A_379], %get3A_395 {add = true} : memref<1024x64xf32, #tpu.memory_space<vmem>>[vector<16xi32>, vector<16xi32>], vector<16xf32>,
      tpu.vector_store_idx %arg7[%get3A_703, %add3A_379], %get3A_399 {add = true} : memref<1024x64xf32, #tpu.memory_space<vmem>>[vector<16xi32>, vector<16xi32>], vector<16xf32>,
      tpu.vector_store_idx %arg7[%get3A_708, %add3A_379], %get3A_403 {add = true} : memref<1024x64xf32, #tpu.memory_space<vmem>>[vector<16xi32>, vector<16xi32>], vector<16xf32>,
      tpu.vector_store_idx %arg7[%get3A_713, %add3A_379], %get3A_407 {add = true} : memref<1024x64xf32, #tpu.memory_space<vmem>>[vector<16xi32>, vector<16xi32>], vector<16xf32>,
      tpu.vector_store_idx %arg7[%get3A_718, %add3A_379], %get3A_411 {add = true} : memref<1024x64xf32, #tpu.memory_space<vmem>>[vector<16xi32>, vector<16xi32>], vector<16xf32>,
      tpu.vector_store_idx %arg7[%get3A_723, %add3A_379], %get3A_415 {add = true} : memref<1024x64xf32, #tpu.memory_space<vmem>>[vector<16xi32>, vector<16xi32>], vector<16xf32>,
      tpu.vector_store_idx %arg7[%get3A_728, %add3A_379], %get3A_419 {add = true} : memref<1024x64xf32, #tpu.memory_space<vmem>>[vector<16xi32>, vector<16xi32>], vector<16xf32>,
      tpu.vector_store_idx %arg7[%get3A_733, %add3A_379], %get3A_423 {add = true} : memref<1024x64xf32, #tpu.memory_space<vmem>>[vector<16xi32>, vector<16xi32>], vector<16xf32>,
      tpu.vector_store_idx %arg7[%get3A_738, %add3A_379], %get3A_427 {add = true} : memref<1024x64xf32, #tpu.memory_space<vmem>>[vector<16xi32>, vector<16xi32>], vector<16xf32>,
      tpu.vector_store_idx %arg7[%get3A_743, %add3A_379], %get3A_431 {add = true} : memref<1024x64xf32, #tpu.memory_space<vmem>>[vector<16xi32>, vector<16xi32>], vector<16xf32>,
      tpu.vector_store_idx %arg7[%get3A_748, %add3A_379], %get3A_435 {add = true} : memref<1024x64xf32, #tpu.memory_space<vmem>>[vector<16xi32>, vector<16xi32>], vector<16xf32>,
      tpu.vector_store_idx %arg7[%get3A_753, %add3A_379], %get3A_439 {add = true} : memref<1024x64xf32, #tpu.memory_space<vmem>>[vector<16xi32>, vector<16xi32>], vector<16xf32>,
      tpu.vector_store_idx %arg7[%get3A_758, %add3A_379], %get3A_443 {add = true} : memref<1024x64xf32, #tpu.memory_space<vmem>>[vector<16xi32>, vector<16xi32>], vector<16xf32>,
    }
    %scan3A_449 = arith.constant 50 : i32
    %add3A_450 = arith.constant 32 : i32
    %add3A_451 = vector.broadcast %add3A_450 : i32 to vector<16xi32>
    %add3A_452 = arith.addi %iota3A, %add3A_451 : vector<16xi32>
    %get3A_453 = arith.constant 0 : i32
    %get3A_454 = arith.index_cast %get3A_453 : i32 to index
    %get3A_455 = arith.constant 96 : index
    %get3A_456 = tpu.vector_load %arg6[%get3A_454, %get3A_455] {strides = array<i32>} : memref<16x128xf32, #tpu.memory_space<vmem>>, vector<16xf32>,
    %get3A_457 = arith.constant 1 : i32
    %get3A_458 = arith.index_cast %get3A_457 : i32 to index
    %get3A_459 = arith.constant 96 : index
    %get3A_460 = tpu.vector_load %arg6[%get3A_458, %get3A_459] {strides = array<i32>} : memref<16x128xf32, #tpu.memory_space<vmem>>, vector<16xf32>,
    %get3A_461 = arith.constant 2 : i32
    %get3A_462 = arith.index_cast %get3A_461 : i32 to index
    %get3A_463 = arith.constant 96 : index
    %get3A_464 = tpu.vector_load %arg6[%get3A_462, %get3A_463] {strides = array<i32>} : memref<16x128xf32, #tpu.memory_space<vmem>>, vector<16xf32>,
    %get3A_465 = arith.constant 3 : i32
    %get3A_466 = arith.index_cast %get3A_465 : i32 to index
    %get3A_467 = arith.constant 96 : index
    %get3A_468 = tpu.vector_load %arg6[%get3A_466, %get3A_467] {strides = array<i32>} : memref<16x128xf32, #tpu.memory_space<vmem>>, vector<16xf32>,
    %get3A_469 = arith.constant 4 : i32
    %get3A_470 = arith.index_cast %get3A_469 : i32 to index
    %get3A_471 = arith.constant 96 : index
    %get3A_472 = tpu.vector_load %arg6[%get3A_470, %get3A_471] {strides = array<i32>} : memref<16x128xf32, #tpu.memory_space<vmem>>, vector<16xf32>,
    %get3A_473 = arith.constant 5 : i32
    %get3A_474 = arith.index_cast %get3A_473 : i32 to index
    %get3A_475 = arith.constant 96 : index
    %get3A_476 = tpu.vector_load %arg6[%get3A_474, %get3A_475] {strides = array<i32>} : memref<16x128xf32, #tpu.memory_space<vmem>>, vector<16xf32>,
    %get3A_477 = arith.constant 6 : i32
    %get3A_478 = arith.index_cast %get3A_477 : i32 to index
    %get3A_479 = arith.constant 96 : index
    %get3A_480 = tpu.vector_load %arg6[%get3A_478, %get3A_479] {strides = array<i32>} : memref<16x128xf32, #tpu.memory_space<vmem>>, vector<16xf32>,
    %get3A_481 = arith.constant 7 : i32
    %get3A_482 = arith.index_cast %get3A_481 : i32 to index
    %get3A_483 = arith.constant 96 : index
    %get3A_484 = tpu.vector_load %arg6[%get3A_482, %get3A_483] {strides = array<i32>} : memref<16x128xf32, #tpu.memory_space<vmem>>, vector<16xf32>,
    %get3A_485 = arith.constant 8 : i32
    %get3A_486 = arith.index_cast %get3A_485 : i32 to index
    %get3A_487 = arith.constant 96 : index
    %get3A_488 = tpu.vector_load %arg6[%get3A_486, %get3A_487] {strides = array<i32>} : memref<16x128xf32, #tpu.memory_space<vmem>>, vector<16xf32>,
    %get3A_489 = arith.constant 9 : i32
    %get3A_490 = arith.index_cast %get3A_489 : i32 to index
    %get3A_491 = arith.constant 96 : index
    %get3A_492 = tpu.vector_load %arg6[%get3A_490, %get3A_491] {strides = array<i32>} : memref<16x128xf32, #tpu.memory_space<vmem>>, vector<16xf32>,
    %get3A_493 = arith.constant 10 : i32
    %get3A_494 = arith.index_cast %get3A_493 : i32 to index
    %get3A_495 = arith.constant 96 : index
    %get3A_496 = tpu.vector_load %arg6[%get3A_494, %get3A_495] {strides = array<i32>} : memref<16x128xf32, #tpu.memory_space<vmem>>, vector<16xf32>,
    %get3A_497 = arith.constant 11 : i32
    %get3A_498 = arith.index_cast %get3A_497 : i32 to index
    %get3A_499 = arith.constant 96 : index
    %get3A_500 = tpu.vector_load %arg6[%get3A_498, %get3A_499] {strides = array<i32>} : memref<16x128xf32, #tpu.memory_space<vmem>>, vector<16xf32>,
    %get3A_501 = arith.constant 12 : i32
    %get3A_502 = arith.index_cast %get3A_501 : i32 to index
    %get3A_503 = arith.constant 96 : index
    %get3A_504 = tpu.vector_load %arg6[%get3A_502, %get3A_503] {strides = array<i32>} : memref<16x128xf32, #tpu.memory_space<vmem>>, vector<16xf32>,
    %get3A_505 = arith.constant 13 : i32
    %get3A_506 = arith.index_cast %get3A_505 : i32 to index
    %get3A_507 = arith.constant 96 : index
    %get3A_508 = tpu.vector_load %arg6[%get3A_506, %get3A_507] {strides = array<i32>} : memref<16x128xf32, #tpu.memory_space<vmem>>, vector<16xf32>,
    %get3A_509 = arith.constant 14 : i32
    %get3A_510 = arith.index_cast %get3A_509 : i32 to index
    %get3A_511 = arith.constant 96 : index
    %get3A_512 = tpu.vector_load %arg6[%get3A_510, %get3A_511] {strides = array<i32>} : memref<16x128xf32, #tpu.memory_space<vmem>>, vector<16xf32>,
    %get3A_513 = arith.constant 15 : i32
    %get3A_514 = arith.index_cast %get3A_513 : i32 to index
    %get3A_515 = arith.constant 96 : index
    %get3A_516 = tpu.vector_load %arg6[%get3A_514, %get3A_515] {strides = array<i32>} : memref<16x128xf32, #tpu.memory_space<vmem>>, vector<16xf32>,
    %scan3A_517 = arith.constant 0 : i32
    %scan3A_518 = arith.constant 0 : i32
    %scan3A_519 = arith.constant 50 : i32
    %scan3A_520 = arith.addi %scan3A_518, %scan3A_519 : i32
    %scan3A_521 = arith.constant 2 : i32
    scf.for %scan3A_596 = %scan3A_518 to %scan3A_520 step %scan3A_521  : i32 {
      %get3A_597 = arith.constant 0 : i32
      %get3A_598 = arith.index_cast %get3A_597 : i32 to index
      %get3A_599 = arith.index_cast %scan3A_596 : i32 to index
      %get3A_600 = arith.constant 32 : index
      %get3A_601 = tpu.vector_load %arg5[%get3A_598, %get3A_599, %get3A_600] {strides = array<i32>} : memref<16x50x64xi32, #tpu.memory_space<vmem>>, vector<16xi32>,
      %get3A_602 = arith.constant 1 : i32
      %get3A_603 = arith.index_cast %get3A_602 : i32 to index
      %get3A_604 = arith.index_cast %scan3A_596 : i32 to index
      %get3A_605 = arith.constant 32 : index
      %get3A_606 = tpu.vector_load %arg5[%get3A_603, %get3A_604, %get3A_605] {strides = array<i32>} : memref<16x50x64xi32, #tpu.memory_space<vmem>>, vector<16xi32>,
      %get3A_607 = arith.constant 2 : i32
      %get3A_608 = arith.index_cast %get3A_607 : i32 to index
      %get3A_609 = arith.index_cast %scan3A_596 : i32 to index
      %get3A_610 = arith.constant 32 : index
      %get3A_611 = tpu.vector_load %arg5[%get3A_608, %get3A_609, %get3A_610] {strides = array<i32>} : memref<16x50x64xi32, #tpu.memory_space<vmem>>, vector<16xi32>,
      %get3A_612 = arith.constant 3 : i32
      %get3A_613 = arith.index_cast %get3A_612 : i32 to index
      %get3A_614 = arith.index_cast %scan3A_596 : i32 to index
      %get3A_615 = arith.constant 32 : index
      %get3A_616 = tpu.vector_load %arg5[%get3A_613, %get3A_614, %get3A_615] {strides = array<i32>} : memref<16x50x64xi32, #tpu.memory_space<vmem>>, vector<16xi32>,
      %get3A_617 = arith.constant 4 : i32
      %get3A_618 = arith.index_cast %get3A_617 : i32 to index
      %get3A_619 = arith.index_cast %scan3A_596 : i32 to index
      %get3A_620 = arith.constant 32 : index
      %get3A_621 = tpu.vector_load %arg5[%get3A_618, %get3A_619, %get3A_620] {strides = array<i32>} : memref<16x50x64xi32, #tpu.memory_space<vmem>>, vector<16xi32>,
      %get3A_622 = arith.constant 5 : i32
      %get3A_623 = arith.index_cast %get3A_622 : i32 to index
      %get3A_624 = arith.index_cast %scan3A_596 : i32 to index
      %get3A_625 = arith.constant 32 : index
      %get3A_626 = tpu.vector_load %arg5[%get3A_623, %get3A_624, %get3A_625] {strides = array<i32>} : memref<16x50x64xi32, #tpu.memory_space<vmem>>, vector<16xi32>,
      %get3A_627 = arith.constant 6 : i32
      %get3A_628 = arith.index_cast %get3A_627 : i32 to index
      %get3A_629 = arith.index_cast %scan3A_596 : i32 to index
      %get3A_630 = arith.constant 32 : index
      %get3A_631 = tpu.vector_load %arg5[%get3A_628, %get3A_629, %get3A_630] {strides = array<i32>} : memref<16x50x64xi32, #tpu.memory_space<vmem>>, vector<16xi32>,
      %get3A_632 = arith.constant 7 : i32
      %get3A_633 = arith.index_cast %get3A_632 : i32 to index
      %get3A_634 = arith.index_cast %scan3A_596 : i32 to index
      %get3A_635 = arith.constant 32 : index
      %get3A_636 = tpu.vector_load %arg5[%get3A_633, %get3A_634, %get3A_635] {strides = array<i32>} : memref<16x50x64xi32, #tpu.memory_space<vmem>>, vector<16xi32>,
      %get3A_637 = arith.constant 8 : i32
      %get3A_638 = arith.index_cast %get3A_637 : i32 to index
      %get3A_639 = arith.index_cast %scan3A_596 : i32 to index
      %get3A_640 = arith.constant 32 : index
      %get3A_641 = tpu.vector_load %arg5[%get3A_638, %get3A_639, %get3A_640] {strides = array<i32>} : memref<16x50x64xi32, #tpu.memory_space<vmem>>, vector<16xi32>,
      %get3A_642 = arith.constant 9 : i32
      %get3A_643 = arith.index_cast %get3A_642 : i32 to index
      %get3A_644 = arith.index_cast %scan3A_596 : i32 to index
      %get3A_645 = arith.constant 32 : index
      %get3A_646 = tpu.vector_load %arg5[%get3A_643, %get3A_644, %get3A_645] {strides = array<i32>} : memref<16x50x64xi32, #tpu.memory_space<vmem>>, vector<16xi32>,
      %get3A_647 = arith.constant 10 : i32
      %get3A_648 = arith.index_cast %get3A_647 : i32 to index
      %get3A_649 = arith.index_cast %scan3A_596 : i32 to index
      %get3A_650 = arith.constant 32 : index
      %get3A_651 = tpu.vector_load %arg5[%get3A_648, %get3A_649, %get3A_650] {strides = array<i32>} : memref<16x50x64xi32, #tpu.memory_space<vmem>>, vector<16xi32>,
      %get3A_652 = arith.constant 11 : i32
      %get3A_653 = arith.index_cast %get3A_652 : i32 to index
      %get3A_654 = arith.index_cast %scan3A_596 : i32 to index
      %get3A_655 = arith.constant 32 : index
      %get3A_656 = tpu.vector_load %arg5[%get3A_653, %get3A_654, %get3A_655] {strides = array<i32>} : memref<16x50x64xi32, #tpu.memory_space<vmem>>, vector<16xi32>,
      %get3A_657 = arith.constant 12 : i32
      %get3A_658 = arith.index_cast %get3A_657 : i32 to index
      %get3A_659 = arith.index_cast %scan3A_596 : i32 to index
      %get3A_660 = arith.constant 32 : index
      %get3A_661 = tpu.vector_load %arg5[%get3A_658, %get3A_659, %get3A_660] {strides = array<i32>} : memref<16x50x64xi32, #tpu.memory_space<vmem>>, vector<16xi32>,
      %get3A_662 = arith.constant 13 : i32
      %get3A_663 = arith.index_cast %get3A_662 : i32 to index
      %get3A_664 = arith.index_cast %scan3A_596 : i32 to index
      %get3A_665 = arith.constant 32 : index
      %get3A_666 = tpu.vector_load %arg5[%get3A_663, %get3A_664, %get3A_665] {strides = array<i32>} : memref<16x50x64xi32, #tpu.memory_space<vmem>>, vector<16xi32>,
      %get3A_667 = arith.constant 14 : i32
      %get3A_668 = arith.index_cast %get3A_667 : i32 to index
      %get3A_669 = arith.index_cast %scan3A_596 : i32 to index
      %get3A_670 = arith.constant 32 : index
      %get3A_671 = tpu.vector_load %arg5[%get3A_668, %get3A_669, %get3A_670] {strides = array<i32>} : memref<16x50x64xi32, #tpu.memory_space<vmem>>, vector<16xi32>,
      %get3A_672 = arith.constant 15 : i32
      %get3A_673 = arith.index_cast %get3A_672 : i32 to index
      %get3A_674 = arith.index_cast %scan3A_596 : i32 to index
      %get3A_675 = arith.constant 32 : index
      %get3A_676 = tpu.vector_load %arg5[%get3A_673, %get3A_674, %get3A_675] {strides = array<i32>} : memref<16x50x64xi32, #tpu.memory_space<vmem>>, vector<16xi32>,
      tpu.vector_store_idx %arg7[%get3A_601, %add3A_452], %get3A_456 {add = true} : memref<1024x64xf32, #tpu.memory_space<vmem>>[vector<16xi32>, vector<16xi32>], vector<16xf32>,
      tpu.vector_store_idx %arg7[%get3A_606, %add3A_452], %get3A_460 {add = true} : memref<1024x64xf32, #tpu.memory_space<vmem>>[vector<16xi32>, vector<16xi32>], vector<16xf32>,
      tpu.vector_store_idx %arg7[%get3A_611, %add3A_452], %get3A_464 {add = true} : memref<1024x64xf32, #tpu.memory_space<vmem>>[vector<16xi32>, vector<16xi32>], vector<16xf32>,
      tpu.vector_store_idx %arg7[%get3A_616, %add3A_452], %get3A_468 {add = true} : memref<1024x64xf32, #tpu.memory_space<vmem>>[vector<16xi32>, vector<16xi32>], vector<16xf32>,
      tpu.vector_store_idx %arg7[%get3A_621, %add3A_452], %get3A_472 {add = true} : memref<1024x64xf32, #tpu.memory_space<vmem>>[vector<16xi32>, vector<16xi32>], vector<16xf32>,
      tpu.vector_store_idx %arg7[%get3A_626, %add3A_452], %get3A_476 {add = true} : memref<1024x64xf32, #tpu.memory_space<vmem>>[vector<16xi32>, vector<16xi32>], vector<16xf32>,
      tpu.vector_store_idx %arg7[%get3A_631, %add3A_452], %get3A_480 {add = true} : memref<1024x64xf32, #tpu.memory_space<vmem>>[vector<16xi32>, vector<16xi32>], vector<16xf32>,
      tpu.vector_store_idx %arg7[%get3A_636, %add3A_452], %get3A_484 {add = true} : memref<1024x64xf32, #tpu.memory_space<vmem>>[vector<16xi32>, vector<16xi32>], vector<16xf32>,
      tpu.vector_store_idx %arg7[%get3A_641, %add3A_452], %get3A_488 {add = true} : memref<1024x64xf32, #tpu.memory_space<vmem>>[vector<16xi32>, vector<16xi32>], vector<16xf32>,
      tpu.vector_store_idx %arg7[%get3A_646, %add3A_452], %get3A_492 {add = true} : memref<1024x64xf32, #tpu.memory_space<vmem>>[vector<16xi32>, vector<16xi32>], vector<16xf32>,
      tpu.vector_store_idx %arg7[%get3A_651, %add3A_452], %get3A_496 {add = true} : memref<1024x64xf32, #tpu.memory_space<vmem>>[vector<16xi32>, vector<16xi32>], vector<16xf32>,
      tpu.vector_store_idx %arg7[%get3A_656, %add3A_452], %get3A_500 {add = true} : memref<1024x64xf32, #tpu.memory_space<vmem>>[vector<16xi32>, vector<16xi32>], vector<16xf32>,
      tpu.vector_store_idx %arg7[%get3A_661, %add3A_452], %get3A_504 {add = true} : memref<1024x64xf32, #tpu.memory_space<vmem>>[vector<16xi32>, vector<16xi32>], vector<16xf32>,
      tpu.vector_store_idx %arg7[%get3A_666, %add3A_452], %get3A_508 {add = true} : memref<1024x64xf32, #tpu.memory_space<vmem>>[vector<16xi32>, vector<16xi32>], vector<16xf32>,
      tpu.vector_store_idx %arg7[%get3A_671, %add3A_452], %get3A_512 {add = true} : memref<1024x64xf32, #tpu.memory_space<vmem>>[vector<16xi32>, vector<16xi32>], vector<16xf32>,
      tpu.vector_store_idx %arg7[%get3A_676, %add3A_452], %get3A_516 {add = true} : memref<1024x64xf32, #tpu.memory_space<vmem>>[vector<16xi32>, vector<16xi32>], vector<16xf32>,
      %scan3A_677 = arith.constant 1 : i32
      %scan3A_678 = arith.addi %scan3A_596, %scan3A_677 : i32
      %get3A_679 = arith.constant 0 : i32
      %get3A_680 = arith.index_cast %get3A_679 : i32 to index
      %get3A_681 = arith.index_cast %scan3A_678 : i32 to index
      %get3A_682 = arith.constant 32 : index
      %get3A_683 = tpu.vector_load %arg5[%get3A_680, %get3A_681, %get3A_682] {strides = array<i32>} : memref<16x50x64xi32, #tpu.memory_space<vmem>>, vector<16xi32>,
      %get3A_684 = arith.constant 1 : i32
      %get3A_685 = arith.index_cast %get3A_684 : i32 to index
      %get3A_686 = arith.index_cast %scan3A_678 : i32 to index
      %get3A_687 = arith.constant 32 : index
      %get3A_688 = tpu.vector_load %arg5[%get3A_685, %get3A_686, %get3A_687] {strides = array<i32>} : memref<16x50x64xi32, #tpu.memory_space<vmem>>, vector<16xi32>,
      %get3A_689 = arith.constant 2 : i32
      %get3A_690 = arith.index_cast %get3A_689 : i32 to index
      %get3A_691 = arith.index_cast %scan3A_678 : i32 to index
      %get3A_692 = arith.constant 32 : index
      %get3A_693 = tpu.vector_load %arg5[%get3A_690, %get3A_691, %get3A_692] {strides = array<i32>} : memref<16x50x64xi32, #tpu.memory_space<vmem>>, vector<16xi32>,
      %get3A_694 = arith.constant 3 : i32
      %get3A_695 = arith.index_cast %get3A_694 : i32 to index
      %get3A_696 = arith.index_cast %scan3A_678 : i32 to index
      %get3A_697 = arith.constant 32 : index
      %get3A_698 = tpu.vector_load %arg5[%get3A_695, %get3A_696, %get3A_697] {strides = array<i32>} : memref<16x50x64xi32, #tpu.memory_space<vmem>>, vector<16xi32>,
      %get3A_699 = arith.constant 4 : i32
      %get3A_700 = arith.index_cast %get3A_699 : i32 to index
      %get3A_701 = arith.index_cast %scan3A_678 : i32 to index
      %get3A_702 = arith.constant 32 : index
      %get3A_703 = tpu.vector_load %arg5[%get3A_700, %get3A_701, %get3A_702] {strides = array<i32>} : memref<16x50x64xi32, #tpu.memory_space<vmem>>, vector<16xi32>,
      %get3A_704 = arith.constant 5 : i32
      %get3A_705 = arith.index_cast %get3A_704 : i32 to index
      %get3A_706 = arith.index_cast %scan3A_678 : i32 to index
      %get3A_707 = arith.constant 32 : index
      %get3A_708 = tpu.vector_load %arg5[%get3A_705, %get3A_706, %get3A_707] {strides = array<i32>} : memref<16x50x64xi32, #tpu.memory_space<vmem>>, vector<16xi32>,
      %get3A_709 = arith.constant 6 : i32
      %get3A_710 = arith.index_cast %get3A_709 : i32 to index
      %get3A_711 = arith.index_cast %scan3A_678 : i32 to index
      %get3A_712 = arith.constant 32 : index
      %get3A_713 = tpu.vector_load %arg5[%get3A_710, %get3A_711, %get3A_712] {strides = array<i32>} : memref<16x50x64xi32, #tpu.memory_space<vmem>>, vector<16xi32>,
      %get3A_714 = arith.constant 7 : i32
      %get3A_715 = arith.index_cast %get3A_714 : i32 to index
      %get3A_716 = arith.index_cast %scan3A_678 : i32 to index
      %get3A_717 = arith.constant 32 : index
      %get3A_718 = tpu.vector_load %arg5[%get3A_715, %get3A_716, %get3A_717] {strides = array<i32>} : memref<16x50x64xi32, #tpu.memory_space<vmem>>, vector<16xi32>,
      %get3A_719 = arith.constant 8 : i32
      %get3A_720 = arith.index_cast %get3A_719 : i32 to index
      %get3A_721 = arith.index_cast %scan3A_678 : i32 to index
      %get3A_722 = arith.constant 32 : index
      %get3A_723 = tpu.vector_load %arg5[%get3A_720, %get3A_721, %get3A_722] {strides = array<i32>} : memref<16x50x64xi32, #tpu.memory_space<vmem>>, vector<16xi32>,
      %get3A_724 = arith.constant 9 : i32
      %get3A_725 = arith.index_cast %get3A_724 : i32 to index
      %get3A_726 = arith.index_cast %scan3A_678 : i32 to index
      %get3A_727 = arith.constant 32 : index
      %get3A_728 = tpu.vector_load %arg5[%get3A_725, %get3A_726, %get3A_727] {strides = array<i32>} : memref<16x50x64xi32, #tpu.memory_space<vmem>>, vector<16xi32>,
      %get3A_729 = arith.constant 10 : i32
      %get3A_730 = arith.index_cast %get3A_729 : i32 to index
      %get3A_731 = arith.index_cast %scan3A_678 : i32 to index
      %get3A_732 = arith.constant 32 : index
      %get3A_733 = tpu.vector_load %arg5[%get3A_730, %get3A_731, %get3A_732] {strides = array<i32>} : memref<16x50x64xi32, #tpu.memory_space<vmem>>, vector<16xi32>,
      %get3A_734 = arith.constant 11 : i32
      %get3A_735 = arith.index_cast %get3A_734 : i32 to index
      %get3A_736 = arith.index_cast %scan3A_678 : i32 to index
      %get3A_737 = arith.constant 32 : index
      %get3A_738 = tpu.vector_load %arg5[%get3A_735, %get3A_736, %get3A_737] {strides = array<i32>} : memref<16x50x64xi32, #tpu.memory_space<vmem>>, vector<16xi32>,
      %get3A_739 = arith.constant 12 : i32
      %get3A_740 = arith.index_cast %get3A_739 : i32 to index
      %get3A_741 = arith.index_cast %scan3A_678 : i32 to index
      %get3A_742 = arith.constant 32 : index
      %get3A_743 = tpu.vector_load %arg5[%get3A_740, %get3A_741, %get3A_742] {strides = array<i32>} : memref<16x50x64xi32, #tpu.memory_space<vmem>>, vector<16xi32>,
      %get3A_744 = arith.constant 13 : i32
      %get3A_745 = arith.index_cast %get3A_744 : i32 to index
      %get3A_746 = arith.index_cast %scan3A_678 : i32 to index
      %get3A_747 = arith.constant 32 : index
      %get3A_748 = tpu.vector_load %arg5[%get3A_745, %get3A_746, %get3A_747] {strides = array<i32>} : memref<16x50x64xi32, #tpu.memory_space<vmem>>, vector<16xi32>,
      %get3A_749 = arith.constant 14 : i32
      %get3A_750 = arith.index_cast %get3A_749 : i32 to index
      %get3A_751 = arith.index_cast %scan3A_678 : i32 to index
      %get3A_752 = arith.constant 32 : index
      %get3A_753 = tpu.vector_load %arg5[%get3A_750, %get3A_751, %get3A_752] {strides = array<i32>} : memref<16x50x64xi32, #tpu.memory_space<vmem>>, vector<16xi32>,
      %get3A_754 = arith.constant 15 : i32
      %get3A_755 = arith.index_cast %get3A_754 : i32 to index
      %get3A_756 = arith.index_cast %scan3A_678 : i32 to index
      %get3A_757 = arith.constant 32 : index
      %get3A_758 = tpu.vector_load %arg5[%get3A_755, %get3A_756, %get3A_757] {strides = array<i32>} : memref<16x50x64xi32, #tpu.memory_space<vmem>>, vector<16xi32>,
      tpu.vector_store_idx %arg7[%get3A_683, %add3A_452], %get3A_456 {add = true} : memref<1024x64xf32, #tpu.memory_space<vmem>>[vector<16xi32>, vector<16xi32>], vector<16xf32>,
      tpu.vector_store_idx %arg7[%get3A_688, %add3A_452], %get3A_460 {add = true} : memref<1024x64xf32, #tpu.memory_space<vmem>>[vector<16xi32>, vector<16xi32>], vector<16xf32>,
      tpu.vector_store_idx %arg7[%get3A_693, %add3A_452], %get3A_464 {add = true} : memref<1024x64xf32, #tpu.memory_space<vmem>>[vector<16xi32>, vector<16xi32>], vector<16xf32>,
      tpu.vector_store_idx %arg7[%get3A_698, %add3A_452], %get3A_468 {add = true} : memref<1024x64xf32, #tpu.memory_space<vmem>>[vector<16xi32>, vector<16xi32>], vector<16xf32>,
      tpu.vector_store_idx %arg7[%get3A_703, %add3A_452], %get3A_472 {add = true} : memref<1024x64xf32, #tpu.memory_space<vmem>>[vector<16xi32>, vector<16xi32>], vector<16xf32>,
      tpu.vector_store_idx %arg7[%get3A_708, %add3A_452], %get3A_476 {add = true} : memref<1024x64xf32, #tpu.memory_space<vmem>>[vector<16xi32>, vector<16xi32>], vector<16xf32>,
      tpu.vector_store_idx %arg7[%get3A_713, %add3A_452], %get3A_480 {add = true} : memref<1024x64xf32, #tpu.memory_space<vmem>>[vector<16xi32>, vector<16xi32>], vector<16xf32>,
      tpu.vector_store_idx %arg7[%get3A_718, %add3A_452], %get3A_484 {add = true} : memref<1024x64xf32, #tpu.memory_space<vmem>>[vector<16xi32>, vector<16xi32>], vector<16xf32>,
      tpu.vector_store_idx %arg7[%get3A_723, %add3A_452], %get3A_488 {add = true} : memref<1024x64xf32, #tpu.memory_space<vmem>>[vector<16xi32>, vector<16xi32>], vector<16xf32>,
      tpu.vector_store_idx %arg7[%get3A_728, %add3A_452], %get3A_492 {add = true} : memref<1024x64xf32, #tpu.memory_space<vmem>>[vector<16xi32>, vector<16xi32>], vector<16xf32>,
      tpu.vector_store_idx %arg7[%get3A_733, %add3A_452], %get3A_496 {add = true} : memref<1024x64xf32, #tpu.memory_space<vmem>>[vector<16xi32>, vector<16xi32>], vector<16xf32>,
      tpu.vector_store_idx %arg7[%get3A_738, %add3A_452], %get3A_500 {add = true} : memref<1024x64xf32, #tpu.memory_space<vmem>>[vector<16xi32>, vector<16xi32>], vector<16xf32>,
      tpu.vector_store_idx %arg7[%get3A_743, %add3A_452], %get3A_504 {add = true} : memref<1024x64xf32, #tpu.memory_space<vmem>>[vector<16xi32>, vector<16xi32>], vector<16xf32>,
      tpu.vector_store_idx %arg7[%get3A_748, %add3A_452], %get3A_508 {add = true} : memref<1024x64xf32, #tpu.memory_space<vmem>>[vector<16xi32>, vector<16xi32>], vector<16xf32>,
      tpu.vector_store_idx %arg7[%get3A_753, %add3A_452], %get3A_512 {add = true} : memref<1024x64xf32, #tpu.memory_space<vmem>>[vector<16xi32>, vector<16xi32>], vector<16xf32>,
      tpu.vector_store_idx %arg7[%get3A_758, %add3A_452], %get3A_516 {add = true} : memref<1024x64xf32, #tpu.memory_space<vmem>>[vector<16xi32>, vector<16xi32>], vector<16xf32>,
    }
    %scan3A_522 = arith.constant 50 : i32
    %add3A_523 = arith.constant 48 : i32
    %add3A_524 = vector.broadcast %add3A_523 : i32 to vector<16xi32>
    %add3A_525 = arith.addi %iota3A, %add3A_524 : vector<16xi32>
    %get3A_526 = arith.constant 0 : i32
    %get3A_527 = arith.index_cast %get3A_526 : i32 to index
    %get3A_528 = arith.constant 112 : index
    %get3A_529 = tpu.vector_load %arg6[%get3A_527, %get3A_528] {strides = array<i32>} : memref<16x128xf32, #tpu.memory_space<vmem>>, vector<16xf32>,
    %get3A_530 = arith.constant 1 : i32
    %get3A_531 = arith.index_cast %get3A_530 : i32 to index
    %get3A_532 = arith.constant 112 : index
    %get3A_533 = tpu.vector_load %arg6[%get3A_531, %get3A_532] {strides = array<i32>} : memref<16x128xf32, #tpu.memory_space<vmem>>, vector<16xf32>,
    %get3A_534 = arith.constant 2 : i32
    %get3A_535 = arith.index_cast %get3A_534 : i32 to index
    %get3A_536 = arith.constant 112 : index
    %get3A_537 = tpu.vector_load %arg6[%get3A_535, %get3A_536] {strides = array<i32>} : memref<16x128xf32, #tpu.memory_space<vmem>>, vector<16xf32>,
    %get3A_538 = arith.constant 3 : i32
    %get3A_539 = arith.index_cast %get3A_538 : i32 to index
    %get3A_540 = arith.constant 112 : index
    %get3A_541 = tpu.vector_load %arg6[%get3A_539, %get3A_540] {strides = array<i32>} : memref<16x128xf32, #tpu.memory_space<vmem>>, vector<16xf32>,
    %get3A_542 = arith.constant 4 : i32
    %get3A_543 = arith.index_cast %get3A_542 : i32 to index
    %get3A_544 = arith.constant 112 : index
    %get3A_545 = tpu.vector_load %arg6[%get3A_543, %get3A_544] {strides = array<i32>} : memref<16x128xf32, #tpu.memory_space<vmem>>, vector<16xf32>,
    %get3A_546 = arith.constant 5 : i32
    %get3A_547 = arith.index_cast %get3A_546 : i32 to index
    %get3A_548 = arith.constant 112 : index
    %get3A_549 = tpu.vector_load %arg6[%get3A_547, %get3A_548] {strides = array<i32>} : memref<16x128xf32, #tpu.memory_space<vmem>>, vector<16xf32>,
    %get3A_550 = arith.constant 6 : i32
    %get3A_551 = arith.index_cast %get3A_550 : i32 to index
    %get3A_552 = arith.constant 112 : index
    %get3A_553 = tpu.vector_load %arg6[%get3A_551, %get3A_552] {strides = array<i32>} : memref<16x128xf32, #tpu.memory_space<vmem>>, vector<16xf32>,
    %get3A_554 = arith.constant 7 : i32
    %get3A_555 = arith.index_cast %get3A_554 : i32 to index
    %get3A_556 = arith.constant 112 : index
    %get3A_557 = tpu.vector_load %arg6[%get3A_555, %get3A_556] {strides = array<i32>} : memref<16x128xf32, #tpu.memory_space<vmem>>, vector<16xf32>,
    %get3A_558 = arith.constant 8 : i32
    %get3A_559 = arith.index_cast %get3A_558 : i32 to index
    %get3A_560 = arith.constant 112 : index
    %get3A_561 = tpu.vector_load %arg6[%get3A_559, %get3A_560] {strides = array<i32>} : memref<16x128xf32, #tpu.memory_space<vmem>>, vector<16xf32>,
    %get3A_562 = arith.constant 9 : i32
    %get3A_563 = arith.index_cast %get3A_562 : i32 to index
    %get3A_564 = arith.constant 112 : index
    %get3A_565 = tpu.vector_load %arg6[%get3A_563, %get3A_564] {strides = array<i32>} : memref<16x128xf32, #tpu.memory_space<vmem>>, vector<16xf32>,
    %get3A_566 = arith.constant 10 : i32
    %get3A_567 = arith.index_cast %get3A_566 : i32 to index
    %get3A_568 = arith.constant 112 : index
    %get3A_569 = tpu.vector_load %arg6[%get3A_567, %get3A_568] {strides = array<i32>} : memref<16x128xf32, #tpu.memory_space<vmem>>, vector<16xf32>,
    %get3A_570 = arith.constant 11 : i32
    %get3A_571 = arith.index_cast %get3A_570 : i32 to index
    %get3A_572 = arith.constant 112 : index
    %get3A_573 = tpu.vector_load %arg6[%get3A_571, %get3A_572] {strides = array<i32>} : memref<16x128xf32, #tpu.memory_space<vmem>>, vector<16xf32>,
    %get3A_574 = arith.constant 12 : i32
    %get3A_575 = arith.index_cast %get3A_574 : i32 to index
    %get3A_576 = arith.constant 112 : index
    %get3A_577 = tpu.vector_load %arg6[%get3A_575, %get3A_576] {strides = array<i32>} : memref<16x128xf32, #tpu.memory_space<vmem>>, vector<16xf32>,
    %get3A_578 = arith.constant 13 : i32
    %get3A_579 = arith.index_cast %get3A_578 : i32 to index
    %get3A_580 = arith.constant 112 : index
    %get3A_581 = tpu.vector_load %arg6[%get3A_579, %get3A_580] {strides = array<i32>} : memref<16x128xf32, #tpu.memory_space<vmem>>, vector<16xf32>,
    %get3A_582 = arith.constant 14 : i32
    %get3A_583 = arith.index_cast %get3A_582 : i32 to index
    %get3A_584 = arith.constant 112 : index
    %get3A_585 = tpu.vector_load %arg6[%get3A_583, %get3A_584] {strides = array<i32>} : memref<16x128xf32, #tpu.memory_space<vmem>>, vector<16xf32>,
    %get3A_586 = arith.constant 15 : i32
    %get3A_587 = arith.index_cast %get3A_586 : i32 to index
    %get3A_588 = arith.constant 112 : index
    %get3A_589 = tpu.vector_load %arg6[%get3A_587, %get3A_588] {strides = array<i32>} : memref<16x128xf32, #tpu.memory_space<vmem>>, vector<16xf32>,
    %scan3A_590 = arith.constant 0 : i32
    %scan3A_591 = arith.constant 0 : i32
    %scan3A_592 = arith.constant 50 : i32
    %scan3A_593 = arith.addi %scan3A_591, %scan3A_592 : i32
    %scan3A_594 = arith.constant 2 : i32
    scf.for %scan3A_596 = %scan3A_591 to %scan3A_593 step %scan3A_594  : i32 {
      %get3A_597 = arith.constant 0 : i32
      %get3A_598 = arith.index_cast %get3A_597 : i32 to index
      %get3A_599 = arith.index_cast %scan3A_596 : i32 to index
      %get3A_600 = arith.constant 48 : index
      %get3A_601 = tpu.vector_load %arg5[%get3A_598, %get3A_599, %get3A_600] {strides = array<i32>} : memref<16x50x64xi32, #tpu.memory_space<vmem>>, vector<16xi32>,
      %get3A_602 = arith.constant 1 : i32
      %get3A_603 = arith.index_cast %get3A_602 : i32 to index
      %get3A_604 = arith.index_cast %scan3A_596 : i32 to index
      %get3A_605 = arith.constant 48 : index
      %get3A_606 = tpu.vector_load %arg5[%get3A_603, %get3A_604, %get3A_605] {strides = array<i32>} : memref<16x50x64xi32, #tpu.memory_space<vmem>>, vector<16xi32>,
      %get3A_607 = arith.constant 2 : i32
      %get3A_608 = arith.index_cast %get3A_607 : i32 to index
      %get3A_609 = arith.index_cast %scan3A_596 : i32 to index
      %get3A_610 = arith.constant 48 : index
      %get3A_611 = tpu.vector_load %arg5[%get3A_608, %get3A_609, %get3A_610] {strides = array<i32>} : memref<16x50x64xi32, #tpu.memory_space<vmem>>, vector<16xi32>,
      %get3A_612 = arith.constant 3 : i32
      %get3A_613 = arith.index_cast %get3A_612 : i32 to index
      %get3A_614 = arith.index_cast %scan3A_596 : i32 to index
      %get3A_615 = arith.constant 48 : index
      %get3A_616 = tpu.vector_load %arg5[%get3A_613, %get3A_614, %get3A_615] {strides = array<i32>} : memref<16x50x64xi32, #tpu.memory_space<vmem>>, vector<16xi32>,
      %get3A_617 = arith.constant 4 : i32
      %get3A_618 = arith.index_cast %get3A_617 : i32 to index
      %get3A_619 = arith.index_cast %scan3A_596 : i32 to index
      %get3A_620 = arith.constant 48 : index
      %get3A_621 = tpu.vector_load %arg5[%get3A_618, %get3A_619, %get3A_620] {strides = array<i32>} : memref<16x50x64xi32, #tpu.memory_space<vmem>>, vector<16xi32>,
      %get3A_622 = arith.constant 5 : i32
      %get3A_623 = arith.index_cast %get3A_622 : i32 to index
      %get3A_624 = arith.index_cast %scan3A_596 : i32 to index
      %get3A_625 = arith.constant 48 : index
      %get3A_626 = tpu.vector_load %arg5[%get3A_623, %get3A_624, %get3A_625] {strides = array<i32>} : memref<16x50x64xi32, #tpu.memory_space<vmem>>, vector<16xi32>,
      %get3A_627 = arith.constant 6 : i32
      %get3A_628 = arith.index_cast %get3A_627 : i32 to index
      %get3A_629 = arith.index_cast %scan3A_596 : i32 to index
      %get3A_630 = arith.constant 48 : index
      %get3A_631 = tpu.vector_load %arg5[%get3A_628, %get3A_629, %get3A_630] {strides = array<i32>} : memref<16x50x64xi32, #tpu.memory_space<vmem>>, vector<16xi32>,
      %get3A_632 = arith.constant 7 : i32
      %get3A_633 = arith.index_cast %get3A_632 : i32 to index
      %get3A_634 = arith.index_cast %scan3A_596 : i32 to index
      %get3A_635 = arith.constant 48 : index
      %get3A_636 = tpu.vector_load %arg5[%get3A_633, %get3A_634, %get3A_635] {strides = array<i32>} : memref<16x50x64xi32, #tpu.memory_space<vmem>>, vector<16xi32>,
      %get3A_637 = arith.constant 8 : i32
      %get3A_638 = arith.index_cast %get3A_637 : i32 to index
      %get3A_639 = arith.index_cast %scan3A_596 : i32 to index
      %get3A_640 = arith.constant 48 : index
      %get3A_641 = tpu.vector_load %arg5[%get3A_638, %get3A_639, %get3A_640] {strides = array<i32>} : memref<16x50x64xi32, #tpu.memory_space<vmem>>, vector<16xi32>,
      %get3A_642 = arith.constant 9 : i32
      %get3A_643 = arith.index_cast %get3A_642 : i32 to index
      %get3A_644 = arith.index_cast %scan3A_596 : i32 to index
      %get3A_645 = arith.constant 48 : index
      %get3A_646 = tpu.vector_load %arg5[%get3A_643, %get3A_644, %get3A_645] {strides = array<i32>} : memref<16x50x64xi32, #tpu.memory_space<vmem>>, vector<16xi32>,
      %get3A_647 = arith.constant 10 : i32
      %get3A_648 = arith.index_cast %get3A_647 : i32 to index
      %get3A_649 = arith.index_cast %scan3A_596 : i32 to index
      %get3A_650 = arith.constant 48 : index
      %get3A_651 = tpu.vector_load %arg5[%get3A_648, %get3A_649, %get3A_650] {strides = array<i32>} : memref<16x50x64xi32, #tpu.memory_space<vmem>>, vector<16xi32>,
      %get3A_652 = arith.constant 11 : i32
      %get3A_653 = arith.index_cast %get3A_652 : i32 to index
      %get3A_654 = arith.index_cast %scan3A_596 : i32 to index
      %get3A_655 = arith.constant 48 : index
      %get3A_656 = tpu.vector_load %arg5[%get3A_653, %get3A_654, %get3A_655] {strides = array<i32>} : memref<16x50x64xi32, #tpu.memory_space<vmem>>, vector<16xi32>,
      %get3A_657 = arith.constant 12 : i32
      %get3A_658 = arith.index_cast %get3A_657 : i32 to index
      %get3A_659 = arith.index_cast %scan3A_596 : i32 to index
      %get3A_660 = arith.constant 48 : index
      %get3A_661 = tpu.vector_load %arg5[%get3A_658, %get3A_659, %get3A_660] {strides = array<i32>} : memref<16x50x64xi32, #tpu.memory_space<vmem>>, vector<16xi32>,
      %get3A_662 = arith.constant 13 : i32
      %get3A_663 = arith.index_cast %get3A_662 : i32 to index
      %get3A_664 = arith.index_cast %scan3A_596 : i32 to index
      %get3A_665 = arith.constant 48 : index
      %get3A_666 = tpu.vector_load %arg5[%get3A_663, %get3A_664, %get3A_665] {strides = array<i32>} : memref<16x50x64xi32, #tpu.memory_space<vmem>>, vector<16xi32>,
      %get3A_667 = arith.constant 14 : i32
      %get3A_668 = arith.index_cast %get3A_667 : i32 to index
      %get3A_669 = arith.index_cast %scan3A_596 : i32 to index
      %get3A_670 = arith.constant 48 : index
      %get3A_671 = tpu.vector_load %arg5[%get3A_668, %get3A_669, %get3A_670] {strides = array<i32>} : memref<16x50x64xi32, #tpu.memory_space<vmem>>, vector<16xi32>,
      %get3A_672 = arith.constant 15 : i32
      %get3A_673 = arith.index_cast %get3A_672 : i32 to index
      %get3A_674 = arith.index_cast %scan3A_596 : i32 to index
      %get3A_675 = arith.constant 48 : index
      %get3A_676 = tpu.vector_load %arg5[%get3A_673, %get3A_674, %get3A_675] {strides = array<i32>} : memref<16x50x64xi32, #tpu.memory_space<vmem>>, vector<16xi32>,
      tpu.vector_store_idx %arg7[%get3A_601, %add3A_525], %get3A_529 {add = true} : memref<1024x64xf32, #tpu.memory_space<vmem>>[vector<16xi32>, vector<16xi32>], vector<16xf32>,
      tpu.vector_store_idx %arg7[%get3A_606, %add3A_525], %get3A_533 {add = true} : memref<1024x64xf32, #tpu.memory_space<vmem>>[vector<16xi32>, vector<16xi32>], vector<16xf32>,
      tpu.vector_store_idx %arg7[%get3A_611, %add3A_525], %get3A_537 {add = true} : memref<1024x64xf32, #tpu.memory_space<vmem>>[vector<16xi32>, vector<16xi32>], vector<16xf32>,
      tpu.vector_store_idx %arg7[%get3A_616, %add3A_525], %get3A_541 {add = true} : memref<1024x64xf32, #tpu.memory_space<vmem>>[vector<16xi32>, vector<16xi32>], vector<16xf32>,
      tpu.vector_store_idx %arg7[%get3A_621, %add3A_525], %get3A_545 {add = true} : memref<1024x64xf32, #tpu.memory_space<vmem>>[vector<16xi32>, vector<16xi32>], vector<16xf32>,
      tpu.vector_store_idx %arg7[%get3A_626, %add3A_525], %get3A_549 {add = true} : memref<1024x64xf32, #tpu.memory_space<vmem>>[vector<16xi32>, vector<16xi32>], vector<16xf32>,
      tpu.vector_store_idx %arg7[%get3A_631, %add3A_525], %get3A_553 {add = true} : memref<1024x64xf32, #tpu.memory_space<vmem>>[vector<16xi32>, vector<16xi32>], vector<16xf32>,
      tpu.vector_store_idx %arg7[%get3A_636, %add3A_525], %get3A_557 {add = true} : memref<1024x64xf32, #tpu.memory_space<vmem>>[vector<16xi32>, vector<16xi32>], vector<16xf32>,
      tpu.vector_store_idx %arg7[%get3A_641, %add3A_525], %get3A_561 {add = true} : memref<1024x64xf32, #tpu.memory_space<vmem>>[vector<16xi32>, vector<16xi32>], vector<16xf32>,
      tpu.vector_store_idx %arg7[%get3A_646, %add3A_525], %get3A_565 {add = true} : memref<1024x64xf32, #tpu.memory_space<vmem>>[vector<16xi32>, vector<16xi32>], vector<16xf32>,
      tpu.vector_store_idx %arg7[%get3A_651, %add3A_525], %get3A_569 {add = true} : memref<1024x64xf32, #tpu.memory_space<vmem>>[vector<16xi32>, vector<16xi32>], vector<16xf32>,
      tpu.vector_store_idx %arg7[%get3A_656, %add3A_525], %get3A_573 {add = true} : memref<1024x64xf32, #tpu.memory_space<vmem>>[vector<16xi32>, vector<16xi32>], vector<16xf32>,
      tpu.vector_store_idx %arg7[%get3A_661, %add3A_525], %get3A_577 {add = true} : memref<1024x64xf32, #tpu.memory_space<vmem>>[vector<16xi32>, vector<16xi32>], vector<16xf32>,
      tpu.vector_store_idx %arg7[%get3A_666, %add3A_525], %get3A_581 {add = true} : memref<1024x64xf32, #tpu.memory_space<vmem>>[vector<16xi32>, vector<16xi32>], vector<16xf32>,
      tpu.vector_store_idx %arg7[%get3A_671, %add3A_525], %get3A_585 {add = true} : memref<1024x64xf32, #tpu.memory_space<vmem>>[vector<16xi32>, vector<16xi32>], vector<16xf32>,
      tpu.vector_store_idx %arg7[%get3A_676, %add3A_525], %get3A_589 {add = true} : memref<1024x64xf32, #tpu.memory_space<vmem>>[vector<16xi32>, vector<16xi32>], vector<16xf32>,
      %scan3A_677 = arith.constant 1 : i32
      %scan3A_678 = arith.addi %scan3A_596, %scan3A_677 : i32
      %get3A_679 = arith.constant 0 : i32
      %get3A_680 = arith.index_cast %get3A_679 : i32 to index
      %get3A_681 = arith.index_cast %scan3A_678 : i32 to index
      %get3A_682 = arith.constant 48 : index
      %get3A_683 = tpu.vector_load %arg5[%get3A_680, %get3A_681, %get3A_682] {strides = array<i32>} : memref<16x50x64xi32, #tpu.memory_space<vmem>>, vector<16xi32>,
      %get3A_684 = arith.constant 1 : i32
      %get3A_685 = arith.index_cast %get3A_684 : i32 to index
      %get3A_686 = arith.index_cast %scan3A_678 : i32 to index
      %get3A_687 = arith.constant 48 : index
      %get3A_688 = tpu.vector_load %arg5[%get3A_685, %get3A_686, %get3A_687] {strides = array<i32>} : memref<16x50x64xi32, #tpu.memory_space<vmem>>, vector<16xi32>,
      %get3A_689 = arith.constant 2 : i32
      %get3A_690 = arith.index_cast %get3A_689 : i32 to index
      %get3A_691 = arith.index_cast %scan3A_678 : i32 to index
      %get3A_692 = arith.constant 48 : index
      %get3A_693 = tpu.vector_load %arg5[%get3A_690, %get3A_691, %get3A_692] {strides = array<i32>} : memref<16x50x64xi32, #tpu.memory_space<vmem>>, vector<16xi32>,
      %get3A_694 = arith.constant 3 : i32
      %get3A_695 = arith.index_cast %get3A_694 : i32 to index
      %get3A_696 = arith.index_cast %scan3A_678 : i32 to index
      %get3A_697 = arith.constant 48 : index
      %get3A_698 = tpu.vector_load %arg5[%get3A_695, %get3A_696, %get3A_697] {strides = array<i32>} : memref<16x50x64xi32, #tpu.memory_space<vmem>>, vector<16xi32>,
      %get3A_699 = arith.constant 4 : i32
      %get3A_700 = arith.index_cast %get3A_699 : i32 to index
      %get3A_701 = arith.index_cast %scan3A_678 : i32 to index
      %get3A_702 = arith.constant 48 : index
      %get3A_703 = tpu.vector_load %arg5[%get3A_700, %get3A_701, %get3A_702] {strides = array<i32>} : memref<16x50x64xi32, #tpu.memory_space<vmem>>, vector<16xi32>,
      %get3A_704 = arith.constant 5 : i32
      %get3A_705 = arith.index_cast %get3A_704 : i32 to index
      %get3A_706 = arith.index_cast %scan3A_678 : i32 to index
      %get3A_707 = arith.constant 48 : index
      %get3A_708 = tpu.vector_load %arg5[%get3A_705, %get3A_706, %get3A_707] {strides = array<i32>} : memref<16x50x64xi32, #tpu.memory_space<vmem>>, vector<16xi32>,
      %get3A_709 = arith.constant 6 : i32
      %get3A_710 = arith.index_cast %get3A_709 : i32 to index
      %get3A_711 = arith.index_cast %scan3A_678 : i32 to index
      %get3A_712 = arith.constant 48 : index
      %get3A_713 = tpu.vector_load %arg5[%get3A_710, %get3A_711, %get3A_712] {strides = array<i32>} : memref<16x50x64xi32, #tpu.memory_space<vmem>>, vector<16xi32>,
      %get3A_714 = arith.constant 7 : i32
      %get3A_715 = arith.index_cast %get3A_714 : i32 to index
      %get3A_716 = arith.index_cast %scan3A_678 : i32 to index
      %get3A_717 = arith.constant 48 : index
      %get3A_718 = tpu.vector_load %arg5[%get3A_715, %get3A_716, %get3A_717] {strides = array<i32>} : memref<16x50x64xi32, #tpu.memory_space<vmem>>, vector<16xi32>,
      %get3A_719 = arith.constant 8 : i32
      %get3A_720 = arith.index_cast %get3A_719 : i32 to index
      %get3A_721 = arith.index_cast %scan3A_678 : i32 to index
      %get3A_722 = arith.constant 48 : index
      %get3A_723 = tpu.vector_load %arg5[%get3A_720, %get3A_721, %get3A_722] {strides = array<i32>} : memref<16x50x64xi32, #tpu.memory_space<vmem>>, vector<16xi32>,
      %get3A_724 = arith.constant 9 : i32
      %get3A_725 = arith.index_cast %get3A_724 : i32 to index
      %get3A_726 = arith.index_cast %scan3A_678 : i32 to index
      %get3A_727 = arith.constant 48 : index
      %get3A_728 = tpu.vector_load %arg5[%get3A_725, %get3A_726, %get3A_727] {strides = array<i32>} : memref<16x50x64xi32, #tpu.memory_space<vmem>>, vector<16xi32>,
      %get3A_729 = arith.constant 10 : i32
      %get3A_730 = arith.index_cast %get3A_729 : i32 to index
      %get3A_731 = arith.index_cast %scan3A_678 : i32 to index
      %get3A_732 = arith.constant 48 : index
      %get3A_733 = tpu.vector_load %arg5[%get3A_730, %get3A_731, %get3A_732] {strides = array<i32>} : memref<16x50x64xi32, #tpu.memory_space<vmem>>, vector<16xi32>,
      %get3A_734 = arith.constant 11 : i32
      %get3A_735 = arith.index_cast %get3A_734 : i32 to index
      %get3A_736 = arith.index_cast %scan3A_678 : i32 to index
      %get3A_737 = arith.constant 48 : index
      %get3A_738 = tpu.vector_load %arg5[%get3A_735, %get3A_736, %get3A_737] {strides = array<i32>} : memref<16x50x64xi32, #tpu.memory_space<vmem>>, vector<16xi32>,
      %get3A_739 = arith.constant 12 : i32
      %get3A_740 = arith.index_cast %get3A_739 : i32 to index
      %get3A_741 = arith.index_cast %scan3A_678 : i32 to index
      %get3A_742 = arith.constant 48 : index
      %get3A_743 = tpu.vector_load %arg5[%get3A_740, %get3A_741, %get3A_742] {strides = array<i32>} : memref<16x50x64xi32, #tpu.memory_space<vmem>>, vector<16xi32>,
      %get3A_744 = arith.constant 13 : i32
      %get3A_745 = arith.index_cast %get3A_744 : i32 to index
      %get3A_746 = arith.index_cast %scan3A_678 : i32 to index
      %get3A_747 = arith.constant 48 : index
      %get3A_748 = tpu.vector_load %arg5[%get3A_745, %get3A_746, %get3A_747] {strides = array<i32>} : memref<16x50x64xi32, #tpu.memory_space<vmem>>, vector<16xi32>,
      %get3A_749 = arith.constant 14 : i32
      %get3A_750 = arith.index_cast %get3A_749 : i32 to index
      %get3A_751 = arith.index_cast %scan3A_678 : i32 to index
      %get3A_752 = arith.constant 48 : index
      %get3A_753 = tpu.vector_load %arg5[%get3A_750, %get3A_751, %get3A_752] {strides = array<i32>} : memref<16x50x64xi32, #tpu.memory_space<vmem>>, vector<16xi32>,
      %get3A_754 = arith.constant 15 : i32
      %get3A_755 = arith.index_cast %get3A_754 : i32 to index
      %get3A_756 = arith.index_cast %scan3A_678 : i32 to index
      %get3A_757 = arith.constant 48 : index
      %get3A_758 = tpu.vector_load %arg5[%get3A_755, %get3A_756, %get3A_757] {strides = array<i32>} : memref<16x50x64xi32, #tpu.memory_space<vmem>>, vector<16xi32>,
      tpu.vector_store_idx %arg7[%get3A_683, %add3A_525], %get3A_529 {add = true} : memref<1024x64xf32, #tpu.memory_space<vmem>>[vector<16xi32>, vector<16xi32>], vector<16xf32>,
      tpu.vector_store_idx %arg7[%get3A_688, %add3A_525], %get3A_533 {add = true} : memref<1024x64xf32, #tpu.memory_space<vmem>>[vector<16xi32>, vector<16xi32>], vector<16xf32>,
      tpu.vector_store_idx %arg7[%get3A_693, %add3A_525], %get3A_537 {add = true} : memref<1024x64xf32, #tpu.memory_space<vmem>>[vector<16xi32>, vector<16xi32>], vector<16xf32>,
      tpu.vector_store_idx %arg7[%get3A_698, %add3A_525], %get3A_541 {add = true} : memref<1024x64xf32, #tpu.memory_space<vmem>>[vector<16xi32>, vector<16xi32>], vector<16xf32>,
      tpu.vector_store_idx %arg7[%get3A_703, %add3A_525], %get3A_545 {add = true} : memref<1024x64xf32, #tpu.memory_space<vmem>>[vector<16xi32>, vector<16xi32>], vector<16xf32>,
      tpu.vector_store_idx %arg7[%get3A_708, %add3A_525], %get3A_549 {add = true} : memref<1024x64xf32, #tpu.memory_space<vmem>>[vector<16xi32>, vector<16xi32>], vector<16xf32>,
      tpu.vector_store_idx %arg7[%get3A_713, %add3A_525], %get3A_553 {add = true} : memref<1024x64xf32, #tpu.memory_space<vmem>>[vector<16xi32>, vector<16xi32>], vector<16xf32>,
      tpu.vector_store_idx %arg7[%get3A_718, %add3A_525], %get3A_557 {add = true} : memref<1024x64xf32, #tpu.memory_space<vmem>>[vector<16xi32>, vector<16xi32>], vector<16xf32>,
      tpu.vector_store_idx %arg7[%get3A_723, %add3A_525], %get3A_561 {add = true} : memref<1024x64xf32, #tpu.memory_space<vmem>>[vector<16xi32>, vector<16xi32>], vector<16xf32>,
      tpu.vector_store_idx %arg7[%get3A_728, %add3A_525], %get3A_565 {add = true} : memref<1024x64xf32, #tpu.memory_space<vmem>>[vector<16xi32>, vector<16xi32>], vector<16xf32>,
      tpu.vector_store_idx %arg7[%get3A_733, %add3A_525], %get3A_569 {add = true} : memref<1024x64xf32, #tpu.memory_space<vmem>>[vector<16xi32>, vector<16xi32>], vector<16xf32>,
      tpu.vector_store_idx %arg7[%get3A_738, %add3A_525], %get3A_573 {add = true} : memref<1024x64xf32, #tpu.memory_space<vmem>>[vector<16xi32>, vector<16xi32>], vector<16xf32>,
      tpu.vector_store_idx %arg7[%get3A_743, %add3A_525], %get3A_577 {add = true} : memref<1024x64xf32, #tpu.memory_space<vmem>>[vector<16xi32>, vector<16xi32>], vector<16xf32>,
      tpu.vector_store_idx %arg7[%get3A_748, %add3A_525], %get3A_581 {add = true} : memref<1024x64xf32, #tpu.memory_space<vmem>>[vector<16xi32>, vector<16xi32>], vector<16xf32>,
      tpu.vector_store_idx %arg7[%get3A_753, %add3A_525], %get3A_585 {add = true} : memref<1024x64xf32, #tpu.memory_space<vmem>>[vector<16xi32>, vector<16xi32>], vector<16xf32>,
      tpu.vector_store_idx %arg7[%get3A_758, %add3A_525], %get3A_589 {add = true} : memref<1024x64xf32, #tpu.memory_space<vmem>>[vector<16xi32>, vector<16xi32>], vector<16xf32>,
    }
    %scan3A_595 = arith.constant 50 : i32
    "tpu.region"() ({
      %run_scoped3A = tpu.sem_alloc : memref<!tpu.dma_semaphore, #tpu.memory_space<semaphore_mem>>
      %dma_start3A = arith.constant 0 : i32
      %dma_start3A_596 = arith.constant 64 : i32
      %dma_start3A_597 = tpu.memref_slice %arg4[%add3A, %dma_start3A, %dma_start3A_596] : memref<32x1024x128xf32, #tpu.memory_space<hbm>> -> memref<1x1024x64xf32, #tpu.memory_space<hbm>>
      %dma_start3A_598 = tpu.memref_squeeze %dma_start3A_597 : memref<1x1024x64xf32, #tpu.memory_space<hbm>> -> memref<1024x64xf32, #tpu.memory_space<hbm>>
      %dma_start3A_599 = arith.constant 0 : i32
      %dma_start3A_600 = arith.constant 64 : i32
      %dma_start3A_601 = tpu.memref_slice %arg4[%add3A, %dma_start3A_599, %dma_start3A_600] : memref<32x1024x128xf32, #tpu.memory_space<hbm>> -> memref<1x1024x64xf32, #tpu.memory_space<hbm>>
      %dma_start3A_602 = tpu.memref_squeeze %dma_start3A_601 : memref<1x1024x64xf32, #tpu.memory_space<hbm>> -> memref<1024x64xf32, #tpu.memory_space<hbm>>
      tpu.enqueue_dma source(%arg7 : memref<1024x64xf32, #tpu.memory_space<vmem>>) target(%dma_start3A_602 : memref<1024x64xf32, #tpu.memory_space<hbm>>) target_semaphore(%run_scoped3A : memref<!tpu.dma_semaphore, #tpu.memory_space<semaphore_mem>>)
      %dma_wait3A = arith.constant 0 : i32
      %dma_wait3A_603 = arith.constant 64 : i32
      %dma_wait3A_604 = tpu.memref_slice %arg4[%add3A, %dma_wait3A, %dma_wait3A_603] : memref<32x1024x128xf32, #tpu.memory_space<hbm>> -> memref<1x1024x64xf32, #tpu.memory_space<hbm>>
      %dma_wait3A_605 = tpu.memref_squeeze %dma_wait3A_604 : memref<1x1024x64xf32, #tpu.memory_space<hbm>> -> memref<1024x64xf32, #tpu.memory_space<hbm>>
      %dma_wait3A_606 = arith.constant 0 : i32
      %dma_wait3A_607 = arith.constant 64 : i32
      %dma_wait3A_608 = tpu.memref_slice %arg4[%add3A, %dma_wait3A_606, %dma_wait3A_607] : memref<32x1024x128xf32, #tpu.memory_space<hbm>> -> memref<1x1024x64xf32, #tpu.memory_space<hbm>>
      %dma_wait3A_609 = tpu.memref_squeeze %dma_wait3A_608 : memref<1x1024x64xf32, #tpu.memory_space<hbm>> -> memref<1024x64xf32, #tpu.memory_space<hbm>>
      tpu.wait_dma2 semaphore(%run_scoped3A : memref<!tpu.dma_semaphore, #tpu.memory_space<semaphore_mem>>) src(%arg7 : memref<1024x64xf32, #tpu.memory_space<vmem>>) dst(%dma_wait3A_609 : memref<1024x64xf32, #tpu.memory_space<hbm>>)
      tpu.yield
    }) : () -> ()
    return
  }
}

module attributes {stable_mosaic.version = 14 : i64} {
  func.func @_tc_points_kernel(%arg0: i32, %arg1: memref<224x128xf32, #tpu.memory_space<vmem>>, %arg2: memref<224x1xf32, #tpu.memory_space<vmem>>, %arg3: memref<1024x128xf32, #tpu.memory_space<vmem>>, %arg4: memref<1x50x1xf32, #tpu.memory_space<vmem>>, %arg5: memref<1x50x1xf32, #tpu.memory_space<vmem>>, %arg6: memref<1x50x1xf32, #tpu.memory_space<vmem>>, %arg7: memref<1024x112xf32, #tpu.memory_space<vmem>>, %arg8: memref<16x50x8x128xi32, #tpu.memory_space<vmem>>, %arg9: memref<16x8x128xf32, #tpu.memory_space<vmem>>) attributes {dimension_semantics = [#tpu.dimension_semantics<arbitrary>], iteration_bounds = array<i64: 4>, scalar_prefetch = 0 : i64, scratch_operands = 0 : i64, tpu.core_type = #tpu.core_type<tc>, window_params = [{pipeline_mode = #tpu.pipeline_mode<synchronous>, transform_indices = @transform_0, window_bounds = array<i64: 224, 128>}, {pipeline_mode = #tpu.pipeline_mode<synchronous>, transform_indices = @transform_1, window_bounds = array<i64: 224, 1>}, {transform_indices = @transform_2, window_bounds = array<i64: 1024, 128>}, {pipeline_mode = #tpu.pipeline_mode<synchronous>, transform_indices = @transform_3, window_bounds = array<i64: 1, 50, 1>}, {pipeline_mode = #tpu.pipeline_mode<synchronous>, transform_indices = @transform_4, window_bounds = array<i64: 1, 50, 1>}, {pipeline_mode = #tpu.pipeline_mode<synchronous>, transform_indices = @transform_5, window_bounds = array<i64: 1, 50, 1>}, {transform_indices = @transform_6, window_bounds = array<i64: 1024, 112>}, {transform_indices = @transform_7, window_bounds = array<i64: 16, 50, 8, 128>}, {transform_indices = @transform_8, window_bounds = array<i64: 16, 8, 128>}]} {
    %get3A = arith.constant 0 : index
    %get3A_0 = arith.constant 0 : index
    %get3A_1 = vector.load %arg3[%get3A, %get3A_0] : memref<1024x128xf32, #tpu.memory_space<vmem>>, vector<1024x128xf32>
    %convert_element_type3A = arith.truncf %get3A_1 : vector<1024x128xf32> to vector<1024x128xbf16>
    %get3A_2 = arith.constant 0 : index
    %get3A_3 = arith.constant 0 : index
    %get3A_4 = vector.load %arg1[%get3A_2, %get3A_3] : memref<224x128xf32, #tpu.memory_space<vmem>>, vector<224x128xf32>
    %convert_element_type3A_5 = arith.truncf %get3A_4 : vector<224x128xf32> to vector<224x128xbf16>
    %dot_general3A = arith.constant dense<0.000000e+00> : vector<224x1024xf32>
    %dot_general3A_6 = tpu.matmul %convert_element_type3A_5, %convert_element_type3A, %dot_general3A {dimension_numbers = #tpu.dot_dimension_numbers<[1], [1], [0], [0], [0, 0, 1, 0], [], []>, transpose_lhs_hint = false} : vector<224x128xbf16>, vector<1024x128xbf16>, vector<224x1024xf32> -> vector<224x1024xf32>
    %get3A_7 = arith.constant 0 : index
    %get3A_8 = arith.constant 0 : index
    %get3A_9 = vector.load %arg2[%get3A_7, %get3A_8] : memref<224x1xf32, #tpu.memory_space<vmem>>, vector<224x1xf32>
    %add3A = vector.broadcast %get3A_9 : vector<224x1xf32> to vector<224x1024xf32>
    %add3A_10 = arith.addf %dot_general3A_6, %add3A : vector<224x1024xf32>
    %neg3A = arith.constant 0.000000e+00 : f32
    %neg3A_11 = vector.broadcast %neg3A : f32 to vector<224x1024xf32>
    %neg3A_12 = arith.subf %neg3A_11, %add3A_10 : vector<224x1024xf32>
    %exp3A = math.exp %neg3A_12 : vector<224x1024xf32>
    %add3A_13 = arith.constant 1.000000e+00 : f32
    %add3A_14 = vector.broadcast %add3A_13 : f32 to vector<224x1024xf32>
    %add3A_15 = arith.addf %add3A_14, %exp3A : vector<224x1024xf32>
    %div3A = arith.constant 1.000000e+00 : f32
    %div3A_16 = vector.broadcast %div3A : f32 to vector<224x1024xf32>
    %div3A_17 = arith.divf %div3A_16, %add3A_15 : vector<224x1024xf32>
    %slice3A = vector.extract_strided_slice %div3A_17 {offsets = [0, 0], sizes = [112, 1024], strides = [1, 1]} : vector<224x1024xf32> to vector<112x1024xf32>
    %transpose3A = tpu.transpose %slice3A, [1, 0] : vector<112x1024xf32> -> vector<1024x112xf32>
    %swap3A = arith.constant 0 : index
    %swap3A_18 = arith.constant 0 : index
    %swap3A_19 = vector.load %arg7[%swap3A, %swap3A_18] : memref<1024x112xf32, #tpu.memory_space<vmem>>, vector<1024x112xf32>
    tpu.vector_store %arg7[%swap3A, %swap3A_18], %transpose3A {strides = array<i32>} : memref<1024x112xf32, #tpu.memory_space<vmem>>, vector<1024x112xf32>,
    %slice3A_20 = vector.extract_strided_slice %div3A_17 {offsets = [112, 0], sizes = [112, 1024], strides = [1, 1]} : vector<224x1024xf32> to vector<112x1024xf32>
    %mul3A = arith.constant 2.800000e+01 : f32
    %mul3A_21 = vector.broadcast %mul3A : f32 to vector<112x1024xf32>
    %mul3A_22 = arith.mulf %slice3A_20, %mul3A_21 : vector<112x1024xf32>
    %slice3A_23 = vector.extract_strided_slice %mul3A_22 {offsets = [0, 0], sizes = [16, 1024], strides = [1, 1]} : vector<112x1024xf32> to vector<16x1024xf32>
    %slice3A_24 = vector.extract_strided_slice %mul3A_22 {offsets = [16, 0], sizes = [16, 1024], strides = [1, 1]} : vector<112x1024xf32> to vector<16x1024xf32>
    %slice3A_25 = vector.extract_strided_slice %mul3A_22 {offsets = [32, 0], sizes = [16, 1024], strides = [1, 1]} : vector<112x1024xf32> to vector<16x1024xf32>
    %slice3A_26 = vector.extract_strided_slice %mul3A_22 {offsets = [48, 0], sizes = [16, 1024], strides = [1, 1]} : vector<112x1024xf32> to vector<16x1024xf32>
    %slice3A_27 = vector.extract_strided_slice %mul3A_22 {offsets = [64, 0], sizes = [16, 1024], strides = [1, 1]} : vector<112x1024xf32> to vector<16x1024xf32>
    %slice3A_28 = vector.extract_strided_slice %mul3A_22 {offsets = [80, 0], sizes = [16, 1024], strides = [1, 1]} : vector<112x1024xf32> to vector<16x1024xf32>
    %slice3A_29 = vector.extract_strided_slice %mul3A_22 {offsets = [96, 0], sizes = [16, 1024], strides = [1, 1]} : vector<112x1024xf32> to vector<16x1024xf32>
    %mul3A_30 = arith.constant -3.000000e-03 : f32
    %mul3A_31 = vector.broadcast %mul3A_30 : f32 to vector<16x1024xf32>
    %mul3A_32 = arith.mulf %slice3A_29, %mul3A_31 : vector<16x1024xf32>
    %reshape3A = vector.shape_cast %mul3A_32 : vector<16x1024xf32> to vector<16x8x128xf32>
    %swap3A_33 = arith.constant 0 : index
    %swap3A_34 = arith.constant 0 : index
    %swap3A_35 = arith.constant 0 : index
    %swap3A_36 = vector.load %arg9[%swap3A_33, %swap3A_34, %swap3A_35] : memref<16x8x128xf32, #tpu.memory_space<vmem>>, vector<16x8x128xf32>
    tpu.vector_store %arg9[%swap3A_33, %swap3A_34, %swap3A_35], %reshape3A {strides = array<i32>} : memref<16x8x128xf32, #tpu.memory_space<vmem>>, vector<16x8x128xf32>,
    %get3A_37 = arith.constant 0 : index
    %get3A_38 = arith.constant 0 : index
    %get3A_39 = arith.constant 0 : index
    %get3A_40 = vector.load %arg4[%get3A_37, %get3A_38, %get3A_39] : memref<1x50x1xf32, #tpu.memory_space<vmem>>, vector<1x50x1xf32>
    %get3A_41 = arith.constant 0 : index
    %get3A_42 = arith.constant 0 : index
    %get3A_43 = arith.constant 0 : index
    %get3A_44 = vector.load %arg5[%get3A_41, %get3A_42, %get3A_43] : memref<1x50x1xf32, #tpu.memory_space<vmem>>, vector<1x50x1xf32>
    %get3A_45 = arith.constant 0 : index
    %get3A_46 = arith.constant 0 : index
    %get3A_47 = arith.constant 0 : index
    %get3A_48 = vector.load %arg6[%get3A_45, %get3A_46, %get3A_47] : memref<1x50x1xf32, #tpu.memory_space<vmem>>, vector<1x50x1xf32>
    %broadcast_in_dim3A = vector.shape_cast %slice3A_23 : vector<16x1024xf32> to vector<16x1x1024xf32>
    %mul3A_49 = vector.broadcast %get3A_40 : vector<1x50x1xf32> to vector<16x50x1024xf32>
    %mul3A_50 = vector.broadcast %broadcast_in_dim3A : vector<16x1x1024xf32> to vector<16x50x1024xf32>
    %mul3A_51 = arith.mulf %mul3A_49, %mul3A_50 : vector<16x50x1024xf32>
    %broadcast_in_dim3A_52 = vector.shape_cast %slice3A_25 : vector<16x1024xf32> to vector<16x1x1024xf32>
    %mul3A_53 = vector.broadcast %get3A_44 : vector<1x50x1xf32> to vector<16x50x1024xf32>
    %mul3A_54 = vector.broadcast %broadcast_in_dim3A_52 : vector<16x1x1024xf32> to vector<16x50x1024xf32>
    %mul3A_55 = arith.mulf %mul3A_53, %mul3A_54 : vector<16x50x1024xf32>
    %add3A_56 = arith.addf %mul3A_51, %mul3A_55 : vector<16x50x1024xf32>
    %broadcast_in_dim3A_57 = vector.shape_cast %slice3A_27 : vector<16x1024xf32> to vector<16x1x1024xf32>
    %mul3A_58 = vector.broadcast %get3A_48 : vector<1x50x1xf32> to vector<16x50x1024xf32>
    %mul3A_59 = vector.broadcast %broadcast_in_dim3A_57 : vector<16x1x1024xf32> to vector<16x50x1024xf32>
    %mul3A_60 = arith.mulf %mul3A_58, %mul3A_59 : vector<16x50x1024xf32>
    %add3A_61 = arith.addf %add3A_56, %mul3A_60 : vector<16x50x1024xf32>
    %broadcast_in_dim3A_62 = vector.shape_cast %slice3A_24 : vector<16x1024xf32> to vector<16x1x1024xf32>
    %mul3A_63 = vector.broadcast %get3A_40 : vector<1x50x1xf32> to vector<16x50x1024xf32>
    %mul3A_64 = vector.broadcast %broadcast_in_dim3A_62 : vector<16x1x1024xf32> to vector<16x50x1024xf32>
    %mul3A_65 = arith.mulf %mul3A_63, %mul3A_64 : vector<16x50x1024xf32>
    %broadcast_in_dim3A_66 = vector.shape_cast %slice3A_26 : vector<16x1024xf32> to vector<16x1x1024xf32>
    %mul3A_67 = vector.broadcast %get3A_44 : vector<1x50x1xf32> to vector<16x50x1024xf32>
    %mul3A_68 = vector.broadcast %broadcast_in_dim3A_66 : vector<16x1x1024xf32> to vector<16x50x1024xf32>
    %mul3A_69 = arith.mulf %mul3A_67, %mul3A_68 : vector<16x50x1024xf32>
    %add3A_70 = arith.addf %mul3A_65, %mul3A_69 : vector<16x50x1024xf32>
    %broadcast_in_dim3A_71 = vector.shape_cast %slice3A_28 : vector<16x1024xf32> to vector<16x1x1024xf32>
    %mul3A_72 = vector.broadcast %get3A_48 : vector<1x50x1xf32> to vector<16x50x1024xf32>
    %mul3A_73 = vector.broadcast %broadcast_in_dim3A_71 : vector<16x1x1024xf32> to vector<16x50x1024xf32>
    %mul3A_74 = arith.mulf %mul3A_72, %mul3A_73 : vector<16x50x1024xf32>
    %add3A_75 = arith.addf %add3A_70, %mul3A_74 : vector<16x50x1024xf32>
    %round3A = math.roundeven %add3A_61 : vector<16x50x1024xf32>
    %round3A_76 = math.roundeven %add3A_75 : vector<16x50x1024xf32>
    %mul3A_77 = arith.constant 3.200000e+01 : f32
    %mul3A_78 = vector.broadcast %mul3A_77 : f32 to vector<16x50x1024xf32>
    %mul3A_79 = arith.mulf %round3A, %mul3A_78 : vector<16x50x1024xf32>
    %add3A_80 = arith.addf %mul3A_79, %round3A_76 : vector<16x50x1024xf32>
    %convert_element_type3A_81 = arith.fptosi %add3A_80 : vector<16x50x1024xf32> to vector<16x50x1024xi32>
    %reshape3A_82 = vector.shape_cast %convert_element_type3A_81 : vector<16x50x1024xi32> to vector<16x50x8x128xi32>
    %swap3A_83 = arith.constant 0 : index
    %swap3A_84 = arith.constant 0 : index
    %swap3A_85 = arith.constant 0 : index
    %swap3A_86 = arith.constant 0 : index
    %swap3A_87 = vector.load %arg8[%swap3A_83, %swap3A_84, %swap3A_85, %swap3A_86] : memref<16x50x8x128xi32, #tpu.memory_space<vmem>>, vector<16x50x8x128xi32>
    tpu.vector_store %arg8[%swap3A_83, %swap3A_84, %swap3A_85, %swap3A_86], %reshape3A_82 {strides = array<i32>} : memref<16x50x8x128xi32, #tpu.memory_space<vmem>>, vector<16x50x8x128xi32>,
    return
  }
  func.func @transform_0(%arg0: i32) -> (i32, i32) {
    %c0_i32 = arith.constant 0 : i32
    %c0_i32_0 = arith.constant 0 : i32
    %c0_i32_1 = arith.constant 0 : i32
    return %c0_i32, %c0_i32_0 : i32, i32
  }
  func.func @transform_1(%arg0: i32) -> (i32, i32) {
    %c0_i32 = arith.constant 0 : i32
    %c0_i32_0 = arith.constant 0 : i32
    %c0_i32_1 = arith.constant 0 : i32
    return %c0_i32, %c0_i32_0 : i32, i32
  }
  func.func @transform_2(%arg0: i32) -> (i32, i32) {
    %c0_i32 = arith.constant 0 : i32
    %c0_i32_0 = arith.constant 0 : i32
    return %arg0, %c0_i32 : i32, i32
  }
  func.func @transform_3(%arg0: i32) -> (i32, i32, i32) {
    %c0_i32 = arith.constant 0 : i32
    %c0_i32_0 = arith.constant 0 : i32
    %c0_i32_1 = arith.constant 0 : i32
    %c0_i32_2 = arith.constant 0 : i32
    return %c0_i32, %c0_i32_0, %c0_i32_1 : i32, i32, i32
  }
  func.func @transform_4(%arg0: i32) -> (i32, i32, i32) {
    %c0_i32 = arith.constant 0 : i32
    %c0_i32_0 = arith.constant 0 : i32
    %c0_i32_1 = arith.constant 0 : i32
    %c0_i32_2 = arith.constant 0 : i32
    return %c0_i32, %c0_i32_0, %c0_i32_1 : i32, i32, i32
  }
  func.func @transform_5(%arg0: i32) -> (i32, i32, i32) {
    %c0_i32 = arith.constant 0 : i32
    %c0_i32_0 = arith.constant 0 : i32
    %c0_i32_1 = arith.constant 0 : i32
    %c0_i32_2 = arith.constant 0 : i32
    return %c0_i32, %c0_i32_0, %c0_i32_1 : i32, i32, i32
  }
  func.func @transform_6(%arg0: i32) -> (i32, i32) {
    %c0_i32 = arith.constant 0 : i32
    %c0_i32_0 = arith.constant 0 : i32
    return %arg0, %c0_i32 : i32, i32
  }
  func.func @transform_7(%arg0: i32) -> (i32, i32, i32, i32) {
    %c0_i32 = arith.constant 0 : i32
    %c0_i32_0 = arith.constant 0 : i32
    %c0_i32_1 = arith.constant 0 : i32
    %c0_i32_2 = arith.constant 0 : i32
    return %c0_i32, %c0_i32_0, %arg0, %c0_i32_1 : i32, i32, i32, i32
  }
  func.func @transform_8(%arg0: i32) -> (i32, i32, i32) {
    %c0_i32 = arith.constant 0 : i32
    %c0_i32_0 = arith.constant 0 : i32
    %c0_i32_1 = arith.constant 0 : i32
    return %c0_i32, %arg0, %c0_i32_0 : i32, i32, i32
  }
}

module attributes {stable_mosaic.version = 14 : i64} {
  func.func @_tc_fold_kernel(%arg0: i32, %arg1: memref<1x1024x128xf32, #tpu.memory_space<vmem>>, %arg2: memref<28x28x128xf32, #tpu.memory_space<vmem>>, %arg3: memref<128xf32, #tpu.memory_space<vmem>>, %arg4: memref<128xf32, #tpu.memory_space<vmem>>) attributes {dimension_semantics = [#tpu.dimension_semantics<arbitrary>], iteration_bounds = array<i64: 32>, scalar_prefetch = 0 : i64, scratch_operands = 0 : i64, tpu.core_type = #tpu.core_type<tc>, window_params = [{transform_indices = @transform_0, window_bounds = array<i64: 1, 1024, 128>}, {transform_indices = @transform_1, window_bounds = array<i64: 28, 28, 128>}, {transform_indices = @transform_2, window_bounds = array<i64: 128>}, {transform_indices = @transform_3, window_bounds = array<i64: 128>}]} {
    %get3A = arith.constant 0 : index
    %get3A_0 = arith.constant 0 : index
    %get3A_1 = arith.constant 0 : index
    %get3A_2 = vector.load %arg1[%get3A, %get3A_0, %get3A_1] : memref<1x1024x128xf32, #tpu.memory_space<vmem>>, vector<1x1024x128xf32>
    %reshape3A = vector.shape_cast %get3A_2 : vector<1x1024x128xf32> to vector<32x32x128xf32>
    %slice3A = vector.extract_strided_slice %reshape3A {offsets = [0, 31, 0], sizes = [32, 1, 128], strides = [1, 1, 1]} : vector<32x32x128xf32> to vector<32x1x128xf32>
    %slice3A_3 = vector.extract_strided_slice %reshape3A {offsets = [0, 0, 0], sizes = [32, 31, 128], strides = [1, 1, 1]} : vector<32x32x128xf32> to vector<32x31x128xf32>
    %concatenate3A = tpu.concatenate %slice3A, %slice3A_3 in 1 : vector<32x1x128xf32>, vector<32x31x128xf32> -> vector<32x32x128xf32>
    %slice3A_4 = vector.extract_strided_slice %reshape3A {offsets = [0, 1, 0], sizes = [32, 31, 128], strides = [1, 1, 1]} : vector<32x32x128xf32> to vector<32x31x128xf32>
    %slice3A_5 = vector.extract_strided_slice %reshape3A {offsets = [0, 0, 0], sizes = [32, 1, 128], strides = [1, 1, 1]} : vector<32x32x128xf32> to vector<32x1x128xf32>
    %concatenate3A_6 = tpu.concatenate %slice3A_4, %slice3A_5 in 1 : vector<32x31x128xf32>, vector<32x1x128xf32> -> vector<32x32x128xf32>
    %iota3A = tpu.iota {dimensions = array<i32: 1>} : vector<32x32x128xi32>
    %add3A = arith.addf %concatenate3A, %reshape3A : vector<32x32x128xf32>
    %add3A_7 = arith.addf %add3A, %concatenate3A_6 : vector<32x32x128xf32>
    %eq3A = arith.constant 0 : i32
    %eq3A_8 = vector.broadcast %eq3A : i32 to vector<32x32x128xi32>
    %eq3A_9 = arith.cmpi eq, %iota3A, %eq3A_8 : vector<32x32x128xi32>
    %jit3A = arith.constant 0.000000e+00 : f32
    %broadcast_in_dim3A = vector.broadcast %jit3A : f32 to vector<32x32x128xf32>
    %select_n3A = arith.select %eq3A_9, %reshape3A, %broadcast_in_dim3A : vector<32x32x128xi1>, vector<32x32x128xf32>
    %add3A_10 = arith.addf %add3A_7, %select_n3A : vector<32x32x128xf32>
    %eq3A_11 = arith.constant 27 : i32
    %eq3A_12 = vector.broadcast %eq3A_11 : i32 to vector<32x32x128xi32>
    %eq3A_13 = arith.cmpi eq, %iota3A, %eq3A_12 : vector<32x32x128xi32>
    %mul3A = arith.constant 2.000000e+00 : f32
    %mul3A_14 = vector.broadcast %mul3A : f32 to vector<32x32x128xf32>
    %mul3A_15 = arith.mulf %mul3A_14, %concatenate3A_6 : vector<32x32x128xf32>
    %add3A_16 = arith.addf %reshape3A, %mul3A_15 : vector<32x32x128xf32>
    %jit3A_17 = arith.constant 0.000000e+00 : f32
    %broadcast_in_dim3A_18 = vector.broadcast %jit3A_17 : f32 to vector<32x32x128xf32>
    %select_n3A_19 = arith.select %eq3A_13, %add3A_16, %broadcast_in_dim3A_18 : vector<32x32x128xi1>, vector<32x32x128xf32>
    %add3A_20 = arith.addf %add3A_10, %select_n3A_19 : vector<32x32x128xf32>
    %slice3A_21 = vector.extract_strided_slice %add3A_20 {offsets = [31, 0, 0], sizes = [1, 32, 128], strides = [1, 1, 1]} : vector<32x32x128xf32> to vector<1x32x128xf32>
    %slice3A_22 = vector.extract_strided_slice %add3A_20 {offsets = [0, 0, 0], sizes = [31, 32, 128], strides = [1, 1, 1]} : vector<32x32x128xf32> to vector<31x32x128xf32>
    %concatenate3A_23 = tpu.concatenate %slice3A_21, %slice3A_22 in 0 : vector<1x32x128xf32>, vector<31x32x128xf32> -> vector<32x32x128xf32>
    %slice3A_24 = vector.extract_strided_slice %add3A_20 {offsets = [1, 0, 0], sizes = [31, 32, 128], strides = [1, 1, 1]} : vector<32x32x128xf32> to vector<31x32x128xf32>
    %slice3A_25 = vector.extract_strided_slice %add3A_20 {offsets = [0, 0, 0], sizes = [1, 32, 128], strides = [1, 1, 1]} : vector<32x32x128xf32> to vector<1x32x128xf32>
    %concatenate3A_26 = tpu.concatenate %slice3A_24, %slice3A_25 in 0 : vector<31x32x128xf32>, vector<1x32x128xf32> -> vector<32x32x128xf32>
    %iota3A_27 = tpu.iota {dimensions = array<i32: 0>} : vector<32x32x128xi32>
    %add3A_28 = arith.addf %concatenate3A_23, %add3A_20 : vector<32x32x128xf32>
    %add3A_29 = arith.addf %add3A_28, %concatenate3A_26 : vector<32x32x128xf32>
    %eq3A_30 = arith.constant 0 : i32
    %eq3A_31 = vector.broadcast %eq3A_30 : i32 to vector<32x32x128xi32>
    %eq3A_32 = arith.cmpi eq, %iota3A_27, %eq3A_31 : vector<32x32x128xi32>
    %jit3A_33 = arith.constant 0.000000e+00 : f32
    %broadcast_in_dim3A_34 = vector.broadcast %jit3A_33 : f32 to vector<32x32x128xf32>
    %select_n3A_35 = arith.select %eq3A_32, %add3A_20, %broadcast_in_dim3A_34 : vector<32x32x128xi1>, vector<32x32x128xf32>
    %add3A_36 = arith.addf %add3A_29, %select_n3A_35 : vector<32x32x128xf32>
    %eq3A_37 = arith.constant 27 : i32
    %eq3A_38 = vector.broadcast %eq3A_37 : i32 to vector<32x32x128xi32>
    %eq3A_39 = arith.cmpi eq, %iota3A_27, %eq3A_38 : vector<32x32x128xi32>
    %mul3A_40 = arith.constant 2.000000e+00 : f32
    %mul3A_41 = vector.broadcast %mul3A_40 : f32 to vector<32x32x128xf32>
    %mul3A_42 = arith.mulf %mul3A_41, %concatenate3A_26 : vector<32x32x128xf32>
    %add3A_43 = arith.addf %add3A_20, %mul3A_42 : vector<32x32x128xf32>
    %jit3A_44 = arith.constant 0.000000e+00 : f32
    %broadcast_in_dim3A_45 = vector.broadcast %jit3A_44 : f32 to vector<32x32x128xf32>
    %select_n3A_46 = arith.select %eq3A_39, %add3A_43, %broadcast_in_dim3A_45 : vector<32x32x128xi1>, vector<32x32x128xf32>
    %add3A_47 = arith.addf %add3A_36, %select_n3A_46 : vector<32x32x128xf32>
    %slice3A_48 = vector.extract_strided_slice %add3A_47 {offsets = [0, 0, 0], sizes = [28, 28, 128], strides = [1, 1, 1]} : vector<32x32x128xf32> to vector<28x28x128xf32>
    %add3A_49 = arith.constant 3.000000e-01 : f32
    %add3A_50 = vector.broadcast %add3A_49 : f32 to vector<28x28x128xf32>
    %add3A_51 = arith.addf %slice3A_48, %add3A_50 : vector<28x28x128xf32>
    %jit3A_52 = arith.constant 0.000000e+00 : f32
    %jit3A_53 = arith.constant 1.000000e+00 : f32
    %max3A = vector.broadcast %jit3A_52 : f32 to vector<28x28x128xf32>
    %max3A_54 = arith.maximumf %max3A, %add3A_51 : vector<28x28x128xf32>
    %min3A = vector.broadcast %jit3A_53 : f32 to vector<28x28x128xf32>
    %min3A_55 = arith.minimumf %min3A, %max3A_54 : vector<28x28x128xf32>
    %swap3A = arith.constant 0 : index
    %swap3A_56 = arith.constant 0 : index
    %swap3A_57 = arith.constant 0 : index
    %swap3A_58 = vector.load %arg2[%swap3A, %swap3A_56, %swap3A_57] : memref<28x28x128xf32, #tpu.memory_space<vmem>>, vector<28x28x128xf32>
    tpu.vector_store %arg2[%swap3A, %swap3A_56, %swap3A_57], %min3A_55 {strides = array<i32>} : memref<28x28x128xf32, #tpu.memory_space<vmem>>, vector<28x28x128xf32>,
    %broadcast_in_dim3A_59 = arith.constant -102.921112 : f32
    %broadcast_in_dim3A_60 = vector.broadcast %broadcast_in_dim3A_59 : f32 to vector<128xf32>
    %swap3A_61 = arith.constant 0 : index
    %swap3A_62 = vector.load %arg3[%swap3A_61] : memref<128xf32, #tpu.memory_space<vmem>>, vector<128xf32>
    tpu.vector_store %arg3[%swap3A_61], %broadcast_in_dim3A_60 {strides = array<i32>} : memref<128xf32, #tpu.memory_space<vmem>>, vector<128xf32>,
    %broadcast_in_dim3A_63 = arith.constant 158.921112 : f32
    %broadcast_in_dim3A_64 = vector.broadcast %broadcast_in_dim3A_63 : f32 to vector<128xf32>
    %swap3A_65 = arith.constant 0 : index
    %swap3A_66 = vector.load %arg4[%swap3A_65] : memref<128xf32, #tpu.memory_space<vmem>>, vector<128xf32>
    tpu.vector_store %arg4[%swap3A_65], %broadcast_in_dim3A_64 {strides = array<i32>} : memref<128xf32, #tpu.memory_space<vmem>>, vector<128xf32>,
    return
  }
  func.func @transform_0(%arg0: i32) -> (i32, i32, i32) {
    %c0_i32 = arith.constant 0 : i32
    %c0_i32_0 = arith.constant 0 : i32
    %c0_i32_1 = arith.constant 0 : i32
    return %arg0, %c0_i32, %c0_i32_0 : i32, i32, i32
  }
  func.func @transform_1(%arg0: i32) -> (i32, i32, i32) {
    %c0_i32 = arith.constant 0 : i32
    %c0_i32_0 = arith.constant 0 : i32
    %c0_i32_1 = arith.constant 0 : i32
    return %c0_i32, %c0_i32_0, %arg0 : i32, i32, i32
  }
  func.func @transform_2(%arg0: i32) -> i32 {
    %c0_i32 = arith.constant 0 : i32
    return %arg0 : i32
  }
  func.func @transform_3(%arg0: i32) -> i32 {
    %c0_i32 = arith.constant 0 : i32
    return %arg0 : i32
  }
}

</mosaic_0001>

<sc_bundles>
// kernel: kernel.5.cloned.1.call-start
scs
__scs_entry_jumppad:
0x0: {  	(pc) =	sbr.rel $0x88, $3  }
0x1: {  	(tag) =	ssettag $0x0;
	lr =	simm.s32 $0x1  }
0x2: {  	[smem:$0x3F9E] =	sst lr;
	_ =	strace $0xD0000000  }
0x3: {  	_ = 	snop  }
0x4: {  	_ = 	snop  }
0x5: {  	_ = 	snop  }
0x6: {  	_ = 	snop  }
0x7: {  	_ = 	snop  }
__scs_overlays_trampoline_lowered:
0x8: {  	[smem:$0x3FAD] =	sst s0  }
0x9: {  	[smem:$0x3FAE] =	sst s1  }
0xa: {  	[smem:$0x3FAF] =	sst s2  }
0xb: {  	[smem:$0x3FB0] =	sst s3  }
0xc: {  	[smem:$0x3FB1] =	sst s4  }
0xd: {  	[smem:$0x3FB2] =	sst s5  }
0xe: {  	[smem:$0x3FB3] =	sst s6  }
0xf: {  	[smem:$0x3FB4] =	sst s7  }
0x10: {  	[smem:$0x3FB5] =	sst s8  }
0x11: {  	[smem:$0x3FB6] =	sst s9;
	s0 =	simm.s32 @!p0 $0x0  }
0x12: {  	s1 =	sld [smem:$0x3F9C];
	s0 =	simm.s32 @p0 $0x1  }
0x13: {  	[smem:$0x3FB7] =	sst s0;
	s0 =	simm.s32 @!p1 $0x0  }
0x14: {  	s2 =	sld [smem:$0x3F9B];
	s0 =	simm.s32 @p1 $0x1  }
0x15: {  	[smem:$0x3FB8] =	sst s0;
	s0 =	simm.s32 @!p2 $0x0  }
0x16: {  	s3 =	sld [smem:$0x3FDB];
	s0 =	simm.s32 @p2 $0x1  }
0x17: {  	s4 =	simm.s32 $0x1BF5;
	[smem:$0x3FBA] =	sst s0  }
0x18: {  	s0 =	sld [smem:$0x3F9D];
	_ =	swait.ge [sflag:s4], $0x0  }
0x19: {  	s7 =	sld [smem:$0x3F9E]  }
0x1a: {  	s8 =	sadd.s32 $0xFFFFE003, lr  }
0x1b: {  	s9 =	sadd.s32 $0xFFFFFEF7, lr;
	s5 =	simm.s32 $0xFFFFFFFF;
	p2 =	slt.u32 s8, $0xFFFFF086  }
0x1c: {  	p1 =	slt.u32 s9, $0xF7A;
	s5 =	simm.s32 @!p2 $0x0  }
0x1d: {  	s5 =	simm.s32 @p1 $0x1;
	p0 =	seq.s32 s7, s2  }
0x1e: {  	s7 =	smul.u32 @!p0 $0xF7A, s2;
	p2 =	seq.s32 @!p0 s5, $0x0  }
0x1f: {  	s9 =	smul.u32 $0xF7A, s1;
	s8 =	simm.s32 @!p0 $0x1BF5;
	p2 =	por !p2, p0  }
0x20: {  	[sflag:s8] =	ssyncset.s32 @!p0 $0xFFFFF086;
	s6 =	sadd.s32 @!p0 s3, s7;
	s7 =	simm.s32 @!p0 $0x108  }
0x21: {  	s3 =	sadd.s32 s3, s9;
	s6 =	sadd.s32 @!p0 $0x88, s6;
	s7 =	simm.s32 @p2 $0x1082  }
0x22: {  	[simem:s7], [sflag:s8] =	dma.local @!p0 [hbm:s6], $0xF7A  }
0x23: {  	s9 =	sor.u32 $0xD0000000, s2;
	s6 =	simm.s32 $0x108;
	_ =	swait.ge @!p0 [sflag:s8], $0x0  }
0x24: {  	s3 =	sadd.s32 $0x88, s3;
	s6 =	simm.s32 @!p1 $0x1082;
	[sflag:s4] =	ssyncset.s32 $0xFFFFF086  }
0x25: {  	[simem:s6], [sflag:s4] =	dma.local [hbm:s3], $0xF7A  }
0x26: {  	[smem:$0x3F9E] =	sst s1;
	(tag) =	ssettag s2;
	_ =	strace s9  }
0x27: {  	s1 =	sld [smem:$0x3FAE]  }
0x28: {  	s2 =	sld [smem:$0x3FAF]  }
0x29: {  	s4 =	sld [smem:$0x3FB1]  }
0x2a: {  	p0 =	seq.s32 s5, $0x0;
	s5 =	sld [smem:$0x3FB2]  }
0x2b: {  	s6 =	sld [smem:$0x3FB3]  }
0x2c: {  	s7 =	sld [smem:$0x3FB4]  }
0x2d: {  	s3 =	simm.s32 $0x108;
	s8 =	sld [smem:$0x3FB5]  }
0x2e: {  	s3 =	simm.s32 @!p0 $0x1082;
	s9 =	sld [smem:$0x3FB6]  }
0x2f: {  	lr =	sadd.s32 s0, s3;
	s0 =	sld [smem:$0x3FAD]  }
0x30: {  	s3 =	sld [smem:$0x3FB0]  }
0x31: {  	[smem:$0x3FB9] =	sst s10  }
0x32: {  	s10 =	sld [smem:$0x3FB7];
	_ =	sdelay $0x3  }
0x33: {  	p0 =	seq.s32 s10, $0x1;
	s10 =	sld [smem:$0x3FB9];
	_ =	sdelay $0x3  }
0x34: {  	[smem:$0x3FB9] =	sst s10  }
0x35: {  	s10 =	sld [smem:$0x3FB8];
	_ =	sdelay $0x3  }
0x36: {  	p1 =	seq.s32 s10, $0x1;
	s10 =	sld [smem:$0x3FB9];
	_ =	sdelay $0x3  }
0x37: {  	[smem:$0x3FB9] =	sst s10  }
0x38: {  	s10 =	sld [smem:$0x3FBA]  }
0x39: {  	_ = 	snop;
	(pc) =	sbr.ind lr, $3  }
0x3a: {  	_ = 	snop  }
0x3b: {  	_ = 	snop  }
0x3c: {  	p2 =	seq.s32 s10, $0x1;
	s10 =	sld [smem:$0x3FB9]  }
0x3d: {  	_ =	shalt  }
0x3e: {  	_ =	shalt  }
0x3f: {  	_ =	shalt  }
0x40: {  	_ =	shalt  }
0x41: {  	_ =	shalt  }
0x42: {  	_ =	shalt  }
0x43: {  	_ =	shalt  }
0x44: {  	_ =	shalt  }
0x45: {  	_ =	shalt  }
0x46: {  	_ =	shalt  }
0x47: {  	_ =	shalt  }
0x48: {  	_ =	shalt  }
0x49: {  	_ =	shalt  }
0x4a: {  	_ =	shalt  }
0x4b: {  	_ =	shalt  }
0x4c: {  	_ =	shalt  }
0x4d: {  	_ =	shalt  }
0x4e: {  	_ =	shalt  }
0x4f: {  	_ =	shalt  }
0x50: {  	_ =	shalt  }
0x51: {  	_ =	shalt  }
0x52: {  	_ =	shalt  }
0x53: {  	_ =	shalt  }
0x54: {  	_ =	shalt  }
0x55: {  	_ =	shalt  }
0x56: {  	_ =	shalt  }
0x57: {  	_ =	shalt  }
0x58: {  	_ =	shalt  }
0x59: {  	_ =	shalt  }
0x5a: {  	_ =	shalt  }
0x5b: {  	_ =	shalt  }
0x5c: {  	_ =	shalt  }
0x5d: {  	_ =	shalt  }
0x5e: {  	_ =	shalt  }
0x5f: {  	_ =	shalt  }
0x60: {  	_ =	shalt  }
0x61: {  	_ =	shalt  }
0x62: {  	_ =	shalt  }
0x63: {  	_ =	shalt  }
0x64: {  	_ =	shalt  }
0x65: {  	_ =	shalt  }
0x66: {  	_ =	shalt  }
0x67: {  	_ =	shalt  }
0x68: {  	_ =	shalt  }
0x69: {  	_ =	shalt  }
0x6a: {  	_ =	shalt  }
0x6b: {  	_ =	shalt  }
0x6c: {  	_ =	shalt  }
0x6d: {  	_ =	shalt  }
0x6e: {  	_ =	shalt  }
0x6f: {  	_ =	shalt  }
0x70: {  	_ =	shalt  }
0x71: {  	_ =	shalt  }
0x72: {  	_ =	shalt  }
0x73: {  	_ =	shalt  }
0x74: {  	_ =	shalt  }
0x75: {  	_ =	shalt  }
0x76: {  	_ =	shalt  }
0x77: {  	_ =	shalt  }
0x78: {  	_ =	shalt  }
0x79: {  	_ =	shalt  }
0x7a: {  	_ =	shalt  }
0x7b: {  	_ =	shalt  }
0x7c: {  	_ =	shalt  }
0x7d: {  	_ =	shalt  }
0x7e: {  	_ =	shalt  }
0x7f: {  	_ =	shalt  }
0x80: {  	_ =	shalt  }
0x81: {  	_ =	shalt  }
0x82: {  	_ =	shalt  }
0x83: {  	_ =	shalt  }
0x84: {  	_ =	shalt  }
0x85: {  	_ =	shalt  }
0x86: {  	_ =	shalt  }
0x87: {  	_ =	shalt  }
.Lfunc_end0:
.L_simem_size_0:
called_computation_lowered:
.L_overlay_start_0:
0x88: {  	s2 =	sld [smem:$0x3FD9]  }
0x89: {  	s3 =	sld [smem:$0x3FFE];
	_ =	sdelay $0x1  }
0x8a: {  	s1 =	srdreg.scid  }
0x8b: {  	s0 =	sand.u32 $0x1, s1  }
0x8c: {  	s14 =	sshll.u32 s0, $0xA;
	s2 =	sadd.s32 s3, s2  }
0x8d: {  	s2 =	sadd.s32 s2, s14  }
0x8e: {  	[smem:$0x3FC5] =	sst s2  }
0x8f: {  	_ = 	snop  }
0x90: {  	s2 =	sld [smem:$0x3FD0];
	_ =	sdelay $0x2  }
0x91: {  	s15 =	simm.s32 $0xA;
	s4 =	simm.s32 $0x10  }
0x92: {  	[smem:s4], [sflag:s15] =	dma.local [hbm:s2], $0x1  }
0x93: {  	_ =	swait.eq [sflag:s15], $0x1  }
0x94: {  	[sflag:s15] =	ssyncset.done $0x0  }
0x95: {  	[sflag:s15] =	ssyncadd.s32 $0xFFFFFFFF  }
0x96: {  	s16 =	sld [smem:$0x10];
	(tm) =	ssettm $0x1  }
0x97: {  	s17 =	sld [smem:$0x3FFB];
	_ =	sdelay $0x3  }
0x98: {  	_ =	strace s17  }
0x99: {  	s3 =	sld [smem:$0x3FFC];
	_ =	sdelay $0x3  }
0x9a: {  	_ =	strace s3  }
0x9b: {  	s3 =	sld [smem:$0x3FFD];
	_ =	sdelay $0x3  }
0x9c: {  	_ =	strace s3  }
0x9d: {  	_ =	strace $0x8FFFFFFF  }
0x9e: {  	s18 =	sld [smem:$0x3FDB];
	_ =	sdelay $0x1  }
0x9f: {  	s19 =	simm.s32 $_scs_section_size  }
0xa0: {  	s5 =	simm.s32 $_size__tile_overlayer_lowered;
	s6 =	simm.s32 $_tile_overlayer_lowered  }
0xa1: {  	s22 =	simm.s32 $0x1BFF;
	s21 =	sshll.u32 s6, $0x1;
	s3 =	sadd.s32 s19, s18  }
0xa2: {  	s7 =	simm.s32 $0x0;
	s20 =	sshll.u32 s5, $0x1;
	s5 =	sadd.s32 s21, s3  }
0xa3: {  	[timem:s7], [sflag:s22] =	dma.local [hbm:s5], s20  }
0xa4: {  	_ =	swait.ge [sflag:s22], s20  }
0xa5: {  	s4 =	ssub.s32 $0x0, s20;
	[sflag:s22] =	ssyncset.done $0x0  }
0xa6: {  	[sflag:s22] =	ssyncadd.s32 s4;
	_ =	sdelay $0x1  }
0xa7: {  	s23 =	simm.s32 $0x1B8B  }
0xa8: {  	_ =	swait.ge [sflag:s23], $0x1  }
0xa9: {  	[sflag:s23] =	ssyncset.done $0x0  }
0xaa: {  	s25 =	simm.s32 $0x1B8E;
	s24 =	sld [smem:$0x3FFE];
	[sflag:s23] =	ssyncadd.s32 $0xFFFFFFFF  }
0xab: {  	s26 =	simm.s32 $execute0_lowered;
	[smem:$0x3FD2] =	sst s25  }
0xac: {  	s5 =	sshll.u32 s26, $0x1;
	_ =	strace $0x80000046;
	[dreg:$0x1] =	wrdreg $0xFFFFFFFF  }
0xad: {  	s28 =	simm.s32 $_size_execute0_lowered;
	s3 =	sadd.s32 s3, s5;
	[dreg:$0x0] =	wrdreg $0x0  }
0xae: {  	s5 =	sshll.u32 s28, $0x1;
	[dreg:$0x2] =	wrdreg s3  }
0xaf: {  	[dreg:$0x3] =	wrdreg s5  }
0xb0: {  	[dreg:$0x4] =	wrdreg $0xC0  }
0xb1: {  	_ =	task [dreg:s7], $0x5FFFF  }
0xb2: {  	[dreg:$0x1] =	wrdreg $0xFFFFFFFF  }
0xb3: {  	[dreg:$0x0] =	wrdreg $0x60  }
0xb4: {  	[dreg:$0x2] =	wrdreg s16  }
0xb5: {  	[dreg:$0x3] =	wrdreg s24  }
0xb6: {  	[dreg:$0x4] =	wrdreg $0x9  }
0xb7: {  	_ =	task.clear_ibuf [dreg:s7], $0x5FFFF;
	_ =	strace $0x90000046  }
0xb8: {  	s29 =	simm.s32 $0x9;
	_ =	strace $0x80000048  }
0xb9: {  	_ =	swait.ge [sflag:s29], $0x1  }
0xba: {  	[sflag:s29] =	ssyncadd.s32 $0xFFFFFFFF  }
0xbb: {  	_ =	strace $0x90000048  }
0xbc: {  	_ =	sfence  }
0xbd: {  	s30 =	sld [smem:$0x0];
	_ =	sdelay $0x2  }
0xbe: {  	s31 =	sshll.u32 s1, $0xD;
	s1 =	sshrl.u32 s1, $0x2  }
0xbf: {  	s3 =	sand.u32 $0x4000, s31;
	s1 =	sadd.s32 s1, s30  }
0xc0: {  	s0 =	sor.u32 s3, s0;
	s1 =	sshll.u32 s1, $0x11  }
0xc1: {  	s0 =	sor.u32 s1, s0  }
0xc2: {  	s0 =	sadd.s32 $0x8F2B, s0  }
0xc3: {  	[sflag:s0] =	ssyncadd.remote.s32 $0x1  }
0xc4: {  	_ =	sfence.sel $0xFFFF  }
0xc5: {  	[dreg:$0x0] =	wrdreg $0xFFFFFFFF;
	(pc) =	sbr.abs _section_cstart, $3  }
0xc6: {  	[dreg:$0x1] =	wrdreg $0xFFFFFFFF  }
0xc7: {  	_ =	task.clear_ibuf [dreg:s7], $0x2FFFF;
	_ =	strace $0x9FFFFFFF  }
0xc8: {  	(tm) =	ssettm $0x7FFFFFFF  }
0xc9: {  	_ =	shalt  }
tec
execute0_lowered:
.L_overlay_start_1:
0x0: {  	(tag) =	ssettag $0x1  }
0x1: {  	s3 =	rddreg [dreg:$0x0]  }
0x2: {  	s4 =	rddreg [dreg:$0x1]  }
0x3: {  	s0 =	rddreg [dreg:$0x2];
	s5 =	srdreg.scid  }
0x4: {  	s1 =	stileid.u32;
	s2 =	simm.s32 $0x0;
	s11 =	simm.s32 $0xC800  }
0x5: {  	s12 =	simm.s32 $0x1;
	s13 =	simm.s32 $0x40;
	s14 =	simm.s32 $0xD000  }
0x6: {  	s5 =	sand.u32 $0x1, s5;
	s6 =	sshll.u32 s1, $0x1;
	[smem:$0x7FF] =	sst s2  }
0x7: {  	s15 =	simm.s32 $0x0;
	s6 =	sor.u32 s5, s6;
	_ =	strace $0x80000047  }
0x8: {  	s5 =	ssub.s32 $0x2, s5;
	s7 =	sshll.u32 s6, $0x4;
	s6 =	sshll.u32 s6, $0xE  }
0x9: {  	s9 =	sshrl.u32 s5, $0x1;
	s8 =	sadd.s32 s7, s4;
	s10 =	sadd.s32 s6, s4  }
0xa: {  	s9 =	ssub.s32 s5, s9;
	s3 =	sadd.s32 s3, s7;
	s4 =	sadd.s32 $0x1400, s8  }
0xb: {  	v0 =	vlaneseq.u32;
	s5 =	sadd.s32 $0x3400, s10;
	s6 =	sadd.s32 $0x8, s3;
	s7 =	sadd.s32 $0x3408, s10  }
0xc: {  	v1 =	vimm.f32 $0.0e+00;
	v2 =	vor.u32 $0x10, v0;
	v3 =	vor.u32 $0x20, v0;
	s8 =	smax.u32 s9, $0x1;
	s9 =	simm.s32 $0x80;
	s10 =	simm.s32 $0x1000  }
.LBB2_1:
0xd: {  	[tilespmem:s11], [sflag:$0x1] =	stream.strided.gather [hbm4b:s4+s9], $0x800, s10, s9, $0x38;
	[tilespmem:$0x1D000] =	vst v63  }
0xe: {  	_ =	swait.ge [sflag:s12], $0x800  }
0xf: {  	[sflag:s12] =	ssyncset.done $0x0  }
0x10: {  	[sflag:s12] =	ssyncadd.s32 $0xFFFFF800  }
0x11: {  	[tilespmem:s2], [sflag:$0x1] =	stream.strided.gather [hbm4b:s3+s13], $0xC800, s10, s13, $0x38;
	[tilespmem:$0x1D000] =	vst v63  }
0x12: {  	_ =	swait.ge [sflag:s12], $0xC800  }
0x13: {  	[sflag:s12] =	ssyncset.done $0x0  }
0x14: {  	s16 =	simm.s32 $0xD080;
	[sflag:s12] =	ssyncadd.s32 $0xFFFF3800  }
0x15: {  	[tilespmem:s16+$0xFFFFFF80] =	vst v1  }
0x16: {  	[tilespmem:s16+$0x70] =	vst v1  }
0x17: {  	[tilespmem:s16+$0x60] =	vst v1  }
0x18: {  	[tilespmem:s16+$0x50] =	vst v1  }
0x19: {  	[tilespmem:s16+$0x40] =	vst v1  }
0x1a: {  	[tilespmem:s16+$0x30] =	vst v1  }
0x1b: {  	[tilespmem:s16+$0x20] =	vst v1  }
0x1c: {  	[tilespmem:s16+$0x10] =	vst v1  }
0x1d: {  	[tilespmem:s16+$0x0] =	vst v1  }
0x1e: {  	[tilespmem:s16+$0xFFFFFFF0] =	vst v1  }
0x1f: {  	[tilespmem:s16+$0xFFFFFFE0] =	vst v1  }
0x20: {  	[tilespmem:s16+$0xFFFFFFD0] =	vst v1  }
0x21: {  	[tilespmem:s16+$0xFFFFFFC0] =	vst v1  }
0x22: {  	[tilespmem:s16+$0xFFFFFFB0] =	vst v1  }
0x23: {  	s17 =	simm.s32 $0x0;
	[tilespmem:s16+$0xFFFFFFA0] =	vst v1  }
.LBB2_2:
0x24: {  	s17 =	sadd.s32 $0x4, s17;
	[tilespmem:s16+$0xFFFFFF90] =	vst v1;
	s16 =	sadd.s32 $0x100, s16  }
0x25: {  	[tilespmem:s16+$0xFFFFFF80] =	vst v1;
	p0 =	slt.u32 s17, $0x3FC  }
0x26: {  	[tilespmem:s16+$0x70] =	vst v1  }
0x27: {  	[tilespmem:s16+$0x60] =	vst v1  }
0x28: {  	[tilespmem:s16+$0x50] =	vst v1  }
0x29: {  	[tilespmem:s16+$0x40] =	vst v1  }
0x2a: {  	[tilespmem:s16+$0x30] =	vst v1  }
0x2b: {  	[tilespmem:s16+$0x20] =	vst v1  }
0x2c: {  	[tilespmem:s16+$0x10] =	vst v1  }
0x2d: {  	[tilespmem:s16+$0x0] =	vst v1  }
0x2e: {  	[tilespmem:s16+$0xFFFFFFF0] =	vst v1  }
.Ltmp0:
0x2f: {  	[tilespmem:s16+$0xFFFFFFE0] =	vst v1;
	(pc) =	sbr.rel @p0 .LBB2_2-.Ltmp0, $4  }
0x30: {  	[tilespmem:s16+$0xFFFFFFD0] =	vst v1  }
0x31: {  	[tilespmem:s16+$0xFFFFFFC0] =	vst v1  }
0x32: {  	[tilespmem:s16+$0xFFFFFFB0] =	vst v1  }
0x33: {  	[tilespmem:s16+$0xFFFFFFA0] =	vst v1  }
0x34: {  	[tilespmem:s16+$0xFFFFFF90] =	vst v1  }
0x35: {  	v4 =	vld [tilespmem:$0xC800]  }
0x36: {  	v5 =	vld [tilespmem:$0xC880]  }
0x37: {  	v6 =	vld [tilespmem:$0xC900]  }
0x38: {  	v7 =	vld [tilespmem:$0xC980]  }
0x39: {  	v8 =	vld [tilespmem:$0xCA00]  }
0x3a: {  	v13 =	vld [tilespmem:$0xCA80]  }
0x3b: {  	v16 =	vld [tilespmem:$0xCB00]  }
0x3c: {  	v19 =	vld [tilespmem:$0xCB80]  }
0x3d: {  	v17 =	vld [tilespmem:$0xCC00]  }
0x3e: {  	v18 =	vld [tilespmem:$0xCC80]  }
0x3f: {  	v14 =	vld [tilespmem:$0xCD00]  }
0x40: {  	v9 =	vld [tilespmem:$0xCD80]  }
0x41: {  	v10 =	vld [tilespmem:$0xCE00]  }
0x42: {  	v11 =	vld [tilespmem:$0xCE80]  }
0x43: {  	v12 =	vld [tilespmem:$0xCF00]  }
0x44: {  	s16 =	simm.s32 $0x0;
	v15 =	vld [tilespmem:$0xCF80]  }
0x45: {  	v20 =	vld [tilespmem:s16+$0xBB80]  }
0x46: {  	v21 =	vld [tilespmem:s16+$0x3200]  }
0x47: {  	v22 =	vld [tilespmem:s16+$0x2580]  }
0x48: {  	v23 =	vld [tilespmem:s16+$0x1900]  }
0x49: {  	v24 =	vld [tilespmem:s16+$0xC80]  }
0x4a: {  	v25 =	vld [tilespmem:s16+$0x0]  }
0x4b: {  	v26 =	vld [tilespmem:s16+$0xA280]  }
0x4c: {  	v27 =	vld [tilespmem:s16+$0xAF00]  }
0x4d: {  	v28 =	vld [tilespmem:s16+$0x3E80]  }
0x4e: {  	v29 =	vld [tilespmem:s16+$0x4B00]  }
0x4f: {  	v30 =	vld [tilespmem:s16+$0x5780];
	v25 =	vshll.u32 v25, $0x6  }
0x50: {  	v31 =	vld [tilespmem:s16+$0x6400];
	v24 =	vshll.u32 v24, $0x6;
	v25 =	vor.u32 v0, v25  }
0x51: {  	v32 =	vld [tilespmem:s16+$0x7080];
	v23 =	vshll.u32 v23, $0x6;
	v24 =	vor.u32 v0, v24  }
0x52: {  	v33 =	vld [tilespmem:s16+$0x7D00];
	v22 =	vshll.u32 v22, $0x6;
	v23 =	vor.u32 v0, v23  }
0x53: {  	v34 =	vld [tilespmem:s16+$0x8980];
	v21 =	vshll.u32 v21, $0x6;
	v22 =	vor.u32 v0, v22  }
0x54: {  	v35 =	vld [tilespmem:s16+$0x9600];
	v28 =	vshll.u32 v28, $0x6;
	v21 =	vor.u32 v0, v21  }
0x55: {  	v29 =	vshll.u32 v29, $0x6;
	v28 =	vor.u32 v0, v28;
	[tilespmem:v25+s14+$0x0] =	vst.idx.add.f32.msk $0xffff, v4  }
0x56: {  	v25 =	vor.u32 v0, v29;
	v29 =	vshll.u32 v30, $0x6;
	[tilespmem:v24+s14+$0x0] =	vst.idx.add.f32.msk $0xffff, v5  }
0x57: {  	v24 =	vor.u32 v0, v29;
	v29 =	vshll.u32 v31, $0x6;
	[tilespmem:v23+s14+$0x0] =	vst.idx.add.f32.msk $0xffff, v6  }
0x58: {  	v23 =	vor.u32 v0, v29;
	v29 =	vshll.u32 v32, $0x6;
	[tilespmem:v22+s14+$0x0] =	vst.idx.add.f32.msk $0xffff, v7  }
0x59: {  	v22 =	vor.u32 v0, v29;
	v29 =	vshll.u32 v33, $0x6;
	[tilespmem:v21+s14+$0x0] =	vst.idx.add.f32.msk $0xffff, v8  }
0x5a: {  	v21 =	vor.u32 v0, v29;
	v29 =	vshll.u32 v34, $0x6;
	[tilespmem:v28+s14+$0x0] =	vst.idx.add.f32.msk $0xffff, v13  }
0x5b: {  	v28 =	vshll.u32 v35, $0x6;
	v29 =	vor.u32 v0, v29;
	[tilespmem:v25+s14+$0x0] =	vst.idx.add.f32.msk $0xffff, v16  }
0x5c: {  	v25 =	vshll.u32 v26, $0x6;
	[tilespmem:v24+s14+$0x0] =	vst.idx.add.f32.msk $0xffff, v19;
	v24 =	vor.u32 v0, v28  }
0x5d: {  	v26 =	vshll.u32 v27, $0x6;
	[tilespmem:v23+s14+$0x0] =	vst.idx.add.f32.msk $0xffff, v17;
	v23 =	vor.u32 v0, v25  }
0x5e: {  	v20 =	vshll.u32 v20, $0x6;
	[tilespmem:v22+s14+$0x0] =	vst.idx.add.f32.msk $0xffff, v18;
	v22 =	vor.u32 v0, v26  }
0x5f: {  	v20 =	vor.u32 v0, v20;
	[tilespmem:v21+s14+$0x0] =	vst.idx.add.f32.msk $0xffff, v14  }
0x60: {  	[tilespmem:v29+s14+$0x0] =	vst.idx.add.f32.msk $0xffff, v9  }
0x61: {  	[tilespmem:v24+s14+$0x0] =	vst.idx.add.f32.msk $0xffff, v10  }
0x62: {  	[tilespmem:v23+s14+$0x0] =	vst.idx.add.f32.msk $0xffff, v11  }
0x63: {  	[tilespmem:v22+s14+$0x0] =	vst.idx.add.f32.msk $0xffff, v12  }
0x64: {  	[tilespmem:v20+s14+$0x0] =	vst.idx.add.f32.msk $0xffff, v15  }
0x65: {  	v20 =	vld [tilespmem:s16+$0x3EC0]  }
0x66: {  	v21 =	vld [tilespmem:s16+$0xCC0]  }
0x67: {  	v22 =	vld [tilespmem:s16+$0x1940]  }
0x68: {  	v23 =	vld [tilespmem:s16+$0x25C0]  }
0x69: {  	v24 =	vld [tilespmem:s16+$0x3240]  }
0x6a: {  	v25 =	vld [tilespmem:s16+$0x40]  }
0x6b: {  	v26 =	vld [tilespmem:s16+$0x4B40]  }
0x6c: {  	v27 =	vld [tilespmem:s16+$0x57C0]  }
0x6d: {  	v28 =	vld [tilespmem:s16+$0x6440]  }
0x6e: {  	v29 =	vld [tilespmem:s16+$0x70C0]  }
0x6f: {  	v57 =	vld [tilespmem:s16+$0x7D40];
	v25 =	vshll.u32 v25, $0x6  }
0x70: {  	v58 =	vld [tilespmem:s16+$0xBBC0];
	v21 =	vshll.u32 v21, $0x6;
	v25 =	vor.u32 v0, v25  }
0x71: {  	v59 =	vld [tilespmem:s16+$0xAF40];
	v22 =	vshll.u32 v22, $0x6;
	v21 =	vor.u32 v0, v21  }
0x72: {  	v60 =	vld [tilespmem:s16+$0xA2C0];
	v23 =	vshll.u32 v23, $0x6;
	v22 =	vor.u32 v0, v22  }
0x73: {  	v61 =	vld [tilespmem:s16+$0x9640];
	v24 =	vshll.u32 v24, $0x6;
	v23 =	vor.u32 v0, v23  }
0x74: {  	v62 =	vld [tilespmem:s16+$0x89C0];
	v20 =	vshll.u32 v20, $0x6;
	v24 =	vor.u32 v0, v24  }
0x75: {  	[tilespmem:v25+s14+$0x0] =	vst.idx.add.f32.msk $0xffff, v4;
	v25 =	vor.u32 v0, v20  }
0x76: {  	v26 =	vshll.u32 v26, $0x6;
	[tilespmem:v21+s14+$0x0] =	vst.idx.add.f32.msk $0xffff, v5  }
0x77: {  	v26 =	vor.u32 v0, v26;
	v20 =	vshll.u32 v27, $0x6;
	[tilespmem:v22+s14+$0x0] =	vst.idx.add.f32.msk $0xffff, v6  }
0x78: {  	v27 =	vor.u32 v0, v20;
	v21 =	vshll.u32 v28, $0x6;
	[tilespmem:v23+s14+$0x0] =	vst.idx.add.f32.msk $0xffff, v7  }
0x79: {  	v22 =	vshll.u32 v29, $0x6;
	v23 =	vor.u32 v0, v21;
	[tilespmem:v24+s14+$0x0] =	vst.idx.add.f32.msk $0xffff, v8  }
0x7a: {  	v28 =	vshll.u32 v57, $0x6;
	[tilespmem:v25+s14+$0x0] =	vst.idx.add.f32.msk $0xffff, v13;
	v25 =	vor.u32 v0, v22  }
0x7b: {  	v63 =	vshll.u32 v61, $0x6;
	v24 =	vor.u32 v0, v28;
	v28 =	vshll.u32 v62, $0x6  }
0x7c: {  	v20 =	vshll.u32 v58, $0x6;
	v29 =	vshll.u32 v60, $0x6;
	[tilespmem:v26+s14+$0x0] =	vst.idx.add.f32.msk $0xffff, v16;
	v26 =	vor.u32 v0, v28  }
0x7d: {  	s17 =	simm.s32 $0x0;
	v21 =	vor.u32 v0, v29;
	v22 =	vshll.u32 v59, $0x6;
	[tilespmem:v27+s14+$0x0] =	vst.idx.add.f32.msk $0xffff, v19;
	v27 =	vor.u32 v0, v63  }
.LBB2_4:
0x7e: {  	s17 =	sadd.s32 $0x2, s17;
	[tilespmem:v23+s14+$0x0] =	vst.idx.add.f32.msk $0xffff, v17;
	s16 =	sadd.s32 $0x80, s16  }
0x7f: {  	v22 =	vor.u32 v0, v22;
	p0 =	slt.u32 s17, $0x30;
	[tilespmem:v25+s14+$0x0] =	vst.idx.add.f32.msk $0xffff, v18  }
0x80: {  	v20 =	vor.u32 v0, v20;
	[tilespmem:v24+s14+$0x0] =	vst.idx.add.f32.msk $0xffff, v14  }
0x81: {  	[tilespmem:v26+s14+$0x0] =	vst.idx.add.f32.msk $0xffff, v9  }
0x82: {  	[tilespmem:v27+s14+$0x0] =	vst.idx.add.f32.msk $0xffff, v10  }
0x83: {  	[tilespmem:v21+s14+$0x0] =	vst.idx.add.f32.msk $0xffff, v11  }
0x84: {  	[tilespmem:v22+s14+$0x0] =	vst.idx.add.f32.msk $0xffff, v12  }
0x85: {  	[tilespmem:v20+s14+$0x0] =	vst.idx.add.f32.msk $0xffff, v15  }
0x86: {  	v20 =	vld [tilespmem:s16+$0xBB80]  }
0x87: {  	v21 =	vld [tilespmem:s16+$0x3200]  }
0x88: {  	v22 =	vld [tilespmem:s16+$0x2580]  }
0x89: {  	v23 =	vld [tilespmem:s16+$0x1900]  }
0x8a: {  	v24 =	vld [tilespmem:s16+$0xC80]  }
0x8b: {  	v25 =	vld [tilespmem:s16+$0x0];
	v20 =	vshll.u32 v20, $0x6  }
0x8c: {  	v26 =	vld [tilespmem:s16+$0xA280]  }
0x8d: {  	v27 =	vld [tilespmem:s16+$0xAF00]  }
0x8e: {  	v28 =	vld [tilespmem:s16+$0x3E80]  }
0x8f: {  	v29 =	vld [tilespmem:s16+$0x4B00];
	v24 =	vshll.u32 v24, $0x6  }
0x90: {  	v23 =	vshll.u32 v23, $0x6;
	v30 =	vld [tilespmem:s16+$0x5780];
	v25 =	vshll.u32 v25, $0x6;
	v24 =	vor.u32 v0, v24  }
0x91: {  	v22 =	vshll.u32 v22, $0x6;
	v23 =	vor.u32 v0, v23;
	v31 =	vld [tilespmem:s16+$0x6400];
	v25 =	vor.u32 v0, v25  }
0x92: {  	v21 =	vshll.u32 v21, $0x6;
	v22 =	vor.u32 v0, v22;
	v26 =	vshll.u32 v26, $0x6;
	v32 =	vld [tilespmem:s16+$0x7080]  }
0x93: {  	v21 =	vor.u32 v0, v21;
	v27 =	vshll.u32 v27, $0x6;
	v33 =	vld [tilespmem:s16+$0x7D00];
	v28 =	vshll.u32 v28, $0x6  }
0x94: {  	v34 =	vld [tilespmem:s16+$0x8980];
	v28 =	vor.u32 v0, v28;
	v29 =	vshll.u32 v29, $0x6  }
0x95: {  	v35 =	vld [tilespmem:s16+$0x9600];
	v29 =	vor.u32 v0, v29;
	v30 =	vshll.u32 v30, $0x6  }
0x96: {  	[tilespmem:v25+s14+$0x0] =	vst.idx.add.f32.msk $0xffff, v4;
	v25 =	vor.u32 v0, v30;
	v30 =	vshll.u32 v31, $0x6  }
0x97: {  	[tilespmem:v24+s14+$0x0] =	vst.idx.add.f32.msk $0xffff, v5;
	v24 =	vor.u32 v0, v30;
	v30 =	vshll.u32 v32, $0x6  }
0x98: {  	[tilespmem:v23+s14+$0x0] =	vst.idx.add.f32.msk $0xffff, v6;
	v23 =	vor.u32 v0, v30;
	v30 =	vshll.u32 v33, $0x6  }
0x99: {  	[tilespmem:v22+s14+$0x0] =	vst.idx.add.f32.msk $0xffff, v7;
	v22 =	vor.u32 v0, v30;
	v30 =	vshll.u32 v34, $0x6  }
0x9a: {  	[tilespmem:v21+s14+$0x0] =	vst.idx.add.f32.msk $0xffff, v8;
	v21 =	vshll.u32 v35, $0x6  }
0x9b: {  	[tilespmem:v28+s14+$0x0] =	vst.idx.add.f32.msk $0xffff, v13;
	v28 =	vor.u32 v0, v30  }
0x9c: {  	[tilespmem:v29+s14+$0x0] =	vst.idx.add.f32.msk $0xffff, v16  }
0x9d: {  	v21 =	vor.u32 v0, v21;
	[tilespmem:v25+s14+$0x0] =	vst.idx.add.f32.msk $0xffff, v19  }
0x9e: {  	[tilespmem:v24+s14+$0x0] =	vst.idx.add.f32.msk $0xffff, v17;
	v24 =	vor.u32 v0, v26  }
0x9f: {  	[tilespmem:v23+s14+$0x0] =	vst.idx.add.f32.msk $0xffff, v18;
	v23 =	vor.u32 v0, v27  }
0xa0: {  	v20 =	vor.u32 v0, v20;
	[tilespmem:v22+s14+$0x0] =	vst.idx.add.f32.msk $0xffff, v14  }
0xa1: {  	[tilespmem:v28+s14+$0x0] =	vst.idx.add.f32.msk $0xffff, v9  }
0xa2: {  	[tilespmem:v21+s14+$0x0] =	vst.idx.add.f32.msk $0xffff, v10  }
0xa3: {  	[tilespmem:v24+s14+$0x0] =	vst.idx.add.f32.msk $0xffff, v11  }
0xa4: {  	[tilespmem:v23+s14+$0x0] =	vst.idx.add.f32.msk $0xffff, v12  }
0xa5: {  	[tilespmem:v20+s14+$0x0] =	vst.idx.add.f32.msk $0xffff, v15  }
0xa6: {  	v20 =	vld [tilespmem:s16+$0x3EC0]  }
0xa7: {  	v21 =	vld [tilespmem:s16+$0xCC0]  }
0xa8: {  	v22 =	vld [tilespmem:s16+$0x1940]  }
0xa9: {  	v23 =	vld [tilespmem:s16+$0x25C0]  }
0xaa: {  	v24 =	vld [tilespmem:s16+$0x3240]  }
0xab: {  	v25 =	vld [tilespmem:s16+$0x40];
	v20 =	vshll.u32 v20, $0x6  }
0xac: {  	v26 =	vld [tilespmem:s16+$0x4B40];
	v21 =	vshll.u32 v21, $0x6  }
0xad: {  	v27 =	vld [tilespmem:s16+$0x57C0];
	v21 =	vor.u32 v0, v21;
	v22 =	vshll.u32 v22, $0x6  }
0xae: {  	v28 =	vld [tilespmem:s16+$0x6440];
	v23 =	vshll.u32 v23, $0x6  }
0xaf: {  	v29 =	vld [tilespmem:s16+$0x70C0];
	v24 =	vshll.u32 v24, $0x6  }
0xb0: {  	v30 =	vld [tilespmem:s16+$0x7D40];
	v25 =	vshll.u32 v25, $0x6  }
0xb1: {  	v31 =	vld [tilespmem:s16+$0xBBC0];
	v25 =	vor.u32 v0, v25;
	v26 =	vshll.u32 v26, $0x6  }
0xb2: {  	v32 =	vld [tilespmem:s16+$0xAF40];
	v26 =	vor.u32 v0, v26;
	v27 =	vshll.u32 v27, $0x6  }
0xb3: {  	v34 =	vor.u32 v0, v22;
	v33 =	vld [tilespmem:s16+$0xA2C0];
	v28 =	vshll.u32 v28, $0x6  }
0xb4: {  	v23 =	vor.u32 v0, v23;
	v35 =	vld [tilespmem:s16+$0x9640];
	v29 =	vshll.u32 v29, $0x6  }
0xb5: {  	v24 =	vor.u32 v0, v24;
	v36 =	vld [tilespmem:s16+$0x89C0];
	v30 =	vshll.u32 v30, $0x6  }
0xb6: {  	v37 =	vor.u32 v0, v20;
	[tilespmem:v25+s14+$0x0] =	vst.idx.add.f32.msk $0xffff, v4;
	v20 =	vshll.u32 v31, $0x6  }
0xb7: {  	[tilespmem:v21+s14+$0x0] =	vst.idx.add.f32.msk $0xffff, v5;
	v22 =	vshll.u32 v32, $0x6  }
0xb8: {  	v27 =	vor.u32 v0, v27;
	[tilespmem:v34+s14+$0x0] =	vst.idx.add.f32.msk $0xffff, v6;
	v21 =	vshll.u32 v33, $0x6  }
.Ltmp1:
0xb9: {  	[tilespmem:v23+s14+$0x0] =	vst.idx.add.f32.msk $0xffff, v7;
	v23 =	vor.u32 v0, v28;
	v28 =	vshll.u32 v35, $0x6;
	v21 =	vor.u32 v0, v21;
	(pc) =	sbr.rel @p0 .LBB2_4-.Ltmp1, $4  }
0xba: {  	v25 =	vor.u32 v0, v29;
	[tilespmem:v24+s14+$0x0] =	vst.idx.add.f32.msk $0xffff, v8  }
0xbb: {  	v24 =	vor.u32 v0, v30;
	v29 =	vshll.u32 v36, $0x6;
	[tilespmem:v37+s14+$0x0] =	vst.idx.add.f32.msk $0xffff, v13  }
0xbc: {  	[tilespmem:v26+s14+$0x0] =	vst.idx.add.f32.msk $0xffff, v16;
	v26 =	vor.u32 v0, v29  }
0xbd: {  	[tilespmem:v27+s14+$0x0] =	vst.idx.add.f32.msk $0xffff, v19;
	v27 =	vor.u32 v0, v28  }
0xbe: {  	_ =	sdelay $0x3  }
0xbf: {  	[tilespmem:v23+s14+$0x0] =	vst.idx.add.f32.msk $0xffff, v17  }
0xc0: {  	v4 =	vor.u32 v0, v22;
	[tilespmem:v25+s14+$0x0] =	vst.idx.add.f32.msk $0xffff, v18  }
0xc1: {  	v5 =	vor.u32 v0, v20;
	[tilespmem:v24+s14+$0x0] =	vst.idx.add.f32.msk $0xffff, v14  }
0xc2: {  	[tilespmem:v26+s14+$0x0] =	vst.idx.add.f32.msk $0xffff, v9  }
0xc3: {  	[tilespmem:v27+s14+$0x0] =	vst.idx.add.f32.msk $0xffff, v10  }
0xc4: {  	[tilespmem:v21+s14+$0x0] =	vst.idx.add.f32.msk $0xffff, v11  }
0xc5: {  	[tilespmem:v4+s14+$0x0] =	vst.idx.add.f32.msk $0xffff, v12  }
0xc6: {  	[tilespmem:v5+s14+$0x0] =	vst.idx.add.f32.msk $0xffff, v15  }
0xc7: {  	v4 =	vld [tilespmem:$0xC810]  }
0xc8: {  	v5 =	vld [tilespmem:$0xC890]  }
0xc9: {  	v6 =	vld [tilespmem:$0xC910]  }
0xca: {  	v7 =	vld [tilespmem:$0xC990]  }
0xcb: {  	v8 =	vld [tilespmem:$0xCA10]  }
0xcc: {  	v13 =	vld [tilespmem:$0xCA90]  }
0xcd: {  	v16 =	vld [tilespmem:$0xCB10]  }
0xce: {  	v19 =	vld [tilespmem:$0xCB90]  }
0xcf: {  	v17 =	vld [tilespmem:$0xCC10]  }
0xd0: {  	v18 =	vld [tilespmem:$0xCC90]  }
0xd1: {  	v14 =	vld [tilespmem:$0xCD10]  }
0xd2: {  	v9 =	vld [tilespmem:$0xCD90]  }
0xd3: {  	v10 =	vld [tilespmem:$0xCE10]  }
0xd4: {  	v11 =	vld [tilespmem:$0xCE90]  }
0xd5: {  	v12 =	vld [tilespmem:$0xCF10]  }
0xd6: {  	s16 =	simm.s32 $0x6410;
	v15 =	vld [tilespmem:$0xCF90]  }
0xd7: {  	v20 =	vld [tilespmem:s16+$0x5780]  }
0xd8: {  	v21 =	vld [tilespmem:s16+$0xFFFFCE00]  }
0xd9: {  	v22 =	vld [tilespmem:s16+$0xFFFFC180]  }
0xda: {  	v23 =	vld [tilespmem:s16+$0xFFFFB500]  }
0xdb: {  	v24 =	vld [tilespmem:s16+$0xFFFFA880]  }
0xdc: {  	v25 =	vld [tilespmem:s16+$0xFFFF9C00]  }
0xdd: {  	v26 =	vld [tilespmem:s16+$0x3E80]  }
0xde: {  	v27 =	vld [tilespmem:s16+$0x4B00]  }
0xdf: {  	v28 =	vld [tilespmem:s16+$0xFFFFDA80]  }
0xe0: {  	v29 =	vld [tilespmem:s16+$0xFFFFE700]  }
0xe1: {  	v30 =	vld [tilespmem:s16+$0xFFFFF380];
	v25 =	vshll.u32 v25, $0x6  }
0xe2: {  	v31 =	vld [tilespmem:s16+$0x0];
	v24 =	vshll.u32 v24, $0x6;
	v25 =	vor.u32 v2, v25  }
0xe3: {  	v32 =	vld [tilespmem:s16+$0xC80];
	v23 =	vshll.u32 v23, $0x6;
	v24 =	vor.u32 v2, v24  }
0xe4: {  	v33 =	vld [tilespmem:s16+$0x1900];
	v22 =	vshll.u32 v22, $0x6;
	v23 =	vor.u32 v2, v23  }
0xe5: {  	v34 =	vld [tilespmem:s16+$0x2580];
	v21 =	vshll.u32 v21, $0x6;
	v22 =	vor.u32 v2, v22  }
0xe6: {  	v35 =	vld [tilespmem:s16+$0x3200];
	v28 =	vshll.u32 v28, $0x6;
	v21 =	vor.u32 v2, v21  }
0xe7: {  	v29 =	vshll.u32 v29, $0x6;
	v28 =	vor.u32 v2, v28;
	[tilespmem:v25+s14+$0x0] =	vst.idx.add.f32.msk $0xffff, v4  }
0xe8: {  	v25 =	vor.u32 v2, v29;
	v29 =	vshll.u32 v30, $0x6;
	[tilespmem:v24+s14+$0x0] =	vst.idx.add.f32.msk $0xffff, v5  }
0xe9: {  	v24 =	vor.u32 v2, v29;
	v29 =	vshll.u32 v31, $0x6;
	[tilespmem:v23+s14+$0x0] =	vst.idx.add.f32.msk $0xffff, v6  }
0xea: {  	v23 =	vor.u32 v2, v29;
	v29 =	vshll.u32 v32, $0x6;
	[tilespmem:v22+s14+$0x0] =	vst.idx.add.f32.msk $0xffff, v7  }
0xeb: {  	v22 =	vor.u32 v2, v29;
	v29 =	vshll.u32 v33, $0x6;
	[tilespmem:v21+s14+$0x0] =	vst.idx.add.f32.msk $0xffff, v8  }
0xec: {  	v21 =	vor.u32 v2, v29;
	v29 =	vshll.u32 v34, $0x6;
	[tilespmem:v28+s14+$0x0] =	vst.idx.add.f32.msk $0xffff, v13  }
0xed: {  	v28 =	vshll.u32 v35, $0x6;
	v29 =	vor.u32 v2, v29;
	[tilespmem:v25+s14+$0x0] =	vst.idx.add.f32.msk $0xffff, v16  }
0xee: {  	v25 =	vshll.u32 v26, $0x6;
	[tilespmem:v24+s14+$0x0] =	vst.idx.add.f32.msk $0xffff, v19;
	v24 =	vor.u32 v2, v28  }
0xef: {  	v26 =	vshll.u32 v27, $0x6;
	[tilespmem:v23+s14+$0x0] =	vst.idx.add.f32.msk $0xffff, v17;
	v23 =	vor.u32 v2, v25  }
0xf0: {  	v20 =	vshll.u32 v20, $0x6;
	[tilespmem:v22+s14+$0x0] =	vst.idx.add.f32.msk $0xffff, v18;
	v22 =	vor.u32 v2, v26  }
0xf1: {  	v20 =	vor.u32 v2, v20;
	[tilespmem:v21+s14+$0x0] =	vst.idx.add.f32.msk $0xffff, v14  }
0xf2: {  	[tilespmem:v29+s14+$0x0] =	vst.idx.add.f32.msk $0xffff, v9  }
0xf3: {  	[tilespmem:v24+s14+$0x0] =	vst.idx.add.f32.msk $0xffff, v10  }
0xf4: {  	[tilespmem:v23+s14+$0x0] =	vst.idx.add.f32.msk $0xffff, v11  }
0xf5: {  	[tilespmem:v22+s14+$0x0] =	vst.idx.add.f32.msk $0xffff, v12  }
0xf6: {  	[tilespmem:v20+s14+$0x0] =	vst.idx.add.f32.msk $0xffff, v15  }
0xf7: {  	v20 =	vld [tilespmem:s16+$0xFFFFDAC0]  }
0xf8: {  	v21 =	vld [tilespmem:s16+$0xFFFFA8C0]  }
0xf9: {  	v22 =	vld [tilespmem:s16+$0xFFFFB540]  }
0xfa: {  	v23 =	vld [tilespmem:s16+$0xFFFFC1C0]  }
0xfb: {  	v24 =	vld [tilespmem:s16+$0xFFFFCE40]  }
0xfc: {  	v25 =	vld [tilespmem:s16+$0xFFFF9C40]  }
0xfd: {  	v26 =	vld [tilespmem:s16+$0xFFFFE740]  }
0xfe: {  	v27 =	vld [tilespmem:s16+$0xFFFFF3C0]  }
0xff: {  	v28 =	vld [tilespmem:s16+$0x40]  }
0x100: {  	v29 =	vld [tilespmem:s16+$0xCC0]  }
0x101: {  	v57 =	vld [tilespmem:s16+$0x1940];
	v25 =	vshll.u32 v25, $0x6  }
0x102: {  	v58 =	vld [tilespmem:s16+$0x57C0];
	v21 =	vshll.u32 v21, $0x6;
	v25 =	vor.u32 v2, v25  }
0x103: {  	v59 =	vld [tilespmem:s16+$0x4B40];
	v22 =	vshll.u32 v22, $0x6;
	v21 =	vor.u32 v2, v21  }
0x104: {  	v60 =	vld [tilespmem:s16+$0x3EC0];
	v23 =	vshll.u32 v23, $0x6;
	v22 =	vor.u32 v2, v22  }
0x105: {  	v61 =	vld [tilespmem:s16+$0x3240];
	v24 =	vshll.u32 v24, $0x6;
	v23 =	vor.u32 v2, v23  }
0x106: {  	v62 =	vld [tilespmem:s16+$0x25C0];
	v20 =	vshll.u32 v20, $0x6;
	v24 =	vor.u32 v2, v24  }
0x107: {  	[tilespmem:v25+s14+$0x0] =	vst.idx.add.f32.msk $0xffff, v4;
	v25 =	vor.u32 v2, v20  }
0x108: {  	v26 =	vshll.u32 v26, $0x6;
	[tilespmem:v21+s14+$0x0] =	vst.idx.add.f32.msk $0xffff, v5  }
0x109: {  	v26 =	vor.u32 v2, v26;
	v20 =	vshll.u32 v27, $0x6;
	[tilespmem:v22+s14+$0x0] =	vst.idx.add.f32.msk $0xffff, v6  }
0x10a: {  	v27 =	vor.u32 v2, v20;
	v21 =	vshll.u32 v28, $0x6;
	[tilespmem:v23+s14+$0x0] =	vst.idx.add.f32.msk $0xffff, v7  }
0x10b: {  	v22 =	vshll.u32 v29, $0x6;
	v23 =	vor.u32 v2, v21;
	[tilespmem:v24+s14+$0x0] =	vst.idx.add.f32.msk $0xffff, v8  }
0x10c: {  	v28 =	vshll.u32 v57, $0x6;
	[tilespmem:v25+s14+$0x0] =	vst.idx.add.f32.msk $0xffff, v13;
	v25 =	vor.u32 v2, v22  }
0x10d: {  	v63 =	vshll.u32 v61, $0x6;
	v24 =	vor.u32 v2, v28;
	v28 =	vshll.u32 v62, $0x6  }
0x10e: {  	v20 =	vshll.u32 v58, $0x6;
	v29 =	vshll.u32 v60, $0x6;
	[tilespmem:v26+s14+$0x0] =	vst.idx.add.f32.msk $0xffff, v16;
	v26 =	vor.u32 v2, v28  }
0x10f: {  	s17 =	simm.s32 $0x0;
	v21 =	vor.u32 v2, v29;
	v22 =	vshll.u32 v59, $0x6;
	[tilespmem:v27+s14+$0x0] =	vst.idx.add.f32.msk $0xffff, v19;
	v27 =	vor.u32 v2, v63  }
.LBB2_6:
0x110: {  	s17 =	sadd.s32 $0x2, s17;
	[tilespmem:v23+s14+$0x0] =	vst.idx.add.f32.msk $0xffff, v17;
	s16 =	sadd.s32 $0x80, s16  }
0x111: {  	v22 =	vor.u32 v2, v22;
	p0 =	slt.u32 s17, $0x30;
	[tilespmem:v25+s14+$0x0] =	vst.idx.add.f32.msk $0xffff, v18  }
0x112: {  	v20 =	vor.u32 v2, v20;
	[tilespmem:v24+s14+$0x0] =	vst.idx.add.f32.msk $0xffff, v14  }
0x113: {  	[tilespmem:v26+s14+$0x0] =	vst.idx.add.f32.msk $0xffff, v9  }
0x114: {  	[tilespmem:v27+s14+$0x0] =	vst.idx.add.f32.msk $0xffff, v10  }
0x115: {  	[tilespmem:v21+s14+$0x0] =	vst.idx.add.f32.msk $0xffff, v11  }
0x116: {  	[tilespmem:v22+s14+$0x0] =	vst.idx.add.f32.msk $0xffff, v12  }
0x117: {  	[tilespmem:v20+s14+$0x0] =	vst.idx.add.f32.msk $0xffff, v15  }
0x118: {  	v20 =	vld [tilespmem:s16+$0x5780]  }
0x119: {  	v21 =	vld [tilespmem:s16+$0xFFFFCE00]  }
0x11a: {  	v22 =	vld [tilespmem:s16+$0xFFFFC180]  }
0x11b: {  	v23 =	vld [tilespmem:s16+$0xFFFFB500]  }
0x11c: {  	v24 =	vld [tilespmem:s16+$0xFFFFA880]  }
0x11d: {  	v25 =	vld [tilespmem:s16+$0xFFFF9C00];
	v20 =	vshll.u32 v20, $0x6  }
0x11e: {  	v26 =	vld [tilespmem:s16+$0x3E80]  }
0x11f: {  	v27 =	vld [tilespmem:s16+$0x4B00]  }
0x120: {  	v28 =	vld [tilespmem:s16+$0xFFFFDA80]  }
0x121: {  	v29 =	vld [tilespmem:s16+$0xFFFFE700];
	v24 =	vshll.u32 v24, $0x6  }
0x122: {  	v23 =	vshll.u32 v23, $0x6;
	v30 =	vld [tilespmem:s16+$0xFFFFF380];
	v25 =	vshll.u32 v25, $0x6;
	v24 =	vor.u32 v2, v24  }
0x123: {  	v22 =	vshll.u32 v22, $0x6;
	v23 =	vor.u32 v2, v23;
	v31 =	vld [tilespmem:s16+$0x0];
	v25 =	vor.u32 v2, v25  }
0x124: {  	v21 =	vshll.u32 v21, $0x6;
	v22 =	vor.u32 v2, v22;
	v26 =	vshll.u32 v26, $0x6;
	v32 =	vld [tilespmem:s16+$0xC80]  }
0x125: {  	v21 =	vor.u32 v2, v21;
	v27 =	vshll.u32 v27, $0x6;
	v33 =	vld [tilespmem:s16+$0x1900];
	v28 =	vshll.u32 v28, $0x6  }
0x126: {  	v34 =	vld [tilespmem:s16+$0x2580];
	v28 =	vor.u32 v2, v28;
	v29 =	vshll.u32 v29, $0x6  }
0x127: {  	v35 =	vld [tilespmem:s16+$0x3200];
	v29 =	vor.u32 v2, v29;
	v30 =	vshll.u32 v30, $0x6  }
0x128: {  	[tilespmem:v25+s14+$0x0] =	vst.idx.add.f32.msk $0xffff, v4;
	v25 =	vor.u32 v2, v30;
	v30 =	vshll.u32 v31, $0x6  }
0x129: {  	[tilespmem:v24+s14+$0x0] =	vst.idx.add.f32.msk $0xffff, v5;
	v24 =	vor.u32 v2, v30;
	v30 =	vshll.u32 v32, $0x6  }
0x12a: {  	[tilespmem:v23+s14+$0x0] =	vst.idx.add.f32.msk $0xffff, v6;
	v23 =	vor.u32 v2, v30;
	v30 =	vshll.u32 v33, $0x6  }
0x12b: {  	[tilespmem:v22+s14+$0x0] =	vst.idx.add.f32.msk $0xffff, v7;
	v22 =	vor.u32 v2, v30;
	v30 =	vshll.u32 v34, $0x6  }
0x12c: {  	[tilespmem:v21+s14+$0x0] =	vst.idx.add.f32.msk $0xffff, v8;
	v21 =	vshll.u32 v35, $0x6  }
0x12d: {  	[tilespmem:v28+s14+$0x0] =	vst.idx.add.f32.msk $0xffff, v13;
	v28 =	vor.u32 v2, v30  }
0x12e: {  	[tilespmem:v29+s14+$0x0] =	vst.idx.add.f32.msk $0xffff, v16  }
0x12f: {  	v21 =	vor.u32 v2, v21;
	[tilespmem:v25+s14+$0x0] =	vst.idx.add.f32.msk $0xffff, v19  }
0x130: {  	[tilespmem:v24+s14+$0x0] =	vst.idx.add.f32.msk $0xffff, v17;
	v24 =	vor.u32 v2, v26  }
0x131: {  	[tilespmem:v23+s14+$0x0] =	vst.idx.add.f32.msk $0xffff, v18;
	v23 =	vor.u32 v2, v27  }
0x132: {  	v20 =	vor.u32 v2, v20;
	[tilespmem:v22+s14+$0x0] =	vst.idx.add.f32.msk $0xffff, v14  }
0x133: {  	[tilespmem:v28+s14+$0x0] =	vst.idx.add.f32.msk $0xffff, v9  }
0x134: {  	[tilespmem:v21+s14+$0x0] =	vst.idx.add.f32.msk $0xffff, v10  }
0x135: {  	[tilespmem:v24+s14+$0x0] =	vst.idx.add.f32.msk $0xffff, v11  }
0x136: {  	[tilespmem:v23+s14+$0x0] =	vst.idx.add.f32.msk $0xffff, v12  }
0x137: {  	[tilespmem:v20+s14+$0x0] =	vst.idx.add.f32.msk $0xffff, v15  }
0x138: {  	v20 =	vld [tilespmem:s16+$0xFFFFDAC0]  }
0x139: {  	v21 =	vld [tilespmem:s16+$0xFFFFA8C0]  }
0x13a: {  	v22 =	vld [tilespmem:s16+$0xFFFFB540]  }
0x13b: {  	v23 =	vld [tilespmem:s16+$0xFFFFC1C0]  }
0x13c: {  	v24 =	vld [tilespmem:s16+$0xFFFFCE40]  }
0x13d: {  	v25 =	vld [tilespmem:s16+$0xFFFF9C40];
	v20 =	vshll.u32 v20, $0x6  }
0x13e: {  	v26 =	vld [tilespmem:s16+$0xFFFFE740];
	v21 =	vshll.u32 v21, $0x6  }
0x13f: {  	v27 =	vld [tilespmem:s16+$0xFFFFF3C0];
	v21 =	vor.u32 v2, v21;
	v22 =	vshll.u32 v22, $0x6  }
0x140: {  	v28 =	vld [tilespmem:s16+$0x40];
	v23 =	vshll.u32 v23, $0x6  }
0x141: {  	v29 =	vld [tilespmem:s16+$0xCC0];
	v24 =	vshll.u32 v24, $0x6  }
0x142: {  	v30 =	vld [tilespmem:s16+$0x1940];
	v25 =	vshll.u32 v25, $0x6  }
0x143: {  	v31 =	vld [tilespmem:s16+$0x57C0];
	v25 =	vor.u32 v2, v25;
	v26 =	vshll.u32 v26, $0x6  }
0x144: {  	v32 =	vld [tilespmem:s16+$0x4B40];
	v26 =	vor.u32 v2, v26;
	v27 =	vshll.u32 v27, $0x6  }
0x145: {  	v34 =	vor.u32 v2, v22;
	v33 =	vld [tilespmem:s16+$0x3EC0];
	v28 =	vshll.u32 v28, $0x6  }
0x146: {  	v23 =	vor.u32 v2, v23;
	v35 =	vld [tilespmem:s16+$0x3240];
	v29 =	vshll.u32 v29, $0x6  }
0x147: {  	v24 =	vor.u32 v2, v24;
	v36 =	vld [tilespmem:s16+$0x25C0];
	v30 =	vshll.u32 v30, $0x6  }
0x148: {  	v37 =	vor.u32 v2, v20;
	[tilespmem:v25+s14+$0x0] =	vst.idx.add.f32.msk $0xffff, v4;
	v20 =	vshll.u32 v31, $0x6  }
0x149: {  	[tilespmem:v21+s14+$0x0] =	vst.idx.add.f32.msk $0xffff, v5;
	v22 =	vshll.u32 v32, $0x6  }
0x14a: {  	v27 =	vor.u32 v2, v27;
	[tilespmem:v34+s14+$0x0] =	vst.idx.add.f32.msk $0xffff, v6;
	v21 =	vshll.u32 v33, $0x6  }
.Ltmp2:
0x14b: {  	[tilespmem:v23+s14+$0x0] =	vst.idx.add.f32.msk $0xffff, v7;
	v23 =	vor.u32 v2, v28;
	v28 =	vshll.u32 v35, $0x6;
	v21 =	vor.u32 v2, v21;
	(pc) =	sbr.rel @p0 .LBB2_6-.Ltmp2, $4  }
0x14c: {  	v25 =	vor.u32 v2, v29;
	[tilespmem:v24+s14+$0x0] =	vst.idx.add.f32.msk $0xffff, v8  }
0x14d: {  	v24 =	vor.u32 v2, v30;
	v29 =	vshll.u32 v36, $0x6;
	[tilespmem:v37+s14+$0x0] =	vst.idx.add.f32.msk $0xffff, v13  }
0x14e: {  	[tilespmem:v26+s14+$0x0] =	vst.idx.add.f32.msk $0xffff, v16;
	v26 =	vor.u32 v2, v29  }
0x14f: {  	[tilespmem:v27+s14+$0x0] =	vst.idx.add.f32.msk $0xffff, v19;
	v27 =	vor.u32 v2, v28  }
0x150: {  	_ =	sdelay $0x3  }
0x151: {  	[tilespmem:v23+s14+$0x0] =	vst.idx.add.f32.msk $0xffff, v17  }
0x152: {  	v4 =	vor.u32 v2, v22;
	[tilespmem:v25+s14+$0x0] =	vst.idx.add.f32.msk $0xffff, v18  }
0x153: {  	v5 =	vor.u32 v2, v20;
	[tilespmem:v24+s14+$0x0] =	vst.idx.add.f32.msk $0xffff, v14  }
0x154: {  	[tilespmem:v26+s14+$0x0] =	vst.idx.add.f32.msk $0xffff, v9  }
0x155: {  	[tilespmem:v27+s14+$0x0] =	vst.idx.add.f32.msk $0xffff, v10  }
0x156: {  	[tilespmem:v21+s14+$0x0] =	vst.idx.add.f32.msk $0xffff, v11  }
0x157: {  	[tilespmem:v4+s14+$0x0] =	vst.idx.add.f32.msk $0xffff, v12  }
0x158: {  	[tilespmem:v5+s14+$0x0] =	vst.idx.add.f32.msk $0xffff, v15  }
0x159: {  	v4 =	vld [tilespmem:$0xC820]  }
0x15a: {  	v5 =	vld [tilespmem:$0xC8A0]  }
0x15b: {  	v6 =	vld [tilespmem:$0xC920]  }
0x15c: {  	v7 =	vld [tilespmem:$0xC9A0]  }
0x15d: {  	v8 =	vld [tilespmem:$0xCA20]  }
0x15e: {  	v13 =	vld [tilespmem:$0xCAA0]  }
0x15f: {  	v16 =	vld [tilespmem:$0xCB20]  }
0x160: {  	v19 =	vld [tilespmem:$0xCBA0]  }
0x161: {  	v17 =	vld [tilespmem:$0xCC20]  }
0x162: {  	v18 =	vld [tilespmem:$0xCCA0]  }
0x163: {  	v14 =	vld [tilespmem:$0xCD20]  }
0x164: {  	v9 =	vld [tilespmem:$0xCDA0]  }
0x165: {  	v10 =	vld [tilespmem:$0xCE20]  }
0x166: {  	v11 =	vld [tilespmem:$0xCEA0]  }
0x167: {  	v12 =	vld [tilespmem:$0xCF20]  }
0x168: {  	s16 =	simm.s32 $0x6420;
	v15 =	vld [tilespmem:$0xCFA0]  }
0x169: {  	v20 =	vld [tilespmem:s16+$0x5780]  }
0x16a: {  	v21 =	vld [tilespmem:s16+$0xFFFFCE00]  }
0x16b: {  	v22 =	vld [tilespmem:s16+$0xFFFFC180]  }
0x16c: {  	v23 =	vld [tilespmem:s16+$0xFFFFB500]  }
0x16d: {  	v24 =	vld [tilespmem:s16+$0xFFFFA880]  }
0x16e: {  	v25 =	vld [tilespmem:s16+$0xFFFF9C00]  }
0x16f: {  	v26 =	vld [tilespmem:s16+$0x3E80]  }
0x170: {  	v27 =	vld [tilespmem:s16+$0x4B00]  }
0x171: {  	v28 =	vld [tilespmem:s16+$0xFFFFDA80]  }
0x172: {  	v29 =	vld [tilespmem:s16+$0xFFFFE700]  }
0x173: {  	v30 =	vld [tilespmem:s16+$0xFFFFF380];
	v25 =	vshll.u32 v25, $0x6  }
0x174: {  	v31 =	vld [tilespmem:s16+$0x0];
	v24 =	vshll.u32 v24, $0x6;
	v25 =	vor.u32 v3, v25  }
0x175: {  	v32 =	vld [tilespmem:s16+$0xC80];
	v23 =	vshll.u32 v23, $0x6;
	v24 =	vor.u32 v3, v24  }
0x176: {  	v33 =	vld [tilespmem:s16+$0x1900];
	v22 =	vshll.u32 v22, $0x6;
	v23 =	vor.u32 v3, v23  }
0x177: {  	v34 =	vld [tilespmem:s16+$0x2580];
	v21 =	vshll.u32 v21, $0x6;
	v22 =	vor.u32 v3, v22  }
0x178: {  	v35 =	vld [tilespmem:s16+$0x3200];
	v28 =	vshll.u32 v28, $0x6;
	v21 =	vor.u32 v3, v21  }
0x179: {  	v29 =	vshll.u32 v29, $0x6;
	v28 =	vor.u32 v3, v28;
	[tilespmem:v25+s14+$0x0] =	vst.idx.add.f32.msk $0xffff, v4  }
0x17a: {  	v25 =	vor.u32 v3, v29;
	v29 =	vshll.u32 v30, $0x6;
	[tilespmem:v24+s14+$0x0] =	vst.idx.add.f32.msk $0xffff, v5  }
0x17b: {  	v24 =	vor.u32 v3, v29;
	v29 =	vshll.u32 v31, $0x6;
	[tilespmem:v23+s14+$0x0] =	vst.idx.add.f32.msk $0xffff, v6  }
0x17c: {  	v23 =	vor.u32 v3, v29;
	v29 =	vshll.u32 v32, $0x6;
	[tilespmem:v22+s14+$0x0] =	vst.idx.add.f32.msk $0xffff, v7  }
0x17d: {  	v22 =	vor.u32 v3, v29;
	v29 =	vshll.u32 v33, $0x6;
	[tilespmem:v21+s14+$0x0] =	vst.idx.add.f32.msk $0xffff, v8  }
0x17e: {  	v21 =	vor.u32 v3, v29;
	v29 =	vshll.u32 v34, $0x6;
	[tilespmem:v28+s14+$0x0] =	vst.idx.add.f32.msk $0xffff, v13  }
0x17f: {  	v28 =	vshll.u32 v35, $0x6;
	v29 =	vor.u32 v3, v29;
	[tilespmem:v25+s14+$0x0] =	vst.idx.add.f32.msk $0xffff, v16  }
0x180: {  	v25 =	vshll.u32 v26, $0x6;
	[tilespmem:v24+s14+$0x0] =	vst.idx.add.f32.msk $0xffff, v19;
	v24 =	vor.u32 v3, v28  }
0x181: {  	v26 =	vshll.u32 v27, $0x6;
	[tilespmem:v23+s14+$0x0] =	vst.idx.add.f32.msk $0xffff, v17;
	v23 =	vor.u32 v3, v25  }
0x182: {  	v20 =	vshll.u32 v20, $0x6;
	[tilespmem:v22+s14+$0x0] =	vst.idx.add.f32.msk $0xffff, v18;
	v22 =	vor.u32 v3, v26  }
0x183: {  	v20 =	vor.u32 v3, v20;
	[tilespmem:v21+s14+$0x0] =	vst.idx.add.f32.msk $0xffff, v14  }
0x184: {  	[tilespmem:v29+s14+$0x0] =	vst.idx.add.f32.msk $0xffff, v9  }
0x185: {  	[tilespmem:v24+s14+$0x0] =	vst.idx.add.f32.msk $0xffff, v10  }
0x186: {  	[tilespmem:v23+s14+$0x0] =	vst.idx.add.f32.msk $0xffff, v11  }
0x187: {  	[tilespmem:v22+s14+$0x0] =	vst.idx.add.f32.msk $0xffff, v12  }
0x188: {  	[tilespmem:v20+s14+$0x0] =	vst.idx.add.f32.msk $0xffff, v15  }
0x189: {  	v20 =	vld [tilespmem:s16+$0xFFFFDAC0]  }
0x18a: {  	v21 =	vld [tilespmem:s16+$0xFFFFA8C0]  }
0x18b: {  	v22 =	vld [tilespmem:s16+$0xFFFFB540]  }
0x18c: {  	v23 =	vld [tilespmem:s16+$0xFFFFC1C0]  }
0x18d: {  	v24 =	vld [tilespmem:s16+$0xFFFFCE40]  }
0x18e: {  	v25 =	vld [tilespmem:s16+$0xFFFF9C40]  }
0x18f: {  	v26 =	vld [tilespmem:s16+$0xFFFFE740]  }
0x190: {  	v27 =	vld [tilespmem:s16+$0xFFFFF3C0]  }
0x191: {  	v28 =	vld [tilespmem:s16+$0x40]  }
0x192: {  	v29 =	vld [tilespmem:s16+$0xCC0]  }
0x193: {  	v57 =	vld [tilespmem:s16+$0x1940];
	v25 =	vshll.u32 v25, $0x6  }
0x194: {  	v58 =	vld [tilespmem:s16+$0x57C0];
	v21 =	vshll.u32 v21, $0x6;
	v25 =	vor.u32 v3, v25  }
0x195: {  	v59 =	vld [tilespmem:s16+$0x4B40];
	v22 =	vshll.u32 v22, $0x6;
	v21 =	vor.u32 v3, v21  }
0x196: {  	v60 =	vld [tilespmem:s16+$0x3EC0];
	v23 =	vshll.u32 v23, $0x6;
	v22 =	vor.u32 v3, v22  }
0x197: {  	v61 =	vld [tilespmem:s16+$0x3240];
	v24 =	vshll.u32 v24, $0x6;
	v23 =	vor.u32 v3, v23  }
0x198: {  	v62 =	vld [tilespmem:s16+$0x25C0];
	v20 =	vshll.u32 v20, $0x6;
	v24 =	vor.u32 v3, v24  }
0x199: {  	[tilespmem:v25+s14+$0x0] =	vst.idx.add.f32.msk $0xffff, v4;
	v25 =	vor.u32 v3, v20  }
0x19a: {  	v26 =	vshll.u32 v26, $0x6;
	[tilespmem:v21+s14+$0x0] =	vst.idx.add.f32.msk $0xffff, v5  }
0x19b: {  	v26 =	vor.u32 v3, v26;
	v20 =	vshll.u32 v27, $0x6;
	[tilespmem:v22+s14+$0x0] =	vst.idx.add.f32.msk $0xffff, v6  }
0x19c: {  	v27 =	vor.u32 v3, v20;
	v21 =	vshll.u32 v28, $0x6;
	[tilespmem:v23+s14+$0x0] =	vst.idx.add.f32.msk $0xffff, v7  }
0x19d: {  	v22 =	vshll.u32 v29, $0x6;
	v23 =	vor.u32 v3, v21;
	[tilespmem:v24+s14+$0x0] =	vst.idx.add.f32.msk $0xffff, v8  }
0x19e: {  	v28 =	vshll.u32 v57, $0x6;
	[tilespmem:v25+s14+$0x0] =	vst.idx.add.f32.msk $0xffff, v13;
	v25 =	vor.u32 v3, v22  }
0x19f: {  	v63 =	vshll.u32 v61, $0x6;
	v24 =	vor.u32 v3, v28;
	v28 =	vshll.u32 v62, $0x6  }
0x1a0: {  	v20 =	vshll.u32 v58, $0x6;
	v29 =	vshll.u32 v60, $0x6;
	[tilespmem:v26+s14+$0x0] =	vst.idx.add.f32.msk $0xffff, v16;
	v26 =	vor.u32 v3, v28  }
0x1a1: {  	s17 =	simm.s32 $0x0;
	v21 =	vor.u32 v3, v29;
	v22 =	vshll.u32 v59, $0x6;
	[tilespmem:v27+s14+$0x0] =	vst.idx.add.f32.msk $0xffff, v19;
	v27 =	vor.u32 v3, v63  }
.LBB2_8:
0x1a2: {  	s17 =	sadd.s32 $0x2, s17;
	[tilespmem:v23+s14+$0x0] =	vst.idx.add.f32.msk $0xffff, v17;
	s16 =	sadd.s32 $0x80, s16  }
0x1a3: {  	v22 =	vor.u32 v3, v22;
	p0 =	slt.u32 s17, $0x30;
	[tilespmem:v25+s14+$0x0] =	vst.idx.add.f32.msk $0xffff, v18  }
0x1a4: {  	v20 =	vor.u32 v3, v20;
	[tilespmem:v24+s14+$0x0] =	vst.idx.add.f32.msk $0xffff, v14  }
0x1a5: {  	[tilespmem:v26+s14+$0x0] =	vst.idx.add.f32.msk $0xffff, v9  }
0x1a6: {  	[tilespmem:v27+s14+$0x0] =	vst.idx.add.f32.msk $0xffff, v10  }
0x1a7: {  	[tilespmem:v21+s14+$0x0] =	vst.idx.add.f32.msk $0xffff, v11  }
0x1a8: {  	[tilespmem:v22+s14+$0x0] =	vst.idx.add.f32.msk $0xffff, v12  }
0x1a9: {  	[tilespmem:v20+s14+$0x0] =	vst.idx.add.f32.msk $0xffff, v15  }
0x1aa: {  	v20 =	vld [tilespmem:s16+$0x5780]  }
0x1ab: {  	v21 =	vld [tilespmem:s16+$0xFFFFCE00]  }
0x1ac: {  	v22 =	vld [tilespmem:s16+$0xFFFFC180]  }
0x1ad: {  	v23 =	vld [tilespmem:s16+$0xFFFFB500]  }
0x1ae: {  	v24 =	vld [tilespmem:s16+$0xFFFFA880]  }
0x1af: {  	v25 =	vld [tilespmem:s16+$0xFFFF9C00];
	v20 =	vshll.u32 v20, $0x6  }
0x1b0: {  	v26 =	vld [tilespmem:s16+$0x3E80]  }
0x1b1: {  	v27 =	vld [tilespmem:s16+$0x4B00]  }
0x1b2: {  	v28 =	vld [tilespmem:s16+$0xFFFFDA80]  }
0x1b3: {  	v29 =	vld [tilespmem:s16+$0xFFFFE700];
	v24 =	vshll.u32 v24, $0x6  }
0x1b4: {  	v23 =	vshll.u32 v23, $0x6;
	v30 =	vld [tilespmem:s16+$0xFFFFF380];
	v25 =	vshll.u32 v25, $0x6;
	v24 =	vor.u32 v3, v24  }
0x1b5: {  	v22 =	vshll.u32 v22, $0x6;
	v23 =	vor.u32 v3, v23;
	v31 =	vld [tilespmem:s16+$0x0];
	v25 =	vor.u32 v3, v25  }
0x1b6: {  	v21 =	vshll.u32 v21, $0x6;
	v22 =	vor.u32 v3, v22;
	v26 =	vshll.u32 v26, $0x6;
	v32 =	vld [tilespmem:s16+$0xC80]  }
0x1b7: {  	v21 =	vor.u32 v3, v21;
	v27 =	vshll.u32 v27, $0x6;
	v33 =	vld [tilespmem:s16+$0x1900];
	v28 =	vshll.u32 v28, $0x6  }
0x1b8: {  	v34 =	vld [tilespmem:s16+$0x2580];
	v28 =	vor.u32 v3, v28;
	v29 =	vshll.u32 v29, $0x6  }
0x1b9: {  	v35 =	vld [tilespmem:s16+$0x3200];
	v29 =	vor.u32 v3, v29;
	v30 =	vshll.u32 v30, $0x6  }
0x1ba: {  	[tilespmem:v25+s14+$0x0] =	vst.idx.add.f32.msk $0xffff, v4;
	v25 =	vor.u32 v3, v30;
	v30 =	vshll.u32 v31, $0x6  }
0x1bb: {  	[tilespmem:v24+s14+$0x0] =	vst.idx.add.f32.msk $0xffff, v5;
	v24 =	vor.u32 v3, v30;
	v30 =	vshll.u32 v32, $0x6  }
0x1bc: {  	[tilespmem:v23+s14+$0x0] =	vst.idx.add.f32.msk $0xffff, v6;
	v23 =	vor.u32 v3, v30;
	v30 =	vshll.u32 v33, $0x6  }
0x1bd: {  	[tilespmem:v22+s14+$0x0] =	vst.idx.add.f32.msk $0xffff, v7;
	v22 =	vor.u32 v3, v30;
	v30 =	vshll.u32 v34, $0x6  }
0x1be: {  	[tilespmem:v21+s14+$0x0] =	vst.idx.add.f32.msk $0xffff, v8;
	v21 =	vshll.u32 v35, $0x6  }
0x1bf: {  	[tilespmem:v28+s14+$0x0] =	vst.idx.add.f32.msk $0xffff, v13;
	v28 =	vor.u32 v3, v30  }
0x1c0: {  	[tilespmem:v29+s14+$0x0] =	vst.idx.add.f32.msk $0xffff, v16  }
0x1c1: {  	v21 =	vor.u32 v3, v21;
	[tilespmem:v25+s14+$0x0] =	vst.idx.add.f32.msk $0xffff, v19  }
0x1c2: {  	[tilespmem:v24+s14+$0x0] =	vst.idx.add.f32.msk $0xffff, v17;
	v24 =	vor.u32 v3, v26  }
0x1c3: {  	[tilespmem:v23+s14+$0x0] =	vst.idx.add.f32.msk $0xffff, v18;
	v23 =	vor.u32 v3, v27  }
0x1c4: {  	v20 =	vor.u32 v3, v20;
	[tilespmem:v22+s14+$0x0] =	vst.idx.add.f32.msk $0xffff, v14  }
0x1c5: {  	[tilespmem:v28+s14+$0x0] =	vst.idx.add.f32.msk $0xffff, v9  }
0x1c6: {  	[tilespmem:v21+s14+$0x0] =	vst.idx.add.f32.msk $0xffff, v10  }
0x1c7: {  	[tilespmem:v24+s14+$0x0] =	vst.idx.add.f32.msk $0xffff, v11  }
0x1c8: {  	[tilespmem:v23+s14+$0x0] =	vst.idx.add.f32.msk $0xffff, v12  }
0x1c9: {  	[tilespmem:v20+s14+$0x0] =	vst.idx.add.f32.msk $0xffff, v15  }
0x1ca: {  	v20 =	vld [tilespmem:s16+$0xFFFFDAC0]  }
0x1cb: {  	v21 =	vld [tilespmem:s16+$0xFFFFA8C0]  }
0x1cc: {  	v22 =	vld [tilespmem:s16+$0xFFFFB540]  }
0x1cd: {  	v23 =	vld [tilespmem:s16+$0xFFFFC1C0]  }
0x1ce: {  	v24 =	vld [tilespmem:s16+$0xFFFFCE40]  }
0x1cf: {  	v25 =	vld [tilespmem:s16+$0xFFFF9C40];
	v20 =	vshll.u32 v20, $0x6  }
0x1d0: {  	v26 =	vld [tilespmem:s16+$0xFFFFE740];
	v21 =	vshll.u32 v21, $0x6  }
0x1d1: {  	v27 =	vld [tilespmem:s16+$0xFFFFF3C0];
	v21 =	vor.u32 v3, v21;
	v22 =	vshll.u32 v22, $0x6  }
0x1d2: {  	v28 =	vld [tilespmem:s16+$0x40];
	v23 =	vshll.u32 v23, $0x6  }
0x1d3: {  	v29 =	vld [tilespmem:s16+$0xCC0];
	v24 =	vshll.u32 v24, $0x6  }
0x1d4: {  	v30 =	vld [tilespmem:s16+$0x1940];
	v25 =	vshll.u32 v25, $0x6  }
0x1d5: {  	v31 =	vld [tilespmem:s16+$0x57C0];
	v25 =	vor.u32 v3, v25;
	v26 =	vshll.u32 v26, $0x6  }
0x1d6: {  	v32 =	vld [tilespmem:s16+$0x4B40];
	v26 =	vor.u32 v3, v26;
	v27 =	vshll.u32 v27, $0x6  }
0x1d7: {  	v34 =	vor.u32 v3, v22;
	v33 =	vld [tilespmem:s16+$0x3EC0];
	v28 =	vshll.u32 v28, $0x6  }
0x1d8: {  	v23 =	vor.u32 v3, v23;
	v35 =	vld [tilespmem:s16+$0x3240];
	v29 =	vshll.u32 v29, $0x6  }
0x1d9: {  	v24 =	vor.u32 v3, v24;
	v36 =	vld [tilespmem:s16+$0x25C0];
	v30 =	vshll.u32 v30, $0x6  }
0x1da: {  	v37 =	vor.u32 v3, v20;
	[tilespmem:v25+s14+$0x0] =	vst.idx.add.f32.msk $0xffff, v4;
	v20 =	vshll.u32 v31, $0x6  }
0x1db: {  	[tilespmem:v21+s14+$0x0] =	vst.idx.add.f32.msk $0xffff, v5;
	v22 =	vshll.u32 v32, $0x6  }
0x1dc: {  	v27 =	vor.u32 v3, v27;
	[tilespmem:v34+s14+$0x0] =	vst.idx.add.f32.msk $0xffff, v6;
	v21 =	vshll.u32 v33, $0x6  }
.Ltmp3:
0x1dd: {  	[tilespmem:v23+s14+$0x0] =	vst.idx.add.f32.msk $0xffff, v7;
	v23 =	vor.u32 v3, v28;
	v28 =	vshll.u32 v35, $0x6;
	v21 =	vor.u32 v3, v21;
	(pc) =	sbr.rel @p0 .LBB2_8-.Ltmp3, $4  }
0x1de: {  	v25 =	vor.u32 v3, v29;
	[tilespmem:v24+s14+$0x0] =	vst.idx.add.f32.msk $0xffff, v8  }
0x1df: {  	v24 =	vor.u32 v3, v30;
	v29 =	vshll.u32 v36, $0x6;
	[tilespmem:v37+s14+$0x0] =	vst.idx.add.f32.msk $0xffff, v13  }
0x1e0: {  	[tilespmem:v26+s14+$0x0] =	vst.idx.add.f32.msk $0xffff, v16;
	v26 =	vor.u32 v3, v29  }
0x1e1: {  	[tilespmem:v27+s14+$0x0] =	vst.idx.add.f32.msk $0xffff, v19;
	v27 =	vor.u32 v3, v28  }
0x1e2: {  	_ =	sdelay $0x3  }
0x1e3: {  	[tilespmem:v23+s14+$0x0] =	vst.idx.add.f32.msk $0xffff, v17  }
0x1e4: {  	v4 =	vor.u32 v3, v22;
	[tilespmem:v25+s14+$0x0] =	vst.idx.add.f32.msk $0xffff, v18  }
0x1e5: {  	v5 =	vor.u32 v3, v20;
	[tilespmem:v24+s14+$0x0] =	vst.idx.add.f32.msk $0xffff, v14  }
0x1e6: {  	[tilespmem:v26+s14+$0x0] =	vst.idx.add.f32.msk $0xffff, v9  }
0x1e7: {  	[tilespmem:v27+s14+$0x0] =	vst.idx.add.f32.msk $0xffff, v10  }
0x1e8: {  	[tilespmem:v21+s14+$0x0] =	vst.idx.add.f32.msk $0xffff, v11  }
0x1e9: {  	[tilespmem:v4+s14+$0x0] =	vst.idx.add.f32.msk $0xffff, v12  }
0x1ea: {  	[tilespmem:v5+s14+$0x0] =	vst.idx.add.f32.msk $0xffff, v15  }
0x1eb: {  	v5 =	vld [tilespmem:$0xC830]  }
0x1ec: {  	v6 =	vld [tilespmem:$0xC8B0]  }
0x1ed: {  	v7 =	vld [tilespmem:$0xC930]  }
0x1ee: {  	v8 =	vld [tilespmem:$0xC9B0]  }
0x1ef: {  	v9 =	vld [tilespmem:$0xCA30]  }
0x1f0: {  	v14 =	vld [tilespmem:$0xCAB0]  }
0x1f1: {  	v17 =	vld [tilespmem:$0xCB30]  }
0x1f2: {  	v20 =	vld [tilespmem:$0xCBB0]  }
0x1f3: {  	v18 =	vld [tilespmem:$0xCC30]  }
0x1f4: {  	v19 =	vld [tilespmem:$0xCCB0]  }
0x1f5: {  	v15 =	vld [tilespmem:$0xCD30]  }
0x1f6: {  	v10 =	vld [tilespmem:$0xCDB0]  }
0x1f7: {  	v11 =	vld [tilespmem:$0xCE30]  }
0x1f8: {  	v12 =	vld [tilespmem:$0xCEB0]  }
0x1f9: {  	v13 =	vld [tilespmem:$0xCF30]  }
0x1fa: {  	s16 =	simm.s32 $0x6430;
	v16 =	vld [tilespmem:$0xCFB0]  }
0x1fb: {  	v21 =	vld [tilespmem:s16+$0x5780]  }
0x1fc: {  	v22 =	vld [tilespmem:s16+$0xFFFFCE00]  }
0x1fd: {  	v23 =	vld [tilespmem:s16+$0xFFFFC180]  }
0x1fe: {  	v24 =	vld [tilespmem:s16+$0xFFFFB500]  }
0x1ff: {  	v25 =	vld [tilespmem:s16+$0xFFFFA880]  }
0x200: {  	v26 =	vld [tilespmem:s16+$0xFFFF9C00]  }
0x201: {  	v27 =	vld [tilespmem:s16+$0x3E80]  }
0x202: {  	v28 =	vld [tilespmem:s16+$0x4B00]  }
0x203: {  	v29 =	vld [tilespmem:s16+$0xFFFFDA80]  }
0x204: {  	v30 =	vld [tilespmem:s16+$0xFFFFE700]  }
0x205: {  	v4 =	vor.u32 $0x30, v0;
	v31 =	vld [tilespmem:s16+$0xFFFFF380];
	v26 =	vshll.u32 v26, $0x6  }
0x206: {  	v32 =	vld [tilespmem:s16+$0x0];
	v25 =	vshll.u32 v25, $0x6;
	v26 =	vor.u32 v4, v26  }
0x207: {  	v33 =	vld [tilespmem:s16+$0xC80];
	v24 =	vshll.u32 v24, $0x6;
	v25 =	vor.u32 v4, v25  }
0x208: {  	v34 =	vld [tilespmem:s16+$0x1900];
	v23 =	vshll.u32 v23, $0x6;
	v24 =	vor.u32 v4, v24  }
0x209: {  	v35 =	vld [tilespmem:s16+$0x2580];
	v22 =	vshll.u32 v22, $0x6;
	v23 =	vor.u32 v4, v23  }
0x20a: {  	v36 =	vld [tilespmem:s16+$0x3200];
	v29 =	vshll.u32 v29, $0x6;
	v22 =	vor.u32 v4, v22  }
0x20b: {  	v30 =	vshll.u32 v30, $0x6;
	v29 =	vor.u32 v4, v29;
	[tilespmem:v26+s14+$0x0] =	vst.idx.add.f32.msk $0xffff, v5  }
0x20c: {  	v26 =	vor.u32 v4, v30;
	v30 =	vshll.u32 v31, $0x6;
	[tilespmem:v25+s14+$0x0] =	vst.idx.add.f32.msk $0xffff, v6  }
0x20d: {  	v25 =	vor.u32 v4, v30;
	v30 =	vshll.u32 v32, $0x6;
	[tilespmem:v24+s14+$0x0] =	vst.idx.add.f32.msk $0xffff, v7  }
0x20e: {  	v24 =	vor.u32 v4, v30;
	v30 =	vshll.u32 v33, $0x6;
	[tilespmem:v23+s14+$0x0] =	vst.idx.add.f32.msk $0xffff, v8  }
0x20f: {  	v23 =	vor.u32 v4, v30;
	v30 =	vshll.u32 v34, $0x6;
	[tilespmem:v22+s14+$0x0] =	vst.idx.add.f32.msk $0xffff, v9  }
0x210: {  	v22 =	vor.u32 v4, v30;
	v30 =	vshll.u32 v35, $0x6;
	[tilespmem:v29+s14+$0x0] =	vst.idx.add.f32.msk $0xffff, v14  }
0x211: {  	v29 =	vshll.u32 v36, $0x6;
	v30 =	vor.u32 v4, v30;
	[tilespmem:v26+s14+$0x0] =	vst.idx.add.f32.msk $0xffff, v17  }
0x212: {  	v26 =	vshll.u32 v27, $0x6;
	[tilespmem:v25+s14+$0x0] =	vst.idx.add.f32.msk $0xffff, v20;
	v25 =	vor.u32 v4, v29  }
0x213: {  	v27 =	vshll.u32 v28, $0x6;
	[tilespmem:v24+s14+$0x0] =	vst.idx.add.f32.msk $0xffff, v18;
	v24 =	vor.u32 v4, v26  }
0x214: {  	v21 =	vshll.u32 v21, $0x6;
	[tilespmem:v23+s14+$0x0] =	vst.idx.add.f32.msk $0xffff, v19;
	v23 =	vor.u32 v4, v27  }
0x215: {  	v21 =	vor.u32 v4, v21;
	[tilespmem:v22+s14+$0x0] =	vst.idx.add.f32.msk $0xffff, v15  }
0x216: {  	[tilespmem:v30+s14+$0x0] =	vst.idx.add.f32.msk $0xffff, v10  }
0x217: {  	[tilespmem:v25+s14+$0x0] =	vst.idx.add.f32.msk $0xffff, v11  }
0x218: {  	[tilespmem:v24+s14+$0x0] =	vst.idx.add.f32.msk $0xffff, v12  }
0x219: {  	[tilespmem:v23+s14+$0x0] =	vst.idx.add.f32.msk $0xffff, v13  }
0x21a: {  	[tilespmem:v21+s14+$0x0] =	vst.idx.add.f32.msk $0xffff, v16  }
0x21b: {  	v21 =	vld [tilespmem:s16+$0x25C0]  }
0x21c: {  	v22 =	vld [tilespmem:s16+$0xFFFFB540]  }
0x21d: {  	v23 =	vld [tilespmem:s16+$0xFFFFC1C0]  }
0x21e: {  	v24 =	vld [tilespmem:s16+$0xFFFFA8C0]  }
0x21f: {  	v25 =	vld [tilespmem:s16+$0xCC0]  }
0x220: {  	v26 =	vld [tilespmem:s16+$0xFFFF9C40]  }
0x221: {  	v27 =	vld [tilespmem:s16+$0xFFFFCE40]  }
0x222: {  	v28 =	vld [tilespmem:s16+$0xFFFFDAC0]  }
0x223: {  	v29 =	vld [tilespmem:s16+$0xFFFFE740]  }
0x224: {  	v30 =	vld [tilespmem:s16+$0xFFFFF3C0]  }
0x225: {  	v31 =	vld [tilespmem:s16+$0x40];
	v26 =	vshll.u32 v26, $0x6  }
0x226: {  	v59 =	vld [tilespmem:s16+$0x57C0];
	v24 =	vshll.u32 v24, $0x6;
	v26 =	vor.u32 v4, v26  }
0x227: {  	v60 =	vld [tilespmem:s16+$0x4B40];
	v22 =	vshll.u32 v22, $0x6;
	v24 =	vor.u32 v4, v24  }
0x228: {  	v61 =	vld [tilespmem:s16+$0x3EC0];
	v23 =	vshll.u32 v23, $0x6;
	v22 =	vor.u32 v4, v22  }
0x229: {  	v62 =	vld [tilespmem:s16+$0x3240];
	v27 =	vshll.u32 v27, $0x6;
	v23 =	vor.u32 v4, v23  }
0x22a: {  	v63 =	vld [tilespmem:s16+$0x1940];
	v28 =	vshll.u32 v28, $0x6;
	v27 =	vor.u32 v4, v27  }
0x22b: {  	v29 =	vshll.u32 v29, $0x6;
	v28 =	vor.u32 v4, v28;
	[tilespmem:v26+s14+$0x0] =	vst.idx.add.f32.msk $0xffff, v5  }
0x22c: {  	v29 =	vor.u32 v4, v29;
	v26 =	vshll.u32 v30, $0x6;
	[tilespmem:v24+s14+$0x0] =	vst.idx.add.f32.msk $0xffff, v6  }
0x22d: {  	v37 =	vshll.u32 v21, $0x6;
	v21 =	vshll.u32 v31, $0x6;
	v30 =	vor.u32 v4, v26;
	[tilespmem:v22+s14+$0x0] =	vst.idx.add.f32.msk $0xffff, v7  }
0x22e: {  	v24 =	vshll.u32 v25, $0x6;
	[tilespmem:v23+s14+$0x0] =	vst.idx.add.f32.msk $0xffff, v8;
	v23 =	vor.u32 v4, v21  }
0x22f: {  	v26 =	vshll.u32 v63, $0x6;
	v25 =	vor.u32 v4, v24;
	[tilespmem:v27+s14+$0x0] =	vst.idx.add.f32.msk $0xffff, v9  }
0x230: {  	v22 =	vshll.u32 v61, $0x6;
	v26 =	vor.u32 v4, v26;
	[tilespmem:v28+s14+$0x0] =	vst.idx.add.f32.msk $0xffff, v14  }
0x231: {  	v24 =	vshll.u32 v60, $0x6;
	v27 =	vor.u32 v4, v37;
	v28 =	vshll.u32 v62, $0x6;
	[tilespmem:v29+s14+$0x0] =	vst.idx.add.f32.msk $0xffff, v17  }
0x232: {  	s17 =	simm.s32 $0x0;
	v21 =	vshll.u32 v59, $0x6;
	v22 =	vor.u32 v4, v22;
	v28 =	vor.u32 v4, v28;
	[tilespmem:v30+s14+$0x0] =	vst.idx.add.f32.msk $0xffff, v20  }
.LBB2_10:
0x233: {  	s17 =	sadd.s32 $0x2, s17;
	[tilespmem:v23+s14+$0x0] =	vst.idx.add.f32.msk $0xffff, v18;
	s16 =	sadd.s32 $0x80, s16  }
0x234: {  	v23 =	vor.u32 v4, v24;
	p0 =	slt.u32 s17, $0x30;
	[tilespmem:v25+s14+$0x0] =	vst.idx.add.f32.msk $0xffff, v19  }
0x235: {  	v21 =	vor.u32 v4, v21;
	[tilespmem:v26+s14+$0x0] =	vst.idx.add.f32.msk $0xffff, v15  }
0x236: {  	[tilespmem:v27+s14+$0x0] =	vst.idx.add.f32.msk $0xffff, v10  }
0x237: {  	[tilespmem:v28+s14+$0x0] =	vst.idx.add.f32.msk $0xffff, v11  }
0x238: {  	[tilespmem:v22+s14+$0x0] =	vst.idx.add.f32.msk $0xffff, v12  }
0x239: {  	[tilespmem:v23+s14+$0x0] =	vst.idx.add.f32.msk $0xffff, v13  }
0x23a: {  	[tilespmem:v21+s14+$0x0] =	vst.idx.add.f32.msk $0xffff, v16  }
0x23b: {  	v21 =	vld [tilespmem:s16+$0x5780]  }
0x23c: {  	v22 =	vld [tilespmem:s16+$0xFFFFCE00]  }
0x23d: {  	v23 =	vld [tilespmem:s16+$0xFFFFC180]  }
0x23e: {  	v24 =	vld [tilespmem:s16+$0xFFFFB500]  }
0x23f: {  	v25 =	vld [tilespmem:s16+$0xFFFFA880]  }
0x240: {  	v26 =	vld [tilespmem:s16+$0xFFFF9C00]  }
0x241: {  	v27 =	vld [tilespmem:s16+$0x3E80]  }
0x242: {  	v28 =	vld [tilespmem:s16+$0x4B00]  }
0x243: {  	v29 =	vld [tilespmem:s16+$0xFFFFDA80]  }
0x244: {  	v30 =	vld [tilespmem:s16+$0xFFFFE700];
	v25 =	vshll.u32 v25, $0x6  }
0x245: {  	v24 =	vshll.u32 v24, $0x6;
	v31 =	vld [tilespmem:s16+$0xFFFFF380];
	v26 =	vshll.u32 v26, $0x6;
	v25 =	vor.u32 v4, v25  }
0x246: {  	v23 =	vshll.u32 v23, $0x6;
	v24 =	vor.u32 v4, v24;
	v32 =	vld [tilespmem:s16+$0x0];
	v26 =	vor.u32 v4, v26  }
0x247: {  	v22 =	vshll.u32 v22, $0x6;
	v23 =	vor.u32 v4, v23;
	v27 =	vshll.u32 v27, $0x6;
	v33 =	vld [tilespmem:s16+$0xC80]  }
0x248: {  	v22 =	vor.u32 v4, v22;
	v28 =	vshll.u32 v28, $0x6;
	v34 =	vld [tilespmem:s16+$0x1900];
	v29 =	vshll.u32 v29, $0x6  }
0x249: {  	v35 =	vld [tilespmem:s16+$0x2580];
	v29 =	vor.u32 v4, v29;
	v30 =	vshll.u32 v30, $0x6  }
0x24a: {  	v36 =	vld [tilespmem:s16+$0x3200];
	v30 =	vor.u32 v4, v30;
	v31 =	vshll.u32 v31, $0x6  }
0x24b: {  	[tilespmem:v26+s14+$0x0] =	vst.idx.add.f32.msk $0xffff, v5;
	v26 =	vor.u32 v4, v31;
	v31 =	vshll.u32 v32, $0x6  }
0x24c: {  	[tilespmem:v25+s14+$0x0] =	vst.idx.add.f32.msk $0xffff, v6;
	v25 =	vor.u32 v4, v31;
	v31 =	vshll.u32 v33, $0x6  }
0x24d: {  	[tilespmem:v24+s14+$0x0] =	vst.idx.add.f32.msk $0xffff, v7;
	v24 =	vor.u32 v4, v31;
	v31 =	vshll.u32 v34, $0x6  }
0x24e: {  	[tilespmem:v23+s14+$0x0] =	vst.idx.add.f32.msk $0xffff, v8;
	v23 =	vor.u32 v4, v31;
	v31 =	vshll.u32 v35, $0x6  }
0x24f: {  	[tilespmem:v22+s14+$0x0] =	vst.idx.add.f32.msk $0xffff, v9;
	v22 =	vshll.u32 v36, $0x6  }
0x250: {  	[tilespmem:v29+s14+$0x0] =	vst.idx.add.f32.msk $0xffff, v14;
	v29 =	vor.u32 v4, v31  }
0x251: {  	[tilespmem:v30+s14+$0x0] =	vst.idx.add.f32.msk $0xffff, v17  }
0x252: {  	v22 =	vor.u32 v4, v22;
	[tilespmem:v26+s14+$0x0] =	vst.idx.add.f32.msk $0xffff, v20  }
0x253: {  	[tilespmem:v25+s14+$0x0] =	vst.idx.add.f32.msk $0xffff, v18;
	v25 =	vor.u32 v4, v27  }
0x254: {  	v21 =	vshll.u32 v21, $0x6;
	[tilespmem:v24+s14+$0x0] =	vst.idx.add.f32.msk $0xffff, v19;
	v24 =	vor.u32 v4, v28  }
0x255: {  	v21 =	vor.u32 v4, v21;
	[tilespmem:v23+s14+$0x0] =	vst.idx.add.f32.msk $0xffff, v15  }
0x256: {  	[tilespmem:v29+s14+$0x0] =	vst.idx.add.f32.msk $0xffff, v10  }
0x257: {  	[tilespmem:v22+s14+$0x0] =	vst.idx.add.f32.msk $0xffff, v11  }
0x258: {  	[tilespmem:v25+s14+$0x0] =	vst.idx.add.f32.msk $0xffff, v12  }
0x259: {  	[tilespmem:v24+s14+$0x0] =	vst.idx.add.f32.msk $0xffff, v13  }
0x25a: {  	[tilespmem:v21+s14+$0x0] =	vst.idx.add.f32.msk $0xffff, v16  }
0x25b: {  	v21 =	vld [tilespmem:s16+$0x25C0]  }
0x25c: {  	v22 =	vld [tilespmem:s16+$0xFFFFB540]  }
0x25d: {  	v23 =	vld [tilespmem:s16+$0xFFFFC1C0]  }
0x25e: {  	v24 =	vld [tilespmem:s16+$0xFFFFA8C0]  }
0x25f: {  	v25 =	vld [tilespmem:s16+$0xCC0]  }
0x260: {  	v26 =	vld [tilespmem:s16+$0xFFFF9C40];
	v27 =	vshll.u32 v21, $0x6  }
0x261: {  	v21 =	vld [tilespmem:s16+$0xFFFFCE40]  }
0x262: {  	v22 =	vshll.u32 v22, $0x6;
	v28 =	vld [tilespmem:s16+$0xFFFFDAC0]  }
0x263: {  	v22 =	vor.u32 v4, v22;
	v29 =	vld [tilespmem:s16+$0xFFFFE740];
	v24 =	vshll.u32 v24, $0x6  }
0x264: {  	v30 =	vld [tilespmem:s16+$0xFFFFF3C0];
	v24 =	vor.u32 v4, v24;
	v25 =	vshll.u32 v25, $0x6  }
0x265: {  	v23 =	vshll.u32 v23, $0x6;
	v31 =	vld [tilespmem:s16+$0x40];
	v26 =	vshll.u32 v26, $0x6  }
0x266: {  	v33 =	vor.u32 v4, v23;
	v32 =	vld [tilespmem:s16+$0x57C0];
	v26 =	vor.u32 v4, v26;
	v21 =	vshll.u32 v21, $0x6  }
0x267: {  	v34 =	vld [tilespmem:s16+$0x4B40];
	v35 =	vor.u32 v4, v21;
	v21 =	vshll.u32 v28, $0x6  }
0x268: {  	v28 =	vld [tilespmem:s16+$0x3EC0];
	v36 =	vor.u32 v4, v21;
	v21 =	vshll.u32 v29, $0x6  }
0x269: {  	v29 =	vld [tilespmem:s16+$0x3240];
	v37 =	vor.u32 v4, v21;
	v30 =	vshll.u32 v30, $0x6  }
0x26a: {  	v38 =	vld [tilespmem:s16+$0x1940];
	v21 =	vshll.u32 v31, $0x6  }
0x26b: {  	[tilespmem:v26+s14+$0x0] =	vst.idx.add.f32.msk $0xffff, v5;
	v23 =	vor.u32 v4, v21;
	v21 =	vshll.u32 v32, $0x6  }
0x26c: {  	[tilespmem:v24+s14+$0x0] =	vst.idx.add.f32.msk $0xffff, v6;
	v24 =	vshll.u32 v34, $0x6  }
0x26d: {  	v30 =	vor.u32 v4, v30;
	[tilespmem:v22+s14+$0x0] =	vst.idx.add.f32.msk $0xffff, v7;
	v22 =	vshll.u32 v28, $0x6  }
.Ltmp4:
0x26e: {  	[tilespmem:v33+s14+$0x0] =	vst.idx.add.f32.msk $0xffff, v8;
	v22 =	vor.u32 v4, v22;
	(pc) =	sbr.rel @p0 .LBB2_10-.Ltmp4, $4  }
0x26f: {  	v25 =	vor.u32 v4, v25;
	[tilespmem:v35+s14+$0x0] =	vst.idx.add.f32.msk $0xffff, v9;
	v26 =	vshll.u32 v38, $0x6  }
0x270: {  	[tilespmem:v36+s14+$0x0] =	vst.idx.add.f32.msk $0xffff, v14;
	v26 =	vor.u32 v4, v26  }
0x271: {  	v27 =	vor.u32 v4, v27;
	v28 =	vshll.u32 v29, $0x6;
	[tilespmem:v37+s14+$0x0] =	vst.idx.add.f32.msk $0xffff, v17  }
0x272: {  	v28 =	vor.u32 v4, v28;
	[tilespmem:v30+s14+$0x0] =	vst.idx.add.f32.msk $0xffff, v20  }
0x273: {  	_ =	sdelay $0x3  }
0x274: {  	[tilespmem:v23+s14+$0x0] =	vst.idx.add.f32.msk $0xffff, v18  }
0x275: {  	v5 =	vor.u32 v4, v24;
	[tilespmem:v25+s14+$0x0] =	vst.idx.add.f32.msk $0xffff, v19  }
0x276: {  	v6 =	vor.u32 v4, v21;
	[tilespmem:v26+s14+$0x0] =	vst.idx.add.f32.msk $0xffff, v15  }
0x277: {  	[tilespmem:v27+s14+$0x0] =	vst.idx.add.f32.msk $0xffff, v10  }
0x278: {  	[tilespmem:v28+s14+$0x0] =	vst.idx.add.f32.msk $0xffff, v11  }
0x279: {  	[tilespmem:v22+s14+$0x0] =	vst.idx.add.f32.msk $0xffff, v12  }
0x27a: {  	[tilespmem:v5+s14+$0x0] =	vst.idx.add.f32.msk $0xffff, v13  }
0x27b: {  	[tilespmem:v6+s14+$0x0] =	vst.idx.add.f32.msk $0xffff, v16  }
0x27c: {  	[hbm4b:s5+s13] =	stream.strided.scatter [tilespmem:s14], [sflag:$0x1], $0x10000, s9, s13, $0x38;
	[tilespmem:$0x1D000] =	vst v63  }
0x27d: {  	_ =	swait.ge [sflag:s12], $0x10000  }
0x27e: {  	[sflag:s12] =	ssyncset.done $0x0  }
0x27f: {  	[sflag:s12] =	ssyncadd.s32 $0xFFFF0000  }
0x280: {  	[tilespmem:s2], [sflag:$0x1] =	stream.strided.gather [hbm4b:s6+s13], $0xC800, s10, s13, $0x38;
	[tilespmem:$0x1D000] =	vst v63  }
0x281: {  	_ =	swait.ge [sflag:s12], $0xC800  }
0x282: {  	[sflag:s12] =	ssyncset.done $0x0  }
0x283: {  	s16 =	simm.s32 $0xD080;
	[sflag:s12] =	ssyncadd.s32 $0xFFFF3800  }
0x284: {  	[tilespmem:s16+$0xFFFFFF80] =	vst v1  }
0x285: {  	[tilespmem:s16+$0x70] =	vst v1  }
0x286: {  	[tilespmem:s16+$0x60] =	vst v1  }
0x287: {  	[tilespmem:s16+$0x50] =	vst v1  }
0x288: {  	[tilespmem:s16+$0x40] =	vst v1  }
0x289: {  	[tilespmem:s16+$0x30] =	vst v1  }
0x28a: {  	[tilespmem:s16+$0x20] =	vst v1  }
0x28b: {  	[tilespmem:s16+$0x10] =	vst v1  }
0x28c: {  	[tilespmem:s16+$0x0] =	vst v1  }
0x28d: {  	[tilespmem:s16+$0xFFFFFFF0] =	vst v1  }
0x28e: {  	[tilespmem:s16+$0xFFFFFFE0] =	vst v1  }
0x28f: {  	[tilespmem:s16+$0xFFFFFFD0] =	vst v1  }
0x290: {  	[tilespmem:s16+$0xFFFFFFC0] =	vst v1  }
0x291: {  	[tilespmem:s16+$0xFFFFFFB0] =	vst v1  }
0x292: {  	s17 =	simm.s32 $0x0;
	[tilespmem:s16+$0xFFFFFFA0] =	vst v1  }
.LBB2_12:
0x293: {  	s17 =	sadd.s32 $0x4, s17;
	[tilespmem:s16+$0xFFFFFF90] =	vst v1;
	s16 =	sadd.s32 $0x100, s16  }
0x294: {  	[tilespmem:s16+$0xFFFFFF80] =	vst v1;
	p0 =	slt.u32 s17, $0x3FC  }
0x295: {  	[tilespmem:s16+$0x70] =	vst v1  }
0x296: {  	[tilespmem:s16+$0x60] =	vst v1  }
0x297: {  	[tilespmem:s16+$0x50] =	vst v1  }
0x298: {  	[tilespmem:s16+$0x40] =	vst v1  }
0x299: {  	[tilespmem:s16+$0x30] =	vst v1  }
0x29a: {  	[tilespmem:s16+$0x20] =	vst v1  }
0x29b: {  	[tilespmem:s16+$0x10] =	vst v1  }
0x29c: {  	[tilespmem:s16+$0x0] =	vst v1  }
0x29d: {  	[tilespmem:s16+$0xFFFFFFF0] =	vst v1  }
.Ltmp5:
0x29e: {  	[tilespmem:s16+$0xFFFFFFE0] =	vst v1;
	(pc) =	sbr.rel @p0 .LBB2_12-.Ltmp5, $4  }
0x29f: {  	[tilespmem:s16+$0xFFFFFFD0] =	vst v1  }
0x2a0: {  	[tilespmem:s16+$0xFFFFFFC0] =	vst v1  }
0x2a1: {  	[tilespmem:s16+$0xFFFFFFB0] =	vst v1  }
0x2a2: {  	[tilespmem:s16+$0xFFFFFFA0] =	vst v1  }
0x2a3: {  	[tilespmem:s16+$0xFFFFFF90] =	vst v1  }
0x2a4: {  	v5 =	vld [tilespmem:$0xC840]  }
0x2a5: {  	v6 =	vld [tilespmem:$0xC8C0]  }
0x2a6: {  	v7 =	vld [tilespmem:$0xC940]  }
0x2a7: {  	v8 =	vld [tilespmem:$0xC9C0]  }
0x2a8: {  	v9 =	vld [tilespmem:$0xCA40]  }
0x2a9: {  	v14 =	vld [tilespmem:$0xCAC0]  }
0x2aa: {  	v17 =	vld [tilespmem:$0xCB40]  }
0x2ab: {  	v20 =	vld [tilespmem:$0xCBC0]  }
0x2ac: {  	v18 =	vld [tilespmem:$0xCC40]  }
0x2ad: {  	v19 =	vld [tilespmem:$0xCCC0]  }
0x2ae: {  	v15 =	vld [tilespmem:$0xCD40]  }
0x2af: {  	v10 =	vld [tilespmem:$0xCDC0]  }
0x2b0: {  	v11 =	vld [tilespmem:$0xCE40]  }
0x2b1: {  	v12 =	vld [tilespmem:$0xCEC0]  }
0x2b2: {  	v13 =	vld [tilespmem:$0xCF40]  }
0x2b3: {  	s16 =	simm.s32 $0x0;
	v16 =	vld [tilespmem:$0xCFC0]  }
0x2b4: {  	v21 =	vld [tilespmem:s16+$0xBB80]  }
0x2b5: {  	v22 =	vld [tilespmem:s16+$0x3200]  }
0x2b6: {  	v23 =	vld [tilespmem:s16+$0x2580]  }
0x2b7: {  	v24 =	vld [tilespmem:s16+$0x1900]  }
0x2b8: {  	v25 =	vld [tilespmem:s16+$0xC80]  }
0x2b9: {  	v26 =	vld [tilespmem:s16+$0x0]  }
0x2ba: {  	v27 =	vld [tilespmem:s16+$0xA280]  }
0x2bb: {  	v28 =	vld [tilespmem:s16+$0xAF00]  }
0x2bc: {  	v29 =	vld [tilespmem:s16+$0x3E80]  }
0x2bd: {  	v30 =	vld [tilespmem:s16+$0x4B00]  }
0x2be: {  	v31 =	vld [tilespmem:s16+$0x5780];
	v26 =	vshll.u32 v26, $0x6  }
0x2bf: {  	v32 =	vld [tilespmem:s16+$0x6400];
	v25 =	vshll.u32 v25, $0x6;
	v26 =	vor.u32 v0, v26  }
0x2c0: {  	v33 =	vld [tilespmem:s16+$0x7080];
	v24 =	vshll.u32 v24, $0x6;
	v25 =	vor.u32 v0, v25  }
0x2c1: {  	v34 =	vld [tilespmem:s16+$0x7D00];
	v23 =	vshll.u32 v23, $0x6;
	v24 =	vor.u32 v0, v24  }
0x2c2: {  	v35 =	vld [tilespmem:s16+$0x8980];
	v22 =	vshll.u32 v22, $0x6;
	v23 =	vor.u32 v0, v23  }
0x2c3: {  	v36 =	vld [tilespmem:s16+$0x9600];
	v29 =	vshll.u32 v29, $0x6;
	v22 =	vor.u32 v0, v22  }
0x2c4: {  	v30 =	vshll.u32 v30, $0x6;
	v29 =	vor.u32 v0, v29;
	[tilespmem:v26+s14+$0x0] =	vst.idx.add.f32.msk $0xffff, v5  }
0x2c5: {  	v26 =	vor.u32 v0, v30;
	v30 =	vshll.u32 v31, $0x6;
	[tilespmem:v25+s14+$0x0] =	vst.idx.add.f32.msk $0xffff, v6  }
0x2c6: {  	v25 =	vor.u32 v0, v30;
	v30 =	vshll.u32 v32, $0x6;
	[tilespmem:v24+s14+$0x0] =	vst.idx.add.f32.msk $0xffff, v7  }
0x2c7: {  	v24 =	vor.u32 v0, v30;
	v30 =	vshll.u32 v33, $0x6;
	[tilespmem:v23+s14+$0x0] =	vst.idx.add.f32.msk $0xffff, v8  }
0x2c8: {  	v23 =	vor.u32 v0, v30;
	v30 =	vshll.u32 v34, $0x6;
	[tilespmem:v22+s14+$0x0] =	vst.idx.add.f32.msk $0xffff, v9  }
0x2c9: {  	v22 =	vor.u32 v0, v30;
	v30 =	vshll.u32 v35, $0x6;
	[tilespmem:v29+s14+$0x0] =	vst.idx.add.f32.msk $0xffff, v14  }
0x2ca: {  	v29 =	vshll.u32 v36, $0x6;
	v30 =	vor.u32 v0, v30;
	[tilespmem:v26+s14+$0x0] =	vst.idx.add.f32.msk $0xffff, v17  }
0x2cb: {  	v26 =	vshll.u32 v27, $0x6;
	[tilespmem:v25+s14+$0x0] =	vst.idx.add.f32.msk $0xffff, v20;
	v25 =	vor.u32 v0, v29  }
0x2cc: {  	v27 =	vshll.u32 v28, $0x6;
	[tilespmem:v24+s14+$0x0] =	vst.idx.add.f32.msk $0xffff, v18;
	v24 =	vor.u32 v0, v26  }
0x2cd: {  	v21 =	vshll.u32 v21, $0x6;
	[tilespmem:v23+s14+$0x0] =	vst.idx.add.f32.msk $0xffff, v19;
	v23 =	vor.u32 v0, v27  }
0x2ce: {  	v21 =	vor.u32 v0, v21;
	[tilespmem:v22+s14+$0x0] =	vst.idx.add.f32.msk $0xffff, v15  }
0x2cf: {  	[tilespmem:v30+s14+$0x0] =	vst.idx.add.f32.msk $0xffff, v10  }
0x2d0: {  	[tilespmem:v25+s14+$0x0] =	vst.idx.add.f32.msk $0xffff, v11  }
0x2d1: {  	[tilespmem:v24+s14+$0x0] =	vst.idx.add.f32.msk $0xffff, v12  }
0x2d2: {  	[tilespmem:v23+s14+$0x0] =	vst.idx.add.f32.msk $0xffff, v13  }
0x2d3: {  	[tilespmem:v21+s14+$0x0] =	vst.idx.add.f32.msk $0xffff, v16  }
0x2d4: {  	v21 =	vld [tilespmem:s16+$0x3EC0]  }
0x2d5: {  	v22 =	vld [tilespmem:s16+$0xCC0]  }
0x2d6: {  	v23 =	vld [tilespmem:s16+$0x1940]  }
0x2d7: {  	v24 =	vld [tilespmem:s16+$0x25C0]  }
0x2d8: {  	v25 =	vld [tilespmem:s16+$0x3240]  }
0x2d9: {  	v26 =	vld [tilespmem:s16+$0x40]  }
0x2da: {  	v27 =	vld [tilespmem:s16+$0x4B40]  }
0x2db: {  	v28 =	vld [tilespmem:s16+$0x57C0]  }
0x2dc: {  	v29 =	vld [tilespmem:s16+$0x6440]  }
0x2dd: {  	v30 =	vld [tilespmem:s16+$0x70C0]  }
0x2de: {  	v31 =	vld [tilespmem:s16+$0x7D40];
	v26 =	vshll.u32 v26, $0x6  }
0x2df: {  	v59 =	vld [tilespmem:s16+$0xBBC0];
	v22 =	vshll.u32 v22, $0x6;
	v26 =	vor.u32 v0, v26  }
0x2e0: {  	v60 =	vld [tilespmem:s16+$0xAF40];
	v23 =	vshll.u32 v23, $0x6;
	v22 =	vor.u32 v0, v22  }
0x2e1: {  	v61 =	vld [tilespmem:s16+$0xA2C0];
	v24 =	vshll.u32 v24, $0x6;
	v23 =	vor.u32 v0, v23  }
0x2e2: {  	v62 =	vld [tilespmem:s16+$0x9640];
	v25 =	vshll.u32 v25, $0x6;
	v24 =	vor.u32 v0, v24  }
0x2e3: {  	v63 =	vld [tilespmem:s16+$0x89C0];
	v21 =	vshll.u32 v21, $0x6;
	v25 =	vor.u32 v0, v25  }
0x2e4: {  	[tilespmem:v26+s14+$0x0] =	vst.idx.add.f32.msk $0xffff, v5;
	v26 =	vor.u32 v0, v21  }
0x2e5: {  	v27 =	vshll.u32 v27, $0x6;
	[tilespmem:v22+s14+$0x0] =	vst.idx.add.f32.msk $0xffff, v6  }
0x2e6: {  	v27 =	vor.u32 v0, v27;
	v21 =	vshll.u32 v28, $0x6;
	[tilespmem:v23+s14+$0x0] =	vst.idx.add.f32.msk $0xffff, v7  }
0x2e7: {  	v28 =	vor.u32 v0, v21;
	v22 =	vshll.u32 v29, $0x6;
	[tilespmem:v24+s14+$0x0] =	vst.idx.add.f32.msk $0xffff, v8  }
0x2e8: {  	v23 =	vshll.u32 v30, $0x6;
	v24 =	vor.u32 v0, v22;
	[tilespmem:v25+s14+$0x0] =	vst.idx.add.f32.msk $0xffff, v9  }
0x2e9: {  	v29 =	vshll.u32 v31, $0x6;
	[tilespmem:v26+s14+$0x0] =	vst.idx.add.f32.msk $0xffff, v14;
	v26 =	vor.u32 v0, v23  }
0x2ea: {  	v21 =	vshll.u32 v59, $0x6;
	v25 =	vor.u32 v0, v29;
	v29 =	vshll.u32 v63, $0x6  }
0x2eb: {  	v31 =	vshll.u32 v62, $0x6;
	v30 =	vshll.u32 v61, $0x6;
	[tilespmem:v27+s14+$0x0] =	vst.idx.add.f32.msk $0xffff, v17;
	v27 =	vor.u32 v0, v29  }
0x2ec: {  	s17 =	simm.s32 $0x0;
	v22 =	vor.u32 v0, v30;
	v23 =	vshll.u32 v60, $0x6;
	[tilespmem:v28+s14+$0x0] =	vst.idx.add.f32.msk $0xffff, v20;
	v28 =	vor.u32 v0, v31  }
.LBB2_14:
0x2ed: {  	s17 =	sadd.s32 $0x2, s17;
	[tilespmem:v24+s14+$0x0] =	vst.idx.add.f32.msk $0xffff, v18;
	s16 =	sadd.s32 $0x80, s16  }
0x2ee: {  	v23 =	vor.u32 v0, v23;
	p0 =	slt.u32 s17, $0x30;
	[tilespmem:v26+s14+$0x0] =	vst.idx.add.f32.msk $0xffff, v19  }
0x2ef: {  	v21 =	vor.u32 v0, v21;
	[tilespmem:v25+s14+$0x0] =	vst.idx.add.f32.msk $0xffff, v15  }
0x2f0: {  	[tilespmem:v27+s14+$0x0] =	vst.idx.add.f32.msk $0xffff, v10  }
0x2f1: {  	[tilespmem:v28+s14+$0x0] =	vst.idx.add.f32.msk $0xffff, v11  }
0x2f2: {  	[tilespmem:v22+s14+$0x0] =	vst.idx.add.f32.msk $0xffff, v12  }
0x2f3: {  	[tilespmem:v23+s14+$0x0] =	vst.idx.add.f32.msk $0xffff, v13  }
0x2f4: {  	[tilespmem:v21+s14+$0x0] =	vst.idx.add.f32.msk $0xffff, v16  }
0x2f5: {  	v21 =	vld [tilespmem:s16+$0xBB80]  }
0x2f6: {  	v22 =	vld [tilespmem:s16+$0x3200]  }
0x2f7: {  	v23 =	vld [tilespmem:s16+$0x2580]  }
0x2f8: {  	v24 =	vld [tilespmem:s16+$0x1900]  }
0x2f9: {  	v25 =	vld [tilespmem:s16+$0xC80]  }
0x2fa: {  	v26 =	vld [tilespmem:s16+$0x0];
	v21 =	vshll.u32 v21, $0x6  }
0x2fb: {  	v27 =	vld [tilespmem:s16+$0xA280]  }
0x2fc: {  	v28 =	vld [tilespmem:s16+$0xAF00]  }
0x2fd: {  	v29 =	vld [tilespmem:s16+$0x3E80]  }
0x2fe: {  	v30 =	vld [tilespmem:s16+$0x4B00];
	v25 =	vshll.u32 v25, $0x6  }
0x2ff: {  	v24 =	vshll.u32 v24, $0x6;
	v31 =	vld [tilespmem:s16+$0x5780];
	v26 =	vshll.u32 v26, $0x6;
	v25 =	vor.u32 v0, v25  }
0x300: {  	v23 =	vshll.u32 v23, $0x6;
	v24 =	vor.u32 v0, v24;
	v32 =	vld [tilespmem:s16+$0x6400];
	v26 =	vor.u32 v0, v26  }
0x301: {  	v22 =	vshll.u32 v22, $0x6;
	v23 =	vor.u32 v0, v23;
	v27 =	vshll.u32 v27, $0x6;
	v33 =	vld [tilespmem:s16+$0x7080]  }
0x302: {  	v22 =	vor.u32 v0, v22;
	v28 =	vshll.u32 v28, $0x6;
	v34 =	vld [tilespmem:s16+$0x7D00];
	v29 =	vshll.u32 v29, $0x6  }
0x303: {  	v35 =	vld [tilespmem:s16+$0x8980];
	v29 =	vor.u32 v0, v29;
	v30 =	vshll.u32 v30, $0x6  }
0x304: {  	v36 =	vld [tilespmem:s16+$0x9600];
	v30 =	vor.u32 v0, v30;
	v31 =	vshll.u32 v31, $0x6  }
0x305: {  	[tilespmem:v26+s14+$0x0] =	vst.idx.add.f32.msk $0xffff, v5;
	v26 =	vor.u32 v0, v31;
	v31 =	vshll.u32 v32, $0x6  }
0x306: {  	[tilespmem:v25+s14+$0x0] =	vst.idx.add.f32.msk $0xffff, v6;
	v25 =	vor.u32 v0, v31;
	v31 =	vshll.u32 v33, $0x6  }
0x307: {  	[tilespmem:v24+s14+$0x0] =	vst.idx.add.f32.msk $0xffff, v7;
	v24 =	vor.u32 v0, v31;
	v31 =	vshll.u32 v34, $0x6  }
0x308: {  	[tilespmem:v23+s14+$0x0] =	vst.idx.add.f32.msk $0xffff, v8;
	v23 =	vor.u32 v0, v31;
	v31 =	vshll.u32 v35, $0x6  }
0x309: {  	[tilespmem:v22+s14+$0x0] =	vst.idx.add.f32.msk $0xffff, v9;
	v22 =	vshll.u32 v36, $0x6  }
0x30a: {  	[tilespmem:v29+s14+$0x0] =	vst.idx.add.f32.msk $0xffff, v14;
	v29 =	vor.u32 v0, v31  }
0x30b: {  	[tilespmem:v30+s14+$0x0] =	vst.idx.add.f32.msk $0xffff, v17  }
0x30c: {  	v22 =	vor.u32 v0, v22;
	[tilespmem:v26+s14+$0x0] =	vst.idx.add.f32.msk $0xffff, v20  }
0x30d: {  	[tilespmem:v25+s14+$0x0] =	vst.idx.add.f32.msk $0xffff, v18;
	v25 =	vor.u32 v0, v27  }
0x30e: {  	[tilespmem:v24+s14+$0x0] =	vst.idx.add.f32.msk $0xffff, v19;
	v24 =	vor.u32 v0, v28  }
0x30f: {  	v21 =	vor.u32 v0, v21;
	[tilespmem:v23+s14+$0x0] =	vst.idx.add.f32.msk $0xffff, v15  }
0x310: {  	[tilespmem:v29+s14+$0x0] =	vst.idx.add.f32.msk $0xffff, v10  }
0x311: {  	[tilespmem:v22+s14+$0x0] =	vst.idx.add.f32.msk $0xffff, v11  }
0x312: {  	[tilespmem:v25+s14+$0x0] =	vst.idx.add.f32.msk $0xffff, v12  }
0x313: {  	[tilespmem:v24+s14+$0x0] =	vst.idx.add.f32.msk $0xffff, v13  }
0x314: {  	[tilespmem:v21+s14+$0x0] =	vst.idx.add.f32.msk $0xffff, v16  }
0x315: {  	v21 =	vld [tilespmem:s16+$0x3EC0]  }
0x316: {  	v22 =	vld [tilespmem:s16+$0xCC0]  }
0x317: {  	v23 =	vld [tilespmem:s16+$0x1940]  }
0x318: {  	v24 =	vld [tilespmem:s16+$0x25C0]  }
0x319: {  	v25 =	vld [tilespmem:s16+$0x3240]  }
0x31a: {  	v26 =	vld [tilespmem:s16+$0x40];
	v21 =	vshll.u32 v21, $0x6  }
0x31b: {  	v27 =	vld [tilespmem:s16+$0x4B40];
	v22 =	vshll.u32 v22, $0x6  }
0x31c: {  	v28 =	vld [tilespmem:s16+$0x57C0];
	v22 =	vor.u32 v0, v22;
	v23 =	vshll.u32 v23, $0x6  }
0x31d: {  	v29 =	vld [tilespmem:s16+$0x6440];
	v24 =	vshll.u32 v24, $0x6  }
0x31e: {  	v30 =	vld [tilespmem:s16+$0x70C0];
	v25 =	vshll.u32 v25, $0x6  }
0x31f: {  	v31 =	vld [tilespmem:s16+$0x7D40];
	v26 =	vshll.u32 v26, $0x6  }
0x320: {  	v32 =	vld [tilespmem:s16+$0xBBC0];
	v26 =	vor.u32 v0, v26;
	v27 =	vshll.u32 v27, $0x6  }
0x321: {  	v33 =	vld [tilespmem:s16+$0xAF40];
	v27 =	vor.u32 v0, v27;
	v28 =	vshll.u32 v28, $0x6  }
0x322: {  	v35 =	vor.u32 v0, v23;
	v34 =	vld [tilespmem:s16+$0xA2C0];
	v29 =	vshll.u32 v29, $0x6  }
0x323: {  	v24 =	vor.u32 v0, v24;
	v36 =	vld [tilespmem:s16+$0x9640];
	v30 =	vshll.u32 v30, $0x6  }
0x324: {  	v25 =	vor.u32 v0, v25;
	v37 =	vld [tilespmem:s16+$0x89C0];
	v31 =	vshll.u32 v31, $0x6  }
0x325: {  	v38 =	vor.u32 v0, v21;
	[tilespmem:v26+s14+$0x0] =	vst.idx.add.f32.msk $0xffff, v5;
	v21 =	vshll.u32 v32, $0x6  }
0x326: {  	[tilespmem:v22+s14+$0x0] =	vst.idx.add.f32.msk $0xffff, v6;
	v23 =	vshll.u32 v33, $0x6  }
0x327: {  	v28 =	vor.u32 v0, v28;
	[tilespmem:v35+s14+$0x0] =	vst.idx.add.f32.msk $0xffff, v7;
	v22 =	vshll.u32 v34, $0x6  }
.Ltmp6:
0x328: {  	[tilespmem:v24+s14+$0x0] =	vst.idx.add.f32.msk $0xffff, v8;
	v24 =	vor.u32 v0, v29;
	v29 =	vshll.u32 v36, $0x6;
	v22 =	vor.u32 v0, v22;
	(pc) =	sbr.rel @p0 .LBB2_14-.Ltmp6, $4  }
0x329: {  	v26 =	vor.u32 v0, v30;
	[tilespmem:v25+s14+$0x0] =	vst.idx.add.f32.msk $0xffff, v9  }
0x32a: {  	v25 =	vor.u32 v0, v31;
	v30 =	vshll.u32 v37, $0x6;
	[tilespmem:v38+s14+$0x0] =	vst.idx.add.f32.msk $0xffff, v14  }
0x32b: {  	[tilespmem:v27+s14+$0x0] =	vst.idx.add.f32.msk $0xffff, v17;
	v27 =	vor.u32 v0, v30  }
0x32c: {  	[tilespmem:v28+s14+$0x0] =	vst.idx.add.f32.msk $0xffff, v20;
	v28 =	vor.u32 v0, v29  }
0x32d: {  	_ =	sdelay $0x3  }
0x32e: {  	[tilespmem:v24+s14+$0x0] =	vst.idx.add.f32.msk $0xffff, v18  }
0x32f: {  	v5 =	vor.u32 v0, v23;
	[tilespmem:v26+s14+$0x0] =	vst.idx.add.f32.msk $0xffff, v19  }
0x330: {  	v6 =	vor.u32 v0, v21;
	[tilespmem:v25+s14+$0x0] =	vst.idx.add.f32.msk $0xffff, v15  }
0x331: {  	[tilespmem:v27+s14+$0x0] =	vst.idx.add.f32.msk $0xffff, v10  }
0x332: {  	[tilespmem:v28+s14+$0x0] =	vst.idx.add.f32.msk $0xffff, v11  }
0x333: {  	[tilespmem:v22+s14+$0x0] =	vst.idx.add.f32.msk $0xffff, v12  }
0x334: {  	[tilespmem:v5+s14+$0x0] =	vst.idx.add.f32.msk $0xffff, v13  }
0x335: {  	[tilespmem:v6+s14+$0x0] =	vst.idx.add.f32.msk $0xffff, v16  }
0x336: {  	v5 =	vld [tilespmem:$0xC850]  }
0x337: {  	v6 =	vld [tilespmem:$0xC8D0]  }
0x338: {  	v7 =	vld [tilespmem:$0xC950]  }
0x339: {  	v8 =	vld [tilespmem:$0xC9D0]  }
0x33a: {  	v9 =	vld [tilespmem:$0xCA50]  }
0x33b: {  	v14 =	vld [tilespmem:$0xCAD0]  }
0x33c: {  	v17 =	vld [tilespmem:$0xCB50]  }
0x33d: {  	v20 =	vld [tilespmem:$0xCBD0]  }
0x33e: {  	v18 =	vld [tilespmem:$0xCC50]  }
0x33f: {  	v19 =	vld [tilespmem:$0xCCD0]  }
0x340: {  	v15 =	vld [tilespmem:$0xCD50]  }
0x341: {  	v10 =	vld [tilespmem:$0xCDD0]  }
0x342: {  	v11 =	vld [tilespmem:$0xCE50]  }
0x343: {  	v12 =	vld [tilespmem:$0xCED0]  }
0x344: {  	v13 =	vld [tilespmem:$0xCF50]  }
0x345: {  	s16 =	simm.s32 $0x6410;
	v16 =	vld [tilespmem:$0xCFD0]  }
0x346: {  	v21 =	vld [tilespmem:s16+$0x5780]  }
0x347: {  	v22 =	vld [tilespmem:s16+$0xFFFFCE00]  }
0x348: {  	v23 =	vld [tilespmem:s16+$0xFFFFC180]  }
0x349: {  	v24 =	vld [tilespmem:s16+$0xFFFFB500]  }
0x34a: {  	v25 =	vld [tilespmem:s16+$0xFFFFA880]  }
0x34b: {  	v26 =	vld [tilespmem:s16+$0xFFFF9C00]  }
0x34c: {  	v27 =	vld [tilespmem:s16+$0x3E80]  }
0x34d: {  	v28 =	vld [tilespmem:s16+$0x4B00]  }
0x34e: {  	v29 =	vld [tilespmem:s16+$0xFFFFDA80]  }
0x34f: {  	v30 =	vld [tilespmem:s16+$0xFFFFE700]  }
0x350: {  	v31 =	vld [tilespmem:s16+$0xFFFFF380];
	v26 =	vshll.u32 v26, $0x6  }
0x351: {  	v32 =	vld [tilespmem:s16+$0x0];
	v25 =	vshll.u32 v25, $0x6;
	v26 =	vor.u32 v2, v26  }
0x352: {  	v33 =	vld [tilespmem:s16+$0xC80];
	v24 =	vshll.u32 v24, $0x6;
	v25 =	vor.u32 v2, v25  }
0x353: {  	v34 =	vld [tilespmem:s16+$0x1900];
	v23 =	vshll.u32 v23, $0x6;
	v24 =	vor.u32 v2, v24  }
0x354: {  	v35 =	vld [tilespmem:s16+$0x2580];
	v22 =	vshll.u32 v22, $0x6;
	v23 =	vor.u32 v2, v23  }
0x355: {  	v36 =	vld [tilespmem:s16+$0x3200];
	v29 =	vshll.u32 v29, $0x6;
	v22 =	vor.u32 v2, v22  }
0x356: {  	v30 =	vshll.u32 v30, $0x6;
	v29 =	vor.u32 v2, v29;
	[tilespmem:v26+s14+$0x0] =	vst.idx.add.f32.msk $0xffff, v5  }
0x357: {  	v26 =	vor.u32 v2, v30;
	v30 =	vshll.u32 v31, $0x6;
	[tilespmem:v25+s14+$0x0] =	vst.idx.add.f32.msk $0xffff, v6  }
0x358: {  	v25 =	vor.u32 v2, v30;
	v30 =	vshll.u32 v32, $0x6;
	[tilespmem:v24+s14+$0x0] =	vst.idx.add.f32.msk $0xffff, v7  }
0x359: {  	v24 =	vor.u32 v2, v30;
	v30 =	vshll.u32 v33, $0x6;
	[tilespmem:v23+s14+$0x0] =	vst.idx.add.f32.msk $0xffff, v8  }
0x35a: {  	v23 =	vor.u32 v2, v30;
	v30 =	vshll.u32 v34, $0x6;
	[tilespmem:v22+s14+$0x0] =	vst.idx.add.f32.msk $0xffff, v9  }
0x35b: {  	v22 =	vor.u32 v2, v30;
	v30 =	vshll.u32 v35, $0x6;
	[tilespmem:v29+s14+$0x0] =	vst.idx.add.f32.msk $0xffff, v14  }
0x35c: {  	v29 =	vshll.u32 v36, $0x6;
	v30 =	vor.u32 v2, v30;
	[tilespmem:v26+s14+$0x0] =	vst.idx.add.f32.msk $0xffff, v17  }
0x35d: {  	v26 =	vshll.u32 v27, $0x6;
	[tilespmem:v25+s14+$0x0] =	vst.idx.add.f32.msk $0xffff, v20;
	v25 =	vor.u32 v2, v29  }
0x35e: {  	v27 =	vshll.u32 v28, $0x6;
	[tilespmem:v24+s14+$0x0] =	vst.idx.add.f32.msk $0xffff, v18;
	v24 =	vor.u32 v2, v26  }
0x35f: {  	v21 =	vshll.u32 v21, $0x6;
	[tilespmem:v23+s14+$0x0] =	vst.idx.add.f32.msk $0xffff, v19;
	v23 =	vor.u32 v2, v27  }
0x360: {  	v21 =	vor.u32 v2, v21;
	[tilespmem:v22+s14+$0x0] =	vst.idx.add.f32.msk $0xffff, v15  }
0x361: {  	[tilespmem:v30+s14+$0x0] =	vst.idx.add.f32.msk $0xffff, v10  }
0x362: {  	[tilespmem:v25+s14+$0x0] =	vst.idx.add.f32.msk $0xffff, v11  }
0x363: {  	[tilespmem:v24+s14+$0x0] =	vst.idx.add.f32.msk $0xffff, v12  }
0x364: {  	[tilespmem:v23+s14+$0x0] =	vst.idx.add.f32.msk $0xffff, v13  }
0x365: {  	[tilespmem:v21+s14+$0x0] =	vst.idx.add.f32.msk $0xffff, v16  }
0x366: {  	v21 =	vld [tilespmem:s16+$0xFFFFDAC0]  }
0x367: {  	v22 =	vld [tilespmem:s16+$0xFFFFA8C0]  }
0x368: {  	v23 =	vld [tilespmem:s16+$0xFFFFB540]  }
0x369: {  	v24 =	vld [tilespmem:s16+$0xFFFFC1C0]  }
0x36a: {  	v25 =	vld [tilespmem:s16+$0xFFFFCE40]  }
0x36b: {  	v26 =	vld [tilespmem:s16+$0xFFFF9C40]  }
0x36c: {  	v27 =	vld [tilespmem:s16+$0xFFFFE740]  }
0x36d: {  	v28 =	vld [tilespmem:s16+$0xFFFFF3C0]  }
0x36e: {  	v29 =	vld [tilespmem:s16+$0x40]  }
0x36f: {  	v30 =	vld [tilespmem:s16+$0xCC0]  }
0x370: {  	v31 =	vld [tilespmem:s16+$0x1940];
	v26 =	vshll.u32 v26, $0x6  }
0x371: {  	v59 =	vld [tilespmem:s16+$0x57C0];
	v22 =	vshll.u32 v22, $0x6;
	v26 =	vor.u32 v2, v26  }
0x372: {  	v60 =	vld [tilespmem:s16+$0x4B40];
	v23 =	vshll.u32 v23, $0x6;
	v22 =	vor.u32 v2, v22  }
0x373: {  	v61 =	vld [tilespmem:s16+$0x3EC0];
	v24 =	vshll.u32 v24, $0x6;
	v23 =	vor.u32 v2, v23  }
0x374: {  	v62 =	vld [tilespmem:s16+$0x3240];
	v25 =	vshll.u32 v25, $0x6;
	v24 =	vor.u32 v2, v24  }
0x375: {  	v63 =	vld [tilespmem:s16+$0x25C0];
	v21 =	vshll.u32 v21, $0x6;
	v25 =	vor.u32 v2, v25  }
0x376: {  	[tilespmem:v26+s14+$0x0] =	vst.idx.add.f32.msk $0xffff, v5;
	v26 =	vor.u32 v2, v21  }
0x377: {  	v27 =	vshll.u32 v27, $0x6;
	[tilespmem:v22+s14+$0x0] =	vst.idx.add.f32.msk $0xffff, v6  }
0x378: {  	v27 =	vor.u32 v2, v27;
	v21 =	vshll.u32 v28, $0x6;
	[tilespmem:v23+s14+$0x0] =	vst.idx.add.f32.msk $0xffff, v7  }
0x379: {  	v28 =	vor.u32 v2, v21;
	v22 =	vshll.u32 v29, $0x6;
	[tilespmem:v24+s14+$0x0] =	vst.idx.add.f32.msk $0xffff, v8  }
0x37a: {  	v23 =	vshll.u32 v30, $0x6;
	v24 =	vor.u32 v2, v22;
	[tilespmem:v25+s14+$0x0] =	vst.idx.add.f32.msk $0xffff, v9  }
0x37b: {  	v29 =	vshll.u32 v31, $0x6;
	[tilespmem:v26+s14+$0x0] =	vst.idx.add.f32.msk $0xffff, v14;
	v26 =	vor.u32 v2, v23  }
0x37c: {  	v21 =	vshll.u32 v59, $0x6;
	v25 =	vor.u32 v2, v29;
	v29 =	vshll.u32 v63, $0x6  }
0x37d: {  	v31 =	vshll.u32 v62, $0x6;
	v30 =	vshll.u32 v61, $0x6;
	[tilespmem:v27+s14+$0x0] =	vst.idx.add.f32.msk $0xffff, v17;
	v27 =	vor.u32 v2, v29  }
0x37e: {  	s17 =	simm.s32 $0x0;
	v22 =	vor.u32 v2, v30;
	v23 =	vshll.u32 v60, $0x6;
	[tilespmem:v28+s14+$0x0] =	vst.idx.add.f32.msk $0xffff, v20;
	v28 =	vor.u32 v2, v31  }
.LBB2_16:
0x37f: {  	s17 =	sadd.s32 $0x2, s17;
	[tilespmem:v24+s14+$0x0] =	vst.idx.add.f32.msk $0xffff, v18;
	s16 =	sadd.s32 $0x80, s16  }
0x380: {  	v23 =	vor.u32 v2, v23;
	p0 =	slt.u32 s17, $0x30;
	[tilespmem:v26+s14+$0x0] =	vst.idx.add.f32.msk $0xffff, v19  }
0x381: {  	v21 =	vor.u32 v2, v21;
	[tilespmem:v25+s14+$0x0] =	vst.idx.add.f32.msk $0xffff, v15  }
0x382: {  	[tilespmem:v27+s14+$0x0] =	vst.idx.add.f32.msk $0xffff, v10  }
0x383: {  	[tilespmem:v28+s14+$0x0] =	vst.idx.add.f32.msk $0xffff, v11  }
0x384: {  	[tilespmem:v22+s14+$0x0] =	vst.idx.add.f32.msk $0xffff, v12  }
0x385: {  	[tilespmem:v23+s14+$0x0] =	vst.idx.add.f32.msk $0xffff, v13  }
0x386: {  	[tilespmem:v21+s14+$0x0] =	vst.idx.add.f32.msk $0xffff, v16  }
0x387: {  	v21 =	vld [tilespmem:s16+$0x5780]  }
0x388: {  	v22 =	vld [tilespmem:s16+$0xFFFFCE00]  }
0x389: {  	v23 =	vld [tilespmem:s16+$0xFFFFC180]  }
0x38a: {  	v24 =	vld [tilespmem:s16+$0xFFFFB500]  }
0x38b: {  	v25 =	vld [tilespmem:s16+$0xFFFFA880]  }
0x38c: {  	v26 =	vld [tilespmem:s16+$0xFFFF9C00];
	v21 =	vshll.u32 v21, $0x6  }
0x38d: {  	v27 =	vld [tilespmem:s16+$0x3E80]  }
0x38e: {  	v28 =	vld [tilespmem:s16+$0x4B00]  }
0x38f: {  	v29 =	vld [tilespmem:s16+$0xFFFFDA80]  }
0x390: {  	v30 =	vld [tilespmem:s16+$0xFFFFE700];
	v25 =	vshll.u32 v25, $0x6  }
0x391: {  	v24 =	vshll.u32 v24, $0x6;
	v31 =	vld [tilespmem:s16+$0xFFFFF380];
	v26 =	vshll.u32 v26, $0x6;
	v25 =	vor.u32 v2, v25  }
0x392: {  	v23 =	vshll.u32 v23, $0x6;
	v24 =	vor.u32 v2, v24;
	v32 =	vld [tilespmem:s16+$0x0];
	v26 =	vor.u32 v2, v26  }
0x393: {  	v22 =	vshll.u32 v22, $0x6;
	v23 =	vor.u32 v2, v23;
	v27 =	vshll.u32 v27, $0x6;
	v33 =	vld [tilespmem:s16+$0xC80]  }
0x394: {  	v22 =	vor.u32 v2, v22;
	v28 =	vshll.u32 v28, $0x6;
	v34 =	vld [tilespmem:s16+$0x1900];
	v29 =	vshll.u32 v29, $0x6  }
0x395: {  	v35 =	vld [tilespmem:s16+$0x2580];
	v29 =	vor.u32 v2, v29;
	v30 =	vshll.u32 v30, $0x6  }
0x396: {  	v36 =	vld [tilespmem:s16+$0x3200];
	v30 =	vor.u32 v2, v30;
	v31 =	vshll.u32 v31, $0x6  }
0x397: {  	[tilespmem:v26+s14+$0x0] =	vst.idx.add.f32.msk $0xffff, v5;
	v26 =	vor.u32 v2, v31;
	v31 =	vshll.u32 v32, $0x6  }
0x398: {  	[tilespmem:v25+s14+$0x0] =	vst.idx.add.f32.msk $0xffff, v6;
	v25 =	vor.u32 v2, v31;
	v31 =	vshll.u32 v33, $0x6  }
0x399: {  	[tilespmem:v24+s14+$0x0] =	vst.idx.add.f32.msk $0xffff, v7;
	v24 =	vor.u32 v2, v31;
	v31 =	vshll.u32 v34, $0x6  }
0x39a: {  	[tilespmem:v23+s14+$0x0] =	vst.idx.add.f32.msk $0xffff, v8;
	v23 =	vor.u32 v2, v31;
	v31 =	vshll.u32 v35, $0x6  }
0x39b: {  	[tilespmem:v22+s14+$0x0] =	vst.idx.add.f32.msk $0xffff, v9;
	v22 =	vshll.u32 v36, $0x6  }
0x39c: {  	[tilespmem:v29+s14+$0x0] =	vst.idx.add.f32.msk $0xffff, v14;
	v29 =	vor.u32 v2, v31  }
0x39d: {  	[tilespmem:v30+s14+$0x0] =	vst.idx.add.f32.msk $0xffff, v17  }
0x39e: {  	v22 =	vor.u32 v2, v22;
	[tilespmem:v26+s14+$0x0] =	vst.idx.add.f32.msk $0xffff, v20  }
0x39f: {  	[tilespmem:v25+s14+$0x0] =	vst.idx.add.f32.msk $0xffff, v18;
	v25 =	vor.u32 v2, v27  }
0x3a0: {  	[tilespmem:v24+s14+$0x0] =	vst.idx.add.f32.msk $0xffff, v19;
	v24 =	vor.u32 v2, v28  }
0x3a1: {  	v21 =	vor.u32 v2, v21;
	[tilespmem:v23+s14+$0x0] =	vst.idx.add.f32.msk $0xffff, v15  }
0x3a2: {  	[tilespmem:v29+s14+$0x0] =	vst.idx.add.f32.msk $0xffff, v10  }
0x3a3: {  	[tilespmem:v22+s14+$0x0] =	vst.idx.add.f32.msk $0xffff, v11  }
0x3a4: {  	[tilespmem:v25+s14+$0x0] =	vst.idx.add.f32.msk $0xffff, v12  }
0x3a5: {  	[tilespmem:v24+s14+$0x0] =	vst.idx.add.f32.msk $0xffff, v13  }
0x3a6: {  	[tilespmem:v21+s14+$0x0] =	vst.idx.add.f32.msk $0xffff, v16  }
0x3a7: {  	v21 =	vld [tilespmem:s16+$0xFFFFDAC0]  }
0x3a8: {  	v22 =	vld [tilespmem:s16+$0xFFFFA8C0]  }
0x3a9: {  	v23 =	vld [tilespmem:s16+$0xFFFFB540]  }
0x3aa: {  	v24 =	vld [tilespmem:s16+$0xFFFFC1C0]  }
0x3ab: {  	v25 =	vld [tilespmem:s16+$0xFFFFCE40]  }
0x3ac: {  	v26 =	vld [tilespmem:s16+$0xFFFF9C40];
	v21 =	vshll.u32 v21, $0x6  }
0x3ad: {  	v27 =	vld [tilespmem:s16+$0xFFFFE740];
	v22 =	vshll.u32 v22, $0x6  }
0x3ae: {  	v28 =	vld [tilespmem:s16+$0xFFFFF3C0];
	v22 =	vor.u32 v2, v22;
	v23 =	vshll.u32 v23, $0x6  }
0x3af: {  	v29 =	vld [tilespmem:s16+$0x40];
	v24 =	vshll.u32 v24, $0x6  }
0x3b0: {  	v30 =	vld [tilespmem:s16+$0xCC0];
	v25 =	vshll.u32 v25, $0x6  }
0x3b1: {  	v31 =	vld [tilespmem:s16+$0x1940];
	v26 =	vshll.u32 v26, $0x6  }
0x3b2: {  	v32 =	vld [tilespmem:s16+$0x57C0];
	v26 =	vor.u32 v2, v26;
	v27 =	vshll.u32 v27, $0x6  }
0x3b3: {  	v33 =	vld [tilespmem:s16+$0x4B40];
	v27 =	vor.u32 v2, v27;
	v28 =	vshll.u32 v28, $0x6  }
0x3b4: {  	v35 =	vor.u32 v2, v23;
	v34 =	vld [tilespmem:s16+$0x3EC0];
	v29 =	vshll.u32 v29, $0x6  }
0x3b5: {  	v24 =	vor.u32 v2, v24;
	v36 =	vld [tilespmem:s16+$0x3240];
	v30 =	vshll.u32 v30, $0x6  }
0x3b6: {  	v25 =	vor.u32 v2, v25;
	v37 =	vld [tilespmem:s16+$0x25C0];
	v31 =	vshll.u32 v31, $0x6  }
0x3b7: {  	v38 =	vor.u32 v2, v21;
	[tilespmem:v26+s14+$0x0] =	vst.idx.add.f32.msk $0xffff, v5;
	v21 =	vshll.u32 v32, $0x6  }
0x3b8: {  	[tilespmem:v22+s14+$0x0] =	vst.idx.add.f32.msk $0xffff, v6;
	v23 =	vshll.u32 v33, $0x6  }
0x3b9: {  	v28 =	vor.u32 v2, v28;
	[tilespmem:v35+s14+$0x0] =	vst.idx.add.f32.msk $0xffff, v7;
	v22 =	vshll.u32 v34, $0x6  }
.Ltmp7:
0x3ba: {  	[tilespmem:v24+s14+$0x0] =	vst.idx.add.f32.msk $0xffff, v8;
	v24 =	vor.u32 v2, v29;
	v29 =	vshll.u32 v36, $0x6;
	v22 =	vor.u32 v2, v22;
	(pc) =	sbr.rel @p0 .LBB2_16-.Ltmp7, $4  }
0x3bb: {  	v26 =	vor.u32 v2, v30;
	[tilespmem:v25+s14+$0x0] =	vst.idx.add.f32.msk $0xffff, v9  }
0x3bc: {  	v25 =	vor.u32 v2, v31;
	v30 =	vshll.u32 v37, $0x6;
	[tilespmem:v38+s14+$0x0] =	vst.idx.add.f32.msk $0xffff, v14  }
0x3bd: {  	[tilespmem:v27+s14+$0x0] =	vst.idx.add.f32.msk $0xffff, v17;
	v27 =	vor.u32 v2, v30  }
0x3be: {  	[tilespmem:v28+s14+$0x0] =	vst.idx.add.f32.msk $0xffff, v20;
	v28 =	vor.u32 v2, v29  }
0x3bf: {  	_ =	sdelay $0x3  }
0x3c0: {  	[tilespmem:v24+s14+$0x0] =	vst.idx.add.f32.msk $0xffff, v18  }
0x3c1: {  	v5 =	vor.u32 v2, v23;
	[tilespmem:v26+s14+$0x0] =	vst.idx.add.f32.msk $0xffff, v19  }
0x3c2: {  	v6 =	vor.u32 v2, v21;
	[tilespmem:v25+s14+$0x0] =	vst.idx.add.f32.msk $0xffff, v15  }
0x3c3: {  	[tilespmem:v27+s14+$0x0] =	vst.idx.add.f32.msk $0xffff, v10  }
0x3c4: {  	[tilespmem:v28+s14+$0x0] =	vst.idx.add.f32.msk $0xffff, v11  }
0x3c5: {  	[tilespmem:v22+s14+$0x0] =	vst.idx.add.f32.msk $0xffff, v12  }
0x3c6: {  	[tilespmem:v5+s14+$0x0] =	vst.idx.add.f32.msk $0xffff, v13  }
0x3c7: {  	[tilespmem:v6+s14+$0x0] =	vst.idx.add.f32.msk $0xffff, v16  }
0x3c8: {  	v5 =	vld [tilespmem:$0xC860]  }
0x3c9: {  	v6 =	vld [tilespmem:$0xC8E0]  }
0x3ca: {  	v7 =	vld [tilespmem:$0xC960]  }
0x3cb: {  	v8 =	vld [tilespmem:$0xC9E0]  }
0x3cc: {  	v9 =	vld [tilespmem:$0xCA60]  }
0x3cd: {  	v14 =	vld [tilespmem:$0xCAE0]  }
0x3ce: {  	v17 =	vld [tilespmem:$0xCB60]  }
0x3cf: {  	v20 =	vld [tilespmem:$0xCBE0]  }
0x3d0: {  	v18 =	vld [tilespmem:$0xCC60]  }
0x3d1: {  	v19 =	vld [tilespmem:$0xCCE0]  }
0x3d2: {  	v15 =	vld [tilespmem:$0xCD60]  }
0x3d3: {  	v10 =	vld [tilespmem:$0xCDE0]  }
0x3d4: {  	v11 =	vld [tilespmem:$0xCE60]  }
0x3d5: {  	v12 =	vld [tilespmem:$0xCEE0]  }
0x3d6: {  	v13 =	vld [tilespmem:$0xCF60]  }
0x3d7: {  	s16 =	simm.s32 $0x6420;
	v16 =	vld [tilespmem:$0xCFE0]  }
0x3d8: {  	v21 =	vld [tilespmem:s16+$0x5780]  }
0x3d9: {  	v22 =	vld [tilespmem:s16+$0xFFFFCE00]  }
0x3da: {  	v23 =	vld [tilespmem:s16+$0xFFFFC180]  }
0x3db: {  	v24 =	vld [tilespmem:s16+$0xFFFFB500]  }
0x3dc: {  	v25 =	vld [tilespmem:s16+$0xFFFFA880]  }
0x3dd: {  	v26 =	vld [tilespmem:s16+$0xFFFF9C00]  }
0x3de: {  	v27 =	vld [tilespmem:s16+$0x3E80]  }
0x3df: {  	v28 =	vld [tilespmem:s16+$0x4B00]  }
0x3e0: {  	v29 =	vld [tilespmem:s16+$0xFFFFDA80]  }
0x3e1: {  	v30 =	vld [tilespmem:s16+$0xFFFFE700]  }
0x3e2: {  	v31 =	vld [tilespmem:s16+$0xFFFFF380];
	v26 =	vshll.u32 v26, $0x6  }
0x3e3: {  	v32 =	vld [tilespmem:s16+$0x0];
	v25 =	vshll.u32 v25, $0x6;
	v26 =	vor.u32 v3, v26  }
0x3e4: {  	v33 =	vld [tilespmem:s16+$0xC80];
	v24 =	vshll.u32 v24, $0x6;
	v25 =	vor.u32 v3, v25  }
0x3e5: {  	v34 =	vld [tilespmem:s16+$0x1900];
	v23 =	vshll.u32 v23, $0x6;
	v24 =	vor.u32 v3, v24  }
0x3e6: {  	v35 =	vld [tilespmem:s16+$0x2580];
	v22 =	vshll.u32 v22, $0x6;
	v23 =	vor.u32 v3, v23  }
0x3e7: {  	v36 =	vld [tilespmem:s16+$0x3200];
	v29 =	vshll.u32 v29, $0x6;
	v22 =	vor.u32 v3, v22  }
0x3e8: {  	v30 =	vshll.u32 v30, $0x6;
	v29 =	vor.u32 v3, v29;
	[tilespmem:v26+s14+$0x0] =	vst.idx.add.f32.msk $0xffff, v5  }
0x3e9: {  	v26 =	vor.u32 v3, v30;
	v30 =	vshll.u32 v31, $0x6;
	[tilespmem:v25+s14+$0x0] =	vst.idx.add.f32.msk $0xffff, v6  }
0x3ea: {  	v25 =	vor.u32 v3, v30;
	v30 =	vshll.u32 v32, $0x6;
	[tilespmem:v24+s14+$0x0] =	vst.idx.add.f32.msk $0xffff, v7  }
0x3eb: {  	v24 =	vor.u32 v3, v30;
	v30 =	vshll.u32 v33, $0x6;
	[tilespmem:v23+s14+$0x0] =	vst.idx.add.f32.msk $0xffff, v8  }
0x3ec: {  	v23 =	vor.u32 v3, v30;
	v30 =	vshll.u32 v34, $0x6;
	[tilespmem:v22+s14+$0x0] =	vst.idx.add.f32.msk $0xffff, v9  }
0x3ed: {  	v22 =	vor.u32 v3, v30;
	v30 =	vshll.u32 v35, $0x6;
	[tilespmem:v29+s14+$0x0] =	vst.idx.add.f32.msk $0xffff, v14  }
0x3ee: {  	v29 =	vshll.u32 v36, $0x6;
	v30 =	vor.u32 v3, v30;
	[tilespmem:v26+s14+$0x0] =	vst.idx.add.f32.msk $0xffff, v17  }
0x3ef: {  	v26 =	vshll.u32 v27, $0x6;
	[tilespmem:v25+s14+$0x0] =	vst.idx.add.f32.msk $0xffff, v20;
	v25 =	vor.u32 v3, v29  }
0x3f0: {  	v27 =	vshll.u32 v28, $0x6;
	[tilespmem:v24+s14+$0x0] =	vst.idx.add.f32.msk $0xffff, v18;
	v24 =	vor.u32 v3, v26  }
0x3f1: {  	v21 =	vshll.u32 v21, $0x6;
	[tilespmem:v23+s14+$0x0] =	vst.idx.add.f32.msk $0xffff, v19;
	v23 =	vor.u32 v3, v27  }
0x3f2: {  	v21 =	vor.u32 v3, v21;
	[tilespmem:v22+s14+$0x0] =	vst.idx.add.f32.msk $0xffff, v15  }
0x3f3: {  	[tilespmem:v30+s14+$0x0] =	vst.idx.add.f32.msk $0xffff, v10  }
0x3f4: {  	[tilespmem:v25+s14+$0x0] =	vst.idx.add.f32.msk $0xffff, v11  }
0x3f5: {  	[tilespmem:v24+s14+$0x0] =	vst.idx.add.f32.msk $0xffff, v12  }
0x3f6: {  	[tilespmem:v23+s14+$0x0] =	vst.idx.add.f32.msk $0xffff, v13  }
0x3f7: {  	[tilespmem:v21+s14+$0x0] =	vst.idx.add.f32.msk $0xffff, v16  }
0x3f8: {  	v21 =	vld [tilespmem:s16+$0xFFFFDAC0]  }
0x3f9: {  	v22 =	vld [tilespmem:s16+$0xFFFFA8C0]  }
0x3fa: {  	v23 =	vld [tilespmem:s16+$0xFFFFB540]  }
0x3fb: {  	v24 =	vld [tilespmem:s16+$0xFFFFC1C0]  }
0x3fc: {  	v25 =	vld [tilespmem:s16+$0xFFFFCE40]  }
0x3fd: {  	v26 =	vld [tilespmem:s16+$0xFFFF9C40]  }
0x3fe: {  	v27 =	vld [tilespmem:s16+$0xFFFFE740]  }
0x3ff: {  	v28 =	vld [tilespmem:s16+$0xFFFFF3C0]  }
0x400: {  	v29 =	vld [tilespmem:s16+$0x40]  }
0x401: {  	v30 =	vld [tilespmem:s16+$0xCC0]  }
0x402: {  	v31 =	vld [tilespmem:s16+$0x1940];
	v26 =	vshll.u32 v26, $0x6  }
0x403: {  	v59 =	vld [tilespmem:s16+$0x57C0];
	v22 =	vshll.u32 v22, $0x6;
	v26 =	vor.u32 v3, v26  }
0x404: {  	v60 =	vld [tilespmem:s16+$0x4B40];
	v23 =	vshll.u32 v23, $0x6;
	v22 =	vor.u32 v3, v22  }
0x405: {  	v61 =	vld [tilespmem:s16+$0x3EC0];
	v24 =	vshll.u32 v24, $0x6;
	v23 =	vor.u32 v3, v23  }
0x406: {  	v62 =	vld [tilespmem:s16+$0x3240];
	v25 =	vshll.u32 v25, $0x6;
	v24 =	vor.u32 v3, v24  }
0x407: {  	v63 =	vld [tilespmem:s16+$0x25C0];
	v21 =	vshll.u32 v21, $0x6;
	v25 =	vor.u32 v3, v25  }
0x408: {  	[tilespmem:v26+s14+$0x0] =	vst.idx.add.f32.msk $0xffff, v5;
	v26 =	vor.u32 v3, v21  }
0x409: {  	v27 =	vshll.u32 v27, $0x6;
	[tilespmem:v22+s14+$0x0] =	vst.idx.add.f32.msk $0xffff, v6  }
0x40a: {  	v27 =	vor.u32 v3, v27;
	v21 =	vshll.u32 v28, $0x6;
	[tilespmem:v23+s14+$0x0] =	vst.idx.add.f32.msk $0xffff, v7  }
0x40b: {  	v28 =	vor.u32 v3, v21;
	v22 =	vshll.u32 v29, $0x6;
	[tilespmem:v24+s14+$0x0] =	vst.idx.add.f32.msk $0xffff, v8  }
0x40c: {  	v23 =	vshll.u32 v30, $0x6;
	v24 =	vor.u32 v3, v22;
	[tilespmem:v25+s14+$0x0] =	vst.idx.add.f32.msk $0xffff, v9  }
0x40d: {  	v29 =	vshll.u32 v31, $0x6;
	[tilespmem:v26+s14+$0x0] =	vst.idx.add.f32.msk $0xffff, v14;
	v26 =	vor.u32 v3, v23  }
0x40e: {  	v21 =	vshll.u32 v59, $0x6;
	v25 =	vor.u32 v3, v29;
	v29 =	vshll.u32 v63, $0x6  }
0x40f: {  	v31 =	vshll.u32 v62, $0x6;
	v30 =	vshll.u32 v61, $0x6;
	[tilespmem:v27+s14+$0x0] =	vst.idx.add.f32.msk $0xffff, v17;
	v27 =	vor.u32 v3, v29  }
0x410: {  	s17 =	simm.s32 $0x0;
	v22 =	vor.u32 v3, v30;
	v23 =	vshll.u32 v60, $0x6;
	[tilespmem:v28+s14+$0x0] =	vst.idx.add.f32.msk $0xffff, v20;
	v28 =	vor.u32 v3, v31  }
.LBB2_18:
0x411: {  	s17 =	sadd.s32 $0x2, s17;
	[tilespmem:v24+s14+$0x0] =	vst.idx.add.f32.msk $0xffff, v18;
	s16 =	sadd.s32 $0x80, s16  }
0x412: {  	v23 =	vor.u32 v3, v23;
	p0 =	slt.u32 s17, $0x30;
	[tilespmem:v26+s14+$0x0] =	vst.idx.add.f32.msk $0xffff, v19  }
0x413: {  	v21 =	vor.u32 v3, v21;
	[tilespmem:v25+s14+$0x0] =	vst.idx.add.f32.msk $0xffff, v15  }
0x414: {  	[tilespmem:v27+s14+$0x0] =	vst.idx.add.f32.msk $0xffff, v10  }
0x415: {  	[tilespmem:v28+s14+$0x0] =	vst.idx.add.f32.msk $0xffff, v11  }
0x416: {  	[tilespmem:v22+s14+$0x0] =	vst.idx.add.f32.msk $0xffff, v12  }
0x417: {  	[tilespmem:v23+s14+$0x0] =	vst.idx.add.f32.msk $0xffff, v13  }
0x418: {  	[tilespmem:v21+s14+$0x0] =	vst.idx.add.f32.msk $0xffff, v16  }
0x419: {  	v21 =	vld [tilespmem:s16+$0x5780]  }
0x41a: {  	v22 =	vld [tilespmem:s16+$0xFFFFCE00]  }
0x41b: {  	v23 =	vld [tilespmem:s16+$0xFFFFC180]  }
0x41c: {  	v24 =	vld [tilespmem:s16+$0xFFFFB500]  }
0x41d: {  	v25 =	vld [tilespmem:s16+$0xFFFFA880]  }
0x41e: {  	v26 =	vld [tilespmem:s16+$0xFFFF9C00];
	v21 =	vshll.u32 v21, $0x6  }
0x41f: {  	v27 =	vld [tilespmem:s16+$0x3E80]  }
0x420: {  	v28 =	vld [tilespmem:s16+$0x4B00]  }
0x421: {  	v29 =	vld [tilespmem:s16+$0xFFFFDA80]  }
0x422: {  	v30 =	vld [tilespmem:s16+$0xFFFFE700];
	v25 =	vshll.u32 v25, $0x6  }
0x423: {  	v24 =	vshll.u32 v24, $0x6;
	v31 =	vld [tilespmem:s16+$0xFFFFF380];
	v26 =	vshll.u32 v26, $0x6;
	v25 =	vor.u32 v3, v25  }
0x424: {  	v23 =	vshll.u32 v23, $0x6;
	v24 =	vor.u32 v3, v24;
	v32 =	vld [tilespmem:s16+$0x0];
	v26 =	vor.u32 v3, v26  }
0x425: {  	v22 =	vshll.u32 v22, $0x6;
	v23 =	vor.u32 v3, v23;
	v27 =	vshll.u32 v27, $0x6;
	v33 =	vld [tilespmem:s16+$0xC80]  }
0x426: {  	v22 =	vor.u32 v3, v22;
	v28 =	vshll.u32 v28, $0x6;
	v34 =	vld [tilespmem:s16+$0x1900];
	v29 =	vshll.u32 v29, $0x6  }
0x427: {  	v35 =	vld [tilespmem:s16+$0x2580];
	v29 =	vor.u32 v3, v29;
	v30 =	vshll.u32 v30, $0x6  }
0x428: {  	v36 =	vld [tilespmem:s16+$0x3200];
	v30 =	vor.u32 v3, v30;
	v31 =	vshll.u32 v31, $0x6  }
0x429: {  	[tilespmem:v26+s14+$0x0] =	vst.idx.add.f32.msk $0xffff, v5;
	v26 =	vor.u32 v3, v31;
	v31 =	vshll.u32 v32, $0x6  }
0x42a: {  	[tilespmem:v25+s14+$0x0] =	vst.idx.add.f32.msk $0xffff, v6;
	v25 =	vor.u32 v3, v31;
	v31 =	vshll.u32 v33, $0x6  }
0x42b: {  	[tilespmem:v24+s14+$0x0] =	vst.idx.add.f32.msk $0xffff, v7;
	v24 =	vor.u32 v3, v31;
	v31 =	vshll.u32 v34, $0x6  }
0x42c: {  	[tilespmem:v23+s14+$0x0] =	vst.idx.add.f32.msk $0xffff, v8;
	v23 =	vor.u32 v3, v31;
	v31 =	vshll.u32 v35, $0x6  }
0x42d: {  	[tilespmem:v22+s14+$0x0] =	vst.idx.add.f32.msk $0xffff, v9;
	v22 =	vshll.u32 v36, $0x6  }
0x42e: {  	[tilespmem:v29+s14+$0x0] =	vst.idx.add.f32.msk $0xffff, v14;
	v29 =	vor.u32 v3, v31  }
0x42f: {  	[tilespmem:v30+s14+$0x0] =	vst.idx.add.f32.msk $0xffff, v17  }
0x430: {  	v22 =	vor.u32 v3, v22;
	[tilespmem:v26+s14+$0x0] =	vst.idx.add.f32.msk $0xffff, v20  }
0x431: {  	[tilespmem:v25+s14+$0x0] =	vst.idx.add.f32.msk $0xffff, v18;
	v25 =	vor.u32 v3, v27  }
0x432: {  	[tilespmem:v24+s14+$0x0] =	vst.idx.add.f32.msk $0xffff, v19;
	v24 =	vor.u32 v3, v28  }
0x433: {  	v21 =	vor.u32 v3, v21;
	[tilespmem:v23+s14+$0x0] =	vst.idx.add.f32.msk $0xffff, v15  }
0x434: {  	[tilespmem:v29+s14+$0x0] =	vst.idx.add.f32.msk $0xffff, v10  }
0x435: {  	[tilespmem:v22+s14+$0x0] =	vst.idx.add.f32.msk $0xffff, v11  }
0x436: {  	[tilespmem:v25+s14+$0x0] =	vst.idx.add.f32.msk $0xffff, v12  }
0x437: {  	[tilespmem:v24+s14+$0x0] =	vst.idx.add.f32.msk $0xffff, v13  }
0x438: {  	[tilespmem:v21+s14+$0x0] =	vst.idx.add.f32.msk $0xffff, v16  }
0x439: {  	v21 =	vld [tilespmem:s16+$0xFFFFDAC0]  }
0x43a: {  	v22 =	vld [tilespmem:s16+$0xFFFFA8C0]  }
0x43b: {  	v23 =	vld [tilespmem:s16+$0xFFFFB540]  }
0x43c: {  	v24 =	vld [tilespmem:s16+$0xFFFFC1C0]  }
0x43d: {  	v25 =	vld [tilespmem:s16+$0xFFFFCE40]  }
0x43e: {  	v26 =	vld [tilespmem:s16+$0xFFFF9C40];
	v21 =	vshll.u32 v21, $0x6  }
0x43f: {  	v27 =	vld [tilespmem:s16+$0xFFFFE740];
	v22 =	vshll.u32 v22, $0x6  }
0x440: {  	v28 =	vld [tilespmem:s16+$0xFFFFF3C0];
	v22 =	vor.u32 v3, v22;
	v23 =	vshll.u32 v23, $0x6  }
0x441: {  	v29 =	vld [tilespmem:s16+$0x40];
	v24 =	vshll.u32 v24, $0x6  }
0x442: {  	v30 =	vld [tilespmem:s16+$0xCC0];
	v25 =	vshll.u32 v25, $0x6  }
0x443: {  	v31 =	vld [tilespmem:s16+$0x1940];
	v26 =	vshll.u32 v26, $0x6  }
0x444: {  	v32 =	vld [tilespmem:s16+$0x57C0];
	v26 =	vor.u32 v3, v26;
	v27 =	vshll.u32 v27, $0x6  }
0x445: {  	v33 =	vld [tilespmem:s16+$0x4B40];
	v27 =	vor.u32 v3, v27;
	v28 =	vshll.u32 v28, $0x6  }
0x446: {  	v35 =	vor.u32 v3, v23;
	v34 =	vld [tilespmem:s16+$0x3EC0];
	v29 =	vshll.u32 v29, $0x6  }
0x447: {  	v24 =	vor.u32 v3, v24;
	v36 =	vld [tilespmem:s16+$0x3240];
	v30 =	vshll.u32 v30, $0x6  }
0x448: {  	v25 =	vor.u32 v3, v25;
	v37 =	vld [tilespmem:s16+$0x25C0];
	v31 =	vshll.u32 v31, $0x6  }
0x449: {  	v38 =	vor.u32 v3, v21;
	[tilespmem:v26+s14+$0x0] =	vst.idx.add.f32.msk $0xffff, v5;
	v21 =	vshll.u32 v32, $0x6  }
0x44a: {  	[tilespmem:v22+s14+$0x0] =	vst.idx.add.f32.msk $0xffff, v6;
	v23 =	vshll.u32 v33, $0x6  }
0x44b: {  	v28 =	vor.u32 v3, v28;
	[tilespmem:v35+s14+$0x0] =	vst.idx.add.f32.msk $0xffff, v7;
	v22 =	vshll.u32 v34, $0x6  }
.Ltmp8:
0x44c: {  	[tilespmem:v24+s14+$0x0] =	vst.idx.add.f32.msk $0xffff, v8;
	v24 =	vor.u32 v3, v29;
	v29 =	vshll.u32 v36, $0x6;
	v22 =	vor.u32 v3, v22;
	(pc) =	sbr.rel @p0 .LBB2_18-.Ltmp8, $4  }
0x44d: {  	v26 =	vor.u32 v3, v30;
	[tilespmem:v25+s14+$0x0] =	vst.idx.add.f32.msk $0xffff, v9  }
0x44e: {  	v25 =	vor.u32 v3, v31;
	v30 =	vshll.u32 v37, $0x6;
	[tilespmem:v38+s14+$0x0] =	vst.idx.add.f32.msk $0xffff, v14  }
0x44f: {  	[tilespmem:v27+s14+$0x0] =	vst.idx.add.f32.msk $0xffff, v17;
	v27 =	vor.u32 v3, v30  }
0x450: {  	[tilespmem:v28+s14+$0x0] =	vst.idx.add.f32.msk $0xffff, v20;
	v28 =	vor.u32 v3, v29  }
0x451: {  	_ =	sdelay $0x3  }
0x452: {  	[tilespmem:v24+s14+$0x0] =	vst.idx.add.f32.msk $0xffff, v18  }
0x453: {  	v5 =	vor.u32 v3, v23;
	[tilespmem:v26+s14+$0x0] =	vst.idx.add.f32.msk $0xffff, v19  }
0x454: {  	v6 =	vor.u32 v3, v21;
	[tilespmem:v25+s14+$0x0] =	vst.idx.add.f32.msk $0xffff, v15  }
0x455: {  	[tilespmem:v27+s14+$0x0] =	vst.idx.add.f32.msk $0xffff, v10  }
0x456: {  	[tilespmem:v28+s14+$0x0] =	vst.idx.add.f32.msk $0xffff, v11  }
0x457: {  	[tilespmem:v22+s14+$0x0] =	vst.idx.add.f32.msk $0xffff, v12  }
0x458: {  	[tilespmem:v5+s14+$0x0] =	vst.idx.add.f32.msk $0xffff, v13  }
0x459: {  	[tilespmem:v6+s14+$0x0] =	vst.idx.add.f32.msk $0xffff, v16  }
0x45a: {  	v5 =	vld [tilespmem:$0xC870]  }
0x45b: {  	v6 =	vld [tilespmem:$0xC8F0]  }
0x45c: {  	v7 =	vld [tilespmem:$0xC970]  }
0x45d: {  	v8 =	vld [tilespmem:$0xC9F0]  }
0x45e: {  	v9 =	vld [tilespmem:$0xCA70]  }
0x45f: {  	v14 =	vld [tilespmem:$0xCAF0]  }
0x460: {  	v17 =	vld [tilespmem:$0xCB70]  }
0x461: {  	v20 =	vld [tilespmem:$0xCBF0]  }
0x462: {  	v18 =	vld [tilespmem:$0xCC70]  }
0x463: {  	v19 =	vld [tilespmem:$0xCCF0]  }
0x464: {  	v15 =	vld [tilespmem:$0xCD70]  }
0x465: {  	v10 =	vld [tilespmem:$0xCDF0]  }
0x466: {  	v11 =	vld [tilespmem:$0xCE70]  }
0x467: {  	v12 =	vld [tilespmem:$0xCEF0]  }
0x468: {  	v13 =	vld [tilespmem:$0xCF70]  }
0x469: {  	s16 =	simm.s32 $0x6430;
	v16 =	vld [tilespmem:$0xCFF0]  }
0x46a: {  	v21 =	vld [tilespmem:s16+$0x5780]  }
0x46b: {  	v22 =	vld [tilespmem:s16+$0xFFFFCE00]  }
0x46c: {  	v23 =	vld [tilespmem:s16+$0xFFFFC180]  }
0x46d: {  	v24 =	vld [tilespmem:s16+$0xFFFFB500]  }
0x46e: {  	v25 =	vld [tilespmem:s16+$0xFFFFA880]  }
0x46f: {  	v26 =	vld [tilespmem:s16+$0xFFFF9C00]  }
0x470: {  	v27 =	vld [tilespmem:s16+$0x3E80]  }
0x471: {  	v28 =	vld [tilespmem:s16+$0x4B00]  }
0x472: {  	v29 =	vld [tilespmem:s16+$0xFFFFDA80]  }
0x473: {  	v30 =	vld [tilespmem:s16+$0xFFFFE700]  }
0x474: {  	v31 =	vld [tilespmem:s16+$0xFFFFF380];
	v26 =	vshll.u32 v26, $0x6  }
0x475: {  	v32 =	vld [tilespmem:s16+$0x0];
	v25 =	vshll.u32 v25, $0x6;
	v26 =	vor.u32 v4, v26  }
0x476: {  	v33 =	vld [tilespmem:s16+$0xC80];
	v24 =	vshll.u32 v24, $0x6;
	v25 =	vor.u32 v4, v25  }
0x477: {  	v34 =	vld [tilespmem:s16+$0x1900];
	v23 =	vshll.u32 v23, $0x6;
	v24 =	vor.u32 v4, v24  }
0x478: {  	v35 =	vld [tilespmem:s16+$0x2580];
	v22 =	vshll.u32 v22, $0x6;
	v23 =	vor.u32 v4, v23  }
0x479: {  	v36 =	vld [tilespmem:s16+$0x3200];
	v29 =	vshll.u32 v29, $0x6;
	v22 =	vor.u32 v4, v22  }
0x47a: {  	v30 =	vshll.u32 v30, $0x6;
	v29 =	vor.u32 v4, v29;
	[tilespmem:v26+s14+$0x0] =	vst.idx.add.f32.msk $0xffff, v5  }
0x47b: {  	v26 =	vor.u32 v4, v30;
	v30 =	vshll.u32 v31, $0x6;
	[tilespmem:v25+s14+$0x0] =	vst.idx.add.f32.msk $0xffff, v6  }
0x47c: {  	v25 =	vor.u32 v4, v30;
	v30 =	vshll.u32 v32, $0x6;
	[tilespmem:v24+s14+$0x0] =	vst.idx.add.f32.msk $0xffff, v7  }
0x47d: {  	v24 =	vor.u32 v4, v30;
	v30 =	vshll.u32 v33, $0x6;
	[tilespmem:v23+s14+$0x0] =	vst.idx.add.f32.msk $0xffff, v8  }
0x47e: {  	v23 =	vor.u32 v4, v30;
	v30 =	vshll.u32 v34, $0x6;
	[tilespmem:v22+s14+$0x0] =	vst.idx.add.f32.msk $0xffff, v9  }
0x47f: {  	v22 =	vor.u32 v4, v30;
	v30 =	vshll.u32 v35, $0x6;
	[tilespmem:v29+s14+$0x0] =	vst.idx.add.f32.msk $0xffff, v14  }
0x480: {  	v29 =	vshll.u32 v36, $0x6;
	v30 =	vor.u32 v4, v30;
	[tilespmem:v26+s14+$0x0] =	vst.idx.add.f32.msk $0xffff, v17  }
0x481: {  	v26 =	vshll.u32 v27, $0x6;
	[tilespmem:v25+s14+$0x0] =	vst.idx.add.f32.msk $0xffff, v20;
	v25 =	vor.u32 v4, v29  }
0x482: {  	v27 =	vshll.u32 v28, $0x6;
	[tilespmem:v24+s14+$0x0] =	vst.idx.add.f32.msk $0xffff, v18;
	v24 =	vor.u32 v4, v26  }
0x483: {  	v21 =	vshll.u32 v21, $0x6;
	[tilespmem:v23+s14+$0x0] =	vst.idx.add.f32.msk $0xffff, v19;
	v23 =	vor.u32 v4, v27  }
0x484: {  	v21 =	vor.u32 v4, v21;
	[tilespmem:v22+s14+$0x0] =	vst.idx.add.f32.msk $0xffff, v15  }
0x485: {  	[tilespmem:v30+s14+$0x0] =	vst.idx.add.f32.msk $0xffff, v10  }
0x486: {  	[tilespmem:v25+s14+$0x0] =	vst.idx.add.f32.msk $0xffff, v11  }
0x487: {  	[tilespmem:v24+s14+$0x0] =	vst.idx.add.f32.msk $0xffff, v12  }
0x488: {  	[tilespmem:v23+s14+$0x0] =	vst.idx.add.f32.msk $0xffff, v13  }
0x489: {  	[tilespmem:v21+s14+$0x0] =	vst.idx.add.f32.msk $0xffff, v16  }
0x48a: {  	v21 =	vld [tilespmem:s16+$0xFFFFDAC0]  }
0x48b: {  	v22 =	vld [tilespmem:s16+$0xFFFFA8C0]  }
0x48c: {  	v23 =	vld [tilespmem:s16+$0xFFFFB540]  }
0x48d: {  	v24 =	vld [tilespmem:s16+$0xFFFFC1C0]  }
0x48e: {  	v25 =	vld [tilespmem:s16+$0xFFFFCE40]  }
0x48f: {  	v26 =	vld [tilespmem:s16+$0xFFFF9C40]  }
0x490: {  	v27 =	vld [tilespmem:s16+$0xFFFFE740]  }
0x491: {  	v28 =	vld [tilespmem:s16+$0xFFFFF3C0]  }
0x492: {  	v29 =	vld [tilespmem:s16+$0x40]  }
0x493: {  	v30 =	vld [tilespmem:s16+$0xCC0]  }
0x494: {  	v31 =	vld [tilespmem:s16+$0x1940];
	v26 =	vshll.u32 v26, $0x6  }
0x495: {  	v59 =	vld [tilespmem:s16+$0x57C0];
	v22 =	vshll.u32 v22, $0x6;
	v26 =	vor.u32 v4, v26  }
0x496: {  	v60 =	vld [tilespmem:s16+$0x4B40];
	v23 =	vshll.u32 v23, $0x6;
	v22 =	vor.u32 v4, v22  }
0x497: {  	v61 =	vld [tilespmem:s16+$0x3EC0];
	v24 =	vshll.u32 v24, $0x6;
	v23 =	vor.u32 v4, v23  }
0x498: {  	v62 =	vld [tilespmem:s16+$0x3240];
	v25 =	vshll.u32 v25, $0x6;
	v24 =	vor.u32 v4, v24  }
0x499: {  	v63 =	vld [tilespmem:s16+$0x25C0];
	v21 =	vshll.u32 v21, $0x6;
	v25 =	vor.u32 v4, v25  }
0x49a: {  	[tilespmem:v26+s14+$0x0] =	vst.idx.add.f32.msk $0xffff, v5;
	v26 =	vor.u32 v4, v21  }
0x49b: {  	v27 =	vshll.u32 v27, $0x6;
	[tilespmem:v22+s14+$0x0] =	vst.idx.add.f32.msk $0xffff, v6  }
0x49c: {  	v27 =	vor.u32 v4, v27;
	v21 =	vshll.u32 v28, $0x6;
	[tilespmem:v23+s14+$0x0] =	vst.idx.add.f32.msk $0xffff, v7  }
0x49d: {  	v28 =	vor.u32 v4, v21;
	v22 =	vshll.u32 v29, $0x6;
	[tilespmem:v24+s14+$0x0] =	vst.idx.add.f32.msk $0xffff, v8  }
0x49e: {  	v23 =	vshll.u32 v30, $0x6;
	v24 =	vor.u32 v4, v22;
	[tilespmem:v25+s14+$0x0] =	vst.idx.add.f32.msk $0xffff, v9  }
0x49f: {  	v29 =	vshll.u32 v31, $0x6;
	[tilespmem:v26+s14+$0x0] =	vst.idx.add.f32.msk $0xffff, v14;
	v26 =	vor.u32 v4, v23  }
0x4a0: {  	v21 =	vshll.u32 v59, $0x6;
	v25 =	vor.u32 v4, v29;
	v29 =	vshll.u32 v63, $0x6  }
0x4a1: {  	v31 =	vshll.u32 v62, $0x6;
	v30 =	vshll.u32 v61, $0x6;
	[tilespmem:v27+s14+$0x0] =	vst.idx.add.f32.msk $0xffff, v17;
	v27 =	vor.u32 v4, v29  }
0x4a2: {  	s17 =	simm.s32 $0x0;
	v22 =	vor.u32 v4, v30;
	v23 =	vshll.u32 v60, $0x6;
	[tilespmem:v28+s14+$0x0] =	vst.idx.add.f32.msk $0xffff, v20;
	v28 =	vor.u32 v4, v31  }
.LBB2_20:
0x4a3: {  	s17 =	sadd.s32 $0x2, s17;
	[tilespmem:v24+s14+$0x0] =	vst.idx.add.f32.msk $0xffff, v18;
	s16 =	sadd.s32 $0x80, s16  }
0x4a4: {  	v23 =	vor.u32 v4, v23;
	p0 =	slt.u32 s17, $0x30;
	[tilespmem:v26+s14+$0x0] =	vst.idx.add.f32.msk $0xffff, v19  }
0x4a5: {  	v21 =	vor.u32 v4, v21;
	[tilespmem:v25+s14+$0x0] =	vst.idx.add.f32.msk $0xffff, v15  }
0x4a6: {  	[tilespmem:v27+s14+$0x0] =	vst.idx.add.f32.msk $0xffff, v10  }
0x4a7: {  	[tilespmem:v28+s14+$0x0] =	vst.idx.add.f32.msk $0xffff, v11  }
0x4a8: {  	[tilespmem:v22+s14+$0x0] =	vst.idx.add.f32.msk $0xffff, v12  }
0x4a9: {  	[tilespmem:v23+s14+$0x0] =	vst.idx.add.f32.msk $0xffff, v13  }
0x4aa: {  	[tilespmem:v21+s14+$0x0] =	vst.idx.add.f32.msk $0xffff, v16  }
0x4ab: {  	v21 =	vld [tilespmem:s16+$0x5780]  }
0x4ac: {  	v22 =	vld [tilespmem:s16+$0xFFFFCE00]  }
0x4ad: {  	v23 =	vld [tilespmem:s16+$0xFFFFC180]  }
0x4ae: {  	v24 =	vld [tilespmem:s16+$0xFFFFB500]  }
0x4af: {  	v25 =	vld [tilespmem:s16+$0xFFFFA880]  }
0x4b0: {  	v26 =	vld [tilespmem:s16+$0xFFFF9C00];
	v21 =	vshll.u32 v21, $0x6  }
0x4b1: {  	v27 =	vld [tilespmem:s16+$0x3E80]  }
0x4b2: {  	v28 =	vld [tilespmem:s16+$0x4B00]  }
0x4b3: {  	v29 =	vld [tilespmem:s16+$0xFFFFDA80]  }
0x4b4: {  	v30 =	vld [tilespmem:s16+$0xFFFFE700];
	v25 =	vshll.u32 v25, $0x6  }
0x4b5: {  	v24 =	vshll.u32 v24, $0x6;
	v31 =	vld [tilespmem:s16+$0xFFFFF380];
	v26 =	vshll.u32 v26, $0x6;
	v25 =	vor.u32 v4, v25  }
0x4b6: {  	v23 =	vshll.u32 v23, $0x6;
	v24 =	vor.u32 v4, v24;
	v32 =	vld [tilespmem:s16+$0x0];
	v26 =	vor.u32 v4, v26  }
0x4b7: {  	v22 =	vshll.u32 v22, $0x6;
	v23 =	vor.u32 v4, v23;
	v27 =	vshll.u32 v27, $0x6;
	v33 =	vld [tilespmem:s16+$0xC80]  }
0x4b8: {  	v22 =	vor.u32 v4, v22;
	v28 =	vshll.u32 v28, $0x6;
	v34 =	vld [tilespmem:s16+$0x1900];
	v29 =	vshll.u32 v29, $0x6  }
0x4b9: {  	v35 =	vld [tilespmem:s16+$0x2580];
	v29 =	vor.u32 v4, v29;
	v30 =	vshll.u32 v30, $0x6  }
0x4ba: {  	v36 =	vld [tilespmem:s16+$0x3200];
	v30 =	vor.u32 v4, v30;
	v31 =	vshll.u32 v31, $0x6  }
0x4bb: {  	[tilespmem:v26+s14+$0x0] =	vst.idx.add.f32.msk $0xffff, v5;
	v26 =	vor.u32 v4, v31;
	v31 =	vshll.u32 v32, $0x6  }
0x4bc: {  	[tilespmem:v25+s14+$0x0] =	vst.idx.add.f32.msk $0xffff, v6;
	v25 =	vor.u32 v4, v31;
	v31 =	vshll.u32 v33, $0x6  }
0x4bd: {  	[tilespmem:v24+s14+$0x0] =	vst.idx.add.f32.msk $0xffff, v7;
	v24 =	vor.u32 v4, v31;
	v31 =	vshll.u32 v34, $0x6  }
0x4be: {  	[tilespmem:v23+s14+$0x0] =	vst.idx.add.f32.msk $0xffff, v8;
	v23 =	vor.u32 v4, v31;
	v31 =	vshll.u32 v35, $0x6  }
0x4bf: {  	[tilespmem:v22+s14+$0x0] =	vst.idx.add.f32.msk $0xffff, v9;
	v22 =	vshll.u32 v36, $0x6  }
0x4c0: {  	[tilespmem:v29+s14+$0x0] =	vst.idx.add.f32.msk $0xffff, v14;
	v29 =	vor.u32 v4, v31  }
0x4c1: {  	[tilespmem:v30+s14+$0x0] =	vst.idx.add.f32.msk $0xffff, v17  }
0x4c2: {  	v22 =	vor.u32 v4, v22;
	[tilespmem:v26+s14+$0x0] =	vst.idx.add.f32.msk $0xffff, v20  }
0x4c3: {  	[tilespmem:v25+s14+$0x0] =	vst.idx.add.f32.msk $0xffff, v18;
	v25 =	vor.u32 v4, v27  }
0x4c4: {  	[tilespmem:v24+s14+$0x0] =	vst.idx.add.f32.msk $0xffff, v19;
	v24 =	vor.u32 v4, v28  }
0x4c5: {  	v21 =	vor.u32 v4, v21;
	[tilespmem:v23+s14+$0x0] =	vst.idx.add.f32.msk $0xffff, v15  }
0x4c6: {  	[tilespmem:v29+s14+$0x0] =	vst.idx.add.f32.msk $0xffff, v10  }
0x4c7: {  	[tilespmem:v22+s14+$0x0] =	vst.idx.add.f32.msk $0xffff, v11  }
0x4c8: {  	[tilespmem:v25+s14+$0x0] =	vst.idx.add.f32.msk $0xffff, v12  }
0x4c9: {  	[tilespmem:v24+s14+$0x0] =	vst.idx.add.f32.msk $0xffff, v13  }
0x4ca: {  	[tilespmem:v21+s14+$0x0] =	vst.idx.add.f32.msk $0xffff, v16  }
0x4cb: {  	v21 =	vld [tilespmem:s16+$0xFFFFDAC0]  }
0x4cc: {  	v22 =	vld [tilespmem:s16+$0xFFFFA8C0]  }
0x4cd: {  	v23 =	vld [tilespmem:s16+$0xFFFFB540]  }
0x4ce: {  	v24 =	vld [tilespmem:s16+$0xFFFFC1C0]  }
0x4cf: {  	v25 =	vld [tilespmem:s16+$0xFFFFCE40]  }
0x4d0: {  	v26 =	vld [tilespmem:s16+$0xFFFF9C40];
	v21 =	vshll.u32 v21, $0x6  }
0x4d1: {  	v27 =	vld [tilespmem:s16+$0xFFFFE740];
	v22 =	vshll.u32 v22, $0x6  }
0x4d2: {  	v28 =	vld [tilespmem:s16+$0xFFFFF3C0];
	v22 =	vor.u32 v4, v22;
	v23 =	vshll.u32 v23, $0x6  }
0x4d3: {  	v29 =	vld [tilespmem:s16+$0x40];
	v24 =	vshll.u32 v24, $0x6  }
0x4d4: {  	v30 =	vld [tilespmem:s16+$0xCC0];
	v25 =	vshll.u32 v25, $0x6  }
0x4d5: {  	v31 =	vld [tilespmem:s16+$0x1940];
	v26 =	vshll.u32 v26, $0x6  }
0x4d6: {  	v32 =	vld [tilespmem:s16+$0x57C0];
	v26 =	vor.u32 v4, v26;
	v27 =	vshll.u32 v27, $0x6  }
0x4d7: {  	v33 =	vld [tilespmem:s16+$0x4B40];
	v27 =	vor.u32 v4, v27;
	v28 =	vshll.u32 v28, $0x6  }
0x4d8: {  	v35 =	vor.u32 v4, v23;
	v34 =	vld [tilespmem:s16+$0x3EC0];
	v29 =	vshll.u32 v29, $0x6  }
0x4d9: {  	v24 =	vor.u32 v4, v24;
	v36 =	vld [tilespmem:s16+$0x3240];
	v30 =	vshll.u32 v30, $0x6  }
0x4da: {  	v25 =	vor.u32 v4, v25;
	v37 =	vld [tilespmem:s16+$0x25C0];
	v31 =	vshll.u32 v31, $0x6  }
0x4db: {  	v38 =	vor.u32 v4, v21;
	[tilespmem:v26+s14+$0x0] =	vst.idx.add.f32.msk $0xffff, v5;
	v21 =	vshll.u32 v32, $0x6  }
0x4dc: {  	[tilespmem:v22+s14+$0x0] =	vst.idx.add.f32.msk $0xffff, v6;
	v23 =	vshll.u32 v33, $0x6  }
0x4dd: {  	v28 =	vor.u32 v4, v28;
	[tilespmem:v35+s14+$0x0] =	vst.idx.add.f32.msk $0xffff, v7;
	v22 =	vshll.u32 v34, $0x6  }
.Ltmp9:
0x4de: {  	[tilespmem:v24+s14+$0x0] =	vst.idx.add.f32.msk $0xffff, v8;
	v24 =	vor.u32 v4, v29;
	v29 =	vshll.u32 v36, $0x6;
	v22 =	vor.u32 v4, v22;
	(pc) =	sbr.rel @p0 .LBB2_20-.Ltmp9, $4  }
0x4df: {  	v26 =	vor.u32 v4, v30;
	[tilespmem:v25+s14+$0x0] =	vst.idx.add.f32.msk $0xffff, v9  }
0x4e0: {  	v25 =	vor.u32 v4, v31;
	v30 =	vshll.u32 v37, $0x6;
	[tilespmem:v38+s14+$0x0] =	vst.idx.add.f32.msk $0xffff, v14  }
0x4e1: {  	[tilespmem:v27+s14+$0x0] =	vst.idx.add.f32.msk $0xffff, v17;
	v27 =	vor.u32 v4, v30  }
0x4e2: {  	[tilespmem:v28+s14+$0x0] =	vst.idx.add.f32.msk $0xffff, v20;
	v28 =	vor.u32 v4, v29  }
0x4e3: {  	_ =	sdelay $0x3  }
0x4e4: {  	[tilespmem:v24+s14+$0x0] =	vst.idx.add.f32.msk $0xffff, v18  }
0x4e5: {  	v5 =	vor.u32 v4, v23;
	[tilespmem:v26+s14+$0x0] =	vst.idx.add.f32.msk $0xffff, v19  }
0x4e6: {  	v4 =	vor.u32 v4, v21;
	[tilespmem:v25+s14+$0x0] =	vst.idx.add.f32.msk $0xffff, v15  }
0x4e7: {  	[tilespmem:v27+s14+$0x0] =	vst.idx.add.f32.msk $0xffff, v10  }
0x4e8: {  	[tilespmem:v28+s14+$0x0] =	vst.idx.add.f32.msk $0xffff, v11  }
0x4e9: {  	s15 =	sadd.s32 $0x1, s15;
	[tilespmem:v22+s14+$0x0] =	vst.idx.add.f32.msk $0xffff, v12  }
0x4ea: {  	p0 =	sne.s32 s15, s8;
	[tilespmem:v5+s14+$0x0] =	vst.idx.add.f32.msk $0xffff, v13  }
.Ltmp10:
0x4eb: {  	[tilespmem:v4+s14+$0x0] =	vst.idx.add.f32.msk $0xffff, v16;
	(pc) =	sbr.rel @p0 .LBB2_1-.Ltmp10, $4  }
0x4ec: {  	[hbm4b:s7+s13] =	stream.strided.scatter [tilespmem:s14], [sflag:$0x1], $0x10000, s9, s13, $0x38;
	[tilespmem:$0x1D000] =	vst v63  }
0x4ed: {  	_ =	swait.ge [sflag:s12], $0x10000  }
0x4ee: {  	[sflag:s12] =	ssyncset.done $0x0  }
0x4ef: {  	[sflag:s12] =	ssyncadd.s32 $0xFFFF0000  }
0x4f0: {  	_ =	sfence.sel $0x180000  }
0x4f1: {  	[bflag:$0x0] =	sbarrier.arrive $0xFFFF  }
0x4f2: {  	p0 =	sne.s32 s1, $0x0;
	_ =	strace $0x90000047  }
0x4f3: {  	s0 =	sadd.s32 @!p0 $0x100000, s0;
	[bflag:$0x2] =	sbarrier.arrive $0xFFFF  }
0x4f4: {  	[sflag:s0] =	ssyncadd.tile.s32 @!p0 $0x1;
	_ =	shalt  }
.Lfunc_end2:
_tile_overlayer_lowered:
.L_overlay_start_2:
0x4f5: {  	(tag) =	ssettag $0x2  }
0x4f6: {  	s0 =	rddreg [dreg:$0x0];
	s2 =	stileid.u32  }
0x4f7: {  	s1 =	rddreg [dreg:$0x1];
	p0 =	sne.s32 s2, $0x0  }
0x4f8: {  	s3 =	rddreg [dreg:$0x2];
	[bflag:$0x3] =	sbarrier.arrive $0xFFFF;
	s2 =	simm.s32 @!p0 $0x1C01  }
0x4f9: {  	[timem:s3], [sflag:s2] =	dma.local @!p0 [hbm:s0], s1  }
0x4fa: {  	s0 =	simm.s32 @!p0 $0x1  }
0x4fb: {  	_ =	swait.ge @!p0 [sflag:s0], s1  }
0x4fc: {  	s1 =	ssub.s32 @!p0 $0x0, s1;
	[sflag:s0] =	ssyncset.done @!p0 $0x0  }
0x4fd: {  	[sflag:s0] =	ssyncadd.s32 @!p0 s1  }
0x4fe: {  	[bflag:$0x3] =	sbarrier.arrive $0xFFFF  }
0x4ff: {  	_ =	shalt  }

</sc_bundles>
